<compile_context>
chip_gen: v7x
topology: tpu7x:2x2x1
jax: 0.10.2.dev20260603
libtpu: 0.0.44.dev20260713+nightly
codegen_flags: <defaults>
</compile_context>

<pallas_src>
import functools

import jax
import jax.numpy as jnp
import numpy as np
from jax import lax
from jax.experimental import pallas as pl
from jax.experimental.pallas import tpu as pltpu
from jax.experimental.pallas import tpu_sc as plsc

E = 320000
N = 10000
H = 16

NC = 2
NS = 16
NW = NC * NS

NH = 2
EH = E // NH
PER_W = EH // NW
SUB = 40
SUBS = 25
BLK = SUB * SUBS
NBLK = PER_W // BLK
IDXR = PER_W // SUB

_MESH = dict(core_axis_name="c", subcore_axis_name="s")


def _gather_body(table_hbm, idx_hbm, out_hbm, idx_v, rows_v, sem):
    c = lax.axis_index("c")
    s = lax.axis_index("s")
    wid = c * NS + s
    pltpu.sync_copy(idx_hbm.at[wid], idx_v)

    def blk(bi, carry):
        rbase = wid * PER_W + bi * BLK

        def sub(k, carry2):
            pltpu.async_copy(table_hbm.at[idx_v.at[bi * SUBS + k]],
                             rows_v.at[pl.ds(k * SUB, SUB)], sem)
            return carry2

        lax.fori_loop(0, SUBS, sub, 0)
        pltpu.make_async_copy(table_hbm.at[pl.ds(0, BLK)], rows_v, sem).wait()
        pltpu.sync_copy(rows_v, out_hbm.at[pl.ds(rbase, BLK)])
        return carry

    lax.fori_loop(0, NBLK, blk, 0)


def _gather(atom_features, src3d):
    k = functools.partial(
        pl.kernel,
        mesh=plsc.VectorSubcoreMesh(**_MESH),
        out_type=jax.ShapeDtypeStruct((EH, H), jnp.float32),
        scratch_types=[
            pltpu.VMEM((IDXR, SUB), jnp.int32),
            pltpu.VMEM((BLK, H), jnp.float32),
            pltpu.SemaphoreType.DMA,
        ],
        compiler_params=pltpu.CompilerParams(use_tc_tiling_on_sc=False),
    )(_gather_body)
    return k(atom_features, src3d)


def _scatter_body(vals_hbm, idx_hbm, zeros_hbm, out_hbm, idx_v, rows_v, acc_sh):
    c = lax.axis_index("c")
    s = lax.axis_index("s")
    wid = c * NS + s

    @pl.when(s == 0)
    def _():
        pltpu.sync_copy(zeros_hbm, acc_sh)

    pltpu.sync_copy(idx_hbm.at[wid], idx_v)
    plsc.subcore_barrier()

    def blk(bi, carry):
        rbase = wid * PER_W + bi * BLK
        pltpu.sync_copy(vals_hbm.at[pl.ds(rbase, BLK)], rows_v)

        def sub(k, carry2):
            pltpu.sync_copy(rows_v.at[pl.ds(k * SUB, SUB)],
                            acc_sh.at[idx_v.at[bi * SUBS + k]], add=True)
            return carry2

        lax.fori_loop(0, SUBS, sub, 0)
        return carry

    lax.fori_loop(0, NBLK, blk, 0)
    plsc.subcore_barrier()

    @pl.when(s == 0)
    def _():
        pltpu.sync_copy(acc_sh, out_hbm.at[c])


def _scatter(vals, dst3d, zeros):
    k = functools.partial(
        pl.kernel,
        mesh=plsc.VectorSubcoreMesh(**_MESH),
        out_type=jax.ShapeDtypeStruct((NC, N, H), jnp.float32),
        scratch_types=[
            pltpu.VMEM((IDXR, SUB), jnp.int32),
            pltpu.VMEM((BLK, H), jnp.float32),
            pltpu.VMEM_SHARED((N, H), jnp.float32),
        ],
        compiler_params=pltpu.CompilerParams(use_tc_tiling_on_sc=False),
    )(_scatter_body)
    return k(vals, dst3d, zeros)


PK = 8
EP = EH // PK
EBP = 2000


def _mm_body(pair_ref, g_ref, wbig_ref, bmtbig_ref, sbig_ref, kbig_ref,
             out_ref):
    pair_bf = pair_ref[...].astype(jnp.bfloat16)
    g_bf = g_ref[...].astype(jnp.bfloat16)
    a = jnp.dot(pair_bf, wbig_ref[...],
                preferred_element_type=jnp.float32).astype(jnp.bfloat16)
    gt = jnp.dot(g_bf, sbig_ref[...],
                 preferred_element_type=jnp.float32).astype(jnp.bfloat16)
    m = a * gt
    out = jnp.dot(m, kbig_ref[...], preferred_element_type=jnp.float32)
    out += jnp.dot(g_bf, bmtbig_ref[...], preferred_element_type=jnp.float32)
    out_ref[...] = out


def _matmul(pair128, g128, wbig, bmtbig, sbig, kbig):
    grid = (EP // EBP,)
    return pl.pallas_call(
        _mm_body,
        grid=grid,
        in_specs=[
            pl.BlockSpec((EBP, PK * H), lambda i: (i, 0)),
            pl.BlockSpec((EBP, PK * H), lambda i: (i, 0)),
            pl.BlockSpec((PK * H, PK * H * H), lambda i: (0, 0)),
            pl.BlockSpec((PK * H, PK * H), lambda i: (0, 0)),
            pl.BlockSpec((PK * H, PK * H * H), lambda i: (0, 0)),
            pl.BlockSpec((PK * H * H, PK * H), lambda i: (0, 0)),
        ],
        out_specs=pl.BlockSpec((EBP, PK * H), lambda i: (i, 0)),
        out_shape=jax.ShapeDtypeStruct((EP, PK * H), jnp.float32),
        compiler_params=pltpu.CompilerParams(
            dimension_semantics=("arbitrary",),
        ),
    )(pair128, g128, wbig, bmtbig, sbig, kbig)


def _weights(W, b):
    eye8 = jnp.eye(PK, dtype=jnp.float32)
    wbig = jnp.einsum("uv,pc->upvc", eye8, W).reshape(
        PK * H, PK * H * H).astype(jnp.bfloat16)
    sbig = jnp.einsum("uv,pc->upvc", eye8, jnp.asarray(_SMAT)).reshape(
        PK * H, PK * H * H).astype(jnp.bfloat16)
    kbig = jnp.einsum("uv,pc->upvc", eye8, jnp.asarray(_KMAT)).reshape(
        PK * H * H, PK * H).astype(jnp.bfloat16)
    bmt = b.reshape(H, H).T
    bmtbig = jnp.einsum("uv,ji->ujvi", eye8, bmt).reshape(
        PK * H, PK * H).astype(jnp.bfloat16)
    return wbig, bmtbig, sbig, kbig


def _make_kmat():
    k = np.zeros((H * H, H), dtype=np.float32)
    for i in range(H):
        for j in range(H):
            k[i * H + j, i] = 1.0
    return k


def _make_smat():
    s = np.zeros((H, H * H), dtype=np.float32)
    for i in range(H):
        for j in range(H):
            s[j, i * H + j] = 1.0
    return s


_KMAT = _make_kmat()
_SMAT = _make_smat()


def _comb_body(p0_ref, p1_ref, out_ref):
    out_ref[...] = (p0_ref[0] + p0_ref[1]) + (p1_ref[0] + p1_ref[1])


def _combine(parts0, parts1):
    return pl.pallas_call(
        _comb_body,
        out_shape=jax.ShapeDtypeStruct((N, H), jnp.float32),
    )(parts0, parts1)


def kernel(pair_features, atom_features, atom_to_pair, W, b):
    dst = atom_to_pair[:, 0]
    src = atom_to_pair[:, 1]
    wbig, bmtbig, sbig, kbig = _weights(W, b)
    zeros = jnp.zeros((N, H), jnp.float32)
    pair128 = (pair_features.T.reshape(H, E // PK, PK)
               .transpose(1, 2, 0).reshape(E // PK, PK * H))
    parts = []
    for h in range(NH):
        sl = slice(h * EH, (h + 1) * EH)
        src3d = src[sl].reshape(NW, IDXR, SUB)
        dst3d = dst[sl].reshape(NW, IDXR, SUB)
        g = _gather(atom_features, src3d)
        out128 = _matmul(pair128[h * EP:(h + 1) * EP], g.reshape(EP, PK * H),
                         wbig, bmtbig, sbig, kbig)
        parts.append(_scatter(out128.reshape(EH, H), dst3d, zeros))
    return _combine(*parts)

# --- scband reference (transcript-rebuilt; emitter-appended) ---
"""Pipeline reference for scband-edge-network-37280316129537 (READ-ONLY COPY).

The authoritative reference and input builder live on the scoring server;
editing this copy changes nothing except your own understanding.
"""

import jax, jax.numpy as jnp
import numpy as np

N_NODES = 10000
N_EDGES = 320000
N_PAIR = 16
N_HIDDEN = 16


def setup_inputs(seed: int = 0) -> dict:
    key = jax.random.key(seed)
    k1, k2, k3, k4, k5 = jax.random.split(key, 5)
    pair_features = jax.random.normal(k1, (N_EDGES, N_PAIR), dtype=jnp.float32)
    atom_features = jax.random.normal(k2, (N_NODES, N_HIDDEN), dtype=jnp.float32)
    # column 0 (destination/segment ids) sorted, as required by tf.segment_sum semantics
    seg = jnp.sort(jax.random.randint(k3, (N_EDGES,), 0, N_NODES, dtype=jnp.int32))
    src = jax.random.randint(k4, (N_EDGES,), 0, N_NODES, dtype=jnp.int32)
    atom_to_pair = jnp.stack([seg, src], axis=1)
    # glorot_uniform init for W [n_pair_features, n_hidden*n_hidden]
    fan_in = N_PAIR
    fan_out = N_HIDDEN * N_HIDDEN
    limit = float(np.sqrt(6.0 / (fan_in + fan_out)))
    W = jax.random.uniform(k5, (N_PAIR, N_HIDDEN * N_HIDDEN), minval=-limit, maxval=limit, dtype=jnp.float32)
    b = jnp.zeros((N_HIDDEN * N_HIDDEN,), dtype=jnp.float32)
    return {
        "pair_features": pair_features,
        "atom_features": atom_features,
        "atom_to_pair": atom_to_pair,
        "W": W,
        "b": b,
    }


def reference(pair_features, atom_features, atom_to_pair, W, b):
    # A = xw_plus_b(pair_features, W, b), reshaped to per-edge [h, h] matrices
    A = pair_features @ W + b
    A = A.reshape(-1, N_HIDDEN, N_HIDDEN)
    # gather neighbor atom features (column 1 of atom_to_pair)
    gathered = jnp.take(atom_features, atom_to_pair[:, 1], axis=0)
    out = jnp.expand_dims(gathered, 2)
    out = jnp.squeeze(jnp.matmul(A, out), axis=2)
    # segment-sum messages into destination atoms (column 0)
    return jax.ops.segment_sum(out, atom_to_pair[:, 0], num_segments=N_NODES)

if __name__ == "__main__":
    import jax
    _d = setup_inputs()
    print(jax.jit(kernel)(*tuple(_d.values())))

</pallas_src>

<mosaic_0001>
#map = affine_map<(d0, d1) -> (0, 0)>
#map1 = affine_map<(d0, d1) -> (0, 0, 0)>
module attributes {stable_mosaic.version = 14 : i64} {
  func.func @_scatter_body(%arg0: i32, %arg1: i32, %arg2: memref<160000x16xf32, #tpu.memory_space<hbm>>, %arg3: memref<32x125x40xi32, #tpu.memory_space<hbm>>, %arg4: memref<10000x16xf32, #tpu.memory_space<hbm>>, %arg5: memref<2x10000x16xf32, #tpu.memory_space<hbm>>, %arg6: memref<125x40xi32, #tpu.memory_space<vmem>>, %arg7: memref<1000x16xf32, #tpu.memory_space<vmem>>, %arg8: memref<10000x16xf32, #tpu.memory_space<vmem_shared>>) attributes {dimension_semantics = [#tpu.dimension_semantics<core_parallel>, #tpu.dimension_semantics<subcore_parallel>], iteration_bounds = array<i64: 2, 16>, scalar_prefetch = 0 : i64, scratch_operands = 3 : i64, tpu.core_type = #tpu.core_type<sc_vector_subcore>, window_params = [{transform_indices = #map}, {transform_indices = #map1}, {transform_indices = #map}, {transform_indices = #map1}]} {
    %mul3A = arith.constant 16 : i32
    %mul3A_0 = arith.muli %arg0, %mul3A : i32
    %add3A = arith.addi %mul3A_0, %arg1 : i32
    %eq3A = arith.constant 0 : i32
    %eq3A_1 = arith.cmpi eq, %arg1, %eq3A : i32
    %convert_element_type3A = arith.extui %eq3A_1 : i1 to i32
    %cond3A = arith.constant 0 : i32
    %cond3A_2 = arith.cmpi ne, %convert_element_type3A, %cond3A : i32
    scf.if %cond3A_2 {
      "tpu.region"() ({
        %run_scoped3A = tpu.sem_alloc : memref<!tpu.dma_semaphore, #tpu.memory_space<semaphore_mem>>
        tpu.enqueue_dma source(%arg4 : memref<10000x16xf32, #tpu.memory_space<hbm>>) target(%arg8 : memref<10000x16xf32, #tpu.memory_space<vmem_shared>>) target_semaphore(%run_scoped3A : memref<!tpu.dma_semaphore, #tpu.memory_space<semaphore_mem>>)
        tpu.wait_dma2 semaphore(%run_scoped3A : memref<!tpu.dma_semaphore, #tpu.memory_space<semaphore_mem>>) src(%arg4 : memref<10000x16xf32, #tpu.memory_space<hbm>>) dst(%arg8 : memref<10000x16xf32, #tpu.memory_space<vmem_shared>>)
        tpu.yield
      }) : () -> ()
    } else {
    }
    "tpu.region"() ({
      %run_scoped3A = tpu.sem_alloc : memref<!tpu.dma_semaphore, #tpu.memory_space<semaphore_mem>>
      %dma_start3A = arith.constant 0 : i32
      %dma_start3A_14 = arith.constant 0 : i32
      %dma_start3A_15 = tpu.memref_slice %arg3[%add3A, %dma_start3A, %dma_start3A_14] : memref<32x125x40xi32, #tpu.memory_space<hbm>> -> memref<1x125x40xi32, #tpu.memory_space<hbm>>
      %dma_start3A_16 = tpu.memref_squeeze %dma_start3A_15 : memref<1x125x40xi32, #tpu.memory_space<hbm>> -> memref<125x40xi32, #tpu.memory_space<hbm>>
      %dma_start3A_17 = arith.constant 0 : i32
      %dma_start3A_18 = arith.constant 0 : i32
      %dma_start3A_19 = tpu.memref_slice %arg3[%add3A, %dma_start3A_17, %dma_start3A_18] : memref<32x125x40xi32, #tpu.memory_space<hbm>> -> memref<1x125x40xi32, #tpu.memory_space<hbm>>
      %dma_start3A_20 = tpu.memref_squeeze %dma_start3A_19 : memref<1x125x40xi32, #tpu.memory_space<hbm>> -> memref<125x40xi32, #tpu.memory_space<hbm>>
      tpu.enqueue_dma source(%dma_start3A_20 : memref<125x40xi32, #tpu.memory_space<hbm>>) target(%arg6 : memref<125x40xi32, #tpu.memory_space<vmem>>) target_semaphore(%run_scoped3A : memref<!tpu.dma_semaphore, #tpu.memory_space<semaphore_mem>>)
      %dma_wait3A = arith.constant 0 : i32
      %dma_wait3A_21 = arith.constant 0 : i32
      %dma_wait3A_22 = tpu.memref_slice %arg3[%add3A, %dma_wait3A, %dma_wait3A_21] : memref<32x125x40xi32, #tpu.memory_space<hbm>> -> memref<1x125x40xi32, #tpu.memory_space<hbm>>
      %dma_wait3A_23 = tpu.memref_squeeze %dma_wait3A_22 : memref<1x125x40xi32, #tpu.memory_space<hbm>> -> memref<125x40xi32, #tpu.memory_space<hbm>>
      %dma_wait3A_24 = arith.constant 0 : i32
      %dma_wait3A_25 = arith.constant 0 : i32
      %dma_wait3A_26 = tpu.memref_slice %arg3[%add3A, %dma_wait3A_24, %dma_wait3A_25] : memref<32x125x40xi32, #tpu.memory_space<hbm>> -> memref<1x125x40xi32, #tpu.memory_space<hbm>>
      %dma_wait3A_27 = tpu.memref_squeeze %dma_wait3A_26 : memref<1x125x40xi32, #tpu.memory_space<hbm>> -> memref<125x40xi32, #tpu.memory_space<hbm>>
      tpu.wait_dma2 semaphore(%run_scoped3A : memref<!tpu.dma_semaphore, #tpu.memory_space<semaphore_mem>>) src(%dma_wait3A_27 : memref<125x40xi32, #tpu.memory_space<hbm>>) dst(%arg6 : memref<125x40xi32, #tpu.memory_space<vmem>>)
      tpu.yield
    }) : () -> ()
    %barrier3A = arith.constant 0 : index
    tpu.barrier barrier_id(%barrier3A)
    %scan3A = arith.constant 0 : i32
    %scan3A_3 = arith.constant 0 : i32
    %scan3A_4 = arith.constant 5 : i32
    %scan3A_5 = arith.addi %scan3A_3, %scan3A_4 : i32
    %scan3A_6 = arith.constant 1 : i32
    scf.for %scan3A_14 = %scan3A_3 to %scan3A_5 step %scan3A_6  : i32 {
      %mul3A_15 = arith.constant 5000 : i32
      %mul3A_16 = arith.muli %add3A, %mul3A_15 : i32
      %mul3A_17 = arith.constant 1000 : i32
      %mul3A_18 = arith.muli %scan3A_14, %mul3A_17 : i32
      %add3A_19 = arith.addi %mul3A_16, %mul3A_18 : i32
      "tpu.region"() ({
        %run_scoped3A = tpu.sem_alloc : memref<!tpu.dma_semaphore, #tpu.memory_space<semaphore_mem>>
        %dma_start3A = arith.constant 0 : i32
        %dma_start3A_26 = tpu.memref_slice %arg2[%add3A_19, %dma_start3A] : memref<160000x16xf32, #tpu.memory_space<hbm>> -> memref<1000x16xf32, #tpu.memory_space<hbm>>
        %dma_start3A_27 = arith.constant 0 : i32
        %dma_start3A_28 = tpu.memref_slice %arg2[%add3A_19, %dma_start3A_27] : memref<160000x16xf32, #tpu.memory_space<hbm>> -> memref<1000x16xf32, #tpu.memory_space<hbm>>
        tpu.enqueue_dma source(%dma_start3A_28 : memref<1000x16xf32, #tpu.memory_space<hbm>>) target(%arg7 : memref<1000x16xf32, #tpu.memory_space<vmem>>) target_semaphore(%run_scoped3A : memref<!tpu.dma_semaphore, #tpu.memory_space<semaphore_mem>>)
        %dma_wait3A = arith.constant 0 : i32
        %dma_wait3A_29 = tpu.memref_slice %arg2[%add3A_19, %dma_wait3A] : memref<160000x16xf32, #tpu.memory_space<hbm>> -> memref<1000x16xf32, #tpu.memory_space<hbm>>
        %dma_wait3A_30 = arith.constant 0 : i32
        %dma_wait3A_31 = tpu.memref_slice %arg2[%add3A_19, %dma_wait3A_30] : memref<160000x16xf32, #tpu.memory_space<hbm>> -> memref<1000x16xf32, #tpu.memory_space<hbm>>
        tpu.wait_dma2 semaphore(%run_scoped3A : memref<!tpu.dma_semaphore, #tpu.memory_space<semaphore_mem>>) src(%dma_wait3A_31 : memref<1000x16xf32, #tpu.memory_space<hbm>>) dst(%arg7 : memref<1000x16xf32, #tpu.memory_space<vmem>>)
        tpu.yield
      }) : () -> ()
      %scan3A_20 = arith.constant 0 : i32
      %scan3A_21 = arith.constant 0 : i32
      %scan3A_22 = arith.constant 25 : i32
      %scan3A_23 = arith.addi %scan3A_21, %scan3A_22 : i32
      %scan3A_24 = arith.constant 1 : i32
      scf.for %scan3A_26 = %scan3A_21 to %scan3A_23 step %scan3A_24  : i32 {
        %mul3A_27 = arith.constant 40 : i32
        %mul3A_28 = arith.muli %scan3A_26, %mul3A_27 : i32
        %mul3A_29 = arith.constant 25 : i32
        %mul3A_30 = arith.muli %scan3A_14, %mul3A_29 : i32
        %add3A_31 = arith.addi %mul3A_30, %scan3A_26 : i32
        "tpu.region"() ({
          %run_scoped3A = tpu.sem_alloc : memref<!tpu.dma_semaphore, #tpu.memory_space<semaphore_mem>>
          %dma_start3A = arith.constant 0 : i32
          %dma_start3A_32 = tpu.memref_slice %arg7[%mul3A_28, %dma_start3A] : memref<1000x16xf32, #tpu.memory_space<vmem>> -> memref<40x16xf32, #tpu.memory_space<vmem>>
          %dma_start3A_33 = arith.constant 0 : i32
          %dma_start3A_34 = tpu.memref_slice %arg6[%add3A_31, %dma_start3A_33] : memref<125x40xi32, #tpu.memory_space<vmem>> -> memref<1x40xi32, #tpu.memory_space<vmem>>
          %dma_start3A_35 = tpu.memref_squeeze %dma_start3A_34 : memref<1x40xi32, #tpu.memory_space<vmem>> -> memref<40xi32, #tpu.memory_space<vmem>>
          %dma_start3A_36 = arith.constant 0 : i32
          %dma_start3A_37 = arith.constant 0 : i32
          %dma_start3A_38 = tpu.memref_slice %arg8[%dma_start3A_36, %dma_start3A_37] : memref<10000x16xf32, #tpu.memory_space<vmem_shared>> -> memref<10000x16xf32, #tpu.memory_space<vmem_shared>>
          tpu.enqueue_indirect_dma source(%dma_start3A_32 : memref<40x16xf32, #tpu.memory_space<vmem>>) target(%dma_start3A_38 : memref<10000x16xf32, #tpu.memory_space<vmem_shared>>) offsets(%dma_start3A_35 : memref<40xi32, #tpu.memory_space<vmem>>) semaphore(%run_scoped3A : memref<!tpu.dma_semaphore, #tpu.memory_space<semaphore_mem>>) {add = true}
          %dma_wait3A = arith.constant 0 : i32
          %dma_wait3A_39 = tpu.memref_slice %arg7[%mul3A_28, %dma_wait3A] : memref<1000x16xf32, #tpu.memory_space<vmem>> -> memref<40x16xf32, #tpu.memory_space<vmem>>
          %dma_wait3A_40 = arith.constant 0 : i32
          %dma_wait3A_41 = tpu.memref_slice %arg6[%add3A_31, %dma_wait3A_40] : memref<125x40xi32, #tpu.memory_space<vmem>> -> memref<1x40xi32, #tpu.memory_space<vmem>>
          %dma_wait3A_42 = tpu.memref_squeeze %dma_wait3A_41 : memref<1x40xi32, #tpu.memory_space<vmem>> -> memref<40xi32, #tpu.memory_space<vmem>>
          %dma_wait3A_43 = arith.constant 0 : i32
          %dma_wait3A_44 = arith.constant 0 : i32
          %dma_wait3A_45 = tpu.memref_slice %arg8[%dma_wait3A_43, %dma_wait3A_44] : memref<10000x16xf32, #tpu.memory_space<vmem_shared>> -> memref<10000x16xf32, #tpu.memory_space<vmem_shared>>
          tpu.wait_indirect_dma semaphore(%run_scoped3A : memref<!tpu.dma_semaphore, #tpu.memory_space<semaphore_mem>>) src(%dma_wait3A_39 : memref<40x16xf32, #tpu.memory_space<vmem>>) dst(%dma_wait3A_45 : memref<10000x16xf32, #tpu.memory_space<vmem_shared>>)
          tpu.yield
        }) : () -> ()
      }
      %scan3A_25 = arith.constant 25 : i32
    }
    %scan3A_7 = arith.constant 5 : i32
    %barrier3A_8 = arith.constant 0 : index
    tpu.barrier barrier_id(%barrier3A_8)
    %eq3A_9 = arith.constant 0 : i32
    %eq3A_10 = arith.cmpi eq, %arg1, %eq3A_9 : i32
    %convert_element_type3A_11 = arith.extui %eq3A_10 : i1 to i32
    %cond3A_12 = arith.constant 0 : i32
    %cond3A_13 = arith.cmpi ne, %convert_element_type3A_11, %cond3A_12 : i32
    scf.if %cond3A_13 {
      "tpu.region"() ({
        %run_scoped3A = tpu.sem_alloc : memref<!tpu.dma_semaphore, #tpu.memory_space<semaphore_mem>>
        %dma_start3A = arith.constant 0 : i32
        %dma_start3A_14 = arith.constant 0 : i32
        %dma_start3A_15 = tpu.memref_slice %arg5[%arg0, %dma_start3A, %dma_start3A_14] : memref<2x10000x16xf32, #tpu.memory_space<hbm>> -> memref<1x10000x16xf32, #tpu.memory_space<hbm>>
        %dma_start3A_16 = tpu.memref_squeeze %dma_start3A_15 : memref<1x10000x16xf32, #tpu.memory_space<hbm>> -> memref<10000x16xf32, #tpu.memory_space<hbm>>
        tpu.enqueue_dma source(%arg8 : memref<10000x16xf32, #tpu.memory_space<vmem_shared>>) target(%dma_start3A_16 : memref<10000x16xf32, #tpu.memory_space<hbm>>) target_semaphore(%run_scoped3A : memref<!tpu.dma_semaphore, #tpu.memory_space<semaphore_mem>>)
        %dma_wait3A = arith.constant 0 : i32
        %dma_wait3A_17 = arith.constant 0 : i32
        %dma_wait3A_18 = tpu.memref_slice %arg5[%arg0, %dma_wait3A, %dma_wait3A_17] : memref<2x10000x16xf32, #tpu.memory_space<hbm>> -> memref<1x10000x16xf32, #tpu.memory_space<hbm>>
        %dma_wait3A_19 = tpu.memref_squeeze %dma_wait3A_18 : memref<1x10000x16xf32, #tpu.memory_space<hbm>> -> memref<10000x16xf32, #tpu.memory_space<hbm>>
        tpu.wait_dma2 semaphore(%run_scoped3A : memref<!tpu.dma_semaphore, #tpu.memory_space<semaphore_mem>>) src(%arg8 : memref<10000x16xf32, #tpu.memory_space<vmem_shared>>) dst(%dma_wait3A_19 : memref<10000x16xf32, #tpu.memory_space<hbm>>)
        tpu.yield
      }) : () -> ()
    } else {
    }
    return
  }
}

#map = affine_map<(d0, d1) -> (0, 0)>
#map1 = affine_map<(d0, d1) -> (0, 0, 0)>
module attributes {stable_mosaic.version = 14 : i64} {
  func.func @_gather_body(%arg0: i32, %arg1: i32, %arg2: memref<10000x16xf32, #tpu.memory_space<hbm>>, %arg3: memref<32x125x40xi32, #tpu.memory_space<hbm>>, %arg4: memref<160000x16xf32, #tpu.memory_space<hbm>>, %arg5: memref<125x40xi32, #tpu.memory_space<vmem>>, %arg6: memref<1000x16xf32, #tpu.memory_space<vmem>>, %arg7: memref<!tpu.dma_semaphore, #tpu.memory_space<semaphore_mem>>) attributes {dimension_semantics = [#tpu.dimension_semantics<core_parallel>, #tpu.dimension_semantics<subcore_parallel>], iteration_bounds = array<i64: 2, 16>, scalar_prefetch = 0 : i64, scratch_operands = 3 : i64, tpu.core_type = #tpu.core_type<sc_vector_subcore>, window_params = [{transform_indices = #map}, {transform_indices = #map1}, {transform_indices = #map}]} {
    %mul3A = arith.constant 16 : i32
    %mul3A_0 = arith.muli %arg0, %mul3A : i32
    %add3A = arith.addi %mul3A_0, %arg1 : i32
    "tpu.region"() ({
      %run_scoped3A = tpu.sem_alloc : memref<!tpu.dma_semaphore, #tpu.memory_space<semaphore_mem>>
      %dma_start3A = arith.constant 0 : i32
      %dma_start3A_6 = arith.constant 0 : i32
      %dma_start3A_7 = tpu.memref_slice %arg3[%add3A, %dma_start3A, %dma_start3A_6] : memref<32x125x40xi32, #tpu.memory_space<hbm>> -> memref<1x125x40xi32, #tpu.memory_space<hbm>>
      %dma_start3A_8 = tpu.memref_squeeze %dma_start3A_7 : memref<1x125x40xi32, #tpu.memory_space<hbm>> -> memref<125x40xi32, #tpu.memory_space<hbm>>
      %dma_start3A_9 = arith.constant 0 : i32
      %dma_start3A_10 = arith.constant 0 : i32
      %dma_start3A_11 = tpu.memref_slice %arg3[%add3A, %dma_start3A_9, %dma_start3A_10] : memref<32x125x40xi32, #tpu.memory_space<hbm>> -> memref<1x125x40xi32, #tpu.memory_space<hbm>>
      %dma_start3A_12 = tpu.memref_squeeze %dma_start3A_11 : memref<1x125x40xi32, #tpu.memory_space<hbm>> -> memref<125x40xi32, #tpu.memory_space<hbm>>
      tpu.enqueue_dma source(%dma_start3A_12 : memref<125x40xi32, #tpu.memory_space<hbm>>) target(%arg5 : memref<125x40xi32, #tpu.memory_space<vmem>>) target_semaphore(%run_scoped3A : memref<!tpu.dma_semaphore, #tpu.memory_space<semaphore_mem>>)
      %dma_wait3A = arith.constant 0 : i32
      %dma_wait3A_13 = arith.constant 0 : i32
      %dma_wait3A_14 = tpu.memref_slice %arg3[%add3A, %dma_wait3A, %dma_wait3A_13] : memref<32x125x40xi32, #tpu.memory_space<hbm>> -> memref<1x125x40xi32, #tpu.memory_space<hbm>>
      %dma_wait3A_15 = tpu.memref_squeeze %dma_wait3A_14 : memref<1x125x40xi32, #tpu.memory_space<hbm>> -> memref<125x40xi32, #tpu.memory_space<hbm>>
      %dma_wait3A_16 = arith.constant 0 : i32
      %dma_wait3A_17 = arith.constant 0 : i32
      %dma_wait3A_18 = tpu.memref_slice %arg3[%add3A, %dma_wait3A_16, %dma_wait3A_17] : memref<32x125x40xi32, #tpu.memory_space<hbm>> -> memref<1x125x40xi32, #tpu.memory_space<hbm>>
      %dma_wait3A_19 = tpu.memref_squeeze %dma_wait3A_18 : memref<1x125x40xi32, #tpu.memory_space<hbm>> -> memref<125x40xi32, #tpu.memory_space<hbm>>
      tpu.wait_dma2 semaphore(%run_scoped3A : memref<!tpu.dma_semaphore, #tpu.memory_space<semaphore_mem>>) src(%dma_wait3A_19 : memref<125x40xi32, #tpu.memory_space<hbm>>) dst(%arg5 : memref<125x40xi32, #tpu.memory_space<vmem>>)
      tpu.yield
    }) : () -> ()
    %scan3A = arith.constant 0 : i32
    %scan3A_1 = arith.constant 0 : i32
    %scan3A_2 = arith.constant 5 : i32
    %scan3A_3 = arith.addi %scan3A_1, %scan3A_2 : i32
    %scan3A_4 = arith.constant 1 : i32
    scf.for %scan3A_6 = %scan3A_1 to %scan3A_3 step %scan3A_4  : i32 {
      %mul3A_7 = arith.constant 5000 : i32
      %mul3A_8 = arith.muli %add3A, %mul3A_7 : i32
      %mul3A_9 = arith.constant 1000 : i32
      %mul3A_10 = arith.muli %scan3A_6, %mul3A_9 : i32
      %add3A_11 = arith.addi %mul3A_8, %mul3A_10 : i32
      %scan3A_12 = arith.constant 0 : i32
      %scan3A_13 = arith.constant 0 : i32
      %scan3A_14 = arith.constant 25 : i32
      %scan3A_15 = arith.addi %scan3A_13, %scan3A_14 : i32
      %scan3A_16 = arith.constant 1 : i32
      scf.for %scan3A_23 = %scan3A_13 to %scan3A_15 step %scan3A_16  : i32 {
        %mul3A_24 = arith.constant 25 : i32
        %mul3A_25 = arith.muli %scan3A_6, %mul3A_24 : i32
        %add3A_26 = arith.addi %mul3A_25, %scan3A_23 : i32
        %mul3A_27 = arith.constant 40 : i32
        %mul3A_28 = arith.muli %scan3A_23, %mul3A_27 : i32
        %dma_start3A = arith.constant 0 : i32
        %dma_start3A_29 = tpu.memref_slice %arg6[%mul3A_28, %dma_start3A] : memref<1000x16xf32, #tpu.memory_space<vmem>> -> memref<40x16xf32, #tpu.memory_space<vmem>>
        %dma_start3A_30 = arith.constant 0 : i32
        %dma_start3A_31 = tpu.memref_slice %arg5[%add3A_26, %dma_start3A_30] : memref<125x40xi32, #tpu.memory_space<vmem>> -> memref<1x40xi32, #tpu.memory_space<vmem>>
        %dma_start3A_32 = tpu.memref_squeeze %dma_start3A_31 : memref<1x40xi32, #tpu.memory_space<vmem>> -> memref<40xi32, #tpu.memory_space<vmem>>
        %dma_start3A_33 = arith.constant 0 : i32
        %dma_start3A_34 = arith.constant 0 : i32
        %dma_start3A_35 = tpu.memref_slice %arg2[%dma_start3A_33, %dma_start3A_34] : memref<10000x16xf32, #tpu.memory_space<hbm>> -> memref<10000x16xf32, #tpu.memory_space<hbm>>
        tpu.enqueue_indirect_dma source(%dma_start3A_35 : memref<10000x16xf32, #tpu.memory_space<hbm>>) target(%dma_start3A_29 : memref<40x16xf32, #tpu.memory_space<vmem>>) offsets(%dma_start3A_32 : memref<40xi32, #tpu.memory_space<vmem>>) semaphore(%arg7 : memref<!tpu.dma_semaphore, #tpu.memory_space<semaphore_mem>>)
      }
      %scan3A_17 = arith.constant 25 : i32
      %dma_wait3A = arith.constant 0 : i32
      %dma_wait3A_18 = arith.constant 0 : i32
      %dma_wait3A_19 = tpu.memref_slice %arg2[%dma_wait3A, %dma_wait3A_18] : memref<10000x16xf32, #tpu.memory_space<hbm>> -> memref<1000x16xf32, #tpu.memory_space<hbm>>
      %dma_wait3A_20 = arith.constant 0 : i32
      %dma_wait3A_21 = arith.constant 0 : i32
      %dma_wait3A_22 = tpu.memref_slice %arg2[%dma_wait3A_20, %dma_wait3A_21] : memref<10000x16xf32, #tpu.memory_space<hbm>> -> memref<1000x16xf32, #tpu.memory_space<hbm>>
      tpu.wait_dma2 semaphore(%arg7 : memref<!tpu.dma_semaphore, #tpu.memory_space<semaphore_mem>>) src(%dma_wait3A_22 : memref<1000x16xf32, #tpu.memory_space<hbm>>) dst(%arg6 : memref<1000x16xf32, #tpu.memory_space<vmem>>)
      "tpu.region"() ({
        %run_scoped3A = tpu.sem_alloc : memref<!tpu.dma_semaphore, #tpu.memory_space<semaphore_mem>>
        %dma_start3A = arith.constant 0 : i32
        %dma_start3A_23 = tpu.memref_slice %arg4[%add3A_11, %dma_start3A] : memref<160000x16xf32, #tpu.memory_space<hbm>> -> memref<1000x16xf32, #tpu.memory_space<hbm>>
        %dma_start3A_24 = arith.constant 0 : i32
        %dma_start3A_25 = tpu.memref_slice %arg4[%add3A_11, %dma_start3A_24] : memref<160000x16xf32, #tpu.memory_space<hbm>> -> memref<1000x16xf32, #tpu.memory_space<hbm>>
        tpu.enqueue_dma source(%arg6 : memref<1000x16xf32, #tpu.memory_space<vmem>>) target(%dma_start3A_25 : memref<1000x16xf32, #tpu.memory_space<hbm>>) target_semaphore(%run_scoped3A : memref<!tpu.dma_semaphore, #tpu.memory_space<semaphore_mem>>)
        %dma_wait3A_26 = arith.constant 0 : i32
        %dma_wait3A_27 = tpu.memref_slice %arg4[%add3A_11, %dma_wait3A_26] : memref<160000x16xf32, #tpu.memory_space<hbm>> -> memref<1000x16xf32, #tpu.memory_space<hbm>>
        %dma_wait3A_28 = arith.constant 0 : i32
        %dma_wait3A_29 = tpu.memref_slice %arg4[%add3A_11, %dma_wait3A_28] : memref<160000x16xf32, #tpu.memory_space<hbm>> -> memref<1000x16xf32, #tpu.memory_space<hbm>>
        tpu.wait_dma2 semaphore(%run_scoped3A : memref<!tpu.dma_semaphore, #tpu.memory_space<semaphore_mem>>) src(%arg6 : memref<1000x16xf32, #tpu.memory_space<vmem>>) dst(%dma_wait3A_29 : memref<1000x16xf32, #tpu.memory_space<hbm>>)
        tpu.yield
      }) : () -> ()
    }
    %scan3A_5 = arith.constant 5 : i32
    return
  }
}

#map = affine_map<(d0, d1) -> (0, 0)>
#map1 = affine_map<(d0, d1) -> (0, 0, 0)>
module attributes {stable_mosaic.version = 14 : i64} {
  func.func @_scatter_body(%arg0: i32, %arg1: i32, %arg2: memref<160000x16xf32, #tpu.memory_space<hbm>>, %arg3: memref<32x125x40xi32, #tpu.memory_space<hbm>>, %arg4: memref<10000x16xf32, #tpu.memory_space<hbm>>, %arg5: memref<2x10000x16xf32, #tpu.memory_space<hbm>>, %arg6: memref<125x40xi32, #tpu.memory_space<vmem>>, %arg7: memref<1000x16xf32, #tpu.memory_space<vmem>>, %arg8: memref<10000x16xf32, #tpu.memory_space<vmem_shared>>) attributes {dimension_semantics = [#tpu.dimension_semantics<core_parallel>, #tpu.dimension_semantics<subcore_parallel>], iteration_bounds = array<i64: 2, 16>, scalar_prefetch = 0 : i64, scratch_operands = 3 : i64, tpu.core_type = #tpu.core_type<sc_vector_subcore>, window_params = [{transform_indices = #map}, {transform_indices = #map1}, {transform_indices = #map}, {transform_indices = #map1}]} {
    %mul3A = arith.constant 16 : i32
    %mul3A_0 = arith.muli %arg0, %mul3A : i32
    %add3A = arith.addi %mul3A_0, %arg1 : i32
    %eq3A = arith.constant 0 : i32
    %eq3A_1 = arith.cmpi eq, %arg1, %eq3A : i32
    %convert_element_type3A = arith.extui %eq3A_1 : i1 to i32
    %cond3A = arith.constant 0 : i32
    %cond3A_2 = arith.cmpi ne, %convert_element_type3A, %cond3A : i32
    scf.if %cond3A_2 {
      "tpu.region"() ({
        %run_scoped3A = tpu.sem_alloc : memref<!tpu.dma_semaphore, #tpu.memory_space<semaphore_mem>>
        tpu.enqueue_dma source(%arg4 : memref<10000x16xf32, #tpu.memory_space<hbm>>) target(%arg8 : memref<10000x16xf32, #tpu.memory_space<vmem_shared>>) target_semaphore(%run_scoped3A : memref<!tpu.dma_semaphore, #tpu.memory_space<semaphore_mem>>)
        tpu.wait_dma2 semaphore(%run_scoped3A : memref<!tpu.dma_semaphore, #tpu.memory_space<semaphore_mem>>) src(%arg4 : memref<10000x16xf32, #tpu.memory_space<hbm>>) dst(%arg8 : memref<10000x16xf32, #tpu.memory_space<vmem_shared>>)
        tpu.yield
      }) : () -> ()
    } else {
    }
    "tpu.region"() ({
      %run_scoped3A = tpu.sem_alloc : memref<!tpu.dma_semaphore, #tpu.memory_space<semaphore_mem>>
      %dma_start3A = arith.constant 0 : i32
      %dma_start3A_14 = arith.constant 0 : i32
      %dma_start3A_15 = tpu.memref_slice %arg3[%add3A, %dma_start3A, %dma_start3A_14] : memref<32x125x40xi32, #tpu.memory_space<hbm>> -> memref<1x125x40xi32, #tpu.memory_space<hbm>>
      %dma_start3A_16 = tpu.memref_squeeze %dma_start3A_15 : memref<1x125x40xi32, #tpu.memory_space<hbm>> -> memref<125x40xi32, #tpu.memory_space<hbm>>
      %dma_start3A_17 = arith.constant 0 : i32
      %dma_start3A_18 = arith.constant 0 : i32
      %dma_start3A_19 = tpu.memref_slice %arg3[%add3A, %dma_start3A_17, %dma_start3A_18] : memref<32x125x40xi32, #tpu.memory_space<hbm>> -> memref<1x125x40xi32, #tpu.memory_space<hbm>>
      %dma_start3A_20 = tpu.memref_squeeze %dma_start3A_19 : memref<1x125x40xi32, #tpu.memory_space<hbm>> -> memref<125x40xi32, #tpu.memory_space<hbm>>
      tpu.enqueue_dma source(%dma_start3A_20 : memref<125x40xi32, #tpu.memory_space<hbm>>) target(%arg6 : memref<125x40xi32, #tpu.memory_space<vmem>>) target_semaphore(%run_scoped3A : memref<!tpu.dma_semaphore, #tpu.memory_space<semaphore_mem>>)
      %dma_wait3A = arith.constant 0 : i32
      %dma_wait3A_21 = arith.constant 0 : i32
      %dma_wait3A_22 = tpu.memref_slice %arg3[%add3A, %dma_wait3A, %dma_wait3A_21] : memref<32x125x40xi32, #tpu.memory_space<hbm>> -> memref<1x125x40xi32, #tpu.memory_space<hbm>>
      %dma_wait3A_23 = tpu.memref_squeeze %dma_wait3A_22 : memref<1x125x40xi32, #tpu.memory_space<hbm>> -> memref<125x40xi32, #tpu.memory_space<hbm>>
      %dma_wait3A_24 = arith.constant 0 : i32
      %dma_wait3A_25 = arith.constant 0 : i32
      %dma_wait3A_26 = tpu.memref_slice %arg3[%add3A, %dma_wait3A_24, %dma_wait3A_25] : memref<32x125x40xi32, #tpu.memory_space<hbm>> -> memref<1x125x40xi32, #tpu.memory_space<hbm>>
      %dma_wait3A_27 = tpu.memref_squeeze %dma_wait3A_26 : memref<1x125x40xi32, #tpu.memory_space<hbm>> -> memref<125x40xi32, #tpu.memory_space<hbm>>
      tpu.wait_dma2 semaphore(%run_scoped3A : memref<!tpu.dma_semaphore, #tpu.memory_space<semaphore_mem>>) src(%dma_wait3A_27 : memref<125x40xi32, #tpu.memory_space<hbm>>) dst(%arg6 : memref<125x40xi32, #tpu.memory_space<vmem>>)
      tpu.yield
    }) : () -> ()
    %barrier3A = arith.constant 0 : index
    tpu.barrier barrier_id(%barrier3A)
    %scan3A = arith.constant 0 : i32
    %scan3A_3 = arith.constant 0 : i32
    %scan3A_4 = arith.constant 5 : i32
    %scan3A_5 = arith.addi %scan3A_3, %scan3A_4 : i32
    %scan3A_6 = arith.constant 1 : i32
    scf.for %scan3A_14 = %scan3A_3 to %scan3A_5 step %scan3A_6  : i32 {
      %mul3A_15 = arith.constant 5000 : i32
      %mul3A_16 = arith.muli %add3A, %mul3A_15 : i32
      %mul3A_17 = arith.constant 1000 : i32
      %mul3A_18 = arith.muli %scan3A_14, %mul3A_17 : i32
      %add3A_19 = arith.addi %mul3A_16, %mul3A_18 : i32
      "tpu.region"() ({
        %run_scoped3A = tpu.sem_alloc : memref<!tpu.dma_semaphore, #tpu.memory_space<semaphore_mem>>
        %dma_start3A = arith.constant 0 : i32
        %dma_start3A_26 = tpu.memref_slice %arg2[%add3A_19, %dma_start3A] : memref<160000x16xf32, #tpu.memory_space<hbm>> -> memref<1000x16xf32, #tpu.memory_space<hbm>>
        %dma_start3A_27 = arith.constant 0 : i32
        %dma_start3A_28 = tpu.memref_slice %arg2[%add3A_19, %dma_start3A_27] : memref<160000x16xf32, #tpu.memory_space<hbm>> -> memref<1000x16xf32, #tpu.memory_space<hbm>>
        tpu.enqueue_dma source(%dma_start3A_28 : memref<1000x16xf32, #tpu.memory_space<hbm>>) target(%arg7 : memref<1000x16xf32, #tpu.memory_space<vmem>>) target_semaphore(%run_scoped3A : memref<!tpu.dma_semaphore, #tpu.memory_space<semaphore_mem>>)
        %dma_wait3A = arith.constant 0 : i32
        %dma_wait3A_29 = tpu.memref_slice %arg2[%add3A_19, %dma_wait3A] : memref<160000x16xf32, #tpu.memory_space<hbm>> -> memref<1000x16xf32, #tpu.memory_space<hbm>>
        %dma_wait3A_30 = arith.constant 0 : i32
        %dma_wait3A_31 = tpu.memref_slice %arg2[%add3A_19, %dma_wait3A_30] : memref<160000x16xf32, #tpu.memory_space<hbm>> -> memref<1000x16xf32, #tpu.memory_space<hbm>>
        tpu.wait_dma2 semaphore(%run_scoped3A : memref<!tpu.dma_semaphore, #tpu.memory_space<semaphore_mem>>) src(%dma_wait3A_31 : memref<1000x16xf32, #tpu.memory_space<hbm>>) dst(%arg7 : memref<1000x16xf32, #tpu.memory_space<vmem>>)
        tpu.yield
      }) : () -> ()
      %scan3A_20 = arith.constant 0 : i32
      %scan3A_21 = arith.constant 0 : i32
      %scan3A_22 = arith.constant 25 : i32
      %scan3A_23 = arith.addi %scan3A_21, %scan3A_22 : i32
      %scan3A_24 = arith.constant 1 : i32
      scf.for %scan3A_26 = %scan3A_21 to %scan3A_23 step %scan3A_24  : i32 {
        %mul3A_27 = arith.constant 40 : i32
        %mul3A_28 = arith.muli %scan3A_26, %mul3A_27 : i32
        %mul3A_29 = arith.constant 25 : i32
        %mul3A_30 = arith.muli %scan3A_14, %mul3A_29 : i32
        %add3A_31 = arith.addi %mul3A_30, %scan3A_26 : i32
        "tpu.region"() ({
          %run_scoped3A = tpu.sem_alloc : memref<!tpu.dma_semaphore, #tpu.memory_space<semaphore_mem>>
          %dma_start3A = arith.constant 0 : i32
          %dma_start3A_32 = tpu.memref_slice %arg7[%mul3A_28, %dma_start3A] : memref<1000x16xf32, #tpu.memory_space<vmem>> -> memref<40x16xf32, #tpu.memory_space<vmem>>
          %dma_start3A_33 = arith.constant 0 : i32
          %dma_start3A_34 = tpu.memref_slice %arg6[%add3A_31, %dma_start3A_33] : memref<125x40xi32, #tpu.memory_space<vmem>> -> memref<1x40xi32, #tpu.memory_space<vmem>>
          %dma_start3A_35 = tpu.memref_squeeze %dma_start3A_34 : memref<1x40xi32, #tpu.memory_space<vmem>> -> memref<40xi32, #tpu.memory_space<vmem>>
          %dma_start3A_36 = arith.constant 0 : i32
          %dma_start3A_37 = arith.constant 0 : i32
          %dma_start3A_38 = tpu.memref_slice %arg8[%dma_start3A_36, %dma_start3A_37] : memref<10000x16xf32, #tpu.memory_space<vmem_shared>> -> memref<10000x16xf32, #tpu.memory_space<vmem_shared>>
          tpu.enqueue_indirect_dma source(%dma_start3A_32 : memref<40x16xf32, #tpu.memory_space<vmem>>) target(%dma_start3A_38 : memref<10000x16xf32, #tpu.memory_space<vmem_shared>>) offsets(%dma_start3A_35 : memref<40xi32, #tpu.memory_space<vmem>>) semaphore(%run_scoped3A : memref<!tpu.dma_semaphore, #tpu.memory_space<semaphore_mem>>) {add = true}
          %dma_wait3A = arith.constant 0 : i32
          %dma_wait3A_39 = tpu.memref_slice %arg7[%mul3A_28, %dma_wait3A] : memref<1000x16xf32, #tpu.memory_space<vmem>> -> memref<40x16xf32, #tpu.memory_space<vmem>>
          %dma_wait3A_40 = arith.constant 0 : i32
          %dma_wait3A_41 = tpu.memref_slice %arg6[%add3A_31, %dma_wait3A_40] : memref<125x40xi32, #tpu.memory_space<vmem>> -> memref<1x40xi32, #tpu.memory_space<vmem>>
          %dma_wait3A_42 = tpu.memref_squeeze %dma_wait3A_41 : memref<1x40xi32, #tpu.memory_space<vmem>> -> memref<40xi32, #tpu.memory_space<vmem>>
          %dma_wait3A_43 = arith.constant 0 : i32
          %dma_wait3A_44 = arith.constant 0 : i32
          %dma_wait3A_45 = tpu.memref_slice %arg8[%dma_wait3A_43, %dma_wait3A_44] : memref<10000x16xf32, #tpu.memory_space<vmem_shared>> -> memref<10000x16xf32, #tpu.memory_space<vmem_shared>>
          tpu.wait_indirect_dma semaphore(%run_scoped3A : memref<!tpu.dma_semaphore, #tpu.memory_space<semaphore_mem>>) src(%dma_wait3A_39 : memref<40x16xf32, #tpu.memory_space<vmem>>) dst(%dma_wait3A_45 : memref<10000x16xf32, #tpu.memory_space<vmem_shared>>)
          tpu.yield
        }) : () -> ()
      }
      %scan3A_25 = arith.constant 25 : i32
    }
    %scan3A_7 = arith.constant 5 : i32
    %barrier3A_8 = arith.constant 0 : index
    tpu.barrier barrier_id(%barrier3A_8)
    %eq3A_9 = arith.constant 0 : i32
    %eq3A_10 = arith.cmpi eq, %arg1, %eq3A_9 : i32
    %convert_element_type3A_11 = arith.extui %eq3A_10 : i1 to i32
    %cond3A_12 = arith.constant 0 : i32
    %cond3A_13 = arith.cmpi ne, %convert_element_type3A_11, %cond3A_12 : i32
    scf.if %cond3A_13 {
      "tpu.region"() ({
        %run_scoped3A = tpu.sem_alloc : memref<!tpu.dma_semaphore, #tpu.memory_space<semaphore_mem>>
        %dma_start3A = arith.constant 0 : i32
        %dma_start3A_14 = arith.constant 0 : i32
        %dma_start3A_15 = tpu.memref_slice %arg5[%arg0, %dma_start3A, %dma_start3A_14] : memref<2x10000x16xf32, #tpu.memory_space<hbm>> -> memref<1x10000x16xf32, #tpu.memory_space<hbm>>
        %dma_start3A_16 = tpu.memref_squeeze %dma_start3A_15 : memref<1x10000x16xf32, #tpu.memory_space<hbm>> -> memref<10000x16xf32, #tpu.memory_space<hbm>>
        tpu.enqueue_dma source(%arg8 : memref<10000x16xf32, #tpu.memory_space<vmem_shared>>) target(%dma_start3A_16 : memref<10000x16xf32, #tpu.memory_space<hbm>>) target_semaphore(%run_scoped3A : memref<!tpu.dma_semaphore, #tpu.memory_space<semaphore_mem>>)
        %dma_wait3A = arith.constant 0 : i32
        %dma_wait3A_17 = arith.constant 0 : i32
        %dma_wait3A_18 = tpu.memref_slice %arg5[%arg0, %dma_wait3A, %dma_wait3A_17] : memref<2x10000x16xf32, #tpu.memory_space<hbm>> -> memref<1x10000x16xf32, #tpu.memory_space<hbm>>
        %dma_wait3A_19 = tpu.memref_squeeze %dma_wait3A_18 : memref<1x10000x16xf32, #tpu.memory_space<hbm>> -> memref<10000x16xf32, #tpu.memory_space<hbm>>
        tpu.wait_dma2 semaphore(%run_scoped3A : memref<!tpu.dma_semaphore, #tpu.memory_space<semaphore_mem>>) src(%arg8 : memref<10000x16xf32, #tpu.memory_space<vmem_shared>>) dst(%dma_wait3A_19 : memref<10000x16xf32, #tpu.memory_space<hbm>>)
        tpu.yield
      }) : () -> ()
    } else {
    }
    return
  }
}

#map = affine_map<(d0, d1) -> (0, 0)>
#map1 = affine_map<(d0, d1) -> (0, 0, 0)>
module attributes {stable_mosaic.version = 14 : i64} {
  func.func @_gather_body(%arg0: i32, %arg1: i32, %arg2: memref<10000x16xf32, #tpu.memory_space<hbm>>, %arg3: memref<32x125x40xi32, #tpu.memory_space<hbm>>, %arg4: memref<160000x16xf32, #tpu.memory_space<hbm>>, %arg5: memref<125x40xi32, #tpu.memory_space<vmem>>, %arg6: memref<1000x16xf32, #tpu.memory_space<vmem>>, %arg7: memref<!tpu.dma_semaphore, #tpu.memory_space<semaphore_mem>>) attributes {dimension_semantics = [#tpu.dimension_semantics<core_parallel>, #tpu.dimension_semantics<subcore_parallel>], iteration_bounds = array<i64: 2, 16>, scalar_prefetch = 0 : i64, scratch_operands = 3 : i64, tpu.core_type = #tpu.core_type<sc_vector_subcore>, window_params = [{transform_indices = #map}, {transform_indices = #map1}, {transform_indices = #map}]} {
    %mul3A = arith.constant 16 : i32
    %mul3A_0 = arith.muli %arg0, %mul3A : i32
    %add3A = arith.addi %mul3A_0, %arg1 : i32
    "tpu.region"() ({
      %run_scoped3A = tpu.sem_alloc : memref<!tpu.dma_semaphore, #tpu.memory_space<semaphore_mem>>
      %dma_start3A = arith.constant 0 : i32
      %dma_start3A_6 = arith.constant 0 : i32
      %dma_start3A_7 = tpu.memref_slice %arg3[%add3A, %dma_start3A, %dma_start3A_6] : memref<32x125x40xi32, #tpu.memory_space<hbm>> -> memref<1x125x40xi32, #tpu.memory_space<hbm>>
      %dma_start3A_8 = tpu.memref_squeeze %dma_start3A_7 : memref<1x125x40xi32, #tpu.memory_space<hbm>> -> memref<125x40xi32, #tpu.memory_space<hbm>>
      %dma_start3A_9 = arith.constant 0 : i32
      %dma_start3A_10 = arith.constant 0 : i32
      %dma_start3A_11 = tpu.memref_slice %arg3[%add3A, %dma_start3A_9, %dma_start3A_10] : memref<32x125x40xi32, #tpu.memory_space<hbm>> -> memref<1x125x40xi32, #tpu.memory_space<hbm>>
      %dma_start3A_12 = tpu.memref_squeeze %dma_start3A_11 : memref<1x125x40xi32, #tpu.memory_space<hbm>> -> memref<125x40xi32, #tpu.memory_space<hbm>>
      tpu.enqueue_dma source(%dma_start3A_12 : memref<125x40xi32, #tpu.memory_space<hbm>>) target(%arg5 : memref<125x40xi32, #tpu.memory_space<vmem>>) target_semaphore(%run_scoped3A : memref<!tpu.dma_semaphore, #tpu.memory_space<semaphore_mem>>)
      %dma_wait3A = arith.constant 0 : i32
      %dma_wait3A_13 = arith.constant 0 : i32
      %dma_wait3A_14 = tpu.memref_slice %arg3[%add3A, %dma_wait3A, %dma_wait3A_13] : memref<32x125x40xi32, #tpu.memory_space<hbm>> -> memref<1x125x40xi32, #tpu.memory_space<hbm>>
      %dma_wait3A_15 = tpu.memref_squeeze %dma_wait3A_14 : memref<1x125x40xi32, #tpu.memory_space<hbm>> -> memref<125x40xi32, #tpu.memory_space<hbm>>
      %dma_wait3A_16 = arith.constant 0 : i32
      %dma_wait3A_17 = arith.constant 0 : i32
      %dma_wait3A_18 = tpu.memref_slice %arg3[%add3A, %dma_wait3A_16, %dma_wait3A_17] : memref<32x125x40xi32, #tpu.memory_space<hbm>> -> memref<1x125x40xi32, #tpu.memory_space<hbm>>
      %dma_wait3A_19 = tpu.memref_squeeze %dma_wait3A_18 : memref<1x125x40xi32, #tpu.memory_space<hbm>> -> memref<125x40xi32, #tpu.memory_space<hbm>>
      tpu.wait_dma2 semaphore(%run_scoped3A : memref<!tpu.dma_semaphore, #tpu.memory_space<semaphore_mem>>) src(%dma_wait3A_19 : memref<125x40xi32, #tpu.memory_space<hbm>>) dst(%arg5 : memref<125x40xi32, #tpu.memory_space<vmem>>)
      tpu.yield
    }) : () -> ()
    %scan3A = arith.constant 0 : i32
    %scan3A_1 = arith.constant 0 : i32
    %scan3A_2 = arith.constant 5 : i32
    %scan3A_3 = arith.addi %scan3A_1, %scan3A_2 : i32
    %scan3A_4 = arith.constant 1 : i32
    scf.for %scan3A_6 = %scan3A_1 to %scan3A_3 step %scan3A_4  : i32 {
      %mul3A_7 = arith.constant 5000 : i32
      %mul3A_8 = arith.muli %add3A, %mul3A_7 : i32
      %mul3A_9 = arith.constant 1000 : i32
      %mul3A_10 = arith.muli %scan3A_6, %mul3A_9 : i32
      %add3A_11 = arith.addi %mul3A_8, %mul3A_10 : i32
      %scan3A_12 = arith.constant 0 : i32
      %scan3A_13 = arith.constant 0 : i32
      %scan3A_14 = arith.constant 25 : i32
      %scan3A_15 = arith.addi %scan3A_13, %scan3A_14 : i32
      %scan3A_16 = arith.constant 1 : i32
      scf.for %scan3A_23 = %scan3A_13 to %scan3A_15 step %scan3A_16  : i32 {
        %mul3A_24 = arith.constant 25 : i32
        %mul3A_25 = arith.muli %scan3A_6, %mul3A_24 : i32
        %add3A_26 = arith.addi %mul3A_25, %scan3A_23 : i32
        %mul3A_27 = arith.constant 40 : i32
        %mul3A_28 = arith.muli %scan3A_23, %mul3A_27 : i32
        %dma_start3A = arith.constant 0 : i32
        %dma_start3A_29 = tpu.memref_slice %arg6[%mul3A_28, %dma_start3A] : memref<1000x16xf32, #tpu.memory_space<vmem>> -> memref<40x16xf32, #tpu.memory_space<vmem>>
        %dma_start3A_30 = arith.constant 0 : i32
        %dma_start3A_31 = tpu.memref_slice %arg5[%add3A_26, %dma_start3A_30] : memref<125x40xi32, #tpu.memory_space<vmem>> -> memref<1x40xi32, #tpu.memory_space<vmem>>
        %dma_start3A_32 = tpu.memref_squeeze %dma_start3A_31 : memref<1x40xi32, #tpu.memory_space<vmem>> -> memref<40xi32, #tpu.memory_space<vmem>>
        %dma_start3A_33 = arith.constant 0 : i32
        %dma_start3A_34 = arith.constant 0 : i32
        %dma_start3A_35 = tpu.memref_slice %arg2[%dma_start3A_33, %dma_start3A_34] : memref<10000x16xf32, #tpu.memory_space<hbm>> -> memref<10000x16xf32, #tpu.memory_space<hbm>>
        tpu.enqueue_indirect_dma source(%dma_start3A_35 : memref<10000x16xf32, #tpu.memory_space<hbm>>) target(%dma_start3A_29 : memref<40x16xf32, #tpu.memory_space<vmem>>) offsets(%dma_start3A_32 : memref<40xi32, #tpu.memory_space<vmem>>) semaphore(%arg7 : memref<!tpu.dma_semaphore, #tpu.memory_space<semaphore_mem>>)
      }
      %scan3A_17 = arith.constant 25 : i32
      %dma_wait3A = arith.constant 0 : i32
      %dma_wait3A_18 = arith.constant 0 : i32
      %dma_wait3A_19 = tpu.memref_slice %arg2[%dma_wait3A, %dma_wait3A_18] : memref<10000x16xf32, #tpu.memory_space<hbm>> -> memref<1000x16xf32, #tpu.memory_space<hbm>>
      %dma_wait3A_20 = arith.constant 0 : i32
      %dma_wait3A_21 = arith.constant 0 : i32
      %dma_wait3A_22 = tpu.memref_slice %arg2[%dma_wait3A_20, %dma_wait3A_21] : memref<10000x16xf32, #tpu.memory_space<hbm>> -> memref<1000x16xf32, #tpu.memory_space<hbm>>
      tpu.wait_dma2 semaphore(%arg7 : memref<!tpu.dma_semaphore, #tpu.memory_space<semaphore_mem>>) src(%dma_wait3A_22 : memref<1000x16xf32, #tpu.memory_space<hbm>>) dst(%arg6 : memref<1000x16xf32, #tpu.memory_space<vmem>>)
      "tpu.region"() ({
        %run_scoped3A = tpu.sem_alloc : memref<!tpu.dma_semaphore, #tpu.memory_space<semaphore_mem>>
        %dma_start3A = arith.constant 0 : i32
        %dma_start3A_23 = tpu.memref_slice %arg4[%add3A_11, %dma_start3A] : memref<160000x16xf32, #tpu.memory_space<hbm>> -> memref<1000x16xf32, #tpu.memory_space<hbm>>
        %dma_start3A_24 = arith.constant 0 : i32
        %dma_start3A_25 = tpu.memref_slice %arg4[%add3A_11, %dma_start3A_24] : memref<160000x16xf32, #tpu.memory_space<hbm>> -> memref<1000x16xf32, #tpu.memory_space<hbm>>
        tpu.enqueue_dma source(%arg6 : memref<1000x16xf32, #tpu.memory_space<vmem>>) target(%dma_start3A_25 : memref<1000x16xf32, #tpu.memory_space<hbm>>) target_semaphore(%run_scoped3A : memref<!tpu.dma_semaphore, #tpu.memory_space<semaphore_mem>>)
        %dma_wait3A_26 = arith.constant 0 : i32
        %dma_wait3A_27 = tpu.memref_slice %arg4[%add3A_11, %dma_wait3A_26] : memref<160000x16xf32, #tpu.memory_space<hbm>> -> memref<1000x16xf32, #tpu.memory_space<hbm>>
        %dma_wait3A_28 = arith.constant 0 : i32
        %dma_wait3A_29 = tpu.memref_slice %arg4[%add3A_11, %dma_wait3A_28] : memref<160000x16xf32, #tpu.memory_space<hbm>> -> memref<1000x16xf32, #tpu.memory_space<hbm>>
        tpu.wait_dma2 semaphore(%run_scoped3A : memref<!tpu.dma_semaphore, #tpu.memory_space<semaphore_mem>>) src(%arg6 : memref<1000x16xf32, #tpu.memory_space<vmem>>) dst(%dma_wait3A_29 : memref<1000x16xf32, #tpu.memory_space<hbm>>)
        tpu.yield
      }) : () -> ()
    }
    %scan3A_5 = arith.constant 5 : i32
    return
  }
}

module attributes {stable_mosaic.version = 14 : i64} {
  func.func @_mm_body(%arg0: i32, %arg1: memref<2000x128xf32, #tpu.memory_space<vmem>>, %arg2: memref<2000x128xf32, #tpu.memory_space<vmem>>, %arg3: memref<128x2048xbf16, #tpu.memory_space<vmem>>, %arg4: memref<128x128xbf16, #tpu.memory_space<vmem>>, %arg5: memref<128x2048xbf16, #tpu.memory_space<vmem>>, %arg6: memref<2048x128xbf16, #tpu.memory_space<vmem>>, %arg7: memref<2000x128xf32, #tpu.memory_space<vmem>>) attributes {dimension_semantics = [#tpu.dimension_semantics<arbitrary>], iteration_bounds = array<i64: 10>, scalar_prefetch = 0 : i64, scratch_operands = 0 : i64, tpu.core_type = #tpu.core_type<tc>, window_params = [{transform_indices = @transform_0, window_bounds = array<i64: 2000, 128>}, {transform_indices = @transform_1, window_bounds = array<i64: 2000, 128>}, {pipeline_mode = #tpu.pipeline_mode<synchronous>, transform_indices = @transform_2, window_bounds = array<i64: 128, 2048>}, {pipeline_mode = #tpu.pipeline_mode<synchronous>, transform_indices = @transform_3, window_bounds = array<i64: 128, 128>}, {pipeline_mode = #tpu.pipeline_mode<synchronous>, transform_indices = @transform_4, window_bounds = array<i64: 128, 2048>}, {pipeline_mode = #tpu.pipeline_mode<synchronous>, transform_indices = @transform_5, window_bounds = array<i64: 2048, 128>}, {transform_indices = @transform_6, window_bounds = array<i64: 2000, 128>}]} {
    %get3A = arith.constant 0 : index
    %get3A_0 = arith.constant 0 : index
    %get3A_1 = vector.load %arg1[%get3A, %get3A_0] : memref<2000x128xf32, #tpu.memory_space<vmem>>, vector<2000x128xf32>
    %convert_element_type3A = arith.truncf %get3A_1 : vector<2000x128xf32> to vector<2000x128xbf16>
    %get3A_2 = arith.constant 0 : index
    %get3A_3 = arith.constant 0 : index
    %get3A_4 = vector.load %arg2[%get3A_2, %get3A_3] : memref<2000x128xf32, #tpu.memory_space<vmem>>, vector<2000x128xf32>
    %convert_element_type3A_5 = arith.truncf %get3A_4 : vector<2000x128xf32> to vector<2000x128xbf16>
    %get3A_6 = arith.constant 0 : index
    %get3A_7 = arith.constant 0 : index
    %get3A_8 = vector.load %arg3[%get3A_6, %get3A_7] : memref<128x2048xbf16, #tpu.memory_space<vmem>>, vector<128x2048xbf16>
    %dot_general3A = arith.constant dense<0.000000e+00> : vector<2000x2048xf32>
    %dot_general3A_9 = tpu.matmul %convert_element_type3A, %get3A_8, %dot_general3A {dimension_numbers = #tpu.dot_dimension_numbers<[1], [0], [0], [1], [0, 0, 1, 1], [], []>, transpose_lhs_hint = false} : vector<2000x128xbf16>, vector<128x2048xbf16>, vector<2000x2048xf32> -> vector<2000x2048xf32>
    %convert_element_type3A_10 = arith.truncf %dot_general3A_9 : vector<2000x2048xf32> to vector<2000x2048xbf16>
    %get3A_11 = arith.constant 0 : index
    %get3A_12 = arith.constant 0 : index
    %get3A_13 = vector.load %arg5[%get3A_11, %get3A_12] : memref<128x2048xbf16, #tpu.memory_space<vmem>>, vector<128x2048xbf16>
    %dot_general3A_14 = arith.constant dense<0.000000e+00> : vector<2000x2048xf32>
    %dot_general3A_15 = tpu.matmul %convert_element_type3A_5, %get3A_13, %dot_general3A_14 {dimension_numbers = #tpu.dot_dimension_numbers<[1], [0], [0], [1], [0, 0, 1, 1], [], []>, transpose_lhs_hint = false} : vector<2000x128xbf16>, vector<128x2048xbf16>, vector<2000x2048xf32> -> vector<2000x2048xf32>
    %convert_element_type3A_16 = arith.truncf %dot_general3A_15 : vector<2000x2048xf32> to vector<2000x2048xbf16>
    %mul3A = arith.mulf %convert_element_type3A_10, %convert_element_type3A_16 : vector<2000x2048xbf16>
    %get3A_17 = arith.constant 0 : index
    %get3A_18 = arith.constant 0 : index
    %get3A_19 = vector.load %arg6[%get3A_17, %get3A_18] : memref<2048x128xbf16, #tpu.memory_space<vmem>>, vector<2048x128xbf16>
    %dot_general3A_20 = arith.constant dense<0.000000e+00> : vector<2000x128xf32>
    %dot_general3A_21 = tpu.matmul %mul3A, %get3A_19, %dot_general3A_20 {dimension_numbers = #tpu.dot_dimension_numbers<[1], [0], [0], [1], [0, 0, 1, 1], [], []>, transpose_lhs_hint = false} : vector<2000x2048xbf16>, vector<2048x128xbf16>, vector<2000x128xf32> -> vector<2000x128xf32>
    %get3A_22 = arith.constant 0 : index
    %get3A_23 = arith.constant 0 : index
    %get3A_24 = vector.load %arg4[%get3A_22, %get3A_23] : memref<128x128xbf16, #tpu.memory_space<vmem>>, vector<128x128xbf16>
    %dot_general3A_25 = arith.constant dense<0.000000e+00> : vector<2000x128xf32>
    %dot_general3A_26 = tpu.matmul %convert_element_type3A_5, %get3A_24, %dot_general3A_25 {dimension_numbers = #tpu.dot_dimension_numbers<[1], [0], [0], [1], [0, 0, 1, 1], [], []>, transpose_lhs_hint = false} : vector<2000x128xbf16>, vector<128x128xbf16>, vector<2000x128xf32> -> vector<2000x128xf32>
    %add3A = arith.addf %dot_general3A_21, %dot_general3A_26 : vector<2000x128xf32>
    %swap3A = arith.constant 0 : index
    %swap3A_27 = arith.constant 0 : index
    %swap3A_28 = vector.load %arg7[%swap3A, %swap3A_27] : memref<2000x128xf32, #tpu.memory_space<vmem>>, vector<2000x128xf32>
    tpu.vector_store %arg7[%swap3A, %swap3A_27], %add3A {strides = array<i32>} : memref<2000x128xf32, #tpu.memory_space<vmem>>, vector<2000x128xf32>,
    return
  }
  func.func @transform_0(%arg0: i32) -> (i32, i32) {
    %c0_i32 = arith.constant 0 : i32
    %c0_i32_0 = arith.constant 0 : i32
    return %arg0, %c0_i32 : i32, i32
  }
  func.func @transform_1(%arg0: i32) -> (i32, i32) {
    %c0_i32 = arith.constant 0 : i32
    %c0_i32_0 = arith.constant 0 : i32
    return %arg0, %c0_i32 : i32, i32
  }
  func.func @transform_2(%arg0: i32) -> (i32, i32) {
    %c0_i32 = arith.constant 0 : i32
    %c0_i32_0 = arith.constant 0 : i32
    %c0_i32_1 = arith.constant 0 : i32
    return %c0_i32, %c0_i32_0 : i32, i32
  }
  func.func @transform_3(%arg0: i32) -> (i32, i32) {
    %c0_i32 = arith.constant 0 : i32
    %c0_i32_0 = arith.constant 0 : i32
    %c0_i32_1 = arith.constant 0 : i32
    return %c0_i32, %c0_i32_0 : i32, i32
  }
  func.func @transform_4(%arg0: i32) -> (i32, i32) {
    %c0_i32 = arith.constant 0 : i32
    %c0_i32_0 = arith.constant 0 : i32
    %c0_i32_1 = arith.constant 0 : i32
    return %c0_i32, %c0_i32_0 : i32, i32
  }
  func.func @transform_5(%arg0: i32) -> (i32, i32) {
    %c0_i32 = arith.constant 0 : i32
    %c0_i32_0 = arith.constant 0 : i32
    %c0_i32_1 = arith.constant 0 : i32
    return %c0_i32, %c0_i32_0 : i32, i32
  }
  func.func @transform_6(%arg0: i32) -> (i32, i32) {
    %c0_i32 = arith.constant 0 : i32
    %c0_i32_0 = arith.constant 0 : i32
    return %arg0, %c0_i32 : i32, i32
  }
}

module attributes {stable_mosaic.version = 14 : i64} {
  func.func @_comb_body(%arg0: memref<2x10000x16xf32, #tpu.memory_space<vmem>>, %arg1: memref<2x10000x16xf32, #tpu.memory_space<vmem>>, %arg2: memref<10000x16xf32, #tpu.memory_space<vmem>>) attributes {dimension_semantics = [], scalar_prefetch = 0 : i64, scratch_operands = 0 : i64, tpu.core_type = #tpu.core_type<tc>} {
    %get3A = arith.constant 0 : index
    %get3A_0 = arith.constant 0 : index
    %get3A_1 = arith.constant 0 : index
    %get3A_2 = vector.load %arg0[%get3A, %get3A_0, %get3A_1] : memref<2x10000x16xf32, #tpu.memory_space<vmem>>, vector<1x10000x16xf32>
    %get3A_3 = vector.shape_cast %get3A_2 : vector<1x10000x16xf32> to vector<10000x16xf32>
    %get3A_4 = arith.constant 1 : index
    %get3A_5 = arith.constant 0 : index
    %get3A_6 = arith.constant 0 : index
    %get3A_7 = vector.load %arg0[%get3A_4, %get3A_5, %get3A_6] : memref<2x10000x16xf32, #tpu.memory_space<vmem>>, vector<1x10000x16xf32>
    %get3A_8 = vector.shape_cast %get3A_7 : vector<1x10000x16xf32> to vector<10000x16xf32>
    %add3A = arith.addf %get3A_3, %get3A_8 : vector<10000x16xf32>
    %get3A_9 = arith.constant 0 : index
    %get3A_10 = arith.constant 0 : index
    %get3A_11 = arith.constant 0 : index
    %get3A_12 = vector.load %arg1[%get3A_9, %get3A_10, %get3A_11] : memref<2x10000x16xf32, #tpu.memory_space<vmem>>, vector<1x10000x16xf32>
    %get3A_13 = vector.shape_cast %get3A_12 : vector<1x10000x16xf32> to vector<10000x16xf32>
    %get3A_14 = arith.constant 1 : index
    %get3A_15 = arith.constant 0 : index
    %get3A_16 = arith.constant 0 : index
    %get3A_17 = vector.load %arg1[%get3A_14, %get3A_15, %get3A_16] : memref<2x10000x16xf32, #tpu.memory_space<vmem>>, vector<1x10000x16xf32>
    %get3A_18 = vector.shape_cast %get3A_17 : vector<1x10000x16xf32> to vector<10000x16xf32>
    %add3A_19 = arith.addf %get3A_13, %get3A_18 : vector<10000x16xf32>
    %add3A_20 = arith.addf %add3A, %add3A_19 : vector<10000x16xf32>
    %swap3A = arith.constant 0 : index
    %swap3A_21 = arith.constant 0 : index
    %swap3A_22 = vector.load %arg2[%swap3A, %swap3A_21] : memref<10000x16xf32, #tpu.memory_space<vmem>>, vector<10000x16xf32>
    tpu.vector_store %arg2[%swap3A, %swap3A_21], %add3A_20 {strides = array<i32>} : memref<10000x16xf32, #tpu.memory_space<vmem>>, vector<10000x16xf32>,
    return
  }
}

</mosaic_0001>

<sc_bundles>
// kernel: kernel.12.cloned.1.call-start
scs
__scs_entry_jumppad:
0x0: {  	(pc) =	sbr.rel $0x88, $3  }
0x1: {  	(tag) =	ssettag $0x0;
	lr =	simm.s32 $0x1  }
0x2: {  	[smem:$0x3F9C] =	sst lr;
	_ =	strace $0xD0000000  }
0x3: {  	_ = 	snop  }
0x4: {  	_ = 	snop  }
0x5: {  	_ = 	snop  }
0x6: {  	_ = 	snop  }
0x7: {  	_ = 	snop  }
__scs_overlays_trampoline_lowered:
0x8: {  	[smem:$0x3FAB] =	sst s0  }
0x9: {  	[smem:$0x3FAC] =	sst s1  }
0xa: {  	[smem:$0x3FAD] =	sst s2  }
0xb: {  	[smem:$0x3FAE] =	sst s3  }
0xc: {  	[smem:$0x3FAF] =	sst s4  }
0xd: {  	[smem:$0x3FB0] =	sst s5  }
0xe: {  	[smem:$0x3FB1] =	sst s6  }
0xf: {  	[smem:$0x3FB2] =	sst s7  }
0x10: {  	[smem:$0x3FB3] =	sst s8  }
0x11: {  	[smem:$0x3FB4] =	sst s9;
	s0 =	simm.s32 @!p0 $0x0  }
0x12: {  	s1 =	sld [smem:$0x3F9A];
	s0 =	simm.s32 @p0 $0x1  }
0x13: {  	[smem:$0x3FB5] =	sst s0;
	s0 =	simm.s32 @!p1 $0x0  }
0x14: {  	s2 =	sld [smem:$0x3F99];
	s0 =	simm.s32 @p1 $0x1  }
0x15: {  	[smem:$0x3FB6] =	sst s0;
	s0 =	simm.s32 @!p2 $0x0  }
0x16: {  	s3 =	sld [smem:$0x3FDB];
	s0 =	simm.s32 @p2 $0x1  }
0x17: {  	s4 =	simm.s32 $0x1BF5;
	[smem:$0x3FB8] =	sst s0  }
0x18: {  	s0 =	sld [smem:$0x3F9B];
	_ =	swait.ge [sflag:s4], $0x0  }
0x19: {  	s7 =	sld [smem:$0x3F9C]  }
0x1a: {  	s8 =	sadd.s32 $0xFFFFE003, lr  }
0x1b: {  	s9 =	sadd.s32 $0xFFFFFEF7, lr;
	s5 =	simm.s32 $0xFFFFFFFF;
	p2 =	slt.u32 s8, $0xFFFFF086  }
0x1c: {  	p1 =	slt.u32 s9, $0xF7A;
	s5 =	simm.s32 @!p2 $0x0  }
0x1d: {  	s5 =	simm.s32 @p1 $0x1;
	p0 =	seq.s32 s7, s2  }
0x1e: {  	s7 =	smul.u32 @!p0 $0xF7A, s2;
	p2 =	seq.s32 @!p0 s5, $0x0  }
0x1f: {  	s9 =	smul.u32 $0xF7A, s1;
	s8 =	simm.s32 @!p0 $0x1BF5;
	p2 =	por !p2, p0  }
0x20: {  	[sflag:s8] =	ssyncset.s32 @!p0 $0xFFFFF086;
	s6 =	sadd.s32 @!p0 s3, s7;
	s7 =	simm.s32 @!p0 $0x108  }
0x21: {  	s3 =	sadd.s32 s3, s9;
	s6 =	sadd.s32 @!p0 $0x88, s6;
	s7 =	simm.s32 @p2 $0x1082  }
0x22: {  	[simem:s7], [sflag:s8] =	dma.local @!p0 [hbm:s6], $0xF7A  }
0x23: {  	s9 =	sor.u32 $0xD0000000, s2;
	s6 =	simm.s32 $0x108;
	_ =	swait.ge @!p0 [sflag:s8], $0x0  }
0x24: {  	s3 =	sadd.s32 $0x88, s3;
	s6 =	simm.s32 @!p1 $0x1082;
	[sflag:s4] =	ssyncset.s32 $0xFFFFF086  }
0x25: {  	[simem:s6], [sflag:s4] =	dma.local [hbm:s3], $0xF7A  }
0x26: {  	[smem:$0x3F9C] =	sst s1;
	(tag) =	ssettag s2;
	_ =	strace s9  }
0x27: {  	s1 =	sld [smem:$0x3FAC]  }
0x28: {  	s2 =	sld [smem:$0x3FAD]  }
0x29: {  	s4 =	sld [smem:$0x3FAF]  }
0x2a: {  	p0 =	seq.s32 s5, $0x0;
	s5 =	sld [smem:$0x3FB0]  }
0x2b: {  	s6 =	sld [smem:$0x3FB1]  }
0x2c: {  	s7 =	sld [smem:$0x3FB2]  }
0x2d: {  	s3 =	simm.s32 $0x108;
	s8 =	sld [smem:$0x3FB3]  }
0x2e: {  	s3 =	simm.s32 @!p0 $0x1082;
	s9 =	sld [smem:$0x3FB4]  }
0x2f: {  	lr =	sadd.s32 s0, s3;
	s0 =	sld [smem:$0x3FAB]  }
0x30: {  	s3 =	sld [smem:$0x3FAE]  }
0x31: {  	[smem:$0x3FB7] =	sst s10  }
0x32: {  	s10 =	sld [smem:$0x3FB5];
	_ =	sdelay $0x3  }
0x33: {  	p0 =	seq.s32 s10, $0x1;
	s10 =	sld [smem:$0x3FB7];
	_ =	sdelay $0x3  }
0x34: {  	[smem:$0x3FB7] =	sst s10  }
0x35: {  	s10 =	sld [smem:$0x3FB6];
	_ =	sdelay $0x3  }
0x36: {  	p1 =	seq.s32 s10, $0x1;
	s10 =	sld [smem:$0x3FB7];
	_ =	sdelay $0x3  }
0x37: {  	[smem:$0x3FB7] =	sst s10  }
0x38: {  	s10 =	sld [smem:$0x3FB8]  }
0x39: {  	_ = 	snop;
	(pc) =	sbr.ind lr, $3  }
0x3a: {  	_ = 	snop  }
0x3b: {  	_ = 	snop  }
0x3c: {  	p2 =	seq.s32 s10, $0x1;
	s10 =	sld [smem:$0x3FB7]  }
0x3d: {  	_ =	shalt  }
0x3e: {  	_ =	shalt  }
0x3f: {  	_ =	shalt  }
0x40: {  	_ =	shalt  }
0x41: {  	_ =	shalt  }
0x42: {  	_ =	shalt  }
0x43: {  	_ =	shalt  }
0x44: {  	_ =	shalt  }
0x45: {  	_ =	shalt  }
0x46: {  	_ =	shalt  }
0x47: {  	_ =	shalt  }
0x48: {  	_ =	shalt  }
0x49: {  	_ =	shalt  }
0x4a: {  	_ =	shalt  }
0x4b: {  	_ =	shalt  }
0x4c: {  	_ =	shalt  }
0x4d: {  	_ =	shalt  }
0x4e: {  	_ =	shalt  }
0x4f: {  	_ =	shalt  }
0x50: {  	_ =	shalt  }
0x51: {  	_ =	shalt  }
0x52: {  	_ =	shalt  }
0x53: {  	_ =	shalt  }
0x54: {  	_ =	shalt  }
0x55: {  	_ =	shalt  }
0x56: {  	_ =	shalt  }
0x57: {  	_ =	shalt  }
0x58: {  	_ =	shalt  }
0x59: {  	_ =	shalt  }
0x5a: {  	_ =	shalt  }
0x5b: {  	_ =	shalt  }
0x5c: {  	_ =	shalt  }
0x5d: {  	_ =	shalt  }
0x5e: {  	_ =	shalt  }
0x5f: {  	_ =	shalt  }
0x60: {  	_ =	shalt  }
0x61: {  	_ =	shalt  }
0x62: {  	_ =	shalt  }
0x63: {  	_ =	shalt  }
0x64: {  	_ =	shalt  }
0x65: {  	_ =	shalt  }
0x66: {  	_ =	shalt  }
0x67: {  	_ =	shalt  }
0x68: {  	_ =	shalt  }
0x69: {  	_ =	shalt  }
0x6a: {  	_ =	shalt  }
0x6b: {  	_ =	shalt  }
0x6c: {  	_ =	shalt  }
0x6d: {  	_ =	shalt  }
0x6e: {  	_ =	shalt  }
0x6f: {  	_ =	shalt  }
0x70: {  	_ =	shalt  }
0x71: {  	_ =	shalt  }
0x72: {  	_ =	shalt  }
0x73: {  	_ =	shalt  }
0x74: {  	_ =	shalt  }
0x75: {  	_ =	shalt  }
0x76: {  	_ =	shalt  }
0x77: {  	_ =	shalt  }
0x78: {  	_ =	shalt  }
0x79: {  	_ =	shalt  }
0x7a: {  	_ =	shalt  }
0x7b: {  	_ =	shalt  }
0x7c: {  	_ =	shalt  }
0x7d: {  	_ =	shalt  }
0x7e: {  	_ =	shalt  }
0x7f: {  	_ =	shalt  }
0x80: {  	_ =	shalt  }
0x81: {  	_ =	shalt  }
0x82: {  	_ =	shalt  }
0x83: {  	_ =	shalt  }
0x84: {  	_ =	shalt  }
0x85: {  	_ =	shalt  }
0x86: {  	_ =	shalt  }
0x87: {  	_ =	shalt  }
.Lfunc_end0:
.L_simem_size_0:
called_computation.1_lowered:
.L_overlay_start_0:
0x88: {  	s2 =	sld [smem:$0x3FD9]  }
0x89: {  	s3 =	sld [smem:$0x3FFE];
	_ =	sdelay $0x1  }
0x8a: {  	s1 =	srdreg.scid  }
0x8b: {  	s0 =	sand.u32 $0x1, s1  }
0x8c: {  	s17 =	sshll.u32 s0, $0xA;
	s2 =	sadd.s32 s3, s2  }
0x8d: {  	s2 =	sadd.s32 s2, s17  }
0x8e: {  	[smem:$0x3FC3] =	sst s2  }
0x8f: {  	_ = 	snop  }
0x90: {  	(tm) =	ssettm $0x1  }
0x91: {  	s18 =	sld [smem:$0x3FFB];
	_ =	sdelay $0x3  }
0x92: {  	_ =	strace s18  }
0x93: {  	s2 =	sld [smem:$0x3FFC];
	_ =	sdelay $0x3  }
0x94: {  	_ =	strace s2  }
0x95: {  	s2 =	sld [smem:$0x3FFD];
	_ =	sdelay $0x3  }
0x96: {  	_ =	strace s2  }
0x97: {  	_ =	strace $0x8FFFFFFF  }
0x98: {  	s19 =	sld [smem:$0x3FDB];
	_ =	sdelay $0x1  }
0x99: {  	s20 =	simm.s32 $_scs_section_size  }
0x9a: {  	s4 =	simm.s32 $_size__tile_overlayer_lowered;
	s5 =	simm.s32 $_tile_overlayer_lowered  }
0x9b: {  	s6 =	simm.s32 $0x1BFF;
	s21 =	sshll.u32 s5, $0x1;
	s3 =	sadd.s32 s20, s19  }
0x9c: {  	s22 =	simm.s32 $0x0;
	s4 =	sshll.u32 s4, $0x1;
	s5 =	sadd.s32 s21, s3  }
0x9d: {  	[timem:s22], [sflag:s6] =	dma.local [hbm:s5], s4  }
0x9e: {  	_ =	swait.ge [sflag:s6], s4  }
0x9f: {  	s4 =	ssub.s32 $0x0, s4;
	[sflag:s6] =	ssyncset.done $0x0  }
0xa0: {  	[sflag:s6] =	ssyncadd.s32 s4;
	_ =	sdelay $0x1  }
0xa1: {  	s23 =	simm.s32 $0x1B8B  }
0xa2: {  	_ =	swait.ge [sflag:s23], $0x1  }
0xa3: {  	[sflag:s23] =	ssyncset.done $0x0  }
0xa4: {  	[sflag:s23] =	ssyncadd.s32 $0xFFFFFFFF  }
0xa5: {  	s4 =	sld [smem:$0x0]  }
0xa6: {  	s5 =	sand.u32 $0xFFFFFFFE, s1  }
0xa7: {  	p0 =	sne.s32 s1, s5  }
0xa8: {  	s5 =	sshll.u32 @p0 s5, $0xE  }
0xa9: {  	s5 =	sadd.s32 @p0 $0x11B8D, s5;
	s6 =	sshll.u32 @p0 s4, $0x11  }
0xaa: {  	s5 =	sor.u32 @p0 s6, s5  }
0xab: {  	[sflag:s5] =	ssyncadd.remote.s32 @p0 $0x1;
	_ =	sdelay $0x1  }
0xac: {  	s5 =	simm.s32 @p0 $0x1B8D  }
0xad: {  	_ =	swait.eq @p0 [sflag:s5], $0x1  }
0xae: {  	[sflag:s5] =	ssyncadd.s32 @p0 $0xFFFFFFFF  }
0xaf: {  	s6 =	sshll.u32 @!p0 s1, $0xE  }
0xb0: {  	s6 =	sor.u32 @!p0 $0x4000, s6;
	s5 =	simm.s32 @!p0 $0x1B8D  }
0xb1: {  	s4 =	sshll.u32 @!p0 s4, $0x11;
	s6 =	sadd.s32 @!p0 $0x11B8D, s6;
	_ =	swait.eq @!p0 [sflag:s5], $0x1  }
0xb2: {  	s4 =	sor.u32 @!p0 s4, s6;
	[sflag:s5] =	ssyncadd.s32 @!p0 $0xFFFFFFFF  }
0xb3: {  	s25 =	simm.s32 $0x1B8E;
	s24 =	sld [smem:$0x3FFE];
	[sflag:s4] =	ssyncadd.remote.s32 @!p0 $0x1  }
0xb4: {  	s26 =	simm.s32 $execute0_lowered;
	[smem:$0x3FD2] =	sst s25  }
0xb5: {  	s5 =	sshll.u32 s26, $0x1;
	_ =	strace $0x8000004C;
	[dreg:$0x1] =	wrdreg $0xFFFFFFFF  }
0xb6: {  	s28 =	simm.s32 $_size_execute0_lowered;
	s3 =	sadd.s32 s3, s5;
	[dreg:$0x0] =	wrdreg $0x0  }
0xb7: {  	s5 =	sshll.u32 s28, $0x1;
	[dreg:$0x2] =	wrdreg s3  }
0xb8: {  	[dreg:$0x3] =	wrdreg s5  }
0xb9: {  	[dreg:$0x4] =	wrdreg $0xC0  }
0xba: {  	_ =	task [dreg:s22], $0x5FFFF  }
0xbb: {  	[dreg:$0x1] =	wrdreg $0xFFFFFFFF  }
0xbc: {  	[dreg:$0x0] =	wrdreg $0x60  }
0xbd: {  	[dreg:$0x2] =	wrdreg s24  }
0xbe: {  	[dreg:$0x3] =	wrdreg $0x52080  }
0xbf: {  	[dreg:$0x4] =	wrdreg $0x9  }
0xc0: {  	_ =	task.clear_ibuf [dreg:s22], $0x5FFFF;
	_ =	strace $0x9000004C  }
0xc1: {  	s29 =	simm.s32 $0x9;
	_ =	strace $0x8000004E  }
0xc2: {  	_ =	swait.ge [sflag:s29], $0x1  }
0xc3: {  	[sflag:s29] =	ssyncadd.s32 $0xFFFFFFFF  }
0xc4: {  	_ =	strace $0x9000004E  }
0xc5: {  	_ =	sfence  }
0xc6: {  	s30 =	sld [smem:$0x0];
	_ =	sdelay $0x2  }
0xc7: {  	s31 =	sshll.u32 s1, $0xD;
	s1 =	sshrl.u32 s1, $0x2  }
0xc8: {  	s4 =	sand.u32 $0x4000, s31;
	s1 =	sadd.s32 s1, s30  }
0xc9: {  	s0 =	sor.u32 s4, s0;
	s1 =	sshll.u32 s1, $0x11  }
0xca: {  	s0 =	sor.u32 s1, s0  }
0xcb: {  	s0 =	sadd.s32 $0x8F2B, s0  }
0xcc: {  	[sflag:s0] =	ssyncadd.remote.s32 $0x1  }
0xcd: {  	_ =	sfence.sel $0xFFFF  }
0xce: {  	[dreg:$0x0] =	wrdreg $0xFFFFFFFF;
	(pc) =	sbr.abs _section_cstart, $3  }
0xcf: {  	[dreg:$0x1] =	wrdreg $0xFFFFFFFF  }
0xd0: {  	_ =	task.clear_ibuf [dreg:s22], $0x2FFFF;
	_ =	strace $0x9FFFFFFF  }
0xd1: {  	(tm) =	ssettm $0x7FFFFFFF  }
tec
execute0_lowered:
.L_overlay_start_1:
0x0: {  	(tag) =	ssettag $0x1  }
0x1: {  	s0 =	srdreg.scid;
	s4 =	rddreg [dreg:$0x0]  }
0x2: {  	s1 =	rddreg [dreg:$0x1];
	s10 =	stileid.u32  }
0x3: {  	s2 =	simm.s32 $0x0;
	s13 =	simm.s32 $0x1;
	s3 =	sand.u32 $0x1, s0  }
0x4: {  	s14 =	simm.s32 $0x28;
	s15 =	simm.s32 $0x0;
	s5 =	sshll.u32 s3, $0x4  }
0x5: {  	s0 =	rddreg [dreg:$0x2];
	s31 =	smul.u32 $0x4E20, s3;
	s5 =	sor.u32 s10, s5  }
0x6: {  	[smem:$0x7FF] =	sst s2;
	p0 =	sne.s32 s10, $0x0;
	s6 =	smul.u32 $0x2710, s5  }
0x7: {  	_ =	strace $0x8000004D;
	s7 =	ssub.s32 $0x2, s3;
	s5 =	smul.u32 $0x271, s5  }
0x8: {  	s3 =	sadd.s32 $0x2200, s4;
	s12 =	sshrl.u32 @!p0 s1, $0x3;
	s8 =	sshrl.u32 s7, $0x1  }
0x9: {  	s11 =	sadd.s32 s6, s4;
	s5 =	sadd.s32 s5, s4;
	s6 =	sadd.s32 s31, s4  }
0xa: {  	s7 =	ssub.s32 s7, s8;
	s4 =	sadd.s32 $0x7200, s5;
	s5 =	sadd.s32 $0x599400, s6  }
0xb: {  	s6 =	smax.u32 s7, $0x1;
	s7 =	sadd.s32 $0xC200, s11;
	s8 =	sadd.s32 $0xC9D0, s11  }
0xc: {  	s9 =	sadd.s32 $0xD1A0, s11;
	s10 =	sadd.s32 $0xD970, s11;
	s11 =	sadd.s32 $0xE140, s11  }
.LBB2_1:
0xd: {  	s16 =	simm.s32 @!p0 $0x1C01  }
0xe: {  	[spmem:s12], [sflag:s16] =	dma.local @!p0 [hbm:s3], $0x4E20  }
0xf: {  	s16 =	simm.s32 @!p0 $0x1  }
0x10: {  	_ =	swait.ge @!p0 [sflag:s16], $0x4E20  }
0x11: {  	[sflag:s16] =	ssyncset.done @!p0 $0x0  }
0x12: {  	[sflag:s16] =	ssyncadd.s32 @!p0 $0xFFFFB1E0  }
0x13: {  	[tilespmem:s2], [sflag:$0x1] =	stream.linear.gather [hbm4b:s4+s2], $0x1388, $0x38;
	[tilespmem:$0x7918] =	vst v63  }
0x14: {  	_ =	swait.ge [sflag:s13], $0x1388  }
0x15: {  	[sflag:s13] =	ssyncset.done $0x0  }
0x16: {  	[sflag:s13] =	ssyncadd.s32 $0xFFFFEC78  }
0x17: {  	s16 =	simm.s32 $0x1388;
	[bflag:$0x0] =	sbarrier.arrive $0xFFFF  }
0x18: {  	[tilespmem:s16], [sflag:$0x1] =	stream.linear.gather [hbm4b:s7+s2], $0x3E80, $0x38;
	[tilespmem:$0x7918] =	vst v63  }
0x19: {  	_ =	swait.ge [sflag:s13], $0x3E80  }
0x1a: {  	[sflag:s13] =	ssyncset.done $0x0  }
0x1b: {  	s17 =	simm.s32 $0x0;
	[sflag:s13] =	ssyncadd.s32 $0xFFFFC180  }
0x1c: {  	[spmem:s1] =	stream.indirect.scatter.add.f32 [tilespmem:s16], [sflag:$0x1], $0x10, s17, s14, $0xb8;
	[tilespmem:$0x7918] =	vst v63  }
0x1d: {  	_ =	swait.ge [sflag:s13], $0x280  }
0x1e: {  	s17 =	simm.s32 $0xA0;
	[sflag:s13] =	ssyncset.done $0x0  }
.LBB2_2:
0x1f: {  	s18 =	sshra.s32 s17, $0x2  }
0x20: {  	[sflag:s13] =	ssyncadd.s32 $0xFFFFFD80;
	s16 =	sadd.s32 $0x280, s16;
	p1 =	sne.s32 s17, $0xF00  }
0x21: {  	[spmem:s1] =	stream.indirect.scatter.add.f32 [tilespmem:s16], [sflag:$0x1], $0x10, s18, s14, $0xb8;
	[tilespmem:$0x7918] =	vst v63  }
.Ltmp0:
0x22: {  	_ = 	snop;
	(pc) =	sbr.rel @p1 .LBB2_2-.Ltmp0, $4  }
0x23: {  	_ = 	snop  }
0x24: {  	s17 =	sadd.s32 $0xA0, s17  }
0x25: {  	_ =	swait.ge [sflag:s13], $0x280  }
0x26: {  	[sflag:s13] =	ssyncset.done $0x0  }
0x27: {  	[sflag:s13] =	ssyncadd.s32 $0xFFFFFD80;
	s17 =	simm.s32 $0x0;
	s16 =	simm.s32 $0x1388  }
0x28: {  	[tilespmem:s16], [sflag:$0x1] =	stream.linear.gather [hbm4b:s8+s17], $0x3E80, $0x38;
	[tilespmem:$0x7918] =	vst v63  }
0x29: {  	_ =	swait.ge [sflag:s13], $0x3E80  }
0x2a: {  	[sflag:s13] =	ssyncset.done $0x0  }
0x2b: {  	s31 =	simm.s32 $0x3E8;
	[sflag:s13] =	ssyncadd.s32 $0xFFFFC180  }
0x2c: {  	[spmem:s1] =	stream.indirect.scatter.add.f32 [tilespmem:s16], [sflag:$0x1], $0x10, s31, s14, $0xb8;
	[tilespmem:$0x7918] =	vst v63  }
0x2d: {  	s17 =	simm.s32 $0xA0;
	_ =	swait.ge [sflag:s13], $0x280  }
.LBB2_4:
0x2e: {  	s18 =	sshra.s32 s17, $0x2  }
0x2f: {  	[sflag:s13] =	ssyncset.done $0x0;
	s16 =	sadd.s32 $0x280, s16;
	p1 =	sne.s32 s17, $0xF00  }
.Ltmp1:
0x30: {  	s18 =	sadd.s32 $0x3E8, s18;
	[sflag:s13] =	ssyncadd.s32 $0xFFFFFD80;
	(pc) =	sbr.rel @p1 .LBB2_4-.Ltmp1, $3  }
0x31: {  	[spmem:s1] =	stream.indirect.scatter.add.f32 [tilespmem:s16], [sflag:$0x1], $0x10, s18, s14, $0xb8;
	[tilespmem:$0x7918] =	vst v63  }
0x32: {  	s17 =	sadd.s32 $0xA0, s17;
	_ =	sdelay $0x1  }
0x33: {  	_ =	swait.ge [sflag:s13], $0x280  }
0x34: {  	[sflag:s13] =	ssyncset.done $0x0  }
0x35: {  	s17 =	simm.s32 $0x0;
	s16 =	simm.s32 $0x1388;
	[sflag:s13] =	ssyncadd.s32 $0xFFFFFD80  }
0x36: {  	[tilespmem:s16], [sflag:$0x1] =	stream.linear.gather [hbm4b:s9+s17], $0x3E80, $0x38;
	[tilespmem:$0x7918] =	vst v63  }
0x37: {  	_ =	swait.ge [sflag:s13], $0x3E80  }
0x38: {  	[sflag:s13] =	ssyncset.done $0x0  }
0x39: {  	s31 =	simm.s32 $0x7D0;
	[sflag:s13] =	ssyncadd.s32 $0xFFFFC180  }
0x3a: {  	[spmem:s1] =	stream.indirect.scatter.add.f32 [tilespmem:s16], [sflag:$0x1], $0x10, s31, s14, $0xb8;
	[tilespmem:$0x7918] =	vst v63  }
0x3b: {  	s17 =	simm.s32 $0xA0;
	_ =	swait.ge [sflag:s13], $0x280  }
.LBB2_6:
0x3c: {  	s18 =	sshra.s32 s17, $0x2  }
0x3d: {  	[sflag:s13] =	ssyncset.done $0x0;
	s16 =	sadd.s32 $0x280, s16;
	p1 =	sne.s32 s17, $0xF00  }
.Ltmp2:
0x3e: {  	s18 =	sadd.s32 $0x7D0, s18;
	[sflag:s13] =	ssyncadd.s32 $0xFFFFFD80;
	(pc) =	sbr.rel @p1 .LBB2_6-.Ltmp2, $3  }
0x3f: {  	[spmem:s1] =	stream.indirect.scatter.add.f32 [tilespmem:s16], [sflag:$0x1], $0x10, s18, s14, $0xb8;
	[tilespmem:$0x7918] =	vst v63  }
0x40: {  	s17 =	sadd.s32 $0xA0, s17;
	_ =	sdelay $0x1  }
0x41: {  	_ =	swait.ge [sflag:s13], $0x280  }
0x42: {  	[sflag:s13] =	ssyncset.done $0x0  }
0x43: {  	s17 =	simm.s32 $0x0;
	s16 =	simm.s32 $0x1388;
	[sflag:s13] =	ssyncadd.s32 $0xFFFFFD80  }
0x44: {  	[tilespmem:s16], [sflag:$0x1] =	stream.linear.gather [hbm4b:s10+s17], $0x3E80, $0x38;
	[tilespmem:$0x7918] =	vst v63  }
0x45: {  	_ =	swait.ge [sflag:s13], $0x3E80  }
0x46: {  	[sflag:s13] =	ssyncset.done $0x0  }
0x47: {  	s31 =	simm.s32 $0xBB8;
	[sflag:s13] =	ssyncadd.s32 $0xFFFFC180  }
0x48: {  	[spmem:s1] =	stream.indirect.scatter.add.f32 [tilespmem:s16], [sflag:$0x1], $0x10, s31, s14, $0xb8;
	[tilespmem:$0x7918] =	vst v63  }
0x49: {  	s17 =	simm.s32 $0xA0;
	_ =	swait.ge [sflag:s13], $0x280  }
.LBB2_8:
0x4a: {  	s18 =	sshra.s32 s17, $0x2  }
0x4b: {  	[sflag:s13] =	ssyncset.done $0x0;
	s16 =	sadd.s32 $0x280, s16;
	p1 =	sne.s32 s17, $0xF00  }
.Ltmp3:
0x4c: {  	s18 =	sadd.s32 $0xBB8, s18;
	[sflag:s13] =	ssyncadd.s32 $0xFFFFFD80;
	(pc) =	sbr.rel @p1 .LBB2_8-.Ltmp3, $3  }
0x4d: {  	[spmem:s1] =	stream.indirect.scatter.add.f32 [tilespmem:s16], [sflag:$0x1], $0x10, s18, s14, $0xb8;
	[tilespmem:$0x7918] =	vst v63  }
0x4e: {  	s17 =	sadd.s32 $0xA0, s17;
	_ =	sdelay $0x1  }
0x4f: {  	_ =	swait.ge [sflag:s13], $0x280  }
0x50: {  	[sflag:s13] =	ssyncset.done $0x0  }
0x51: {  	s17 =	simm.s32 $0x0;
	s16 =	simm.s32 $0x1388;
	[sflag:s13] =	ssyncadd.s32 $0xFFFFFD80  }
0x52: {  	[tilespmem:s16], [sflag:$0x1] =	stream.linear.gather [hbm4b:s11+s17], $0x3E80, $0x38;
	[tilespmem:$0x7918] =	vst v63  }
0x53: {  	_ =	swait.ge [sflag:s13], $0x3E80  }
0x54: {  	[sflag:s13] =	ssyncset.done $0x0  }
0x55: {  	s31 =	simm.s32 $0xFA0;
	[sflag:s13] =	ssyncadd.s32 $0xFFFFC180  }
0x56: {  	[spmem:s1] =	stream.indirect.scatter.add.f32 [tilespmem:s16], [sflag:$0x1], $0x10, s31, s14, $0xb8;
	[tilespmem:$0x7918] =	vst v63  }
0x57: {  	s17 =	simm.s32 $0xA0;
	_ =	swait.ge [sflag:s13], $0x280  }
.LBB2_10:
0x58: {  	s18 =	sshra.s32 s17, $0x2  }
0x59: {  	[sflag:s13] =	ssyncset.done $0x0;
	s16 =	sadd.s32 $0x280, s16;
	p1 =	sne.s32 s17, $0xF00  }
.Ltmp4:
0x5a: {  	s18 =	sadd.s32 $0xFA0, s18;
	[sflag:s13] =	ssyncadd.s32 $0xFFFFFD80;
	(pc) =	sbr.rel @p1 .LBB2_10-.Ltmp4, $3  }
0x5b: {  	[spmem:s1] =	stream.indirect.scatter.add.f32 [tilespmem:s16], [sflag:$0x1], $0x10, s18, s14, $0xb8;
	[tilespmem:$0x7918] =	vst v63  }
0x5c: {  	s17 =	sadd.s32 $0xA0, s17;
	_ =	sdelay $0x1  }
0x5d: {  	_ =	swait.ge [sflag:s13], $0x280  }
0x5e: {  	[sflag:s13] =	ssyncset.done $0x0  }
0x5f: {  	s15 =	sadd.s32 $0x1, s15;
	[sflag:s13] =	ssyncadd.s32 $0xFFFFFD80  }
0x60: {  	s16 =	simm.s32 @!p0 $0x1C01;
	p1 =	sne.s32 s15, s6;
	[bflag:$0x0] =	sbarrier.arrive $0xFFFF  }
0x61: {  	[hbm:s5], [sflag:s16] =	dma.local @!p0 [spmem:s12], $0x4E20  }
.Ltmp5:
0x62: {  	_ = 	snop;
	(pc) =	sbr.rel @p1 .LBB2_1-.Ltmp5, $4  }
0x63: {  	s16 =	simm.s32 @!p0 $0x1  }
0x64: {  	_ =	swait.ge @!p0 [sflag:s16], $0x4E20  }
0x65: {  	[sflag:s16] =	ssyncset.done @!p0 $0x0  }
0x66: {  	[sflag:s16] =	ssyncadd.s32 @!p0 $0xFFFFB1E0  }
0x67: {  	_ =	sfence.sel $0x180000  }
0x68: {  	[bflag:$0x0] =	sbarrier.arrive $0xFFFF  }
0x69: {  	_ =	strace $0x9000004D  }
0x6a: {  	s0 =	sadd.s32 @!p0 $0x100000, s0;
	[bflag:$0x2] =	sbarrier.arrive $0xFFFF  }
0x6b: {  	[sflag:s0] =	ssyncadd.tile.s32 @!p0 $0x1;
	_ =	shalt  }
.Lfunc_end2:
_tile_overlayer_lowered:
.L_overlay_start_2:
0x6c: {  	(tag) =	ssettag $0x2  }
0x6d: {  	s0 =	rddreg [dreg:$0x0];
	s2 =	stileid.u32  }
0x6e: {  	s1 =	rddreg [dreg:$0x1];
	p0 =	sne.s32 s2, $0x0  }
0x6f: {  	s3 =	rddreg [dreg:$0x2];
	[bflag:$0x3] =	sbarrier.arrive $0xFFFF;
	s2 =	simm.s32 @!p0 $0x1C01  }
0x70: {  	[timem:s3], [sflag:s2] =	dma.local @!p0 [hbm:s0], s1  }
0x71: {  	s0 =	simm.s32 @!p0 $0x1  }
0x72: {  	_ =	swait.ge @!p0 [sflag:s0], s1  }
0x73: {  	s1 =	ssub.s32 @!p0 $0x0, s1;
	[sflag:s0] =	ssyncset.done @!p0 $0x0  }
0x74: {  	[sflag:s0] =	ssyncadd.s32 @!p0 s1  }
0x75: {  	[bflag:$0x3] =	sbarrier.arrive $0xFFFF  }
0x76: {  	_ =	shalt  }

// kernel: kernel.15.cloned.1.call-start
scs
__scs_entry_jumppad:
0x0: {  	(pc) =	sbr.rel $0x88, $3  }
0x1: {  	(tag) =	ssettag $0x0;
	lr =	simm.s32 $0x1  }
0x2: {  	[smem:$0x3F9C] =	sst lr;
	_ =	strace $0xD0000000  }
0x3: {  	_ = 	snop  }
0x4: {  	_ = 	snop  }
0x5: {  	_ = 	snop  }
0x6: {  	_ = 	snop  }
0x7: {  	_ = 	snop  }
__scs_overlays_trampoline_lowered:
0x8: {  	[smem:$0x3FAB] =	sst s0  }
0x9: {  	[smem:$0x3FAC] =	sst s1  }
0xa: {  	[smem:$0x3FAD] =	sst s2  }
0xb: {  	[smem:$0x3FAE] =	sst s3  }
0xc: {  	[smem:$0x3FAF] =	sst s4  }
0xd: {  	[smem:$0x3FB0] =	sst s5  }
0xe: {  	[smem:$0x3FB1] =	sst s6  }
0xf: {  	[smem:$0x3FB2] =	sst s7  }
0x10: {  	[smem:$0x3FB3] =	sst s8  }
0x11: {  	[smem:$0x3FB4] =	sst s9;
	s0 =	simm.s32 @!p0 $0x0  }
0x12: {  	s1 =	sld [smem:$0x3F9A];
	s0 =	simm.s32 @p0 $0x1  }
0x13: {  	[smem:$0x3FB5] =	sst s0;
	s0 =	simm.s32 @!p1 $0x0  }
0x14: {  	s2 =	sld [smem:$0x3F99];
	s0 =	simm.s32 @p1 $0x1  }
0x15: {  	[smem:$0x3FB6] =	sst s0;
	s0 =	simm.s32 @!p2 $0x0  }
0x16: {  	s3 =	sld [smem:$0x3FDB];
	s0 =	simm.s32 @p2 $0x1  }
0x17: {  	s4 =	simm.s32 $0x1BF5;
	[smem:$0x3FB8] =	sst s0  }
0x18: {  	s0 =	sld [smem:$0x3F9B];
	_ =	swait.ge [sflag:s4], $0x0  }
0x19: {  	s7 =	sld [smem:$0x3F9C]  }
0x1a: {  	s8 =	sadd.s32 $0xFFFFE003, lr  }
0x1b: {  	s9 =	sadd.s32 $0xFFFFFEF7, lr;
	s5 =	simm.s32 $0xFFFFFFFF;
	p2 =	slt.u32 s8, $0xFFFFF086  }
0x1c: {  	p1 =	slt.u32 s9, $0xF7A;
	s5 =	simm.s32 @!p2 $0x0  }
0x1d: {  	s5 =	simm.s32 @p1 $0x1;
	p0 =	seq.s32 s7, s2  }
0x1e: {  	s7 =	smul.u32 @!p0 $0xF7A, s2;
	p2 =	seq.s32 @!p0 s5, $0x0  }
0x1f: {  	s9 =	smul.u32 $0xF7A, s1;
	s8 =	simm.s32 @!p0 $0x1BF5;
	p2 =	por !p2, p0  }
0x20: {  	[sflag:s8] =	ssyncset.s32 @!p0 $0xFFFFF086;
	s6 =	sadd.s32 @!p0 s3, s7;
	s7 =	simm.s32 @!p0 $0x108  }
0x21: {  	s3 =	sadd.s32 s3, s9;
	s6 =	sadd.s32 @!p0 $0x88, s6;
	s7 =	simm.s32 @p2 $0x1082  }
0x22: {  	[simem:s7], [sflag:s8] =	dma.local @!p0 [hbm:s6], $0xF7A  }
0x23: {  	s9 =	sor.u32 $0xD0000000, s2;
	s6 =	simm.s32 $0x108;
	_ =	swait.ge @!p0 [sflag:s8], $0x0  }
0x24: {  	s3 =	sadd.s32 $0x88, s3;
	s6 =	simm.s32 @!p1 $0x1082;
	[sflag:s4] =	ssyncset.s32 $0xFFFFF086  }
0x25: {  	[simem:s6], [sflag:s4] =	dma.local [hbm:s3], $0xF7A  }
0x26: {  	[smem:$0x3F9C] =	sst s1;
	(tag) =	ssettag s2;
	_ =	strace s9  }
0x27: {  	s1 =	sld [smem:$0x3FAC]  }
0x28: {  	s2 =	sld [smem:$0x3FAD]  }
0x29: {  	s4 =	sld [smem:$0x3FAF]  }
0x2a: {  	p0 =	seq.s32 s5, $0x0;
	s5 =	sld [smem:$0x3FB0]  }
0x2b: {  	s6 =	sld [smem:$0x3FB1]  }
0x2c: {  	s7 =	sld [smem:$0x3FB2]  }
0x2d: {  	s3 =	simm.s32 $0x108;
	s8 =	sld [smem:$0x3FB3]  }
0x2e: {  	s3 =	simm.s32 @!p0 $0x1082;
	s9 =	sld [smem:$0x3FB4]  }
0x2f: {  	lr =	sadd.s32 s0, s3;
	s0 =	sld [smem:$0x3FAB]  }
0x30: {  	s3 =	sld [smem:$0x3FAE]  }
0x31: {  	[smem:$0x3FB7] =	sst s10  }
0x32: {  	s10 =	sld [smem:$0x3FB5];
	_ =	sdelay $0x3  }
0x33: {  	p0 =	seq.s32 s10, $0x1;
	s10 =	sld [smem:$0x3FB7];
	_ =	sdelay $0x3  }
0x34: {  	[smem:$0x3FB7] =	sst s10  }
0x35: {  	s10 =	sld [smem:$0x3FB6];
	_ =	sdelay $0x3  }
0x36: {  	p1 =	seq.s32 s10, $0x1;
	s10 =	sld [smem:$0x3FB7];
	_ =	sdelay $0x3  }
0x37: {  	[smem:$0x3FB7] =	sst s10  }
0x38: {  	s10 =	sld [smem:$0x3FB8]  }
0x39: {  	_ = 	snop;
	(pc) =	sbr.ind lr, $3  }
0x3a: {  	_ = 	snop  }
0x3b: {  	_ = 	snop  }
0x3c: {  	p2 =	seq.s32 s10, $0x1;
	s10 =	sld [smem:$0x3FB7]  }
0x3d: {  	_ =	shalt  }
0x3e: {  	_ =	shalt  }
0x3f: {  	_ =	shalt  }
0x40: {  	_ =	shalt  }
0x41: {  	_ =	shalt  }
0x42: {  	_ =	shalt  }
0x43: {  	_ =	shalt  }
0x44: {  	_ =	shalt  }
0x45: {  	_ =	shalt  }
0x46: {  	_ =	shalt  }
0x47: {  	_ =	shalt  }
0x48: {  	_ =	shalt  }
0x49: {  	_ =	shalt  }
0x4a: {  	_ =	shalt  }
0x4b: {  	_ =	shalt  }
0x4c: {  	_ =	shalt  }
0x4d: {  	_ =	shalt  }
0x4e: {  	_ =	shalt  }
0x4f: {  	_ =	shalt  }
0x50: {  	_ =	shalt  }
0x51: {  	_ =	shalt  }
0x52: {  	_ =	shalt  }
0x53: {  	_ =	shalt  }
0x54: {  	_ =	shalt  }
0x55: {  	_ =	shalt  }
0x56: {  	_ =	shalt  }
0x57: {  	_ =	shalt  }
0x58: {  	_ =	shalt  }
0x59: {  	_ =	shalt  }
0x5a: {  	_ =	shalt  }
0x5b: {  	_ =	shalt  }
0x5c: {  	_ =	shalt  }
0x5d: {  	_ =	shalt  }
0x5e: {  	_ =	shalt  }
0x5f: {  	_ =	shalt  }
0x60: {  	_ =	shalt  }
0x61: {  	_ =	shalt  }
0x62: {  	_ =	shalt  }
0x63: {  	_ =	shalt  }
0x64: {  	_ =	shalt  }
0x65: {  	_ =	shalt  }
0x66: {  	_ =	shalt  }
0x67: {  	_ =	shalt  }
0x68: {  	_ =	shalt  }
0x69: {  	_ =	shalt  }
0x6a: {  	_ =	shalt  }
0x6b: {  	_ =	shalt  }
0x6c: {  	_ =	shalt  }
0x6d: {  	_ =	shalt  }
0x6e: {  	_ =	shalt  }
0x6f: {  	_ =	shalt  }
0x70: {  	_ =	shalt  }
0x71: {  	_ =	shalt  }
0x72: {  	_ =	shalt  }
0x73: {  	_ =	shalt  }
0x74: {  	_ =	shalt  }
0x75: {  	_ =	shalt  }
0x76: {  	_ =	shalt  }
0x77: {  	_ =	shalt  }
0x78: {  	_ =	shalt  }
0x79: {  	_ =	shalt  }
0x7a: {  	_ =	shalt  }
0x7b: {  	_ =	shalt  }
0x7c: {  	_ =	shalt  }
0x7d: {  	_ =	shalt  }
0x7e: {  	_ =	shalt  }
0x7f: {  	_ =	shalt  }
0x80: {  	_ =	shalt  }
0x81: {  	_ =	shalt  }
0x82: {  	_ =	shalt  }
0x83: {  	_ =	shalt  }
0x84: {  	_ =	shalt  }
0x85: {  	_ =	shalt  }
0x86: {  	_ =	shalt  }
0x87: {  	_ =	shalt  }
.Lfunc_end0:
.L_simem_size_0:
called_computation.2_lowered:
.L_overlay_start_0:
0x88: {  	s2 =	sld [smem:$0x3FD9]  }
0x89: {  	s3 =	sld [smem:$0x3FFE];
	_ =	sdelay $0x1  }
0x8a: {  	s1 =	srdreg.scid  }
0x8b: {  	s0 =	sand.u32 $0x1, s1  }
0x8c: {  	s17 =	sshll.u32 s0, $0xA;
	s2 =	sadd.s32 s3, s2  }
0x8d: {  	s2 =	sadd.s32 s2, s17  }
0x8e: {  	[smem:$0x3FC3] =	sst s2  }
0x8f: {  	_ = 	snop  }
0x90: {  	s18 =	sld [smem:$0x3FD0];
	(tm) =	ssettm $0x1  }
0x91: {  	s19 =	sld [smem:$0x3FFB];
	_ =	sdelay $0x3  }
0x92: {  	_ =	strace s19  }
0x93: {  	s2 =	sld [smem:$0x3FFC];
	_ =	sdelay $0x3  }
0x94: {  	_ =	strace s2  }
0x95: {  	s2 =	sld [smem:$0x3FFD];
	_ =	sdelay $0x3  }
0x96: {  	_ =	strace s2  }
0x97: {  	_ =	strace $0x8FFFFFFF  }
0x98: {  	s20 =	sld [smem:$0x3FDB];
	_ =	sdelay $0x1  }
0x99: {  	s4 =	simm.s32 $_scs_section_size  }
0x9a: {  	s5 =	simm.s32 $_size__tile_overlayer_lowered;
	s6 =	simm.s32 $_tile_overlayer_lowered  }
0x9b: {  	s7 =	simm.s32 $0x1BFF;
	s21 =	sshll.u32 s6, $0x1;
	s4 =	sadd.s32 s4, s20  }
0x9c: {  	s22 =	simm.s32 $0x0;
	s5 =	sshll.u32 s5, $0x1;
	s6 =	sadd.s32 s21, s4  }
0x9d: {  	[timem:s22], [sflag:s7] =	dma.local [hbm:s6], s5  }
0x9e: {  	_ =	swait.ge [sflag:s7], s5  }
0x9f: {  	s5 =	ssub.s32 $0x0, s5;
	[sflag:s7] =	ssyncset.done $0x0  }
0xa0: {  	[sflag:s7] =	ssyncadd.s32 s5;
	_ =	sdelay $0x1  }
0xa1: {  	s23 =	simm.s32 $0x1B8B  }
0xa2: {  	_ =	swait.ge [sflag:s23], $0x1  }
0xa3: {  	[sflag:s23] =	ssyncset.done $0x0  }
0xa4: {  	[sflag:s23] =	ssyncadd.s32 $0xFFFFFFFF  }
0xa5: {  	s5 =	sld [smem:$0x0]  }
0xa6: {  	s6 =	sand.u32 $0xFFFFFFFE, s1  }
0xa7: {  	p0 =	sne.s32 s1, s6  }
0xa8: {  	s6 =	sshll.u32 @p0 s6, $0xE  }
0xa9: {  	s6 =	sadd.s32 @p0 $0x11B8D, s6;
	s7 =	sshll.u32 @p0 s5, $0x11  }
0xaa: {  	s6 =	sor.u32 @p0 s7, s6  }
0xab: {  	[sflag:s6] =	ssyncadd.remote.s32 @p0 $0x1;
	_ =	sdelay $0x1  }
0xac: {  	s6 =	simm.s32 @p0 $0x1B8D  }
0xad: {  	_ =	swait.eq @p0 [sflag:s6], $0x1  }
0xae: {  	[sflag:s6] =	ssyncadd.s32 @p0 $0xFFFFFFFF  }
0xaf: {  	s7 =	sshll.u32 @!p0 s1, $0xE  }
0xb0: {  	s7 =	sor.u32 @!p0 $0x4000, s7;
	s6 =	simm.s32 @!p0 $0x1B8D  }
0xb1: {  	s5 =	sshll.u32 @!p0 s5, $0x11;
	s7 =	sadd.s32 @!p0 $0x11B8D, s7;
	_ =	swait.eq @!p0 [sflag:s6], $0x1  }
0xb2: {  	s5 =	sor.u32 @!p0 s5, s7;
	[sflag:s6] =	ssyncadd.s32 @!p0 $0xFFFFFFFF  }
0xb3: {  	s25 =	simm.s32 $0x1B8E;
	s24 =	sld [smem:$0x3FFE];
	[sflag:s5] =	ssyncadd.remote.s32 @!p0 $0x1  }
0xb4: {  	s26 =	simm.s32 $execute0_lowered;
	[smem:$0x3FD2] =	sst s25  }
0xb5: {  	s6 =	sshll.u32 s26, $0x1;
	_ =	strace $0x80000049;
	[dreg:$0x1] =	wrdreg $0xFFFFFFFF  }
0xb6: {  	s28 =	simm.s32 $_size_execute0_lowered;
	s4 =	sadd.s32 s4, s6;
	[dreg:$0x0] =	wrdreg $0x0  }
0xb7: {  	s6 =	sshll.u32 s28, $0x1;
	[dreg:$0x2] =	wrdreg s4  }
0xb8: {  	[dreg:$0x3] =	wrdreg s6  }
0xb9: {  	[dreg:$0x4] =	wrdreg $0xC0  }
0xba: {  	_ =	task [dreg:s22], $0x5FFFF  }
0xbb: {  	[dreg:$0x1] =	wrdreg $0xFFFFFFFF  }
0xbc: {  	[dreg:$0x0] =	wrdreg $0x60  }
0xbd: {  	[dreg:$0x2] =	wrdreg s18  }
0xbe: {  	[dreg:$0x3] =	wrdreg s24  }
0xbf: {  	[dreg:$0x4] =	wrdreg $0xA  }
0xc0: {  	_ =	task.clear_ibuf [dreg:s22], $0x5FFFF;
	_ =	strace $0x90000049  }
0xc1: {  	s29 =	simm.s32 $0xA;
	_ =	strace $0x8000004B  }
0xc2: {  	_ =	swait.ge [sflag:s29], $0x1  }
0xc3: {  	[sflag:s29] =	ssyncadd.s32 $0xFFFFFFFF  }
0xc4: {  	_ =	strace $0x9000004B  }
0xc5: {  	_ =	sfence  }
0xc6: {  	s30 =	sld [smem:$0x0];
	_ =	sdelay $0x2  }
0xc7: {  	s31 =	sshll.u32 s1, $0xD;
	s1 =	sshrl.u32 s1, $0x2  }
0xc8: {  	s4 =	sand.u32 $0x4000, s31;
	s1 =	sadd.s32 s1, s30  }
0xc9: {  	s0 =	sor.u32 s4, s0;
	s1 =	sshll.u32 s1, $0x11  }
0xca: {  	s0 =	sor.u32 s1, s0  }
0xcb: {  	s0 =	sadd.s32 $0x8F2B, s0  }
0xcc: {  	[sflag:s0] =	ssyncadd.remote.s32 $0x1  }
0xcd: {  	_ =	sfence.sel $0xFFFF  }
0xce: {  	[dreg:$0x0] =	wrdreg $0xFFFFFFFF;
	(pc) =	sbr.abs _section_cstart, $3  }
0xcf: {  	[dreg:$0x1] =	wrdreg $0xFFFFFFFF  }
0xd0: {  	_ =	task.clear_ibuf [dreg:s22], $0x2FFFF;
	_ =	strace $0x9FFFFFFF  }
0xd1: {  	(tm) =	ssettm $0x7FFFFFFF  }
tec
execute0_lowered:
.L_overlay_start_1:
0x0: {  	(tag) =	ssettag $0x1  }
0x1: {  	s0 =	srdreg.scid  }
0x2: {  	s0 =	sand.u32 $0x1, s0  }
0x3: {  	s3 =	stileid.u32;
	s2 =	rddreg [dreg:$0x0];
	s1 =	sshll.u32 s0, $0x4  }
0x4: {  	s4 =	rddreg [dreg:$0x1];
	s1 =	sor.u32 s3, s1;
	s3 =	simm.s32 $0x0  }
0x5: {  	s11 =	simm.s32 $0x50;
	[smem:$0x7FF] =	sst s3  }
0x6: {  	s12 =	simm.s32 $0x78;
	_ =	strace $0x8000004A;
	[dreg:$0x9] =	wrdreg s11  }
0x7: {  	s13 =	simm.s32 $0xA0;
	[dreg:$0xa] =	wrdreg s12  }
0x8: {  	s14 =	simm.s32 $0xC8;
	[dreg:$0xb] =	wrdreg s13  }
0x9: {  	s15 =	simm.s32 $0xF0;
	[dreg:$0xc] =	wrdreg s14  }
0xa: {  	s16 =	simm.s32 $0x118;
	[dreg:$0xd] =	wrdreg s15  }
0xb: {  	s17 =	simm.s32 $0x140;
	[dreg:$0xe] =	wrdreg s16  }
0xc: {  	s18 =	simm.s32 $0x168;
	[dreg:$0xf] =	wrdreg s17  }
0xd: {  	s19 =	simm.s32 $0x190;
	[dreg:$0x10] =	wrdreg s18  }
0xe: {  	s20 =	simm.s32 $0x1B8;
	[dreg:$0x11] =	wrdreg s19  }
0xf: {  	s21 =	simm.s32 $0x1E0;
	[dreg:$0x12] =	wrdreg s20  }
0x10: {  	s22 =	simm.s32 $0x208;
	[dreg:$0x13] =	wrdreg s21  }
0x11: {  	s23 =	simm.s32 $0x230;
	[dreg:$0x14] =	wrdreg s22  }
0x12: {  	s24 =	simm.s32 $0x258;
	[dreg:$0x15] =	wrdreg s23  }
0x13: {  	s25 =	simm.s32 $0x280;
	[dreg:$0x16] =	wrdreg s24  }
0x14: {  	s26 =	simm.s32 $0x2A8;
	[dreg:$0x17] =	wrdreg s25  }
0x15: {  	s28 =	simm.s32 $0x2D0;
	[dreg:$0x18] =	wrdreg s26  }
0x16: {  	s29 =	simm.s32 $0x2F8;
	[dreg:$0x19] =	wrdreg s28  }
0x17: {  	s30 =	simm.s32 $0x320;
	[dreg:$0x1a] =	wrdreg s29  }
0x18: {  	[dreg:$0x1b] =	wrdreg s30;
	s11 =	simm.s32 $0x460  }
0x19: {  	s12 =	simm.s32 $0x488;
	[smem:$0x79D] =	sst s11  }
0x1a: {  	s13 =	simm.s32 $0x4B0;
	[smem:$0x79E] =	sst s12  }
0x1b: {  	s14 =	simm.s32 $0x4D8;
	[smem:$0x79F] =	sst s13  }
0x1c: {  	s15 =	simm.s32 $0x500;
	[smem:$0x7A0] =	sst s14  }
0x1d: {  	s16 =	simm.s32 $0x528;
	[smem:$0x7A1] =	sst s15  }
0x1e: {  	s17 =	simm.s32 $0x550;
	[smem:$0x7A2] =	sst s16  }
0x1f: {  	s18 =	simm.s32 $0x578;
	[smem:$0x7A3] =	sst s17  }
0x20: {  	s19 =	simm.s32 $0x5A0;
	[smem:$0x7A4] =	sst s18  }
0x21: {  	s20 =	simm.s32 $0x5C8;
	[smem:$0x7A5] =	sst s19  }
0x22: {  	s21 =	simm.s32 $0x5F0;
	[smem:$0x7A6] =	sst s20  }
0x23: {  	s22 =	simm.s32 $0x618;
	[smem:$0x7A7] =	sst s21  }
0x24: {  	s23 =	simm.s32 $0x640;
	[smem:$0x7A8] =	sst s22  }
0x25: {  	s24 =	simm.s32 $0x668;
	[smem:$0x7A9] =	sst s23  }
0x26: {  	s25 =	simm.s32 $0x690;
	[smem:$0x7AA] =	sst s24  }
0x27: {  	s26 =	simm.s32 $0x6B8;
	[smem:$0x7AB] =	sst s25  }
0x28: {  	s5 =	smul.u32 $0x271, s1;
	s28 =	simm.s32 $0x6E0;
	[smem:$0x7AC] =	sst s26  }
0x29: {  	s1 =	smul.u32 $0x2710, s1;
	s29 =	simm.s32 $0x708;
	[smem:$0x7AD] =	sst s28  }
0x2a: {  	s30 =	simm.s32 $0x730;
	s5 =	sadd.s32 s5, s4;
	[smem:$0x7AE] =	sst s29  }
0x2b: {  	s1 =	sadd.s32 s1, s4;
	s4 =	simm.s32 $0x348;
	[smem:$0x7AF] =	sst s30  }
0x2c: {  	s11 =	simm.s32 $0x870;
	[dreg:$0x1c] =	wrdreg s4  }
0x2d: {  	s12 =	simm.s32 $0x898;
	[smem:$0x7B7] =	sst s11  }
0x2e: {  	s13 =	simm.s32 $0x8C0;
	[smem:$0x7B8] =	sst s12  }
0x2f: {  	s14 =	simm.s32 $0x8E8;
	[smem:$0x7B9] =	sst s13  }
0x30: {  	s15 =	simm.s32 $0x910;
	[smem:$0x7BA] =	sst s14  }
0x31: {  	s16 =	simm.s32 $0x938;
	[smem:$0x7BB] =	sst s15  }
0x32: {  	s17 =	simm.s32 $0x960;
	[smem:$0x7BC] =	sst s16  }
0x33: {  	s18 =	simm.s32 $0x988;
	[smem:$0x7BD] =	sst s17  }
0x34: {  	s19 =	simm.s32 $0x9B0;
	[smem:$0x7BE] =	sst s18  }
0x35: {  	s20 =	simm.s32 $0x9D8;
	[smem:$0x7BF] =	sst s19  }
0x36: {  	s21 =	simm.s32 $0xA00;
	[smem:$0x7C0] =	sst s20  }
0x37: {  	s22 =	simm.s32 $0xA28;
	[smem:$0x7C1] =	sst s21  }
0x38: {  	s23 =	simm.s32 $0xA50;
	[smem:$0x7C2] =	sst s22  }
0x39: {  	s24 =	simm.s32 $0xA78;
	[smem:$0x7C3] =	sst s23  }
0x3a: {  	s25 =	simm.s32 $0xAA0;
	[smem:$0x7C4] =	sst s24  }
0x3b: {  	s26 =	simm.s32 $0xAC8;
	[smem:$0x7C5] =	sst s25  }
0x3c: {  	s28 =	simm.s32 $0xAF0;
	[smem:$0x7C6] =	sst s26  }
0x3d: {  	s29 =	simm.s32 $0xB18;
	[smem:$0x7C7] =	sst s28  }
0x3e: {  	s30 =	simm.s32 $0xB40;
	[smem:$0x7C8] =	sst s29  }
0x3f: {  	s6 =	sadd.s32 $0x64200, s5;
	[smem:$0x7C9] =	sst s30  }
0x40: {  	s7 =	sadd.s32 $0x69200, s1;
	[dreg:$0x3] =	wrdreg s6  }
0x41: {  	s8 =	sadd.s32 $0x699D0, s1;
	[dreg:$0x4] =	wrdreg s7  }
0x42: {  	s9 =	sadd.s32 $0x6A1A0, s1;
	[dreg:$0x5] =	wrdreg s8  }
0x43: {  	s10 =	sadd.s32 $0x6A970, s1;
	[dreg:$0x6] =	wrdreg s9  }
0x44: {  	s1 =	sadd.s32 $0x6B140, s1;
	[dreg:$0x7] =	wrdreg s10  }
0x45: {  	s5 =	simm.s32 $0x370;
	[dreg:$0x8] =	wrdreg s1  }
0x46: {  	s4 =	simm.s32 $0x758;
	[dreg:$0x1d] =	wrdreg s5  }
0x47: {  	s11 =	simm.s32 $0xC80;
	[smem:$0x7B0] =	sst s4  }
0x48: {  	s12 =	simm.s32 $0xCA8;
	[smem:$0x7D1] =	sst s11  }
0x49: {  	s13 =	simm.s32 $0xCD0;
	[smem:$0x7D2] =	sst s12  }
0x4a: {  	s14 =	simm.s32 $0xCF8;
	[smem:$0x7D3] =	sst s13  }
0x4b: {  	s15 =	simm.s32 $0xD20;
	[smem:$0x7D4] =	sst s14  }
0x4c: {  	s16 =	simm.s32 $0xD48;
	[smem:$0x7D5] =	sst s15  }
0x4d: {  	s17 =	simm.s32 $0xD70;
	[smem:$0x7D6] =	sst s16  }
0x4e: {  	s18 =	simm.s32 $0xD98;
	[smem:$0x7D7] =	sst s17  }
0x4f: {  	s19 =	simm.s32 $0xDC0;
	[smem:$0x7D8] =	sst s18  }
0x50: {  	s20 =	simm.s32 $0xDE8;
	[smem:$0x7D9] =	sst s19  }
0x51: {  	s21 =	simm.s32 $0xE10;
	[smem:$0x7DA] =	sst s20  }
0x52: {  	s22 =	simm.s32 $0xE38;
	[smem:$0x7DB] =	sst s21  }
0x53: {  	s23 =	simm.s32 $0xE60;
	[smem:$0x7DC] =	sst s22  }
0x54: {  	s24 =	simm.s32 $0xE88;
	[smem:$0x7DD] =	sst s23  }
0x55: {  	s25 =	simm.s32 $0xEB0;
	[smem:$0x7DE] =	sst s24  }
0x56: {  	s26 =	simm.s32 $0xED8;
	[smem:$0x7DF] =	sst s25  }
0x57: {  	s28 =	simm.s32 $0xF00;
	[smem:$0x7E0] =	sst s26  }
0x58: {  	s29 =	simm.s32 $0xF28;
	[smem:$0x7E1] =	sst s28  }
0x59: {  	s30 =	simm.s32 $0xF50;
	[smem:$0x7E2] =	sst s29  }
0x5a: {  	s6 =	simm.s32 $0x398;
	[smem:$0x7E3] =	sst s30  }
0x5b: {  	s7 =	simm.s32 $0x3C0;
	[dreg:$0x1e] =	wrdreg s6  }
0x5c: {  	s8 =	simm.s32 $0x3E8;
	[dreg:$0x1f] =	wrdreg s7  }
0x5d: {  	s9 =	simm.s32 $0x410;
	[smem:$0x79A] =	sst s8  }
0x5e: {  	s10 =	simm.s32 $0x438;
	[smem:$0x79B] =	sst s9  }
0x5f: {  	s5 =	simm.s32 $0x780;
	[smem:$0x79C] =	sst s10  }
0x60: {  	s4 =	simm.s32 $0xB68;
	[smem:$0x7B1] =	sst s5  }
0x61: {  	s11 =	simm.s32 $0x1068;
	[smem:$0x7CA] =	sst s4  }
0x62: {  	s12 =	simm.s32 $0x1090;
	[smem:$0x7EA] =	sst s11  }
0x63: {  	s13 =	simm.s32 $0x10B8;
	[smem:$0x7EB] =	sst s12  }
0x64: {  	s14 =	simm.s32 $0x10E0;
	[smem:$0x7EC] =	sst s13  }
0x65: {  	s15 =	simm.s32 $0x1108;
	[smem:$0x7ED] =	sst s14  }
0x66: {  	s16 =	simm.s32 $0x1130;
	[smem:$0x7EE] =	sst s15  }
0x67: {  	s17 =	simm.s32 $0x1158;
	[smem:$0x7EF] =	sst s16  }
0x68: {  	s18 =	simm.s32 $0x1180;
	[smem:$0x7F0] =	sst s17  }
0x69: {  	s19 =	simm.s32 $0x11A8;
	[smem:$0x7F1] =	sst s18  }
0x6a: {  	s20 =	simm.s32 $0x11D0;
	[smem:$0x7F2] =	sst s19  }
0x6b: {  	s21 =	simm.s32 $0x11F8;
	[smem:$0x7F3] =	sst s20  }
0x6c: {  	s22 =	simm.s32 $0x1220;
	[smem:$0x7F4] =	sst s21  }
0x6d: {  	s23 =	simm.s32 $0x1248;
	[smem:$0x7F5] =	sst s22  }
0x6e: {  	s24 =	simm.s32 $0x1270;
	[smem:$0x7F6] =	sst s23  }
0x6f: {  	s25 =	simm.s32 $0x1298;
	[smem:$0x7F7] =	sst s24  }
0x70: {  	s26 =	simm.s32 $0x12C0;
	[smem:$0x7F8] =	sst s25  }
0x71: {  	s28 =	simm.s32 $0x12E8;
	[smem:$0x7F9] =	sst s26  }
0x72: {  	s29 =	simm.s32 $0x1310;
	[smem:$0x7FA] =	sst s28  }
0x73: {  	s30 =	simm.s32 $0x1338;
	[smem:$0x7FB] =	sst s29  }
0x74: {  	s6 =	simm.s32 $0x7A8;
	[smem:$0x7FC] =	sst s30  }
0x75: {  	s7 =	simm.s32 $0x7D0;
	[smem:$0x7B2] =	sst s6  }
0x76: {  	s8 =	simm.s32 $0x7F8;
	[smem:$0x7B3] =	sst s7  }
0x77: {  	s9 =	simm.s32 $0x820;
	[smem:$0x7B4] =	sst s8  }
0x78: {  	s10 =	simm.s32 $0x848;
	[smem:$0x7B5] =	sst s9  }
0x79: {  	s5 =	simm.s32 $0xB90;
	[smem:$0x7B6] =	sst s10  }
0x7a: {  	s4 =	simm.s32 $0xF78;
	[smem:$0x7CB] =	sst s5  }
0x7b: {  	s6 =	simm.s32 $0xBB8;
	[smem:$0x7E4] =	sst s4  }
0x7c: {  	s7 =	simm.s32 $0xBE0;
	[smem:$0x7CC] =	sst s6  }
0x7d: {  	s31 =	simm.s32 $0x1388;
	s8 =	simm.s32 $0xC08;
	[smem:$0x7CD] =	sst s7  }
0x7e: {  	s0 =	ssub.s32 $0x2, s0;
	s9 =	simm.s32 $0xC30;
	[smem:$0x7CE] =	sst s8  }
0x7f: {  	s10 =	simm.s32 $0xC58;
	[smem:$0x7CF] =	sst s9;
	s9 =	sshrl.u32 s0, $0x1  }
0x80: {  	s5 =	simm.s32 $0xFA0;
	[smem:$0x7D0] =	sst s10;
	s0 =	ssub.s32 s0, s9  }
0x81: {  	[smem:$0x7E5] =	sst s5;
	s6 =	simm.s32 $0xFC8;
	s0 =	smax.u32 s0, $0x1  }
0x82: {  	s7 =	simm.s32 $0xFF0;
	[smem:$0x7E6] =	sst s6;
	p1 =	sne.s32 s0, $0x1  }
.Ltmp0:
0x83: {  	s8 =	simm.s32 $0x1018;
	[smem:$0x7E7] =	sst s7;
	(pc) =	sbr.rel @!p1 .LBB2_3-.Ltmp0, $4  }
0x84: {  	p0 =	por $0x0, $0x0;
	s10 =	simm.s32 $0x1040;
	[smem:$0x7E8] =	sst s8  }
0x85: {  	s11 =	simm.s32 $0x1;
	[smem:$0x7E9] =	sst s10;
	s7 =	simm.s32 $0x1360  }
0x86: {  	s4 =	simm.s32 $0x2;
	s6 =	simm.s32 $0x28;
	[smem:$0x7FD] =	sst s7  }
0x87: {  	s8 =	simm.s32 $0x4308;
	s7 =	rddreg [dreg:$0x3];
	s0 =	sadd.s32 $0xFFFFFFFF, s0  }
0x88: {  	[tilespmem:s3], [sflag:$0x2] =	stream.linear.gather [hbm4b:s7+s3], $0x1388, $0x38;
	[tilespmem:$0x5208] =	vst v63  }
0x89: {  	_ =	swait.ge [sflag:s4], $0x1388  }
0x8a: {  	[sflag:s4] =	ssyncset.done $0x0  }
0x8b: {  	[sflag:s4] =	ssyncadd.s32 $0xFFFFEC78  }
0x8c: {  	[tilespmem:s31], [sflag:$0x1] =	stream.indirect.gather [hbm4b:s2+s6], $0x10, s3, s6, $0xb8;
	[tilespmem:$0x5208] =	vst v63  }
0x8d: {  	s1 =	simm.s32 $0x1608;
	s18 =	rddreg [dreg:$0x9]  }
0x8e: {  	[tilespmem:s1], [sflag:$0x1] =	stream.indirect.gather [hbm4b:s2+s6], $0x10, s6, s6, $0xb8;
	[tilespmem:$0x5208] =	vst v63  }
0x8f: {  	s20 =	simm.s32 $0x1888;
	[smem:$0x799] =	sst s0  }
0x90: {  	[tilespmem:s20], [sflag:$0x1] =	stream.indirect.gather [hbm4b:s2+s6], $0x10, s18, s6, $0xb8;
	[tilespmem:$0x5208] =	vst v63  }
0x91: {  	s25 =	simm.s32 $0x1B08;
	s19 =	rddreg [dreg:$0xa]  }
0x92: {  	[tilespmem:s25], [sflag:$0x1] =	stream.indirect.gather [hbm4b:s2+s6], $0x10, s19, s6, $0xb8;
	[tilespmem:$0x5208] =	vst v63  }
0x93: {  	s28 =	simm.s32 $0x1D88;
	s21 =	rddreg [dreg:$0xb]  }
0x94: {  	[tilespmem:s28], [sflag:$0x1] =	stream.indirect.gather [hbm4b:s2+s6], $0x10, s21, s6, $0xb8;
	[tilespmem:$0x5208] =	vst v63  }
0x95: {  	s30 =	simm.s32 $0x2008;
	s26 =	rddreg [dreg:$0xc]  }
0x96: {  	[tilespmem:s30], [sflag:$0x1] =	stream.indirect.gather [hbm4b:s2+s6], $0x10, s26, s6, $0xb8;
	[tilespmem:$0x5208] =	vst v63  }
0x97: {  	s5 =	simm.s32 $0x2288;
	s29 =	rddreg [dreg:$0xd]  }
0x98: {  	[tilespmem:s5], [sflag:$0x1] =	stream.indirect.gather [hbm4b:s2+s6], $0x10, s29, s6, $0xb8;
	[tilespmem:$0x5208] =	vst v63  }
0x99: {  	s10 =	simm.s32 $0x2508;
	s3 =	rddreg [dreg:$0xe]  }
0x9a: {  	[tilespmem:s10], [sflag:$0x1] =	stream.indirect.gather [hbm4b:s2+s6], $0x10, s3, s6, $0xb8;
	[tilespmem:$0x5208] =	vst v63  }
0x9b: {  	s13 =	simm.s32 $0x2788;
	s9 =	rddreg [dreg:$0xf]  }
0x9c: {  	[tilespmem:s13], [sflag:$0x1] =	stream.indirect.gather [hbm4b:s2+s6], $0x10, s9, s6, $0xb8;
	[tilespmem:$0x5208] =	vst v63  }
0x9d: {  	s15 =	simm.s32 $0x2A08;
	s12 =	rddreg [dreg:$0x10]  }
0x9e: {  	[tilespmem:s15], [sflag:$0x1] =	stream.indirect.gather [hbm4b:s2+s6], $0x10, s12, s6, $0xb8;
	[tilespmem:$0x5208] =	vst v63  }
0x9f: {  	s14 =	rddreg [dreg:$0x11];
	s25 =	simm.s32 $0x2C88  }
0xa0: {  	[tilespmem:s25], [sflag:$0x1] =	stream.indirect.gather [hbm4b:s2+s6], $0x10, s14, s6, $0xb8;
	[tilespmem:$0x5208] =	vst v63  }
0xa1: {  	s16 =	rddreg [dreg:$0x12];
	s28 =	simm.s32 $0x2F08  }
0xa2: {  	[tilespmem:s28], [sflag:$0x1] =	stream.indirect.gather [hbm4b:s2+s6], $0x10, s16, s6, $0xb8;
	[tilespmem:$0x5208] =	vst v63  }
0xa3: {  	s26 =	rddreg [dreg:$0x13];
	s30 =	simm.s32 $0x3188  }
0xa4: {  	[tilespmem:s30], [sflag:$0x1] =	stream.indirect.gather [hbm4b:s2+s6], $0x10, s26, s6, $0xb8;
	[tilespmem:$0x5208] =	vst v63  }
0xa5: {  	s29 =	rddreg [dreg:$0x14];
	s12 =	simm.s32 $0x3408  }
0xa6: {  	[tilespmem:s12], [sflag:$0x1] =	stream.indirect.gather [hbm4b:s2+s6], $0x10, s29, s6, $0xb8;
	[tilespmem:$0x5208] =	vst v63  }
0xa7: {  	s3 =	rddreg [dreg:$0x15];
	s15 =	simm.s32 $0x3688  }
0xa8: {  	[tilespmem:s15], [sflag:$0x1] =	stream.indirect.gather [hbm4b:s2+s6], $0x10, s3, s6, $0xb8;
	[tilespmem:$0x5208] =	vst v63  }
0xa9: {  	s14 =	rddreg [dreg:$0x16];
	s25 =	simm.s32 $0x3908  }
0xaa: {  	[tilespmem:s25], [sflag:$0x1] =	stream.indirect.gather [hbm4b:s2+s6], $0x10, s14, s6, $0xb8;
	[tilespmem:$0x5208] =	vst v63  }
0xab: {  	s16 =	rddreg [dreg:$0x17];
	s28 =	simm.s32 $0x3B88  }
0xac: {  	[tilespmem:s28], [sflag:$0x1] =	stream.indirect.gather [hbm4b:s2+s6], $0x10, s16, s6, $0xb8;
	[tilespmem:$0x5208] =	vst v63  }
0xad: {  	s26 =	rddreg [dreg:$0x18];
	s30 =	simm.s32 $0x3E08  }
0xae: {  	[tilespmem:s30], [sflag:$0x1] =	stream.indirect.gather [hbm4b:s2+s6], $0x10, s26, s6, $0xb8;
	[tilespmem:$0x5208] =	vst v63  }
0xaf: {  	s29 =	rddreg [dreg:$0x19];
	s14 =	simm.s32 $0x4088  }
0xb0: {  	[tilespmem:s14], [sflag:$0x1] =	stream.indirect.gather [hbm4b:s2+s6], $0x10, s29, s6, $0xb8;
	[tilespmem:$0x5208] =	vst v63  }
0xb1: {  	s3 =	rddreg [dreg:$0x1a]  }
0xb2: {  	[tilespmem:s8], [sflag:$0x1] =	stream.indirect.gather [hbm4b:s2+s6], $0x10, s3, s6, $0xb8;
	[tilespmem:$0x5208] =	vst v63  }
0xb3: {  	s15 =	rddreg [dreg:$0x1b];
	s26 =	simm.s32 $0x4588  }
0xb4: {  	[tilespmem:s26], [sflag:$0x1] =	stream.indirect.gather [hbm4b:s2+s6], $0x10, s15, s6, $0xb8;
	[tilespmem:$0x5208] =	vst v63  }
0xb5: {  	s25 =	rddreg [dreg:$0x1c];
	s30 =	simm.s32 $0x4808  }
0xb6: {  	[tilespmem:s30], [sflag:$0x1] =	stream.indirect.gather [hbm4b:s2+s6], $0x10, s25, s6, $0xb8;
	[tilespmem:$0x5208] =	vst v63  }
0xb7: {  	s28 =	rddreg [dreg:$0x1d];
	s14 =	simm.s32 $0x4A88  }
0xb8: {  	[tilespmem:s14], [sflag:$0x1] =	stream.indirect.gather [hbm4b:s2+s6], $0x10, s28, s6, $0xb8;
	[tilespmem:$0x5208] =	vst v63  }
0xb9: {  	s8 =	rddreg [dreg:$0x1e];
	s25 =	simm.s32 $0x4D08  }
0xba: {  	[tilespmem:s25], [sflag:$0x1] =	stream.indirect.gather [hbm4b:s2+s6], $0x10, s8, s6, $0xb8;
	[tilespmem:$0x5208] =	vst v63  }
0xbb: {  	s15 =	rddreg [dreg:$0x1f];
	s26 =	simm.s32 $0x4F88  }
0xbc: {  	[tilespmem:s26], [sflag:$0x1] =	stream.indirect.gather [hbm4b:s2+s6], $0x10, s15, s6, $0xb8;
	[tilespmem:$0x5208] =	vst v63  }
0xbd: {  	_ =	swait.ge [sflag:s11], $0x3E80  }
0xbe: {  	[sflag:s11] =	ssyncset.done $0x0  }
0xbf: {  	s29 =	simm.s32 $0x0;
	s28 =	rddreg [dreg:$0x4];
	[sflag:s11] =	ssyncadd.s32 $0xFFFFC180  }
0xc0: {  	[hbm4b:s28+s29] =	stream.linear.scatter [tilespmem:s31], [sflag:$0x2], $0x3E80, $0x38;
	[tilespmem:$0x5208] =	vst v63  }
0xc1: {  	_ =	swait.ge [sflag:s4], $0x3E80  }
0xc2: {  	s29 =	sld [smem:$0x79A]  }
0xc3: {  	[sflag:s4] =	ssyncset.done $0x0  }
0xc4: {  	s30 =	sld [smem:$0x79B];
	[sflag:s4] =	ssyncadd.s32 $0xFFFFC180  }
0xc5: {  	[tilespmem:s31], [sflag:$0x1] =	stream.indirect.gather [hbm4b:s2+s6], $0x10, s29, s6, $0xb8;
	[tilespmem:$0x5208] =	vst v63  }
0xc6: {  	s24 =	simm.s32 $0x1608;
	s1 =	sld [smem:$0x79C]  }
0xc7: {  	[tilespmem:s24], [sflag:$0x1] =	stream.indirect.gather [hbm4b:s2+s6], $0x10, s30, s6, $0xb8;
	[tilespmem:$0x5208] =	vst v63  }
0xc8: {  	s23 =	simm.s32 $0x1888;
	s8 =	sld [smem:$0x79D]  }
0xc9: {  	[tilespmem:s23], [sflag:$0x1] =	stream.indirect.gather [hbm4b:s2+s6], $0x10, s1, s6, $0xb8;
	[tilespmem:$0x5208] =	vst v63  }
0xca: {  	s22 =	simm.s32 $0x1B08;
	s23 =	sld [smem:$0x79E]  }
0xcb: {  	[tilespmem:s22], [sflag:$0x1] =	stream.indirect.gather [hbm4b:s2+s6], $0x10, s8, s6, $0xb8;
	[tilespmem:$0x5208] =	vst v63  }
0xcc: {  	s21 =	simm.s32 $0x1D88;
	s24 =	sld [smem:$0x79F]  }
0xcd: {  	[tilespmem:s21], [sflag:$0x1] =	stream.indirect.gather [hbm4b:s2+s6], $0x10, s23, s6, $0xb8;
	[tilespmem:$0x5208] =	vst v63  }
0xce: {  	s20 =	simm.s32 $0x2008;
	s25 =	sld [smem:$0x7A0]  }
0xcf: {  	[tilespmem:s20], [sflag:$0x1] =	stream.indirect.gather [hbm4b:s2+s6], $0x10, s24, s6, $0xb8;
	[tilespmem:$0x5208] =	vst v63  }
0xd0: {  	s19 =	simm.s32 $0x2288;
	s1 =	sld [smem:$0x7A1]  }
0xd1: {  	[tilespmem:s19], [sflag:$0x1] =	stream.indirect.gather [hbm4b:s2+s6], $0x10, s25, s6, $0xb8;
	[tilespmem:$0x5208] =	vst v63  }
0xd2: {  	s18 =	simm.s32 $0x2508;
	s8 =	sld [smem:$0x7A2]  }
0xd3: {  	[tilespmem:s18], [sflag:$0x1] =	stream.indirect.gather [hbm4b:s2+s6], $0x10, s1, s6, $0xb8;
	[tilespmem:$0x5208] =	vst v63  }
0xd4: {  	s17 =	simm.s32 $0x2788;
	s18 =	sld [smem:$0x7A3]  }
0xd5: {  	[tilespmem:s17], [sflag:$0x1] =	stream.indirect.gather [hbm4b:s2+s6], $0x10, s8, s6, $0xb8;
	[tilespmem:$0x5208] =	vst v63  }
0xd6: {  	s5 =	simm.s32 $0x2A08;
	s19 =	sld [smem:$0x7A4]  }
0xd7: {  	[tilespmem:s5], [sflag:$0x1] =	stream.indirect.gather [hbm4b:s2+s6], $0x10, s18, s6, $0xb8;
	[tilespmem:$0x5208] =	vst v63  }
0xd8: {  	s10 =	simm.s32 $0x2C88;
	s20 =	sld [smem:$0x7A5]  }
0xd9: {  	[tilespmem:s10], [sflag:$0x1] =	stream.indirect.gather [hbm4b:s2+s6], $0x10, s19, s6, $0xb8;
	[tilespmem:$0x5208] =	vst v63  }
0xda: {  	s21 =	sld [smem:$0x7A6];
	s8 =	simm.s32 $0x2F08  }
0xdb: {  	[tilespmem:s8], [sflag:$0x1] =	stream.indirect.gather [hbm4b:s2+s6], $0x10, s20, s6, $0xb8;
	[tilespmem:$0x5208] =	vst v63  }
0xdc: {  	s13 =	simm.s32 $0x3188;
	s1 =	sld [smem:$0x7A7]  }
0xdd: {  	[tilespmem:s13], [sflag:$0x1] =	stream.indirect.gather [hbm4b:s2+s6], $0x10, s21, s6, $0xb8;
	[tilespmem:$0x5208] =	vst v63  }
0xde: {  	s9 =	simm.s32 $0x3408;
	s5 =	sld [smem:$0x7A8]  }
0xdf: {  	[tilespmem:s9], [sflag:$0x1] =	stream.indirect.gather [hbm4b:s2+s6], $0x10, s1, s6, $0xb8;
	[tilespmem:$0x5208] =	vst v63  }
0xe0: {  	s12 =	simm.s32 $0x3688;
	s10 =	sld [smem:$0x7A9]  }
0xe1: {  	[tilespmem:s12], [sflag:$0x1] =	stream.indirect.gather [hbm4b:s2+s6], $0x10, s5, s6, $0xb8;
	[tilespmem:$0x5208] =	vst v63  }
0xe2: {  	s1 =	simm.s32 $0x3908;
	s12 =	sld [smem:$0x7AA]  }
0xe3: {  	[tilespmem:s1], [sflag:$0x1] =	stream.indirect.gather [hbm4b:s2+s6], $0x10, s10, s6, $0xb8;
	[tilespmem:$0x5208] =	vst v63  }
0xe4: {  	s16 =	simm.s32 $0x3B88;
	s13 =	sld [smem:$0x7AB]  }
0xe5: {  	[tilespmem:s16], [sflag:$0x1] =	stream.indirect.gather [hbm4b:s2+s6], $0x10, s12, s6, $0xb8;
	[tilespmem:$0x5208] =	vst v63  }
0xe6: {  	s21 =	sld [smem:$0x7AC];
	s9 =	simm.s32 $0x3E08  }
0xe7: {  	[tilespmem:s9], [sflag:$0x1] =	stream.indirect.gather [hbm4b:s2+s6], $0x10, s13, s6, $0xb8;
	[tilespmem:$0x5208] =	vst v63  }
0xe8: {  	s5 =	sld [smem:$0x7AD];
	s10 =	simm.s32 $0x4088  }
0xe9: {  	[tilespmem:s10], [sflag:$0x1] =	stream.indirect.gather [hbm4b:s2+s6], $0x10, s21, s6, $0xb8;
	[tilespmem:$0x5208] =	vst v63  }
0xea: {  	s3 =	simm.s32 $0x4308;
	s12 =	sld [smem:$0x7AE]  }
0xeb: {  	[tilespmem:s3], [sflag:$0x1] =	stream.indirect.gather [hbm4b:s2+s6], $0x10, s5, s6, $0xb8;
	[tilespmem:$0x5208] =	vst v63  }
0xec: {  	s13 =	sld [smem:$0x7AF];
	s5 =	simm.s32 $0x4588  }
0xed: {  	[tilespmem:s5], [sflag:$0x1] =	stream.indirect.gather [hbm4b:s2+s6], $0x10, s12, s6, $0xb8;
	[tilespmem:$0x5208] =	vst v63  }
0xee: {  	s3 =	simm.s32 $0x4808;
	s12 =	sld [smem:$0x7B0]  }
0xef: {  	[tilespmem:s3], [sflag:$0x1] =	stream.indirect.gather [hbm4b:s2+s6], $0x10, s13, s6, $0xb8;
	[tilespmem:$0x5208] =	vst v63  }
0xf0: {  	s5 =	sld [smem:$0x7B1];
	s13 =	simm.s32 $0x4A88  }
0xf1: {  	[tilespmem:s13], [sflag:$0x1] =	stream.indirect.gather [hbm4b:s2+s6], $0x10, s12, s6, $0xb8;
	[tilespmem:$0x5208] =	vst v63  }
0xf2: {  	s0 =	sld [smem:$0x7B2];
	s12 =	simm.s32 $0x4D08  }
0xf3: {  	[tilespmem:s12], [sflag:$0x1] =	stream.indirect.gather [hbm4b:s2+s6], $0x10, s5, s6, $0xb8;
	[tilespmem:$0x5208] =	vst v63  }
0xf4: {  	s5 =	simm.s32 $0x4F88  }
0xf5: {  	[tilespmem:s5], [sflag:$0x1] =	stream.indirect.gather [hbm4b:s2+s6], $0x10, s0, s6, $0xb8;
	[tilespmem:$0x5208] =	vst v63  }
0xf6: {  	_ =	swait.ge [sflag:s11], $0x3E80  }
0xf7: {  	[sflag:s11] =	ssyncset.done $0x0  }
0xf8: {  	s15 =	simm.s32 $0x0;
	s7 =	rddreg [dreg:$0x5];
	[sflag:s11] =	ssyncadd.s32 $0xFFFFC180  }
0xf9: {  	[hbm4b:s7+s15] =	stream.linear.scatter [tilespmem:s31], [sflag:$0x2], $0x3E80, $0x38;
	[tilespmem:$0x5208] =	vst v63  }
0xfa: {  	_ =	swait.ge [sflag:s4], $0x3E80  }
0xfb: {  	s0 =	sld [smem:$0x7B3]  }
0xfc: {  	[sflag:s4] =	ssyncset.done $0x0  }
0xfd: {  	s7 =	sld [smem:$0x7B4];
	[sflag:s4] =	ssyncadd.s32 $0xFFFFC180  }
0xfe: {  	[tilespmem:s31], [sflag:$0x1] =	stream.indirect.gather [hbm4b:s2+s6], $0x10, s0, s6, $0xb8;
	[tilespmem:$0x5208] =	vst v63  }
0xff: {  	s14 =	simm.s32 $0x1608;
	s0 =	sld [smem:$0x7B5]  }
0x100: {  	[tilespmem:s14], [sflag:$0x1] =	stream.indirect.gather [hbm4b:s2+s6], $0x10, s7, s6, $0xb8;
	[tilespmem:$0x5208] =	vst v63  }
0x101: {  	s30 =	simm.s32 $0x1888;
	s14 =	sld [smem:$0x7B6]  }
0x102: {  	[tilespmem:s30], [sflag:$0x1] =	stream.indirect.gather [hbm4b:s2+s6], $0x10, s0, s6, $0xb8;
	[tilespmem:$0x5208] =	vst v63  }
0x103: {  	s29 =	simm.s32 $0x1B08;
	s30 =	sld [smem:$0x7B7]  }
0x104: {  	[tilespmem:s29], [sflag:$0x1] =	stream.indirect.gather [hbm4b:s2+s6], $0x10, s14, s6, $0xb8;
	[tilespmem:$0x5208] =	vst v63  }
0x105: {  	s28 =	simm.s32 $0x1D88;
	s14 =	sld [smem:$0x7B8]  }
0x106: {  	[tilespmem:s28], [sflag:$0x1] =	stream.indirect.gather [hbm4b:s2+s6], $0x10, s30, s6, $0xb8;
	[tilespmem:$0x5208] =	vst v63  }
0x107: {  	s26 =	simm.s32 $0x2008;
	s0 =	sld [smem:$0x7B9]  }
0x108: {  	[tilespmem:s26], [sflag:$0x1] =	stream.indirect.gather [hbm4b:s2+s6], $0x10, s14, s6, $0xb8;
	[tilespmem:$0x5208] =	vst v63  }
0x109: {  	s25 =	simm.s32 $0x2288;
	s30 =	sld [smem:$0x7BA]  }
0x10a: {  	[tilespmem:s25], [sflag:$0x1] =	stream.indirect.gather [hbm4b:s2+s6], $0x10, s0, s6, $0xb8;
	[tilespmem:$0x5208] =	vst v63  }
0x10b: {  	s24 =	simm.s32 $0x2508;
	s26 =	sld [smem:$0x7BB]  }
0x10c: {  	[tilespmem:s24], [sflag:$0x1] =	stream.indirect.gather [hbm4b:s2+s6], $0x10, s30, s6, $0xb8;
	[tilespmem:$0x5208] =	vst v63  }
0x10d: {  	s23 =	simm.s32 $0x2788;
	s30 =	sld [smem:$0x7BC]  }
0x10e: {  	[tilespmem:s23], [sflag:$0x1] =	stream.indirect.gather [hbm4b:s2+s6], $0x10, s26, s6, $0xb8;
	[tilespmem:$0x5208] =	vst v63  }
0x10f: {  	s22 =	simm.s32 $0x2A08;
	s25 =	sld [smem:$0x7BD]  }
0x110: {  	[tilespmem:s22], [sflag:$0x1] =	stream.indirect.gather [hbm4b:s2+s6], $0x10, s30, s6, $0xb8;
	[tilespmem:$0x5208] =	vst v63  }
0x111: {  	s18 =	simm.s32 $0x2C88;
	s26 =	sld [smem:$0x7BE]  }
0x112: {  	[tilespmem:s18], [sflag:$0x1] =	stream.indirect.gather [hbm4b:s2+s6], $0x10, s25, s6, $0xb8;
	[tilespmem:$0x5208] =	vst v63  }
0x113: {  	s18 =	sld [smem:$0x7BF]  }
0x114: {  	[tilespmem:s8], [sflag:$0x1] =	stream.indirect.gather [hbm4b:s2+s6], $0x10, s26, s6, $0xb8;
	[tilespmem:$0x5208] =	vst v63  }
0x115: {  	s22 =	sld [smem:$0x7C0];
	s26 =	simm.s32 $0x3188  }
0x116: {  	[tilespmem:s26], [sflag:$0x1] =	stream.indirect.gather [hbm4b:s2+s6], $0x10, s18, s6, $0xb8;
	[tilespmem:$0x5208] =	vst v63  }
0x117: {  	s17 =	simm.s32 $0x3408;
	s0 =	sld [smem:$0x7C1]  }
0x118: {  	[tilespmem:s17], [sflag:$0x1] =	stream.indirect.gather [hbm4b:s2+s6], $0x10, s22, s6, $0xb8;
	[tilespmem:$0x5208] =	vst v63  }
0x119: {  	s19 =	simm.s32 $0x3688;
	s22 =	sld [smem:$0x7C2]  }
0x11a: {  	[tilespmem:s19], [sflag:$0x1] =	stream.indirect.gather [hbm4b:s2+s6], $0x10, s0, s6, $0xb8;
	[tilespmem:$0x5208] =	vst v63  }
0x11b: {  	s0 =	sld [smem:$0x7C3]  }
0x11c: {  	[tilespmem:s1], [sflag:$0x1] =	stream.indirect.gather [hbm4b:s2+s6], $0x10, s22, s6, $0xb8;
	[tilespmem:$0x5208] =	vst v63  }
0x11d: {  	s20 =	simm.s32 $0x3B88;
	s17 =	sld [smem:$0x7C4]  }
0x11e: {  	[tilespmem:s20], [sflag:$0x1] =	stream.indirect.gather [hbm4b:s2+s6], $0x10, s0, s6, $0xb8;
	[tilespmem:$0x5208] =	vst v63  }
0x11f: {  	s20 =	sld [smem:$0x7C5]  }
0x120: {  	[tilespmem:s9], [sflag:$0x1] =	stream.indirect.gather [hbm4b:s2+s6], $0x10, s17, s6, $0xb8;
	[tilespmem:$0x5208] =	vst v63  }
0x121: {  	s9 =	sld [smem:$0x7C6]  }
0x122: {  	[tilespmem:s10], [sflag:$0x1] =	stream.indirect.gather [hbm4b:s2+s6], $0x10, s20, s6, $0xb8;
	[tilespmem:$0x5208] =	vst v63  }
0x123: {  	s21 =	simm.s32 $0x4308;
	s17 =	sld [smem:$0x7C7]  }
0x124: {  	[tilespmem:s21], [sflag:$0x1] =	stream.indirect.gather [hbm4b:s2+s6], $0x10, s9, s6, $0xb8;
	[tilespmem:$0x5208] =	vst v63  }
0x125: {  	s16 =	simm.s32 $0x4588;
	s20 =	sld [smem:$0x7C8]  }
0x126: {  	[tilespmem:s16], [sflag:$0x1] =	stream.indirect.gather [hbm4b:s2+s6], $0x10, s17, s6, $0xb8;
	[tilespmem:$0x5208] =	vst v63  }
0x127: {  	s21 =	sld [smem:$0x7C9]  }
0x128: {  	[tilespmem:s3], [sflag:$0x1] =	stream.indirect.gather [hbm4b:s2+s6], $0x10, s20, s6, $0xb8;
	[tilespmem:$0x5208] =	vst v63  }
0x129: {  	s20 =	sld [smem:$0x7CA]  }
0x12a: {  	[tilespmem:s13], [sflag:$0x1] =	stream.indirect.gather [hbm4b:s2+s6], $0x10, s21, s6, $0xb8;
	[tilespmem:$0x5208] =	vst v63  }
0x12b: {  	s21 =	sld [smem:$0x7CB]  }
0x12c: {  	[tilespmem:s12], [sflag:$0x1] =	stream.indirect.gather [hbm4b:s2+s6], $0x10, s20, s6, $0xb8;
	[tilespmem:$0x5208] =	vst v63  }
0x12d: {  	_ = 	snop  }
0x12e: {  	[tilespmem:s5], [sflag:$0x1] =	stream.indirect.gather [hbm4b:s2+s6], $0x10, s21, s6, $0xb8;
	[tilespmem:$0x5208] =	vst v63  }
0x12f: {  	_ =	swait.ge [sflag:s11], $0x3E80  }
0x130: {  	[sflag:s11] =	ssyncset.done $0x0  }
0x131: {  	s15 =	simm.s32 $0x0;
	s13 =	rddreg [dreg:$0x6];
	[sflag:s11] =	ssyncadd.s32 $0xFFFFC180  }
0x132: {  	[hbm4b:s13+s15] =	stream.linear.scatter [tilespmem:s31], [sflag:$0x2], $0x3E80, $0x38;
	[tilespmem:$0x5208] =	vst v63  }
0x133: {  	_ =	swait.ge [sflag:s4], $0x3E80  }
0x134: {  	s21 =	sld [smem:$0x7CC]  }
0x135: {  	[sflag:s4] =	ssyncset.done $0x0  }
0x136: {  	s5 =	sld [smem:$0x7CD];
	[sflag:s4] =	ssyncadd.s32 $0xFFFFC180  }
0x137: {  	[tilespmem:s31], [sflag:$0x1] =	stream.indirect.gather [hbm4b:s2+s6], $0x10, s21, s6, $0xb8;
	[tilespmem:$0x5208] =	vst v63  }
0x138: {  	s12 =	simm.s32 $0x1608;
	s0 =	sld [smem:$0x7CE]  }
0x139: {  	[tilespmem:s12], [sflag:$0x1] =	stream.indirect.gather [hbm4b:s2+s6], $0x10, s5, s6, $0xb8;
	[tilespmem:$0x5208] =	vst v63  }
0x13a: {  	s15 =	sld [smem:$0x7CF];
	s21 =	simm.s32 $0x1888  }
0x13b: {  	[tilespmem:s21], [sflag:$0x1] =	stream.indirect.gather [hbm4b:s2+s6], $0x10, s0, s6, $0xb8;
	[tilespmem:$0x5208] =	vst v63  }
0x13c: {  	s29 =	simm.s32 $0x1B08;
	s5 =	sld [smem:$0x7D0]  }
0x13d: {  	[tilespmem:s29], [sflag:$0x1] =	stream.indirect.gather [hbm4b:s2+s6], $0x10, s15, s6, $0xb8;
	[tilespmem:$0x5208] =	vst v63  }
0x13e: {  	s28 =	simm.s32 $0x1D88;
	s12 =	sld [smem:$0x7D1]  }
0x13f: {  	[tilespmem:s28], [sflag:$0x1] =	stream.indirect.gather [hbm4b:s2+s6], $0x10, s5, s6, $0xb8;
	[tilespmem:$0x5208] =	vst v63  }
0x140: {  	s14 =	simm.s32 $0x2008;
	s0 =	sld [smem:$0x7D2]  }
0x141: {  	[tilespmem:s14], [sflag:$0x1] =	stream.indirect.gather [hbm4b:s2+s6], $0x10, s12, s6, $0xb8;
	[tilespmem:$0x5208] =	vst v63  }
0x142: {  	s28 =	sld [smem:$0x7D3];
	s5 =	simm.s32 $0x2288  }
0x143: {  	[tilespmem:s5], [sflag:$0x1] =	stream.indirect.gather [hbm4b:s2+s6], $0x10, s0, s6, $0xb8;
	[tilespmem:$0x5208] =	vst v63  }
0x144: {  	s24 =	simm.s32 $0x2508;
	s14 =	sld [smem:$0x7D4]  }
0x145: {  	[tilespmem:s24], [sflag:$0x1] =	stream.indirect.gather [hbm4b:s2+s6], $0x10, s28, s6, $0xb8;
	[tilespmem:$0x5208] =	vst v63  }
0x146: {  	s23 =	simm.s32 $0x2788;
	s28 =	sld [smem:$0x7D5]  }
0x147: {  	[tilespmem:s23], [sflag:$0x1] =	stream.indirect.gather [hbm4b:s2+s6], $0x10, s14, s6, $0xb8;
	[tilespmem:$0x5208] =	vst v63  }
0x148: {  	s30 =	simm.s32 $0x2A08;
	s23 =	sld [smem:$0x7D6]  }
0x149: {  	[tilespmem:s30], [sflag:$0x1] =	stream.indirect.gather [hbm4b:s2+s6], $0x10, s28, s6, $0xb8;
	[tilespmem:$0x5208] =	vst v63  }
0x14a: {  	s25 =	simm.s32 $0x2C88;
	s7 =	sld [smem:$0x7D7]  }
0x14b: {  	[tilespmem:s25], [sflag:$0x1] =	stream.indirect.gather [hbm4b:s2+s6], $0x10, s23, s6, $0xb8;
	[tilespmem:$0x5208] =	vst v63  }
0x14c: {  	s8 =	simm.s32 $0x2F08;
	s30 =	sld [smem:$0x7D8]  }
0x14d: {  	[tilespmem:s8], [sflag:$0x1] =	stream.indirect.gather [hbm4b:s2+s6], $0x10, s7, s6, $0xb8;
	[tilespmem:$0x5208] =	vst v63  }
0x14e: {  	s18 =	simm.s32 $0x3188;
	s25 =	sld [smem:$0x7D9]  }
0x14f: {  	[tilespmem:s18], [sflag:$0x1] =	stream.indirect.gather [hbm4b:s2+s6], $0x10, s30, s6, $0xb8;
	[tilespmem:$0x5208] =	vst v63  }
0x150: {  	s26 =	simm.s32 $0x3408;
	s30 =	sld [smem:$0x7DA]  }
0x151: {  	[tilespmem:s26], [sflag:$0x1] =	stream.indirect.gather [hbm4b:s2+s6], $0x10, s25, s6, $0xb8;
	[tilespmem:$0x5208] =	vst v63  }
0x152: {  	s19 =	simm.s32 $0x3688;
	s26 =	sld [smem:$0x7DB]  }
0x153: {  	[tilespmem:s19], [sflag:$0x1] =	stream.indirect.gather [hbm4b:s2+s6], $0x10, s30, s6, $0xb8;
	[tilespmem:$0x5208] =	vst v63  }
0x154: {  	s22 =	simm.s32 $0x3908;
	s30 =	sld [smem:$0x7DC]  }
0x155: {  	[tilespmem:s22], [sflag:$0x1] =	stream.indirect.gather [hbm4b:s2+s6], $0x10, s26, s6, $0xb8;
	[tilespmem:$0x5208] =	vst v63  }
0x156: {  	s1 =	simm.s32 $0x3B88;
	s26 =	sld [smem:$0x7DD]  }
0x157: {  	[tilespmem:s1], [sflag:$0x1] =	stream.indirect.gather [hbm4b:s2+s6], $0x10, s30, s6, $0xb8;
	[tilespmem:$0x5208] =	vst v63  }
0x158: {  	s0 =	sld [smem:$0x7DE];
	s30 =	simm.s32 $0x3E08  }
0x159: {  	[tilespmem:s30], [sflag:$0x1] =	stream.indirect.gather [hbm4b:s2+s6], $0x10, s26, s6, $0xb8;
	[tilespmem:$0x5208] =	vst v63  }
0x15a: {  	s10 =	simm.s32 $0x4088;
	s1 =	sld [smem:$0x7DF]  }
0x15b: {  	[tilespmem:s10], [sflag:$0x1] =	stream.indirect.gather [hbm4b:s2+s6], $0x10, s0, s6, $0xb8;
	[tilespmem:$0x5208] =	vst v63  }
0x15c: {  	s9 =	simm.s32 $0x4308;
	s30 =	sld [smem:$0x7E0]  }
0x15d: {  	[tilespmem:s9], [sflag:$0x1] =	stream.indirect.gather [hbm4b:s2+s6], $0x10, s1, s6, $0xb8;
	[tilespmem:$0x5208] =	vst v63  }
0x15e: {  	s16 =	simm.s32 $0x4588;
	s1 =	sld [smem:$0x7E1]  }
0x15f: {  	[tilespmem:s16], [sflag:$0x1] =	stream.indirect.gather [hbm4b:s2+s6], $0x10, s30, s6, $0xb8;
	[tilespmem:$0x5208] =	vst v63  }
0x160: {  	s17 =	simm.s32 $0x4808;
	s30 =	sld [smem:$0x7E2]  }
0x161: {  	[tilespmem:s17], [sflag:$0x1] =	stream.indirect.gather [hbm4b:s2+s6], $0x10, s1, s6, $0xb8;
	[tilespmem:$0x5208] =	vst v63  }
0x162: {  	s3 =	simm.s32 $0x4A88;
	s1 =	sld [smem:$0x7E3]  }
0x163: {  	[tilespmem:s3], [sflag:$0x1] =	stream.indirect.gather [hbm4b:s2+s6], $0x10, s30, s6, $0xb8;
	[tilespmem:$0x5208] =	vst v63  }
0x164: {  	s20 =	simm.s32 $0x4D08;
	s30 =	sld [smem:$0x7E4]  }
0x165: {  	[tilespmem:s20], [sflag:$0x1] =	stream.indirect.gather [hbm4b:s2+s6], $0x10, s1, s6, $0xb8;
	[tilespmem:$0x5208] =	vst v63  }
0x166: {  	s1 =	simm.s32 $0x4F88  }
0x167: {  	[tilespmem:s1], [sflag:$0x1] =	stream.indirect.gather [hbm4b:s2+s6], $0x10, s30, s6, $0xb8;
	[tilespmem:$0x5208] =	vst v63  }
0x168: {  	_ =	swait.ge [sflag:s11], $0x3E80  }
0x169: {  	[sflag:s11] =	ssyncset.done $0x0  }
0x16a: {  	s13 =	simm.s32 $0x0;
	s7 =	rddreg [dreg:$0x7];
	[sflag:s11] =	ssyncadd.s32 $0xFFFFC180  }
0x16b: {  	[hbm4b:s7+s13] =	stream.linear.scatter [tilespmem:s31], [sflag:$0x2], $0x3E80, $0x38;
	[tilespmem:$0x5208] =	vst v63  }
0x16c: {  	_ =	swait.ge [sflag:s4], $0x3E80  }
0x16d: {  	s1 =	sld [smem:$0x7E5]  }
0x16e: {  	[sflag:s4] =	ssyncset.done $0x0  }
0x16f: {  	s7 =	sld [smem:$0x7E6];
	[sflag:s4] =	ssyncadd.s32 $0xFFFFC180  }
0x170: {  	[tilespmem:s31], [sflag:$0x1] =	stream.indirect.gather [hbm4b:s2+s6], $0x10, s1, s6, $0xb8;
	[tilespmem:$0x5208] =	vst v63  }
0x171: {  	s0 =	sld [smem:$0x7E7];
	s1 =	simm.s32 $0x1608  }
0x172: {  	[tilespmem:s1], [sflag:$0x1] =	stream.indirect.gather [hbm4b:s2+s6], $0x10, s7, s6, $0xb8;
	[tilespmem:$0x5208] =	vst v63  }
0x173: {  	s21 =	simm.s32 $0x1888;
	s1 =	sld [smem:$0x7E8]  }
0x174: {  	[tilespmem:s21], [sflag:$0x1] =	stream.indirect.gather [hbm4b:s2+s6], $0x10, s0, s6, $0xb8;
	[tilespmem:$0x5208] =	vst v63  }
0x175: {  	s29 =	simm.s32 $0x1B08;
	s21 =	sld [smem:$0x7E9]  }
0x176: {  	[tilespmem:s29], [sflag:$0x1] =	stream.indirect.gather [hbm4b:s2+s6], $0x10, s1, s6, $0xb8;
	[tilespmem:$0x5208] =	vst v63  }
0x177: {  	s15 =	simm.s32 $0x1D88;
	s29 =	sld [smem:$0x7EA]  }
0x178: {  	[tilespmem:s15], [sflag:$0x1] =	stream.indirect.gather [hbm4b:s2+s6], $0x10, s21, s6, $0xb8;
	[tilespmem:$0x5208] =	vst v63  }
0x179: {  	s12 =	simm.s32 $0x2008;
	s1 =	sld [smem:$0x7EB]  }
0x17a: {  	[tilespmem:s12], [sflag:$0x1] =	stream.indirect.gather [hbm4b:s2+s6], $0x10, s29, s6, $0xb8;
	[tilespmem:$0x5208] =	vst v63  }
0x17b: {  	s5 =	simm.s32 $0x2288;
	s15 =	sld [smem:$0x7EC]  }
0x17c: {  	[tilespmem:s5], [sflag:$0x1] =	stream.indirect.gather [hbm4b:s2+s6], $0x10, s1, s6, $0xb8;
	[tilespmem:$0x5208] =	vst v63  }
0x17d: {  	s24 =	simm.s32 $0x2508;
	s21 =	sld [smem:$0x7ED]  }
0x17e: {  	[tilespmem:s24], [sflag:$0x1] =	stream.indirect.gather [hbm4b:s2+s6], $0x10, s15, s6, $0xb8;
	[tilespmem:$0x5208] =	vst v63  }
0x17f: {  	s14 =	simm.s32 $0x2788;
	s24 =	sld [smem:$0x7EE]  }
0x180: {  	[tilespmem:s14], [sflag:$0x1] =	stream.indirect.gather [hbm4b:s2+s6], $0x10, s21, s6, $0xb8;
	[tilespmem:$0x5208] =	vst v63  }
0x181: {  	s28 =	simm.s32 $0x2A08;
	s29 =	sld [smem:$0x7EF]  }
0x182: {  	[tilespmem:s28], [sflag:$0x1] =	stream.indirect.gather [hbm4b:s2+s6], $0x10, s24, s6, $0xb8;
	[tilespmem:$0x5208] =	vst v63  }
0x183: {  	s23 =	simm.s32 $0x2C88;
	s1 =	sld [smem:$0x7F0]  }
0x184: {  	[tilespmem:s23], [sflag:$0x1] =	stream.indirect.gather [hbm4b:s2+s6], $0x10, s29, s6, $0xb8;
	[tilespmem:$0x5208] =	vst v63  }
0x185: {  	s8 =	simm.s32 $0x2F08;
	s5 =	sld [smem:$0x7F1]  }
0x186: {  	[tilespmem:s8], [sflag:$0x1] =	stream.indirect.gather [hbm4b:s2+s6], $0x10, s1, s6, $0xb8;
	[tilespmem:$0x5208] =	vst v63  }
0x187: {  	s18 =	simm.s32 $0x3188;
	s8 =	sld [smem:$0x7F2]  }
0x188: {  	[tilespmem:s18], [sflag:$0x1] =	stream.indirect.gather [hbm4b:s2+s6], $0x10, s5, s6, $0xb8;
	[tilespmem:$0x5208] =	vst v63  }
0x189: {  	s25 =	simm.s32 $0x3408;
	s12 =	sld [smem:$0x7F3]  }
0x18a: {  	[tilespmem:s25], [sflag:$0x1] =	stream.indirect.gather [hbm4b:s2+s6], $0x10, s8, s6, $0xb8;
	[tilespmem:$0x5208] =	vst v63  }
0x18b: {  	s19 =	simm.s32 $0x3688;
	s14 =	sld [smem:$0x7F4]  }
0x18c: {  	[tilespmem:s19], [sflag:$0x1] =	stream.indirect.gather [hbm4b:s2+s6], $0x10, s12, s6, $0xb8;
	[tilespmem:$0x5208] =	vst v63  }
0x18d: {  	s22 =	simm.s32 $0x3908;
	s15 =	sld [smem:$0x7F5]  }
0x18e: {  	[tilespmem:s22], [sflag:$0x1] =	stream.indirect.gather [hbm4b:s2+s6], $0x10, s14, s6, $0xb8;
	[tilespmem:$0x5208] =	vst v63  }
0x18f: {  	s18 =	sld [smem:$0x7F6];
	s19 =	simm.s32 $0x3B88  }
0x190: {  	[tilespmem:s19], [sflag:$0x1] =	stream.indirect.gather [hbm4b:s2+s6], $0x10, s15, s6, $0xb8;
	[tilespmem:$0x5208] =	vst v63  }
0x191: {  	s26 =	simm.s32 $0x3E08;
	s21 =	sld [smem:$0x7F7]  }
0x192: {  	[tilespmem:s26], [sflag:$0x1] =	stream.indirect.gather [hbm4b:s2+s6], $0x10, s18, s6, $0xb8;
	[tilespmem:$0x5208] =	vst v63  }
0x193: {  	s10 =	simm.s32 $0x4088;
	s22 =	sld [smem:$0x7F8]  }
0x194: {  	[tilespmem:s10], [sflag:$0x1] =	stream.indirect.gather [hbm4b:s2+s6], $0x10, s21, s6, $0xb8;
	[tilespmem:$0x5208] =	vst v63  }
0x195: {  	s9 =	simm.s32 $0x4308;
	s23 =	sld [smem:$0x7F9]  }
0x196: {  	[tilespmem:s9], [sflag:$0x1] =	stream.indirect.gather [hbm4b:s2+s6], $0x10, s22, s6, $0xb8;
	[tilespmem:$0x5208] =	vst v63  }
0x197: {  	s16 =	simm.s32 $0x4588;
	s24 =	sld [smem:$0x7FA]  }
0x198: {  	[tilespmem:s16], [sflag:$0x1] =	stream.indirect.gather [hbm4b:s2+s6], $0x10, s23, s6, $0xb8;
	[tilespmem:$0x5208] =	vst v63  }
0x199: {  	s17 =	simm.s32 $0x4808;
	s25 =	sld [smem:$0x7FB]  }
0x19a: {  	[tilespmem:s17], [sflag:$0x1] =	stream.indirect.gather [hbm4b:s2+s6], $0x10, s24, s6, $0xb8;
	[tilespmem:$0x5208] =	vst v63  }
0x19b: {  	s3 =	simm.s32 $0x4A88;
	s26 =	sld [smem:$0x7FC]  }
0x19c: {  	[tilespmem:s3], [sflag:$0x1] =	stream.indirect.gather [hbm4b:s2+s6], $0x10, s25, s6, $0xb8;
	[tilespmem:$0x5208] =	vst v63  }
0x19d: {  	s20 =	simm.s32 $0x4D08;
	s28 =	sld [smem:$0x7FD]  }
0x19e: {  	[tilespmem:s20], [sflag:$0x1] =	stream.indirect.gather [hbm4b:s2+s6], $0x10, s26, s6, $0xb8;
	[tilespmem:$0x5208] =	vst v63  }
0x19f: {  	s30 =	simm.s32 $0x4F88  }
0x1a0: {  	[tilespmem:s30], [sflag:$0x1] =	stream.indirect.gather [hbm4b:s2+s6], $0x10, s28, s6, $0xb8;
	[tilespmem:$0x5208] =	vst v63  }
0x1a1: {  	_ =	swait.ge [sflag:s11], $0x3E80  }
0x1a2: {  	s30 =	sld [smem:$0x799];
	_ =	sdelay $0x2  }
0x1a3: {  	p1 =	sne.s32 s30, $0x1  }
.Ltmp1:
0x1a4: {  	[sflag:s11] =	ssyncset.done $0x0;
	(pc) =	sbr.rel @!p1 .LBB2_3-.Ltmp1, $4  }
0x1a5: {  	s13 =	simm.s32 $0x0;
	s29 =	rddreg [dreg:$0x8];
	[sflag:s11] =	ssyncadd.s32 $0xFFFFC180  }
0x1a6: {  	[hbm4b:s29+s13] =	stream.linear.scatter [tilespmem:s31], [sflag:$0x2], $0x3E80, $0x38;
	[tilespmem:$0x5208] =	vst v63  }
0x1a7: {  	p0 =	por $0x1, $0x1;
	s8 =	simm.s32 $0x0;
	_ =	swait.ge [sflag:s4], $0x3E80  }
0x1a8: {  	s0 =	sadd.s32 $0xFFFFFFFF, s30;
	s7 =	rddreg [dreg:$0x3];
	[sflag:s4] =	ssyncset.done $0x0  }
.LBB2_2:
0x1a9: {  	[sflag:s4] =	ssyncadd.s32 $0xFFFFC180  }
0x1aa: {  	[tilespmem:s8], [sflag:$0x2] =	stream.linear.gather [hbm4b:s7+s8], $0x1388, $0x38;
	[tilespmem:$0x5208] =	vst v63  }
0x1ab: {  	_ =	swait.ge [sflag:s4], $0x1388  }
0x1ac: {  	[sflag:s4] =	ssyncset.done $0x0  }
0x1ad: {  	[sflag:s4] =	ssyncadd.s32 $0xFFFFEC78  }
0x1ae: {  	[tilespmem:s31], [sflag:$0x1] =	stream.indirect.gather [hbm4b:s2+s6], $0x10, s8, s6, $0xb8;
	[tilespmem:$0x5208] =	vst v63  }
0x1af: {  	s1 =	simm.s32 $0x1608  }
0x1b0: {  	[tilespmem:s1], [sflag:$0x1] =	stream.indirect.gather [hbm4b:s2+s6], $0x10, s6, s6, $0xb8;
	[tilespmem:$0x5208] =	vst v63  }
0x1b1: {  	s19 =	simm.s32 $0x1888;
	s17 =	rddreg [dreg:$0x9]  }
0x1b2: {  	[tilespmem:s19], [sflag:$0x1] =	stream.indirect.gather [hbm4b:s2+s6], $0x10, s17, s6, $0xb8;
	[tilespmem:$0x5208] =	vst v63  }
0x1b3: {  	s21 =	simm.s32 $0x1B08;
	s18 =	rddreg [dreg:$0xa]  }
0x1b4: {  	[tilespmem:s21], [sflag:$0x1] =	stream.indirect.gather [hbm4b:s2+s6], $0x10, s18, s6, $0xb8;
	[tilespmem:$0x5208] =	vst v63  }
0x1b5: {  	s23 =	simm.s32 $0x1D88;
	s20 =	rddreg [dreg:$0xb]  }
0x1b6: {  	[tilespmem:s23], [sflag:$0x1] =	stream.indirect.gather [hbm4b:s2+s6], $0x10, s20, s6, $0xb8;
	[tilespmem:$0x5208] =	vst v63  }
0x1b7: {  	s25 =	simm.s32 $0x2008;
	s22 =	rddreg [dreg:$0xc]  }
0x1b8: {  	[tilespmem:s25], [sflag:$0x1] =	stream.indirect.gather [hbm4b:s2+s6], $0x10, s22, s6, $0xb8;
	[tilespmem:$0x5208] =	vst v63  }
0x1b9: {  	s28 =	simm.s32 $0x2288;
	s24 =	rddreg [dreg:$0xd]  }
0x1ba: {  	[tilespmem:s28], [sflag:$0x1] =	stream.indirect.gather [hbm4b:s2+s6], $0x10, s24, s6, $0xb8;
	[tilespmem:$0x5208] =	vst v63  }
0x1bb: {  	s30 =	simm.s32 $0x2508;
	s26 =	rddreg [dreg:$0xe]  }
0x1bc: {  	[tilespmem:s30], [sflag:$0x1] =	stream.indirect.gather [hbm4b:s2+s6], $0x10, s26, s6, $0xb8;
	[tilespmem:$0x5208] =	vst v63  }
0x1bd: {  	s5 =	simm.s32 $0x2788;
	s29 =	rddreg [dreg:$0xf]  }
0x1be: {  	[tilespmem:s5], [sflag:$0x1] =	stream.indirect.gather [hbm4b:s2+s6], $0x10, s29, s6, $0xb8;
	[tilespmem:$0x5208] =	vst v63  }
0x1bf: {  	s15 =	simm.s32 $0x2A08;
	s3 =	rddreg [dreg:$0x10]  }
0x1c0: {  	[tilespmem:s15], [sflag:$0x1] =	stream.indirect.gather [hbm4b:s2+s6], $0x10, s3, s6, $0xb8;
	[tilespmem:$0x5208] =	vst v63  }
0x1c1: {  	s14 =	rddreg [dreg:$0x11];
	s17 =	simm.s32 $0x2C88  }
0x1c2: {  	[tilespmem:s17], [sflag:$0x1] =	stream.indirect.gather [hbm4b:s2+s6], $0x10, s14, s6, $0xb8;
	[tilespmem:$0x5208] =	vst v63  }
0x1c3: {  	s16 =	rddreg [dreg:$0x12];
	s19 =	simm.s32 $0x2F08  }
0x1c4: {  	[tilespmem:s19], [sflag:$0x1] =	stream.indirect.gather [hbm4b:s2+s6], $0x10, s16, s6, $0xb8;
	[tilespmem:$0x5208] =	vst v63  }
0x1c5: {  	s18 =	rddreg [dreg:$0x13];
	s21 =	simm.s32 $0x3188  }
0x1c6: {  	[tilespmem:s21], [sflag:$0x1] =	stream.indirect.gather [hbm4b:s2+s6], $0x10, s18, s6, $0xb8;
	[tilespmem:$0x5208] =	vst v63  }
0x1c7: {  	s20 =	rddreg [dreg:$0x14];
	s25 =	simm.s32 $0x3408  }
0x1c8: {  	[tilespmem:s25], [sflag:$0x1] =	stream.indirect.gather [hbm4b:s2+s6], $0x10, s20, s6, $0xb8;
	[tilespmem:$0x5208] =	vst v63  }
0x1c9: {  	s22 =	rddreg [dreg:$0x15];
	s28 =	simm.s32 $0x3688  }
0x1ca: {  	[tilespmem:s28], [sflag:$0x1] =	stream.indirect.gather [hbm4b:s2+s6], $0x10, s22, s6, $0xb8;
	[tilespmem:$0x5208] =	vst v63  }
0x1cb: {  	s26 =	rddreg [dreg:$0x16];
	s30 =	simm.s32 $0x3908  }
0x1cc: {  	[tilespmem:s30], [sflag:$0x1] =	stream.indirect.gather [hbm4b:s2+s6], $0x10, s26, s6, $0xb8;
	[tilespmem:$0x5208] =	vst v63  }
0x1cd: {  	s29 =	rddreg [dreg:$0x17];
	s14 =	simm.s32 $0x3B88  }
0x1ce: {  	[tilespmem:s14], [sflag:$0x1] =	stream.indirect.gather [hbm4b:s2+s6], $0x10, s29, s6, $0xb8;
	[tilespmem:$0x5208] =	vst v63  }
0x1cf: {  	s3 =	rddreg [dreg:$0x18];
	s16 =	simm.s32 $0x3E08  }
0x1d0: {  	[tilespmem:s16], [sflag:$0x1] =	stream.indirect.gather [hbm4b:s2+s6], $0x10, s3, s6, $0xb8;
	[tilespmem:$0x5208] =	vst v63  }
0x1d1: {  	s15 =	rddreg [dreg:$0x19];
	s18 =	simm.s32 $0x4088  }
0x1d2: {  	[tilespmem:s18], [sflag:$0x1] =	stream.indirect.gather [hbm4b:s2+s6], $0x10, s15, s6, $0xb8;
	[tilespmem:$0x5208] =	vst v63  }
0x1d3: {  	s17 =	rddreg [dreg:$0x1a];
	s20 =	simm.s32 $0x4308  }
0x1d4: {  	[tilespmem:s20], [sflag:$0x1] =	stream.indirect.gather [hbm4b:s2+s6], $0x10, s17, s6, $0xb8;
	[tilespmem:$0x5208] =	vst v63  }
0x1d5: {  	s19 =	rddreg [dreg:$0x1b];
	s22 =	simm.s32 $0x4588  }
0x1d6: {  	[tilespmem:s22], [sflag:$0x1] =	stream.indirect.gather [hbm4b:s2+s6], $0x10, s19, s6, $0xb8;
	[tilespmem:$0x5208] =	vst v63  }
0x1d7: {  	s21 =	rddreg [dreg:$0x1c];
	s26 =	simm.s32 $0x4808  }
0x1d8: {  	[tilespmem:s26], [sflag:$0x1] =	stream.indirect.gather [hbm4b:s2+s6], $0x10, s21, s6, $0xb8;
	[tilespmem:$0x5208] =	vst v63  }
0x1d9: {  	s25 =	rddreg [dreg:$0x1d];
	s3 =	simm.s32 $0x4A88  }
0x1da: {  	[tilespmem:s3], [sflag:$0x1] =	stream.indirect.gather [hbm4b:s2+s6], $0x10, s25, s6, $0xb8;
	[tilespmem:$0x5208] =	vst v63  }
0x1db: {  	s28 =	rddreg [dreg:$0x1e];
	s30 =	simm.s32 $0x4D08  }
0x1dc: {  	[tilespmem:s30], [sflag:$0x1] =	stream.indirect.gather [hbm4b:s2+s6], $0x10, s28, s6, $0xb8;
	[tilespmem:$0x5208] =	vst v63  }
0x1dd: {  	s29 =	rddreg [dreg:$0x1f];
	s3 =	simm.s32 $0x4F88  }
0x1de: {  	[tilespmem:s3], [sflag:$0x1] =	stream.indirect.gather [hbm4b:s2+s6], $0x10, s29, s6, $0xb8;
	[tilespmem:$0x5208] =	vst v63  }
0x1df: {  	_ =	swait.ge [sflag:s11], $0x3E80  }
0x1e0: {  	s1 =	simm.s32 $0x1388;
	[sflag:s11] =	ssyncset.done $0x0  }
0x1e1: {  	s8 =	rddreg [dreg:$0x4];
	[sflag:s11] =	ssyncadd.s32 $0xFFFFC180;
	s11 =	simm.s32 $0x0  }
0x1e2: {  	[hbm4b:s8+s11] =	stream.linear.scatter [tilespmem:s1], [sflag:$0x2], $0x3E80, $0x38;
	[tilespmem:$0x5208] =	vst v63  }
0x1e3: {  	_ =	swait.ge [sflag:s4], $0x3E80  }
0x1e4: {  	s14 =	sld [smem:$0x79A]  }
0x1e5: {  	[sflag:s4] =	ssyncset.done $0x0  }
0x1e6: {  	s15 =	sld [smem:$0x79B];
	[sflag:s4] =	ssyncadd.s32 $0xFFFFC180  }
0x1e7: {  	[tilespmem:s1], [sflag:$0x1] =	stream.indirect.gather [hbm4b:s2+s6], $0x10, s14, s6, $0xb8;
	[tilespmem:$0x5208] =	vst v63  }
0x1e8: {  	s9 =	simm.s32 $0x1608;
	s16 =	sld [smem:$0x79C]  }
0x1e9: {  	[tilespmem:s9], [sflag:$0x1] =	stream.indirect.gather [hbm4b:s2+s6], $0x10, s15, s6, $0xb8;
	[tilespmem:$0x5208] =	vst v63  }
0x1ea: {  	s12 =	simm.s32 $0x1888;
	s18 =	sld [smem:$0x79D]  }
0x1eb: {  	[tilespmem:s12], [sflag:$0x1] =	stream.indirect.gather [hbm4b:s2+s6], $0x10, s16, s6, $0xb8;
	[tilespmem:$0x5208] =	vst v63  }
0x1ec: {  	s10 =	simm.s32 $0x1B08;
	s19 =	sld [smem:$0x79E]  }
0x1ed: {  	[tilespmem:s10], [sflag:$0x1] =	stream.indirect.gather [hbm4b:s2+s6], $0x10, s18, s6, $0xb8;
	[tilespmem:$0x5208] =	vst v63  }
0x1ee: {  	s13 =	simm.s32 $0x1D88;
	s20 =	sld [smem:$0x79F]  }
0x1ef: {  	[tilespmem:s13], [sflag:$0x1] =	stream.indirect.gather [hbm4b:s2+s6], $0x10, s19, s6, $0xb8;
	[tilespmem:$0x5208] =	vst v63  }
0x1f0: {  	s21 =	sld [smem:$0x7A0];
	s15 =	simm.s32 $0x2008  }
0x1f1: {  	[tilespmem:s15], [sflag:$0x1] =	stream.indirect.gather [hbm4b:s2+s6], $0x10, s20, s6, $0xb8;
	[tilespmem:$0x5208] =	vst v63  }
0x1f2: {  	s22 =	sld [smem:$0x7A1];
	s16 =	simm.s32 $0x2288  }
0x1f3: {  	[tilespmem:s16], [sflag:$0x1] =	stream.indirect.gather [hbm4b:s2+s6], $0x10, s21, s6, $0xb8;
	[tilespmem:$0x5208] =	vst v63  }
0x1f4: {  	s28 =	sld [smem:$0x7A2];
	s18 =	simm.s32 $0x2508  }
0x1f5: {  	[tilespmem:s18], [sflag:$0x1] =	stream.indirect.gather [hbm4b:s2+s6], $0x10, s22, s6, $0xb8;
	[tilespmem:$0x5208] =	vst v63  }
0x1f6: {  	s29 =	sld [smem:$0x7A3];
	s19 =	simm.s32 $0x2788  }
0x1f7: {  	[tilespmem:s19], [sflag:$0x1] =	stream.indirect.gather [hbm4b:s2+s6], $0x10, s28, s6, $0xb8;
	[tilespmem:$0x5208] =	vst v63  }
0x1f8: {  	s30 =	sld [smem:$0x7A4];
	s20 =	simm.s32 $0x2A08  }
0x1f9: {  	[tilespmem:s20], [sflag:$0x1] =	stream.indirect.gather [hbm4b:s2+s6], $0x10, s29, s6, $0xb8;
	[tilespmem:$0x5208] =	vst v63  }
0x1fa: {  	s4 =	sld [smem:$0x7A5];
	s21 =	simm.s32 $0x2C88  }
0x1fb: {  	[tilespmem:s21], [sflag:$0x1] =	stream.indirect.gather [hbm4b:s2+s6], $0x10, s30, s6, $0xb8;
	[tilespmem:$0x5208] =	vst v63  }
0x1fc: {  	s10 =	sld [smem:$0x7A6];
	s22 =	simm.s32 $0x2F08  }
0x1fd: {  	[tilespmem:s22], [sflag:$0x1] =	stream.indirect.gather [hbm4b:s2+s6], $0x10, s4, s6, $0xb8;
	[tilespmem:$0x5208] =	vst v63  }
0x1fe: {  	s23 =	simm.s32 $0x3188;
	s11 =	sld [smem:$0x7A7]  }
0x1ff: {  	[tilespmem:s23], [sflag:$0x1] =	stream.indirect.gather [hbm4b:s2+s6], $0x10, s10, s6, $0xb8;
	[tilespmem:$0x5208] =	vst v63  }
0x200: {  	s24 =	simm.s32 $0x3408;
	s12 =	sld [smem:$0x7A8]  }
0x201: {  	[tilespmem:s24], [sflag:$0x1] =	stream.indirect.gather [hbm4b:s2+s6], $0x10, s11, s6, $0xb8;
	[tilespmem:$0x5208] =	vst v63  }
0x202: {  	s13 =	sld [smem:$0x7A9];
	s29 =	simm.s32 $0x3688  }
0x203: {  	[tilespmem:s29], [sflag:$0x1] =	stream.indirect.gather [hbm4b:s2+s6], $0x10, s12, s6, $0xb8;
	[tilespmem:$0x5208] =	vst v63  }
0x204: {  	s5 =	simm.s32 $0x3908;
	s23 =	sld [smem:$0x7AA]  }
0x205: {  	[tilespmem:s5], [sflag:$0x1] =	stream.indirect.gather [hbm4b:s2+s6], $0x10, s13, s6, $0xb8;
	[tilespmem:$0x5208] =	vst v63  }
0x206: {  	s30 =	simm.s32 $0x3B88;
	s24 =	sld [smem:$0x7AB]  }
0x207: {  	[tilespmem:s30], [sflag:$0x1] =	stream.indirect.gather [hbm4b:s2+s6], $0x10, s23, s6, $0xb8;
	[tilespmem:$0x5208] =	vst v63  }
0x208: {  	s5 =	sld [smem:$0x7AC];
	s23 =	simm.s32 $0x3E08  }
0x209: {  	[tilespmem:s23], [sflag:$0x1] =	stream.indirect.gather [hbm4b:s2+s6], $0x10, s24, s6, $0xb8;
	[tilespmem:$0x5208] =	vst v63  }
0x20a: {  	s10 =	sld [smem:$0x7AD];
	s24 =	simm.s32 $0x4088  }
0x20b: {  	[tilespmem:s24], [sflag:$0x1] =	stream.indirect.gather [hbm4b:s2+s6], $0x10, s5, s6, $0xb8;
	[tilespmem:$0x5208] =	vst v63  }
0x20c: {  	s7 =	sld [smem:$0x7AE];
	s12 =	simm.s32 $0x4308  }
0x20d: {  	[tilespmem:s12], [sflag:$0x1] =	stream.indirect.gather [hbm4b:s2+s6], $0x10, s10, s6, $0xb8;
	[tilespmem:$0x5208] =	vst v63  }
0x20e: {  	s5 =	simm.s32 $0x4588;
	s10 =	sld [smem:$0x7AF]  }
0x20f: {  	[tilespmem:s5], [sflag:$0x1] =	stream.indirect.gather [hbm4b:s2+s6], $0x10, s7, s6, $0xb8;
	[tilespmem:$0x5208] =	vst v63  }
0x210: {  	s17 =	simm.s32 $0x4808;
	s7 =	sld [smem:$0x7B0]  }
0x211: {  	[tilespmem:s17], [sflag:$0x1] =	stream.indirect.gather [hbm4b:s2+s6], $0x10, s10, s6, $0xb8;
	[tilespmem:$0x5208] =	vst v63  }
0x212: {  	s12 =	sld [smem:$0x7B1];
	s17 =	simm.s32 $0x4A88  }
0x213: {  	[tilespmem:s17], [sflag:$0x1] =	stream.indirect.gather [hbm4b:s2+s6], $0x10, s7, s6, $0xb8;
	[tilespmem:$0x5208] =	vst v63  }
0x214: {  	s26 =	simm.s32 $0x4D08;
	s7 =	sld [smem:$0x7B2]  }
0x215: {  	[tilespmem:s26], [sflag:$0x1] =	stream.indirect.gather [hbm4b:s2+s6], $0x10, s12, s6, $0xb8;
	[tilespmem:$0x5208] =	vst v63  }
0x216: {  	s3 =	simm.s32 $0x4F88;
	s4 =	simm.s32 $0x1  }
0x217: {  	[tilespmem:s3], [sflag:$0x1] =	stream.indirect.gather [hbm4b:s2+s6], $0x10, s7, s6, $0xb8;
	[tilespmem:$0x5208] =	vst v63  }
0x218: {  	_ =	swait.ge [sflag:s4], $0x3E80  }
0x219: {  	s26 =	simm.s32 $0x0;
	[sflag:s4] =	ssyncset.done $0x0  }
0x21a: {  	s8 =	rddreg [dreg:$0x5];
	[sflag:s4] =	ssyncadd.s32 $0xFFFFC180;
	s4 =	simm.s32 $0x2  }
0x21b: {  	[hbm4b:s8+s26] =	stream.linear.scatter [tilespmem:s1], [sflag:$0x2], $0x3E80, $0x38;
	[tilespmem:$0x5208] =	vst v63  }
0x21c: {  	_ =	swait.ge [sflag:s4], $0x3E80  }
0x21d: {  	s26 =	sld [smem:$0x7B3]  }
0x21e: {  	[sflag:s4] =	ssyncset.done $0x0  }
0x21f: {  	s8 =	sld [smem:$0x7B4];
	[sflag:s4] =	ssyncadd.s32 $0xFFFFC180  }
0x220: {  	[tilespmem:s1], [sflag:$0x1] =	stream.indirect.gather [hbm4b:s2+s6], $0x10, s26, s6, $0xb8;
	[tilespmem:$0x5208] =	vst v63  }
0x221: {  	s31 =	simm.s32 $0x1608;
	s26 =	sld [smem:$0x7B5]  }
0x222: {  	[tilespmem:s31], [sflag:$0x1] =	stream.indirect.gather [hbm4b:s2+s6], $0x10, s8, s6, $0xb8;
	[tilespmem:$0x5208] =	vst v63  }
0x223: {  	s9 =	simm.s32 $0x1888;
	s8 =	sld [smem:$0x7B6]  }
0x224: {  	[tilespmem:s9], [sflag:$0x1] =	stream.indirect.gather [hbm4b:s2+s6], $0x10, s26, s6, $0xb8;
	[tilespmem:$0x5208] =	vst v63  }
0x225: {  	s14 =	simm.s32 $0x1B08;
	s26 =	sld [smem:$0x7B7]  }
0x226: {  	[tilespmem:s14], [sflag:$0x1] =	stream.indirect.gather [hbm4b:s2+s6], $0x10, s8, s6, $0xb8;
	[tilespmem:$0x5208] =	vst v63  }
0x227: {  	s25 =	simm.s32 $0x1D88;
	s9 =	sld [smem:$0x7B8]  }
0x228: {  	[tilespmem:s25], [sflag:$0x1] =	stream.indirect.gather [hbm4b:s2+s6], $0x10, s26, s6, $0xb8;
	[tilespmem:$0x5208] =	vst v63  }
0x229: {  	s26 =	sld [smem:$0x7B9]  }
0x22a: {  	[tilespmem:s15], [sflag:$0x1] =	stream.indirect.gather [hbm4b:s2+s6], $0x10, s9, s6, $0xb8;
	[tilespmem:$0x5208] =	vst v63  }
0x22b: {  	s9 =	sld [smem:$0x7BA]  }
0x22c: {  	[tilespmem:s16], [sflag:$0x1] =	stream.indirect.gather [hbm4b:s2+s6], $0x10, s26, s6, $0xb8;
	[tilespmem:$0x5208] =	vst v63  }
0x22d: {  	s26 =	sld [smem:$0x7BB]  }
0x22e: {  	[tilespmem:s18], [sflag:$0x1] =	stream.indirect.gather [hbm4b:s2+s6], $0x10, s9, s6, $0xb8;
	[tilespmem:$0x5208] =	vst v63  }
0x22f: {  	s9 =	sld [smem:$0x7BC]  }
0x230: {  	[tilespmem:s19], [sflag:$0x1] =	stream.indirect.gather [hbm4b:s2+s6], $0x10, s26, s6, $0xb8;
	[tilespmem:$0x5208] =	vst v63  }
0x231: {  	s26 =	sld [smem:$0x7BD]  }
0x232: {  	[tilespmem:s20], [sflag:$0x1] =	stream.indirect.gather [hbm4b:s2+s6], $0x10, s9, s6, $0xb8;
	[tilespmem:$0x5208] =	vst v63  }
0x233: {  	s9 =	sld [smem:$0x7BE]  }
0x234: {  	[tilespmem:s21], [sflag:$0x1] =	stream.indirect.gather [hbm4b:s2+s6], $0x10, s26, s6, $0xb8;
	[tilespmem:$0x5208] =	vst v63  }
0x235: {  	s26 =	sld [smem:$0x7BF]  }
0x236: {  	[tilespmem:s22], [sflag:$0x1] =	stream.indirect.gather [hbm4b:s2+s6], $0x10, s9, s6, $0xb8;
	[tilespmem:$0x5208] =	vst v63  }
0x237: {  	s28 =	simm.s32 $0x3188;
	s9 =	sld [smem:$0x7C0]  }
0x238: {  	[tilespmem:s28], [sflag:$0x1] =	stream.indirect.gather [hbm4b:s2+s6], $0x10, s26, s6, $0xb8;
	[tilespmem:$0x5208] =	vst v63  }
0x239: {  	s11 =	simm.s32 $0x3408;
	s28 =	sld [smem:$0x7C1]  }
0x23a: {  	[tilespmem:s11], [sflag:$0x1] =	stream.indirect.gather [hbm4b:s2+s6], $0x10, s9, s6, $0xb8;
	[tilespmem:$0x5208] =	vst v63  }
0x23b: {  	s8 =	sld [smem:$0x7C2]  }
0x23c: {  	[tilespmem:s29], [sflag:$0x1] =	stream.indirect.gather [hbm4b:s2+s6], $0x10, s28, s6, $0xb8;
	[tilespmem:$0x5208] =	vst v63  }
0x23d: {  	s13 =	simm.s32 $0x3908;
	s9 =	sld [smem:$0x7C3]  }
0x23e: {  	[tilespmem:s13], [sflag:$0x1] =	stream.indirect.gather [hbm4b:s2+s6], $0x10, s8, s6, $0xb8;
	[tilespmem:$0x5208] =	vst v63  }
0x23f: {  	s29 =	sld [smem:$0x7C4]  }
0x240: {  	[tilespmem:s30], [sflag:$0x1] =	stream.indirect.gather [hbm4b:s2+s6], $0x10, s9, s6, $0xb8;
	[tilespmem:$0x5208] =	vst v63  }
0x241: {  	s9 =	sld [smem:$0x7C5]  }
0x242: {  	[tilespmem:s23], [sflag:$0x1] =	stream.indirect.gather [hbm4b:s2+s6], $0x10, s29, s6, $0xb8;
	[tilespmem:$0x5208] =	vst v63  }
0x243: {  	s23 =	sld [smem:$0x7C6]  }
0x244: {  	[tilespmem:s24], [sflag:$0x1] =	stream.indirect.gather [hbm4b:s2+s6], $0x10, s9, s6, $0xb8;
	[tilespmem:$0x5208] =	vst v63  }
0x245: {  	s30 =	simm.s32 $0x4308;
	s29 =	sld [smem:$0x7C7]  }
0x246: {  	[tilespmem:s30], [sflag:$0x1] =	stream.indirect.gather [hbm4b:s2+s6], $0x10, s23, s6, $0xb8;
	[tilespmem:$0x5208] =	vst v63  }
0x247: {  	s9 =	sld [smem:$0x7C8]  }
0x248: {  	[tilespmem:s5], [sflag:$0x1] =	stream.indirect.gather [hbm4b:s2+s6], $0x10, s29, s6, $0xb8;
	[tilespmem:$0x5208] =	vst v63  }
0x249: {  	s10 =	simm.s32 $0x4808;
	s29 =	sld [smem:$0x7C9]  }
0x24a: {  	[tilespmem:s10], [sflag:$0x1] =	stream.indirect.gather [hbm4b:s2+s6], $0x10, s9, s6, $0xb8;
	[tilespmem:$0x5208] =	vst v63  }
0x24b: {  	s30 =	sld [smem:$0x7CA]  }
0x24c: {  	[tilespmem:s17], [sflag:$0x1] =	stream.indirect.gather [hbm4b:s2+s6], $0x10, s29, s6, $0xb8;
	[tilespmem:$0x5208] =	vst v63  }
0x24d: {  	s12 =	simm.s32 $0x4D08;
	s5 =	sld [smem:$0x7CB]  }
0x24e: {  	[tilespmem:s12], [sflag:$0x1] =	stream.indirect.gather [hbm4b:s2+s6], $0x10, s30, s6, $0xb8;
	[tilespmem:$0x5208] =	vst v63  }
0x24f: {  	s3 =	simm.s32 $0x4F88;
	s11 =	simm.s32 $0x1  }
0x250: {  	[tilespmem:s3], [sflag:$0x1] =	stream.indirect.gather [hbm4b:s2+s6], $0x10, s5, s6, $0xb8;
	[tilespmem:$0x5208] =	vst v63  }
0x251: {  	_ =	swait.ge [sflag:s11], $0x3E80  }
0x252: {  	[sflag:s11] =	ssyncset.done $0x0  }
0x253: {  	s12 =	simm.s32 $0x0;
	s8 =	rddreg [dreg:$0x6];
	[sflag:s11] =	ssyncadd.s32 $0xFFFFC180  }
0x254: {  	[hbm4b:s8+s12] =	stream.linear.scatter [tilespmem:s1], [sflag:$0x2], $0x3E80, $0x38;
	[tilespmem:$0x5208] =	vst v63  }
0x255: {  	_ =	swait.ge [sflag:s4], $0x3E80  }
0x256: {  	s30 =	sld [smem:$0x7CC]  }
0x257: {  	[sflag:s4] =	ssyncset.done $0x0  }
0x258: {  	s3 =	sld [smem:$0x7CD];
	[sflag:s4] =	ssyncadd.s32 $0xFFFFC180  }
0x259: {  	[tilespmem:s1], [sflag:$0x1] =	stream.indirect.gather [hbm4b:s2+s6], $0x10, s30, s6, $0xb8;
	[tilespmem:$0x5208] =	vst v63  }
0x25a: {  	s5 =	simm.s32 $0x1608;
	s7 =	sld [smem:$0x7CE]  }
0x25b: {  	[tilespmem:s5], [sflag:$0x1] =	stream.indirect.gather [hbm4b:s2+s6], $0x10, s3, s6, $0xb8;
	[tilespmem:$0x5208] =	vst v63  }
0x25c: {  	s12 =	sld [smem:$0x7CF];
	s30 =	simm.s32 $0x1888  }
0x25d: {  	[tilespmem:s30], [sflag:$0x1] =	stream.indirect.gather [hbm4b:s2+s6], $0x10, s7, s6, $0xb8;
	[tilespmem:$0x5208] =	vst v63  }
0x25e: {  	s14 =	simm.s32 $0x1B08;
	s5 =	sld [smem:$0x7D0]  }
0x25f: {  	[tilespmem:s14], [sflag:$0x1] =	stream.indirect.gather [hbm4b:s2+s6], $0x10, s12, s6, $0xb8;
	[tilespmem:$0x5208] =	vst v63  }
0x260: {  	s25 =	simm.s32 $0x1D88;
	s14 =	sld [smem:$0x7D1]  }
0x261: {  	[tilespmem:s25], [sflag:$0x1] =	stream.indirect.gather [hbm4b:s2+s6], $0x10, s5, s6, $0xb8;
	[tilespmem:$0x5208] =	vst v63  }
0x262: {  	s15 =	simm.s32 $0x2008;
	s30 =	sld [smem:$0x7D2]  }
0x263: {  	[tilespmem:s15], [sflag:$0x1] =	stream.indirect.gather [hbm4b:s2+s6], $0x10, s14, s6, $0xb8;
	[tilespmem:$0x5208] =	vst v63  }
0x264: {  	s16 =	simm.s32 $0x2288;
	s3 =	sld [smem:$0x7D3]  }
0x265: {  	[tilespmem:s16], [sflag:$0x1] =	stream.indirect.gather [hbm4b:s2+s6], $0x10, s30, s6, $0xb8;
	[tilespmem:$0x5208] =	vst v63  }
0x266: {  	s18 =	simm.s32 $0x2508;
	s25 =	sld [smem:$0x7D4]  }
0x267: {  	[tilespmem:s18], [sflag:$0x1] =	stream.indirect.gather [hbm4b:s2+s6], $0x10, s3, s6, $0xb8;
	[tilespmem:$0x5208] =	vst v63  }
0x268: {  	s19 =	simm.s32 $0x2788;
	s30 =	sld [smem:$0x7D5]  }
0x269: {  	[tilespmem:s19], [sflag:$0x1] =	stream.indirect.gather [hbm4b:s2+s6], $0x10, s25, s6, $0xb8;
	[tilespmem:$0x5208] =	vst v63  }
0x26a: {  	s20 =	simm.s32 $0x2A08;
	s3 =	sld [smem:$0x7D6]  }
0x26b: {  	[tilespmem:s20], [sflag:$0x1] =	stream.indirect.gather [hbm4b:s2+s6], $0x10, s30, s6, $0xb8;
	[tilespmem:$0x5208] =	vst v63  }
0x26c: {  	s21 =	simm.s32 $0x2C88;
	s25 =	sld [smem:$0x7D7]  }
0x26d: {  	[tilespmem:s21], [sflag:$0x1] =	stream.indirect.gather [hbm4b:s2+s6], $0x10, s3, s6, $0xb8;
	[tilespmem:$0x5208] =	vst v63  }
0x26e: {  	s22 =	simm.s32 $0x2F08;
	s30 =	sld [smem:$0x7D8]  }
0x26f: {  	[tilespmem:s22], [sflag:$0x1] =	stream.indirect.gather [hbm4b:s2+s6], $0x10, s25, s6, $0xb8;
	[tilespmem:$0x5208] =	vst v63  }
0x270: {  	s26 =	simm.s32 $0x3188;
	s3 =	sld [smem:$0x7D9]  }
0x271: {  	[tilespmem:s26], [sflag:$0x1] =	stream.indirect.gather [hbm4b:s2+s6], $0x10, s30, s6, $0xb8;
	[tilespmem:$0x5208] =	vst v63  }
0x272: {  	s25 =	simm.s32 $0x3408;
	s30 =	sld [smem:$0x7DA]  }
0x273: {  	[tilespmem:s25], [sflag:$0x1] =	stream.indirect.gather [hbm4b:s2+s6], $0x10, s3, s6, $0xb8;
	[tilespmem:$0x5208] =	vst v63  }
0x274: {  	s28 =	simm.s32 $0x3688;
	s26 =	sld [smem:$0x7DB]  }
0x275: {  	[tilespmem:s28], [sflag:$0x1] =	stream.indirect.gather [hbm4b:s2+s6], $0x10, s30, s6, $0xb8;
	[tilespmem:$0x5208] =	vst v63  }
0x276: {  	s31 =	simm.s32 $0x3908;
	s28 =	sld [smem:$0x7DC]  }
0x277: {  	[tilespmem:s31], [sflag:$0x1] =	stream.indirect.gather [hbm4b:s2+s6], $0x10, s26, s6, $0xb8;
	[tilespmem:$0x5208] =	vst v63  }
0x278: {  	s13 =	simm.s32 $0x3B88;
	s3 =	sld [smem:$0x7DD]  }
0x279: {  	[tilespmem:s13], [sflag:$0x1] =	stream.indirect.gather [hbm4b:s2+s6], $0x10, s28, s6, $0xb8;
	[tilespmem:$0x5208] =	vst v63  }
0x27a: {  	s13 =	sld [smem:$0x7DE];
	s28 =	simm.s32 $0x3E08  }
0x27b: {  	[tilespmem:s28], [sflag:$0x1] =	stream.indirect.gather [hbm4b:s2+s6], $0x10, s3, s6, $0xb8;
	[tilespmem:$0x5208] =	vst v63  }
0x27c: {  	s24 =	simm.s32 $0x4088;
	s3 =	sld [smem:$0x7DF]  }
0x27d: {  	[tilespmem:s24], [sflag:$0x1] =	stream.indirect.gather [hbm4b:s2+s6], $0x10, s13, s6, $0xb8;
	[tilespmem:$0x5208] =	vst v63  }
0x27e: {  	s13 =	sld [smem:$0x7E0];
	s24 =	simm.s32 $0x4308  }
0x27f: {  	[tilespmem:s24], [sflag:$0x1] =	stream.indirect.gather [hbm4b:s2+s6], $0x10, s3, s6, $0xb8;
	[tilespmem:$0x5208] =	vst v63  }
0x280: {  	s23 =	simm.s32 $0x4588;
	s3 =	sld [smem:$0x7E1]  }
0x281: {  	[tilespmem:s23], [sflag:$0x1] =	stream.indirect.gather [hbm4b:s2+s6], $0x10, s13, s6, $0xb8;
	[tilespmem:$0x5208] =	vst v63  }
0x282: {  	s9 =	simm.s32 $0x4808;
	s24 =	sld [smem:$0x7E2]  }
0x283: {  	[tilespmem:s9], [sflag:$0x1] =	stream.indirect.gather [hbm4b:s2+s6], $0x10, s3, s6, $0xb8;
	[tilespmem:$0x5208] =	vst v63  }
0x284: {  	s10 =	simm.s32 $0x4A88;
	s9 =	sld [smem:$0x7E3]  }
0x285: {  	[tilespmem:s10], [sflag:$0x1] =	stream.indirect.gather [hbm4b:s2+s6], $0x10, s24, s6, $0xb8;
	[tilespmem:$0x5208] =	vst v63  }
0x286: {  	s29 =	simm.s32 $0x4D08;
	s10 =	sld [smem:$0x7E4]  }
0x287: {  	[tilespmem:s29], [sflag:$0x1] =	stream.indirect.gather [hbm4b:s2+s6], $0x10, s9, s6, $0xb8;
	[tilespmem:$0x5208] =	vst v63  }
0x288: {  	s17 =	simm.s32 $0x4F88  }
0x289: {  	[tilespmem:s17], [sflag:$0x1] =	stream.indirect.gather [hbm4b:s2+s6], $0x10, s10, s6, $0xb8;
	[tilespmem:$0x5208] =	vst v63  }
0x28a: {  	_ =	swait.ge [sflag:s11], $0x3E80  }
0x28b: {  	[sflag:s11] =	ssyncset.done $0x0  }
0x28c: {  	s29 =	simm.s32 $0x0;
	s17 =	rddreg [dreg:$0x7];
	[sflag:s11] =	ssyncadd.s32 $0xFFFFC180  }
0x28d: {  	[hbm4b:s17+s29] =	stream.linear.scatter [tilespmem:s1], [sflag:$0x2], $0x3E80, $0x38;
	[tilespmem:$0x5208] =	vst v63  }
0x28e: {  	_ =	swait.ge [sflag:s4], $0x3E80  }
0x28f: {  	s8 =	sld [smem:$0x7E5]  }
0x290: {  	[sflag:s4] =	ssyncset.done $0x0  }
0x291: {  	s17 =	sld [smem:$0x7E6];
	[sflag:s4] =	ssyncadd.s32 $0xFFFFC180  }
0x292: {  	[tilespmem:s1], [sflag:$0x1] =	stream.indirect.gather [hbm4b:s2+s6], $0x10, s8, s6, $0xb8;
	[tilespmem:$0x5208] =	vst v63  }
0x293: {  	s29 =	simm.s32 $0x1608;
	s7 =	sld [smem:$0x7E7]  }
0x294: {  	[tilespmem:s29], [sflag:$0x1] =	stream.indirect.gather [hbm4b:s2+s6], $0x10, s17, s6, $0xb8;
	[tilespmem:$0x5208] =	vst v63  }
0x295: {  	s8 =	sld [smem:$0x7E8];
	s17 =	simm.s32 $0x1888  }
0x296: {  	[tilespmem:s17], [sflag:$0x1] =	stream.indirect.gather [hbm4b:s2+s6], $0x10, s7, s6, $0xb8;
	[tilespmem:$0x5208] =	vst v63  }
0x297: {  	s12 =	simm.s32 $0x1B08;
	s29 =	sld [smem:$0x7E9]  }
0x298: {  	[tilespmem:s12], [sflag:$0x1] =	stream.indirect.gather [hbm4b:s2+s6], $0x10, s8, s6, $0xb8;
	[tilespmem:$0x5208] =	vst v63  }
0x299: {  	s5 =	simm.s32 $0x1D88;
	s1 =	sld [smem:$0x7EA]  }
0x29a: {  	[tilespmem:s5], [sflag:$0x1] =	stream.indirect.gather [hbm4b:s2+s6], $0x10, s29, s6, $0xb8;
	[tilespmem:$0x5208] =	vst v63  }
0x29b: {  	s14 =	simm.s32 $0x2008;
	s12 =	sld [smem:$0x7EB]  }
0x29c: {  	[tilespmem:s14], [sflag:$0x1] =	stream.indirect.gather [hbm4b:s2+s6], $0x10, s1, s6, $0xb8;
	[tilespmem:$0x5208] =	vst v63  }
0x29d: {  	s15 =	simm.s32 $0x2288;
	s14 =	sld [smem:$0x7EC]  }
0x29e: {  	[tilespmem:s15], [sflag:$0x1] =	stream.indirect.gather [hbm4b:s2+s6], $0x10, s12, s6, $0xb8;
	[tilespmem:$0x5208] =	vst v63  }
0x29f: {  	s16 =	simm.s32 $0x2508;
	s17 =	sld [smem:$0x7ED]  }
0x2a0: {  	[tilespmem:s16], [sflag:$0x1] =	stream.indirect.gather [hbm4b:s2+s6], $0x10, s14, s6, $0xb8;
	[tilespmem:$0x5208] =	vst v63  }
0x2a1: {  	s18 =	simm.s32 $0x2788;
	s29 =	sld [smem:$0x7EE]  }
0x2a2: {  	[tilespmem:s18], [sflag:$0x1] =	stream.indirect.gather [hbm4b:s2+s6], $0x10, s17, s6, $0xb8;
	[tilespmem:$0x5208] =	vst v63  }
0x2a3: {  	s19 =	simm.s32 $0x2A08;
	s1 =	sld [smem:$0x7EF]  }
0x2a4: {  	[tilespmem:s19], [sflag:$0x1] =	stream.indirect.gather [hbm4b:s2+s6], $0x10, s29, s6, $0xb8;
	[tilespmem:$0x5208] =	vst v63  }
0x2a5: {  	s20 =	simm.s32 $0x2C88;
	s5 =	sld [smem:$0x7F0]  }
0x2a6: {  	[tilespmem:s20], [sflag:$0x1] =	stream.indirect.gather [hbm4b:s2+s6], $0x10, s1, s6, $0xb8;
	[tilespmem:$0x5208] =	vst v63  }
0x2a7: {  	s21 =	simm.s32 $0x2F08;
	s12 =	sld [smem:$0x7F1]  }
0x2a8: {  	[tilespmem:s21], [sflag:$0x1] =	stream.indirect.gather [hbm4b:s2+s6], $0x10, s5, s6, $0xb8;
	[tilespmem:$0x5208] =	vst v63  }
0x2a9: {  	s22 =	simm.s32 $0x3188;
	s14 =	sld [smem:$0x7F2]  }
0x2aa: {  	[tilespmem:s22], [sflag:$0x1] =	stream.indirect.gather [hbm4b:s2+s6], $0x10, s12, s6, $0xb8;
	[tilespmem:$0x5208] =	vst v63  }
0x2ab: {  	s15 =	sld [smem:$0x7F3];
	s16 =	simm.s32 $0x3408  }
0x2ac: {  	[tilespmem:s16], [sflag:$0x1] =	stream.indirect.gather [hbm4b:s2+s6], $0x10, s14, s6, $0xb8;
	[tilespmem:$0x5208] =	vst v63  }
0x2ad: {  	s25 =	simm.s32 $0x3688;
	s17 =	sld [smem:$0x7F4]  }
0x2ae: {  	[tilespmem:s25], [sflag:$0x1] =	stream.indirect.gather [hbm4b:s2+s6], $0x10, s15, s6, $0xb8;
	[tilespmem:$0x5208] =	vst v63  }
0x2af: {  	s30 =	simm.s32 $0x3908;
	s18 =	sld [smem:$0x7F5]  }
0x2b0: {  	[tilespmem:s30], [sflag:$0x1] =	stream.indirect.gather [hbm4b:s2+s6], $0x10, s17, s6, $0xb8;
	[tilespmem:$0x5208] =	vst v63  }
0x2b1: {  	s26 =	simm.s32 $0x3B88;
	s19 =	sld [smem:$0x7F6]  }
0x2b2: {  	[tilespmem:s26], [sflag:$0x1] =	stream.indirect.gather [hbm4b:s2+s6], $0x10, s18, s6, $0xb8;
	[tilespmem:$0x5208] =	vst v63  }
0x2b3: {  	s31 =	simm.s32 $0x3E08;
	s20 =	sld [smem:$0x7F7]  }
0x2b4: {  	[tilespmem:s31], [sflag:$0x1] =	stream.indirect.gather [hbm4b:s2+s6], $0x10, s19, s6, $0xb8;
	[tilespmem:$0x5208] =	vst v63  }
0x2b5: {  	s28 =	simm.s32 $0x4088;
	s21 =	sld [smem:$0x7F8]  }
0x2b6: {  	[tilespmem:s28], [sflag:$0x1] =	stream.indirect.gather [hbm4b:s2+s6], $0x10, s20, s6, $0xb8;
	[tilespmem:$0x5208] =	vst v63  }
0x2b7: {  	s9 =	simm.s32 $0x4308;
	s22 =	sld [smem:$0x7F9]  }
0x2b8: {  	[tilespmem:s9], [sflag:$0x1] =	stream.indirect.gather [hbm4b:s2+s6], $0x10, s21, s6, $0xb8;
	[tilespmem:$0x5208] =	vst v63  }
0x2b9: {  	s13 =	simm.s32 $0x4588;
	s25 =	sld [smem:$0x7FA]  }
0x2ba: {  	[tilespmem:s13], [sflag:$0x1] =	stream.indirect.gather [hbm4b:s2+s6], $0x10, s22, s6, $0xb8;
	[tilespmem:$0x5208] =	vst v63  }
0x2bb: {  	s3 =	simm.s32 $0x4808;
	s26 =	sld [smem:$0x7FB]  }
0x2bc: {  	[tilespmem:s3], [sflag:$0x1] =	stream.indirect.gather [hbm4b:s2+s6], $0x10, s25, s6, $0xb8;
	[tilespmem:$0x5208] =	vst v63  }
0x2bd: {  	s23 =	simm.s32 $0x4A88;
	s28 =	sld [smem:$0x7FC]  }
0x2be: {  	[tilespmem:s23], [sflag:$0x1] =	stream.indirect.gather [hbm4b:s2+s6], $0x10, s26, s6, $0xb8;
	[tilespmem:$0x5208] =	vst v63  }
0x2bf: {  	s24 =	simm.s32 $0x4D08;
	s29 =	sld [smem:$0x7FD]  }
0x2c0: {  	[tilespmem:s24], [sflag:$0x1] =	stream.indirect.gather [hbm4b:s2+s6], $0x10, s28, s6, $0xb8;
	[tilespmem:$0x5208] =	vst v63  }
0x2c1: {  	s10 =	simm.s32 $0x4F88  }
0x2c2: {  	[tilespmem:s10], [sflag:$0x1] =	stream.indirect.gather [hbm4b:s2+s6], $0x10, s29, s6, $0xb8;
	[tilespmem:$0x5208] =	vst v63  }
0x2c3: {  	p1 =	sne.s32 s0, $0x1;
	_ =	swait.ge [sflag:s11], $0x3E80  }
.Ltmp2:
0x2c4: {  	s8 =	simm.s32 $0x0;
	[sflag:s11] =	ssyncset.done $0x0;
	(pc) =	sbr.rel @p1 .LBB2_2-.Ltmp2, $4  }
0x2c5: {  	s31 =	simm.s32 $0x1388;
	s30 =	rddreg [dreg:$0x8];
	[sflag:s11] =	ssyncadd.s32 $0xFFFFC180  }
0x2c6: {  	[hbm4b:s30+s8] =	stream.linear.scatter [tilespmem:s31], [sflag:$0x2], $0x3E80, $0x38;
	[tilespmem:$0x5208] =	vst v63  }
0x2c7: {  	_ =	swait.ge [sflag:s4], $0x3E80  }
0x2c8: {  	s0 =	sadd.s32 $0xFFFFFFFF, s0;
	s7 =	rddreg [dreg:$0x3];
	[sflag:s4] =	ssyncset.done $0x0  }
.LBB2_3:
0x2c9: {  	[sflag:s4] =	ssyncadd.s32 @p0 $0xFFFFC180;
	s24 =	simm.s32 $0x0  }
0x2ca: {  	[tilespmem:s24], [sflag:$0x2] =	stream.linear.gather [hbm4b:s7+s24], $0x1388, $0x38;
	[tilespmem:$0x5208] =	vst v63  }
0x2cb: {  	_ =	swait.ge [sflag:s4], $0x1388  }
0x2cc: {  	[sflag:s4] =	ssyncset.done $0x0  }
0x2cd: {  	[sflag:s4] =	ssyncadd.s32 $0xFFFFEC78  }
0x2ce: {  	[tilespmem:s31], [sflag:$0x1] =	stream.indirect.gather [hbm4b:s2+s6], $0x10, s24, s6, $0xb8;
	[tilespmem:$0x5208] =	vst v63  }
0x2cf: {  	s1 =	simm.s32 $0x1608  }
0x2d0: {  	[tilespmem:s1], [sflag:$0x1] =	stream.indirect.gather [hbm4b:s2+s6], $0x10, s6, s6, $0xb8;
	[tilespmem:$0x5208] =	vst v63  }
0x2d1: {  	s21 =	simm.s32 $0x1888;
	s0 =	rddreg [dreg:$0x9]  }
0x2d2: {  	[tilespmem:s21], [sflag:$0x1] =	stream.indirect.gather [hbm4b:s2+s6], $0x10, s0, s6, $0xb8;
	[tilespmem:$0x5208] =	vst v63  }
0x2d3: {  	s23 =	simm.s32 $0x1B08;
	s20 =	rddreg [dreg:$0xa]  }
0x2d4: {  	[tilespmem:s23], [sflag:$0x1] =	stream.indirect.gather [hbm4b:s2+s6], $0x10, s20, s6, $0xb8;
	[tilespmem:$0x5208] =	vst v63  }
0x2d5: {  	s26 =	simm.s32 $0x1D88;
	s22 =	rddreg [dreg:$0xb]  }
0x2d6: {  	[tilespmem:s26], [sflag:$0x1] =	stream.indirect.gather [hbm4b:s2+s6], $0x10, s22, s6, $0xb8;
	[tilespmem:$0x5208] =	vst v63  }
0x2d7: {  	s29 =	simm.s32 $0x2008;
	s25 =	rddreg [dreg:$0xc]  }
0x2d8: {  	[tilespmem:s29], [sflag:$0x1] =	stream.indirect.gather [hbm4b:s2+s6], $0x10, s25, s6, $0xb8;
	[tilespmem:$0x5208] =	vst v63  }
0x2d9: {  	s28 =	rddreg [dreg:$0xd];
	s31 =	simm.s32 $0x2288  }
0x2da: {  	[tilespmem:s31], [sflag:$0x1] =	stream.indirect.gather [hbm4b:s2+s6], $0x10, s28, s6, $0xb8;
	[tilespmem:$0x5208] =	vst v63  }
0x2db: {  	s5 =	simm.s32 $0x2508;
	s30 =	rddreg [dreg:$0xe]  }
0x2dc: {  	[tilespmem:s5], [sflag:$0x1] =	stream.indirect.gather [hbm4b:s2+s6], $0x10, s30, s6, $0xb8;
	[tilespmem:$0x5208] =	vst v63  }
0x2dd: {  	s12 =	simm.s32 $0x2788;
	s3 =	rddreg [dreg:$0xf]  }
0x2de: {  	[tilespmem:s12], [sflag:$0x1] =	stream.indirect.gather [hbm4b:s2+s6], $0x10, s3, s6, $0xb8;
	[tilespmem:$0x5208] =	vst v63  }
0x2df: {  	s14 =	simm.s32 $0x2A08;
	s10 =	rddreg [dreg:$0x10]  }
0x2e0: {  	[tilespmem:s14], [sflag:$0x1] =	stream.indirect.gather [hbm4b:s2+s6], $0x10, s10, s6, $0xb8;
	[tilespmem:$0x5208] =	vst v63  }
0x2e1: {  	s16 =	simm.s32 $0x2C88;
	s13 =	rddreg [dreg:$0x11]  }
0x2e2: {  	[tilespmem:s16], [sflag:$0x1] =	stream.indirect.gather [hbm4b:s2+s6], $0x10, s13, s6, $0xb8;
	[tilespmem:$0x5208] =	vst v63  }
0x2e3: {  	s18 =	simm.s32 $0x2F08;
	s15 =	rddreg [dreg:$0x12]  }
0x2e4: {  	[tilespmem:s18], [sflag:$0x1] =	stream.indirect.gather [hbm4b:s2+s6], $0x10, s15, s6, $0xb8;
	[tilespmem:$0x5208] =	vst v63  }
0x2e5: {  	s17 =	rddreg [dreg:$0x13];
	s20 =	simm.s32 $0x3188  }
0x2e6: {  	[tilespmem:s20], [sflag:$0x1] =	stream.indirect.gather [hbm4b:s2+s6], $0x10, s17, s6, $0xb8;
	[tilespmem:$0x5208] =	vst v63  }
0x2e7: {  	s19 =	rddreg [dreg:$0x14];
	s22 =	simm.s32 $0x3408  }
0x2e8: {  	[tilespmem:s22], [sflag:$0x1] =	stream.indirect.gather [hbm4b:s2+s6], $0x10, s19, s6, $0xb8;
	[tilespmem:$0x5208] =	vst v63  }
0x2e9: {  	s21 =	rddreg [dreg:$0x15];
	s25 =	simm.s32 $0x3688  }
0x2ea: {  	[tilespmem:s25], [sflag:$0x1] =	stream.indirect.gather [hbm4b:s2+s6], $0x10, s21, s6, $0xb8;
	[tilespmem:$0x5208] =	vst v63  }
0x2eb: {  	s23 =	rddreg [dreg:$0x16];
	s28 =	simm.s32 $0x3908  }
0x2ec: {  	[tilespmem:s28], [sflag:$0x1] =	stream.indirect.gather [hbm4b:s2+s6], $0x10, s23, s6, $0xb8;
	[tilespmem:$0x5208] =	vst v63  }
0x2ed: {  	s26 =	rddreg [dreg:$0x17];
	s30 =	simm.s32 $0x3B88  }
0x2ee: {  	[tilespmem:s30], [sflag:$0x1] =	stream.indirect.gather [hbm4b:s2+s6], $0x10, s26, s6, $0xb8;
	[tilespmem:$0x5208] =	vst v63  }
0x2ef: {  	s29 =	rddreg [dreg:$0x18];
	s3 =	simm.s32 $0x3E08  }
0x2f0: {  	[tilespmem:s3], [sflag:$0x1] =	stream.indirect.gather [hbm4b:s2+s6], $0x10, s29, s6, $0xb8;
	[tilespmem:$0x5208] =	vst v63  }
0x2f1: {  	s31 =	rddreg [dreg:$0x19];
	s10 =	simm.s32 $0x4088  }
0x2f2: {  	[tilespmem:s10], [sflag:$0x1] =	stream.indirect.gather [hbm4b:s2+s6], $0x10, s31, s6, $0xb8;
	[tilespmem:$0x5208] =	vst v63  }
0x2f3: {  	s5 =	rddreg [dreg:$0x1a];
	s3 =	simm.s32 $0x4308  }
0x2f4: {  	[tilespmem:s3], [sflag:$0x1] =	stream.indirect.gather [hbm4b:s2+s6], $0x10, s5, s6, $0xb8;
	[tilespmem:$0x5208] =	vst v63  }
0x2f5: {  	s12 =	rddreg [dreg:$0x1b];
	s14 =	simm.s32 $0x4588  }
0x2f6: {  	[tilespmem:s14], [sflag:$0x1] =	stream.indirect.gather [hbm4b:s2+s6], $0x10, s12, s6, $0xb8;
	[tilespmem:$0x5208] =	vst v63  }
0x2f7: {  	s13 =	rddreg [dreg:$0x1c];
	s16 =	simm.s32 $0x4808  }
0x2f8: {  	[tilespmem:s16], [sflag:$0x1] =	stream.indirect.gather [hbm4b:s2+s6], $0x10, s13, s6, $0xb8;
	[tilespmem:$0x5208] =	vst v63  }
0x2f9: {  	s15 =	rddreg [dreg:$0x1d];
	s19 =	simm.s32 $0x4A88  }
0x2fa: {  	[tilespmem:s19], [sflag:$0x1] =	stream.indirect.gather [hbm4b:s2+s6], $0x10, s15, s6, $0xb8;
	[tilespmem:$0x5208] =	vst v63  }
0x2fb: {  	s18 =	rddreg [dreg:$0x1e];
	s22 =	simm.s32 $0x4D08  }
0x2fc: {  	[tilespmem:s22], [sflag:$0x1] =	stream.indirect.gather [hbm4b:s2+s6], $0x10, s18, s6, $0xb8;
	[tilespmem:$0x5208] =	vst v63  }
0x2fd: {  	s21 =	rddreg [dreg:$0x1f];
	s23 =	simm.s32 $0x4F88  }
0x2fe: {  	[tilespmem:s23], [sflag:$0x1] =	stream.indirect.gather [hbm4b:s2+s6], $0x10, s21, s6, $0xb8;
	[tilespmem:$0x5208] =	vst v63  }
0x2ff: {  	_ =	swait.ge [sflag:s11], $0x3E80  }
0x300: {  	[sflag:s11] =	ssyncset.done $0x0  }
0x301: {  	s17 =	simm.s32 $0x1388;
	s26 =	rddreg [dreg:$0x4];
	[sflag:s11] =	ssyncadd.s32 $0xFFFFC180  }
0x302: {  	[hbm4b:s26+s24] =	stream.linear.scatter [tilespmem:s17], [sflag:$0x2], $0x3E80, $0x38;
	[tilespmem:$0x5208] =	vst v63  }
0x303: {  	_ =	swait.ge [sflag:s4], $0x3E80  }
0x304: {  	s30 =	sld [smem:$0x79A]  }
0x305: {  	[sflag:s4] =	ssyncset.done $0x0  }
0x306: {  	s31 =	sld [smem:$0x79B];
	[sflag:s4] =	ssyncadd.s32 $0xFFFFC180  }
0x307: {  	[tilespmem:s17], [sflag:$0x1] =	stream.indirect.gather [hbm4b:s2+s6], $0x10, s30, s6, $0xb8;
	[tilespmem:$0x5208] =	vst v63  }
0x308: {  	s5 =	simm.s32 $0x1608;
	s1 =	sld [smem:$0x79C]  }
0x309: {  	[tilespmem:s5], [sflag:$0x1] =	stream.indirect.gather [hbm4b:s2+s6], $0x10, s31, s6, $0xb8;
	[tilespmem:$0x5208] =	vst v63  }
0x30a: {  	s3 =	simm.s32 $0x1888;
	s10 =	sld [smem:$0x79D]  }
0x30b: {  	[tilespmem:s3], [sflag:$0x1] =	stream.indirect.gather [hbm4b:s2+s6], $0x10, s1, s6, $0xb8;
	[tilespmem:$0x5208] =	vst v63  }
0x30c: {  	s8 =	simm.s32 $0x1B08;
	s12 =	sld [smem:$0x79E]  }
0x30d: {  	[tilespmem:s8], [sflag:$0x1] =	stream.indirect.gather [hbm4b:s2+s6], $0x10, s10, s6, $0xb8;
	[tilespmem:$0x5208] =	vst v63  }
0x30e: {  	s9 =	simm.s32 $0x1D88;
	s13 =	sld [smem:$0x79F]  }
0x30f: {  	[tilespmem:s9], [sflag:$0x1] =	stream.indirect.gather [hbm4b:s2+s6], $0x10, s12, s6, $0xb8;
	[tilespmem:$0x5208] =	vst v63  }
0x310: {  	s14 =	sld [smem:$0x7A0];
	s8 =	simm.s32 $0x2008  }
0x311: {  	[tilespmem:s8], [sflag:$0x1] =	stream.indirect.gather [hbm4b:s2+s6], $0x10, s13, s6, $0xb8;
	[tilespmem:$0x5208] =	vst v63  }
0x312: {  	s15 =	sld [smem:$0x7A1];
	s9 =	simm.s32 $0x2288  }
0x313: {  	[tilespmem:s9], [sflag:$0x1] =	stream.indirect.gather [hbm4b:s2+s6], $0x10, s14, s6, $0xb8;
	[tilespmem:$0x5208] =	vst v63  }
0x314: {  	s16 =	sld [smem:$0x7A2];
	s10 =	simm.s32 $0x2508  }
0x315: {  	[tilespmem:s10], [sflag:$0x1] =	stream.indirect.gather [hbm4b:s2+s6], $0x10, s15, s6, $0xb8;
	[tilespmem:$0x5208] =	vst v63  }
0x316: {  	s18 =	sld [smem:$0x7A3];
	s12 =	simm.s32 $0x2788  }
0x317: {  	[tilespmem:s12], [sflag:$0x1] =	stream.indirect.gather [hbm4b:s2+s6], $0x10, s16, s6, $0xb8;
	[tilespmem:$0x5208] =	vst v63  }
0x318: {  	s19 =	sld [smem:$0x7A4];
	s13 =	simm.s32 $0x2A08  }
0x319: {  	[tilespmem:s13], [sflag:$0x1] =	stream.indirect.gather [hbm4b:s2+s6], $0x10, s18, s6, $0xb8;
	[tilespmem:$0x5208] =	vst v63  }
0x31a: {  	s21 =	sld [smem:$0x7A5];
	s14 =	simm.s32 $0x2C88  }
0x31b: {  	[tilespmem:s14], [sflag:$0x1] =	stream.indirect.gather [hbm4b:s2+s6], $0x10, s19, s6, $0xb8;
	[tilespmem:$0x5208] =	vst v63  }
0x31c: {  	s22 =	sld [smem:$0x7A6];
	s15 =	simm.s32 $0x2F08  }
0x31d: {  	[tilespmem:s15], [sflag:$0x1] =	stream.indirect.gather [hbm4b:s2+s6], $0x10, s21, s6, $0xb8;
	[tilespmem:$0x5208] =	vst v63  }
0x31e: {  	s23 =	sld [smem:$0x7A7];
	s16 =	simm.s32 $0x3188  }
0x31f: {  	[tilespmem:s16], [sflag:$0x1] =	stream.indirect.gather [hbm4b:s2+s6], $0x10, s22, s6, $0xb8;
	[tilespmem:$0x5208] =	vst v63  }
0x320: {  	s26 =	sld [smem:$0x7A8];
	s18 =	simm.s32 $0x3408  }
0x321: {  	[tilespmem:s18], [sflag:$0x1] =	stream.indirect.gather [hbm4b:s2+s6], $0x10, s23, s6, $0xb8;
	[tilespmem:$0x5208] =	vst v63  }
0x322: {  	s1 =	sld [smem:$0x7A9];
	s19 =	simm.s32 $0x3688  }
0x323: {  	[tilespmem:s19], [sflag:$0x1] =	stream.indirect.gather [hbm4b:s2+s6], $0x10, s26, s6, $0xb8;
	[tilespmem:$0x5208] =	vst v63  }
0x324: {  	s25 =	simm.s32 $0x3908;
	s21 =	sld [smem:$0x7AA]  }
0x325: {  	[tilespmem:s25], [sflag:$0x1] =	stream.indirect.gather [hbm4b:s2+s6], $0x10, s1, s6, $0xb8;
	[tilespmem:$0x5208] =	vst v63  }
0x326: {  	s22 =	sld [smem:$0x7AB];
	s1 =	simm.s32 $0x3B88  }
0x327: {  	[tilespmem:s1], [sflag:$0x1] =	stream.indirect.gather [hbm4b:s2+s6], $0x10, s21, s6, $0xb8;
	[tilespmem:$0x5208] =	vst v63  }
0x328: {  	s23 =	sld [smem:$0x7AC];
	s21 =	simm.s32 $0x3E08  }
0x329: {  	[tilespmem:s21], [sflag:$0x1] =	stream.indirect.gather [hbm4b:s2+s6], $0x10, s22, s6, $0xb8;
	[tilespmem:$0x5208] =	vst v63  }
0x32a: {  	s25 =	sld [smem:$0x7AD];
	s22 =	simm.s32 $0x4088  }
0x32b: {  	[tilespmem:s22], [sflag:$0x1] =	stream.indirect.gather [hbm4b:s2+s6], $0x10, s23, s6, $0xb8;
	[tilespmem:$0x5208] =	vst v63  }
0x32c: {  	s28 =	simm.s32 $0x4308;
	s23 =	sld [smem:$0x7AE]  }
0x32d: {  	[tilespmem:s28], [sflag:$0x1] =	stream.indirect.gather [hbm4b:s2+s6], $0x10, s25, s6, $0xb8;
	[tilespmem:$0x5208] =	vst v63  }
0x32e: {  	s20 =	simm.s32 $0x4588;
	s7 =	sld [smem:$0x7AF]  }
0x32f: {  	[tilespmem:s20], [sflag:$0x1] =	stream.indirect.gather [hbm4b:s2+s6], $0x10, s23, s6, $0xb8;
	[tilespmem:$0x5208] =	vst v63  }
0x330: {  	s25 =	sld [smem:$0x7B0];
	s23 =	simm.s32 $0x4808  }
0x331: {  	[tilespmem:s23], [sflag:$0x1] =	stream.indirect.gather [hbm4b:s2+s6], $0x10, s7, s6, $0xb8;
	[tilespmem:$0x5208] =	vst v63  }
0x332: {  	s20 =	simm.s32 $0x4A88;
	s7 =	sld [smem:$0x7B1]  }
0x333: {  	[tilespmem:s20], [sflag:$0x1] =	stream.indirect.gather [hbm4b:s2+s6], $0x10, s25, s6, $0xb8;
	[tilespmem:$0x5208] =	vst v63  }
0x334: {  	s0 =	sld [smem:$0x7B2];
	s25 =	simm.s32 $0x4D08  }
0x335: {  	[tilespmem:s25], [sflag:$0x1] =	stream.indirect.gather [hbm4b:s2+s6], $0x10, s7, s6, $0xb8;
	[tilespmem:$0x5208] =	vst v63  }
0x336: {  	s29 =	simm.s32 $0x4F88  }
0x337: {  	[tilespmem:s29], [sflag:$0x1] =	stream.indirect.gather [hbm4b:s2+s6], $0x10, s0, s6, $0xb8;
	[tilespmem:$0x5208] =	vst v63  }
0x338: {  	_ =	swait.ge [sflag:s11], $0x3E80  }
0x339: {  	[sflag:s11] =	ssyncset.done $0x0  }
0x33a: {  	s7 =	rddreg [dreg:$0x5];
	[sflag:s11] =	ssyncadd.s32 $0xFFFFC180  }
0x33b: {  	[hbm4b:s7+s24] =	stream.linear.scatter [tilespmem:s17], [sflag:$0x2], $0x3E80, $0x38;
	[tilespmem:$0x5208] =	vst v63  }
0x33c: {  	_ =	swait.ge [sflag:s4], $0x3E80  }
0x33d: {  	s0 =	sld [smem:$0x7B3]  }
0x33e: {  	[sflag:s4] =	ssyncset.done $0x0  }
0x33f: {  	s7 =	sld [smem:$0x7B4];
	[sflag:s4] =	ssyncadd.s32 $0xFFFFC180  }
0x340: {  	[tilespmem:s17], [sflag:$0x1] =	stream.indirect.gather [hbm4b:s2+s6], $0x10, s0, s6, $0xb8;
	[tilespmem:$0x5208] =	vst v63  }
0x341: {  	s0 =	sld [smem:$0x7B5]  }
0x342: {  	[tilespmem:s5], [sflag:$0x1] =	stream.indirect.gather [hbm4b:s2+s6], $0x10, s7, s6, $0xb8;
	[tilespmem:$0x5208] =	vst v63  }
0x343: {  	s7 =	sld [smem:$0x7B6]  }
0x344: {  	[tilespmem:s3], [sflag:$0x1] =	stream.indirect.gather [hbm4b:s2+s6], $0x10, s0, s6, $0xb8;
	[tilespmem:$0x5208] =	vst v63  }
0x345: {  	s31 =	simm.s32 $0x1B08;
	s0 =	sld [smem:$0x7B7]  }
0x346: {  	[tilespmem:s31], [sflag:$0x1] =	stream.indirect.gather [hbm4b:s2+s6], $0x10, s7, s6, $0xb8;
	[tilespmem:$0x5208] =	vst v63  }
0x347: {  	s30 =	simm.s32 $0x1D88;
	s7 =	sld [smem:$0x7B8]  }
0x348: {  	[tilespmem:s30], [sflag:$0x1] =	stream.indirect.gather [hbm4b:s2+s6], $0x10, s0, s6, $0xb8;
	[tilespmem:$0x5208] =	vst v63  }
0x349: {  	s0 =	sld [smem:$0x7B9]  }
0x34a: {  	[tilespmem:s8], [sflag:$0x1] =	stream.indirect.gather [hbm4b:s2+s6], $0x10, s7, s6, $0xb8;
	[tilespmem:$0x5208] =	vst v63  }
0x34b: {  	s7 =	sld [smem:$0x7BA]  }
0x34c: {  	[tilespmem:s9], [sflag:$0x1] =	stream.indirect.gather [hbm4b:s2+s6], $0x10, s0, s6, $0xb8;
	[tilespmem:$0x5208] =	vst v63  }
0x34d: {  	s0 =	sld [smem:$0x7BB]  }
0x34e: {  	[tilespmem:s10], [sflag:$0x1] =	stream.indirect.gather [hbm4b:s2+s6], $0x10, s7, s6, $0xb8;
	[tilespmem:$0x5208] =	vst v63  }
0x34f: {  	s7 =	sld [smem:$0x7BC]  }
0x350: {  	[tilespmem:s12], [sflag:$0x1] =	stream.indirect.gather [hbm4b:s2+s6], $0x10, s0, s6, $0xb8;
	[tilespmem:$0x5208] =	vst v63  }
0x351: {  	s0 =	sld [smem:$0x7BD]  }
0x352: {  	[tilespmem:s13], [sflag:$0x1] =	stream.indirect.gather [hbm4b:s2+s6], $0x10, s7, s6, $0xb8;
	[tilespmem:$0x5208] =	vst v63  }
0x353: {  	s7 =	sld [smem:$0x7BE]  }
0x354: {  	[tilespmem:s14], [sflag:$0x1] =	stream.indirect.gather [hbm4b:s2+s6], $0x10, s0, s6, $0xb8;
	[tilespmem:$0x5208] =	vst v63  }
0x355: {  	s0 =	sld [smem:$0x7BF]  }
0x356: {  	[tilespmem:s15], [sflag:$0x1] =	stream.indirect.gather [hbm4b:s2+s6], $0x10, s7, s6, $0xb8;
	[tilespmem:$0x5208] =	vst v63  }
0x357: {  	s7 =	sld [smem:$0x7C0]  }
0x358: {  	[tilespmem:s16], [sflag:$0x1] =	stream.indirect.gather [hbm4b:s2+s6], $0x10, s0, s6, $0xb8;
	[tilespmem:$0x5208] =	vst v63  }
0x359: {  	s0 =	sld [smem:$0x7C1]  }
0x35a: {  	[tilespmem:s18], [sflag:$0x1] =	stream.indirect.gather [hbm4b:s2+s6], $0x10, s7, s6, $0xb8;
	[tilespmem:$0x5208] =	vst v63  }
0x35b: {  	s7 =	sld [smem:$0x7C2]  }
0x35c: {  	[tilespmem:s19], [sflag:$0x1] =	stream.indirect.gather [hbm4b:s2+s6], $0x10, s0, s6, $0xb8;
	[tilespmem:$0x5208] =	vst v63  }
0x35d: {  	s26 =	simm.s32 $0x3908;
	s0 =	sld [smem:$0x7C3]  }
0x35e: {  	[tilespmem:s26], [sflag:$0x1] =	stream.indirect.gather [hbm4b:s2+s6], $0x10, s7, s6, $0xb8;
	[tilespmem:$0x5208] =	vst v63  }
0x35f: {  	s7 =	sld [smem:$0x7C4]  }
0x360: {  	[tilespmem:s1], [sflag:$0x1] =	stream.indirect.gather [hbm4b:s2+s6], $0x10, s0, s6, $0xb8;
	[tilespmem:$0x5208] =	vst v63  }
0x361: {  	s1 =	sld [smem:$0x7C5]  }
0x362: {  	[tilespmem:s21], [sflag:$0x1] =	stream.indirect.gather [hbm4b:s2+s6], $0x10, s7, s6, $0xb8;
	[tilespmem:$0x5208] =	vst v63  }
0x363: {  	s7 =	sld [smem:$0x7C6]  }
0x364: {  	[tilespmem:s22], [sflag:$0x1] =	stream.indirect.gather [hbm4b:s2+s6], $0x10, s1, s6, $0xb8;
	[tilespmem:$0x5208] =	vst v63  }
0x365: {  	s28 =	simm.s32 $0x4308;
	s1 =	sld [smem:$0x7C7]  }
0x366: {  	[tilespmem:s28], [sflag:$0x1] =	stream.indirect.gather [hbm4b:s2+s6], $0x10, s7, s6, $0xb8;
	[tilespmem:$0x5208] =	vst v63  }
0x367: {  	s7 =	sld [smem:$0x7C8];
	s28 =	simm.s32 $0x4588  }
0x368: {  	[tilespmem:s28], [sflag:$0x1] =	stream.indirect.gather [hbm4b:s2+s6], $0x10, s1, s6, $0xb8;
	[tilespmem:$0x5208] =	vst v63  }
0x369: {  	s0 =	sld [smem:$0x7C9]  }
0x36a: {  	[tilespmem:s23], [sflag:$0x1] =	stream.indirect.gather [hbm4b:s2+s6], $0x10, s7, s6, $0xb8;
	[tilespmem:$0x5208] =	vst v63  }
0x36b: {  	s1 =	sld [smem:$0x7CA]  }
0x36c: {  	[tilespmem:s20], [sflag:$0x1] =	stream.indirect.gather [hbm4b:s2+s6], $0x10, s0, s6, $0xb8;
	[tilespmem:$0x5208] =	vst v63  }
0x36d: {  	s25 =	simm.s32 $0x4D08;
	s20 =	sld [smem:$0x7CB]  }
0x36e: {  	[tilespmem:s25], [sflag:$0x1] =	stream.indirect.gather [hbm4b:s2+s6], $0x10, s1, s6, $0xb8;
	[tilespmem:$0x5208] =	vst v63  }
0x36f: {  	s29 =	simm.s32 $0x4F88  }
0x370: {  	[tilespmem:s29], [sflag:$0x1] =	stream.indirect.gather [hbm4b:s2+s6], $0x10, s20, s6, $0xb8;
	[tilespmem:$0x5208] =	vst v63  }
0x371: {  	_ =	swait.ge [sflag:s11], $0x3E80  }
0x372: {  	[sflag:s11] =	ssyncset.done $0x0  }
0x373: {  	s1 =	rddreg [dreg:$0x6];
	[sflag:s11] =	ssyncadd.s32 $0xFFFFC180  }
0x374: {  	[hbm4b:s1+s24] =	stream.linear.scatter [tilespmem:s17], [sflag:$0x2], $0x3E80, $0x38;
	[tilespmem:$0x5208] =	vst v63  }
0x375: {  	_ =	swait.ge [sflag:s4], $0x3E80  }
0x376: {  	s7 =	sld [smem:$0x7CC]  }
0x377: {  	[sflag:s4] =	ssyncset.done $0x0  }
0x378: {  	s20 =	sld [smem:$0x7CD];
	[sflag:s4] =	ssyncadd.s32 $0xFFFFC180  }
0x379: {  	[tilespmem:s17], [sflag:$0x1] =	stream.indirect.gather [hbm4b:s2+s6], $0x10, s7, s6, $0xb8;
	[tilespmem:$0x5208] =	vst v63  }
0x37a: {  	s5 =	simm.s32 $0x1608;
	s29 =	sld [smem:$0x7CE]  }
0x37b: {  	[tilespmem:s5], [sflag:$0x1] =	stream.indirect.gather [hbm4b:s2+s6], $0x10, s20, s6, $0xb8;
	[tilespmem:$0x5208] =	vst v63  }
0x37c: {  	s3 =	simm.s32 $0x1888;
	s1 =	sld [smem:$0x7CF]  }
0x37d: {  	[tilespmem:s3], [sflag:$0x1] =	stream.indirect.gather [hbm4b:s2+s6], $0x10, s29, s6, $0xb8;
	[tilespmem:$0x5208] =	vst v63  }
0x37e: {  	s31 =	simm.s32 $0x1B08;
	s3 =	sld [smem:$0x7D0]  }
0x37f: {  	[tilespmem:s31], [sflag:$0x1] =	stream.indirect.gather [hbm4b:s2+s6], $0x10, s1, s6, $0xb8;
	[tilespmem:$0x5208] =	vst v63  }
0x380: {  	s30 =	simm.s32 $0x1D88;
	s20 =	sld [smem:$0x7D1]  }
0x381: {  	[tilespmem:s30], [sflag:$0x1] =	stream.indirect.gather [hbm4b:s2+s6], $0x10, s3, s6, $0xb8;
	[tilespmem:$0x5208] =	vst v63  }
0x382: {  	s8 =	simm.s32 $0x2008;
	s31 =	sld [smem:$0x7D2]  }
0x383: {  	[tilespmem:s8], [sflag:$0x1] =	stream.indirect.gather [hbm4b:s2+s6], $0x10, s20, s6, $0xb8;
	[tilespmem:$0x5208] =	vst v63  }
0x384: {  	s9 =	simm.s32 $0x2288;
	s1 =	sld [smem:$0x7D3]  }
0x385: {  	[tilespmem:s9], [sflag:$0x1] =	stream.indirect.gather [hbm4b:s2+s6], $0x10, s31, s6, $0xb8;
	[tilespmem:$0x5208] =	vst v63  }
0x386: {  	s10 =	simm.s32 $0x2508;
	s3 =	sld [smem:$0x7D4]  }
0x387: {  	[tilespmem:s10], [sflag:$0x1] =	stream.indirect.gather [hbm4b:s2+s6], $0x10, s1, s6, $0xb8;
	[tilespmem:$0x5208] =	vst v63  }
0x388: {  	s12 =	simm.s32 $0x2788;
	s20 =	sld [smem:$0x7D5]  }
0x389: {  	[tilespmem:s12], [sflag:$0x1] =	stream.indirect.gather [hbm4b:s2+s6], $0x10, s3, s6, $0xb8;
	[tilespmem:$0x5208] =	vst v63  }
0x38a: {  	s13 =	simm.s32 $0x2A08;
	s31 =	sld [smem:$0x7D6]  }
0x38b: {  	[tilespmem:s13], [sflag:$0x1] =	stream.indirect.gather [hbm4b:s2+s6], $0x10, s20, s6, $0xb8;
	[tilespmem:$0x5208] =	vst v63  }
0x38c: {  	s14 =	simm.s32 $0x2C88;
	s1 =	sld [smem:$0x7D7]  }
0x38d: {  	[tilespmem:s14], [sflag:$0x1] =	stream.indirect.gather [hbm4b:s2+s6], $0x10, s31, s6, $0xb8;
	[tilespmem:$0x5208] =	vst v63  }
0x38e: {  	s15 =	simm.s32 $0x2F08;
	s3 =	sld [smem:$0x7D8]  }
0x38f: {  	[tilespmem:s15], [sflag:$0x1] =	stream.indirect.gather [hbm4b:s2+s6], $0x10, s1, s6, $0xb8;
	[tilespmem:$0x5208] =	vst v63  }
0x390: {  	s16 =	simm.s32 $0x3188;
	s20 =	sld [smem:$0x7D9]  }
0x391: {  	[tilespmem:s16], [sflag:$0x1] =	stream.indirect.gather [hbm4b:s2+s6], $0x10, s3, s6, $0xb8;
	[tilespmem:$0x5208] =	vst v63  }
0x392: {  	s18 =	simm.s32 $0x3408;
	s31 =	sld [smem:$0x7DA]  }
0x393: {  	[tilespmem:s18], [sflag:$0x1] =	stream.indirect.gather [hbm4b:s2+s6], $0x10, s20, s6, $0xb8;
	[tilespmem:$0x5208] =	vst v63  }
0x394: {  	s19 =	simm.s32 $0x3688;
	s1 =	sld [smem:$0x7DB]  }
0x395: {  	[tilespmem:s19], [sflag:$0x1] =	stream.indirect.gather [hbm4b:s2+s6], $0x10, s31, s6, $0xb8;
	[tilespmem:$0x5208] =	vst v63  }
0x396: {  	s3 =	sld [smem:$0x7DC];
	s20 =	simm.s32 $0x3908  }
0x397: {  	[tilespmem:s20], [sflag:$0x1] =	stream.indirect.gather [hbm4b:s2+s6], $0x10, s1, s6, $0xb8;
	[tilespmem:$0x5208] =	vst v63  }
0x398: {  	s26 =	simm.s32 $0x3B88;
	s1 =	sld [smem:$0x7DD]  }
0x399: {  	[tilespmem:s26], [sflag:$0x1] =	stream.indirect.gather [hbm4b:s2+s6], $0x10, s3, s6, $0xb8;
	[tilespmem:$0x5208] =	vst v63  }
0x39a: {  	s21 =	simm.s32 $0x3E08;
	s3 =	sld [smem:$0x7DE]  }
0x39b: {  	[tilespmem:s21], [sflag:$0x1] =	stream.indirect.gather [hbm4b:s2+s6], $0x10, s1, s6, $0xb8;
	[tilespmem:$0x5208] =	vst v63  }
0x39c: {  	s22 =	simm.s32 $0x4088;
	s31 =	sld [smem:$0x7DF]  }
0x39d: {  	[tilespmem:s22], [sflag:$0x1] =	stream.indirect.gather [hbm4b:s2+s6], $0x10, s3, s6, $0xb8;
	[tilespmem:$0x5208] =	vst v63  }
0x39e: {  	s1 =	simm.s32 $0x4308;
	s3 =	sld [smem:$0x7E0]  }
0x39f: {  	[tilespmem:s1], [sflag:$0x1] =	stream.indirect.gather [hbm4b:s2+s6], $0x10, s31, s6, $0xb8;
	[tilespmem:$0x5208] =	vst v63  }
0x3a0: {  	s28 =	simm.s32 $0x4588;
	s31 =	sld [smem:$0x7E1]  }
0x3a1: {  	[tilespmem:s28], [sflag:$0x1] =	stream.indirect.gather [hbm4b:s2+s6], $0x10, s3, s6, $0xb8;
	[tilespmem:$0x5208] =	vst v63  }
0x3a2: {  	s23 =	simm.s32 $0x4808;
	s0 =	sld [smem:$0x7E2]  }
0x3a3: {  	[tilespmem:s23], [sflag:$0x1] =	stream.indirect.gather [hbm4b:s2+s6], $0x10, s31, s6, $0xb8;
	[tilespmem:$0x5208] =	vst v63  }
0x3a4: {  	s7 =	sld [smem:$0x7E3];
	s3 =	simm.s32 $0x4A88  }
0x3a5: {  	[tilespmem:s3], [sflag:$0x1] =	stream.indirect.gather [hbm4b:s2+s6], $0x10, s0, s6, $0xb8;
	[tilespmem:$0x5208] =	vst v63  }
0x3a6: {  	s25 =	simm.s32 $0x4D08;
	s0 =	sld [smem:$0x7E4]  }
0x3a7: {  	[tilespmem:s25], [sflag:$0x1] =	stream.indirect.gather [hbm4b:s2+s6], $0x10, s7, s6, $0xb8;
	[tilespmem:$0x5208] =	vst v63  }
0x3a8: {  	s3 =	simm.s32 $0x4F88  }
0x3a9: {  	[tilespmem:s3], [sflag:$0x1] =	stream.indirect.gather [hbm4b:s2+s6], $0x10, s0, s6, $0xb8;
	[tilespmem:$0x5208] =	vst v63  }
0x3aa: {  	_ =	swait.ge [sflag:s11], $0x3E80  }
0x3ab: {  	[sflag:s11] =	ssyncset.done $0x0  }
0x3ac: {  	s7 =	rddreg [dreg:$0x7];
	[sflag:s11] =	ssyncadd.s32 $0xFFFFC180  }
0x3ad: {  	[hbm4b:s7+s24] =	stream.linear.scatter [tilespmem:s17], [sflag:$0x2], $0x3E80, $0x38;
	[tilespmem:$0x5208] =	vst v63  }
0x3ae: {  	_ =	swait.ge [sflag:s4], $0x3E80  }
0x3af: {  	s0 =	sld [smem:$0x7E5]  }
0x3b0: {  	[sflag:s4] =	ssyncset.done $0x0  }
0x3b1: {  	s7 =	sld [smem:$0x7E6];
	[sflag:s4] =	ssyncadd.s32 $0xFFFFC180  }
0x3b2: {  	[tilespmem:s17], [sflag:$0x1] =	stream.indirect.gather [hbm4b:s2+s6], $0x10, s0, s6, $0xb8;
	[tilespmem:$0x5208] =	vst v63  }
0x3b3: {  	s5 =	simm.s32 $0x1608;
	s0 =	sld [smem:$0x7E7]  }
0x3b4: {  	[tilespmem:s5], [sflag:$0x1] =	stream.indirect.gather [hbm4b:s2+s6], $0x10, s7, s6, $0xb8;
	[tilespmem:$0x5208] =	vst v63  }
0x3b5: {  	s7 =	sld [smem:$0x7E8];
	s5 =	simm.s32 $0x1888  }
0x3b6: {  	[tilespmem:s5], [sflag:$0x1] =	stream.indirect.gather [hbm4b:s2+s6], $0x10, s0, s6, $0xb8;
	[tilespmem:$0x5208] =	vst v63  }
0x3b7: {  	s29 =	simm.s32 $0x1B08;
	s0 =	sld [smem:$0x7E9]  }
0x3b8: {  	[tilespmem:s29], [sflag:$0x1] =	stream.indirect.gather [hbm4b:s2+s6], $0x10, s7, s6, $0xb8;
	[tilespmem:$0x5208] =	vst v63  }
0x3b9: {  	s30 =	simm.s32 $0x1D88;
	s5 =	sld [smem:$0x7EA]  }
0x3ba: {  	[tilespmem:s30], [sflag:$0x1] =	stream.indirect.gather [hbm4b:s2+s6], $0x10, s0, s6, $0xb8;
	[tilespmem:$0x5208] =	vst v63  }
0x3bb: {  	s8 =	simm.s32 $0x2008;
	s29 =	sld [smem:$0x7EB]  }
0x3bc: {  	[tilespmem:s8], [sflag:$0x1] =	stream.indirect.gather [hbm4b:s2+s6], $0x10, s5, s6, $0xb8;
	[tilespmem:$0x5208] =	vst v63  }
0x3bd: {  	s9 =	simm.s32 $0x2288;
	s30 =	sld [smem:$0x7EC]  }
0x3be: {  	[tilespmem:s9], [sflag:$0x1] =	stream.indirect.gather [hbm4b:s2+s6], $0x10, s29, s6, $0xb8;
	[tilespmem:$0x5208] =	vst v63  }
0x3bf: {  	s10 =	simm.s32 $0x2508;
	s5 =	sld [smem:$0x7ED]  }
0x3c0: {  	[tilespmem:s10], [sflag:$0x1] =	stream.indirect.gather [hbm4b:s2+s6], $0x10, s30, s6, $0xb8;
	[tilespmem:$0x5208] =	vst v63  }
0x3c1: {  	s12 =	simm.s32 $0x2788;
	s8 =	sld [smem:$0x7EE]  }
0x3c2: {  	[tilespmem:s12], [sflag:$0x1] =	stream.indirect.gather [hbm4b:s2+s6], $0x10, s5, s6, $0xb8;
	[tilespmem:$0x5208] =	vst v63  }
0x3c3: {  	s13 =	simm.s32 $0x2A08;
	s9 =	sld [smem:$0x7EF]  }
0x3c4: {  	[tilespmem:s13], [sflag:$0x1] =	stream.indirect.gather [hbm4b:s2+s6], $0x10, s8, s6, $0xb8;
	[tilespmem:$0x5208] =	vst v63  }
0x3c5: {  	s14 =	simm.s32 $0x2C88;
	s10 =	sld [smem:$0x7F0]  }
0x3c6: {  	[tilespmem:s14], [sflag:$0x1] =	stream.indirect.gather [hbm4b:s2+s6], $0x10, s9, s6, $0xb8;
	[tilespmem:$0x5208] =	vst v63  }
0x3c7: {  	s15 =	simm.s32 $0x2F08;
	s12 =	sld [smem:$0x7F1]  }
0x3c8: {  	[tilespmem:s15], [sflag:$0x1] =	stream.indirect.gather [hbm4b:s2+s6], $0x10, s10, s6, $0xb8;
	[tilespmem:$0x5208] =	vst v63  }
0x3c9: {  	s16 =	simm.s32 $0x3188;
	s13 =	sld [smem:$0x7F2]  }
0x3ca: {  	[tilespmem:s16], [sflag:$0x1] =	stream.indirect.gather [hbm4b:s2+s6], $0x10, s12, s6, $0xb8;
	[tilespmem:$0x5208] =	vst v63  }
0x3cb: {  	s18 =	simm.s32 $0x3408;
	s14 =	sld [smem:$0x7F3]  }
0x3cc: {  	[tilespmem:s18], [sflag:$0x1] =	stream.indirect.gather [hbm4b:s2+s6], $0x10, s13, s6, $0xb8;
	[tilespmem:$0x5208] =	vst v63  }
0x3cd: {  	s19 =	simm.s32 $0x3688;
	s15 =	sld [smem:$0x7F4]  }
0x3ce: {  	[tilespmem:s19], [sflag:$0x1] =	stream.indirect.gather [hbm4b:s2+s6], $0x10, s14, s6, $0xb8;
	[tilespmem:$0x5208] =	vst v63  }
0x3cf: {  	s20 =	simm.s32 $0x3908;
	s16 =	sld [smem:$0x7F5]  }
0x3d0: {  	[tilespmem:s20], [sflag:$0x1] =	stream.indirect.gather [hbm4b:s2+s6], $0x10, s15, s6, $0xb8;
	[tilespmem:$0x5208] =	vst v63  }
0x3d1: {  	s26 =	simm.s32 $0x3B88;
	s18 =	sld [smem:$0x7F6]  }
0x3d2: {  	[tilespmem:s26], [sflag:$0x1] =	stream.indirect.gather [hbm4b:s2+s6], $0x10, s16, s6, $0xb8;
	[tilespmem:$0x5208] =	vst v63  }
0x3d3: {  	s21 =	simm.s32 $0x3E08;
	s19 =	sld [smem:$0x7F7]  }
0x3d4: {  	[tilespmem:s21], [sflag:$0x1] =	stream.indirect.gather [hbm4b:s2+s6], $0x10, s18, s6, $0xb8;
	[tilespmem:$0x5208] =	vst v63  }
0x3d5: {  	s22 =	simm.s32 $0x4088;
	s20 =	sld [smem:$0x7F8]  }
0x3d6: {  	[tilespmem:s22], [sflag:$0x1] =	stream.indirect.gather [hbm4b:s2+s6], $0x10, s19, s6, $0xb8;
	[tilespmem:$0x5208] =	vst v63  }
0x3d7: {  	s21 =	sld [smem:$0x7F9]  }
0x3d8: {  	[tilespmem:s1], [sflag:$0x1] =	stream.indirect.gather [hbm4b:s2+s6], $0x10, s20, s6, $0xb8;
	[tilespmem:$0x5208] =	vst v63  }
0x3d9: {  	s28 =	simm.s32 $0x4588;
	s22 =	sld [smem:$0x7FA]  }
0x3da: {  	[tilespmem:s28], [sflag:$0x1] =	stream.indirect.gather [hbm4b:s2+s6], $0x10, s21, s6, $0xb8;
	[tilespmem:$0x5208] =	vst v63  }
0x3db: {  	s23 =	simm.s32 $0x4808;
	s26 =	sld [smem:$0x7FB]  }
0x3dc: {  	[tilespmem:s23], [sflag:$0x1] =	stream.indirect.gather [hbm4b:s2+s6], $0x10, s22, s6, $0xb8;
	[tilespmem:$0x5208] =	vst v63  }
0x3dd: {  	s31 =	simm.s32 $0x4A88;
	s28 =	sld [smem:$0x7FC]  }
0x3de: {  	[tilespmem:s31], [sflag:$0x1] =	stream.indirect.gather [hbm4b:s2+s6], $0x10, s26, s6, $0xb8;
	[tilespmem:$0x5208] =	vst v63  }
0x3df: {  	s25 =	simm.s32 $0x4D08;
	s29 =	sld [smem:$0x7FD]  }
0x3e0: {  	[tilespmem:s25], [sflag:$0x1] =	stream.indirect.gather [hbm4b:s2+s6], $0x10, s28, s6, $0xb8;
	[tilespmem:$0x5208] =	vst v63  }
0x3e1: {  	_ = 	snop  }
0x3e2: {  	[tilespmem:s3], [sflag:$0x1] =	stream.indirect.gather [hbm4b:s2+s6], $0x10, s29, s6, $0xb8;
	[tilespmem:$0x5208] =	vst v63  }
0x3e3: {  	_ =	swait.ge [sflag:s11], $0x3E80  }
0x3e4: {  	[sflag:s11] =	ssyncset.done $0x0  }
0x3e5: {  	s30 =	rddreg [dreg:$0x8];
	[sflag:s11] =	ssyncadd.s32 $0xFFFFC180  }
0x3e6: {  	[hbm4b:s30+s24] =	stream.linear.scatter [tilespmem:s17], [sflag:$0x2], $0x3E80, $0x38;
	[tilespmem:$0x5208] =	vst v63  }
0x3e7: {  	_ =	swait.ge [sflag:s4], $0x3E80  }
0x3e8: {  	[sflag:s4] =	ssyncset.done $0x0  }
0x3e9: {  	[sflag:s4] =	ssyncadd.s32 $0xFFFFC180  }
0x3ea: {  	_ =	sfence.sel $0x180000  }
0x3eb: {  	[bflag:$0x0] =	sbarrier.arrive $0xFFFF  }
0x3ec: {  	_ =	strace $0x9000004A  }
0x3ed: {  	s31 =	stileid.u32;
	[bflag:$0x2] =	sbarrier.arrive $0xFFFF  }
0x3ee: {  	p0 =	sne.s32 s31, $0x0;
	s0 =	rddreg [dreg:$0x2]  }
0x3ef: {  	s0 =	sadd.s32 @!p0 $0x100000, s0  }
0x3f0: {  	[sflag:s0] =	ssyncadd.tile.s32 @!p0 $0x1;
	_ =	shalt  }
.Lfunc_end2:
_tile_overlayer_lowered:
.L_overlay_start_2:
0x3f1: {  	(tag) =	ssettag $0x2  }
0x3f2: {  	s0 =	rddreg [dreg:$0x0];
	s2 =	stileid.u32  }
0x3f3: {  	s1 =	rddreg [dreg:$0x1];
	p0 =	sne.s32 s2, $0x0  }
0x3f4: {  	s3 =	rddreg [dreg:$0x2];
	[bflag:$0x3] =	sbarrier.arrive $0xFFFF;
	s2 =	simm.s32 @!p0 $0x1C02  }
0x3f5: {  	[timem:s3], [sflag:s2] =	dma.local @!p0 [hbm:s0], s1  }
0x3f6: {  	s0 =	simm.s32 @!p0 $0x2  }
0x3f7: {  	_ =	swait.ge @!p0 [sflag:s0], s1  }
0x3f8: {  	s1 =	ssub.s32 @!p0 $0x0, s1;
	[sflag:s0] =	ssyncset.done @!p0 $0x0  }
0x3f9: {  	[sflag:s0] =	ssyncadd.s32 @!p0 s1  }
0x3fa: {  	[bflag:$0x3] =	sbarrier.arrive $0xFFFF  }
0x3fb: {  	_ =	shalt  }

// kernel: kernel.18.cloned.1.call-start
scs
__scs_entry_jumppad:
0x0: {  	(pc) =	sbr.rel $0x88, $3  }
0x1: {  	(tag) =	ssettag $0x0;
	lr =	simm.s32 $0x1  }
0x2: {  	[smem:$0x3F9C] =	sst lr;
	_ =	strace $0xD0000000  }
0x3: {  	_ = 	snop  }
0x4: {  	_ = 	snop  }
0x5: {  	_ = 	snop  }
0x6: {  	_ = 	snop  }
0x7: {  	_ = 	snop  }
__scs_overlays_trampoline_lowered:
0x8: {  	[smem:$0x3FAB] =	sst s0  }
0x9: {  	[smem:$0x3FAC] =	sst s1  }
0xa: {  	[smem:$0x3FAD] =	sst s2  }
0xb: {  	[smem:$0x3FAE] =	sst s3  }
0xc: {  	[smem:$0x3FAF] =	sst s4  }
0xd: {  	[smem:$0x3FB0] =	sst s5  }
0xe: {  	[smem:$0x3FB1] =	sst s6  }
0xf: {  	[smem:$0x3FB2] =	sst s7  }
0x10: {  	[smem:$0x3FB3] =	sst s8  }
0x11: {  	[smem:$0x3FB4] =	sst s9;
	s0 =	simm.s32 @!p0 $0x0  }
0x12: {  	s1 =	sld [smem:$0x3F9A];
	s0 =	simm.s32 @p0 $0x1  }
0x13: {  	[smem:$0x3FB5] =	sst s0;
	s0 =	simm.s32 @!p1 $0x0  }
0x14: {  	s2 =	sld [smem:$0x3F99];
	s0 =	simm.s32 @p1 $0x1  }
0x15: {  	[smem:$0x3FB6] =	sst s0;
	s0 =	simm.s32 @!p2 $0x0  }
0x16: {  	s3 =	sld [smem:$0x3FDB];
	s0 =	simm.s32 @p2 $0x1  }
0x17: {  	s4 =	simm.s32 $0x1BF5;
	[smem:$0x3FB8] =	sst s0  }
0x18: {  	s0 =	sld [smem:$0x3F9B];
	_ =	swait.ge [sflag:s4], $0x0  }
0x19: {  	s7 =	sld [smem:$0x3F9C]  }
0x1a: {  	s8 =	sadd.s32 $0xFFFFE003, lr  }
0x1b: {  	s9 =	sadd.s32 $0xFFFFFEF7, lr;
	s5 =	simm.s32 $0xFFFFFFFF;
	p2 =	slt.u32 s8, $0xFFFFF086  }
0x1c: {  	p1 =	slt.u32 s9, $0xF7A;
	s5 =	simm.s32 @!p2 $0x0  }
0x1d: {  	s5 =	simm.s32 @p1 $0x1;
	p0 =	seq.s32 s7, s2  }
0x1e: {  	s7 =	smul.u32 @!p0 $0xF7A, s2;
	p2 =	seq.s32 @!p0 s5, $0x0  }
0x1f: {  	s9 =	smul.u32 $0xF7A, s1;
	s8 =	simm.s32 @!p0 $0x1BF5;
	p2 =	por !p2, p0  }
0x20: {  	[sflag:s8] =	ssyncset.s32 @!p0 $0xFFFFF086;
	s6 =	sadd.s32 @!p0 s3, s7;
	s7 =	simm.s32 @!p0 $0x108  }
0x21: {  	s3 =	sadd.s32 s3, s9;
	s6 =	sadd.s32 @!p0 $0x88, s6;
	s7 =	simm.s32 @p2 $0x1082  }
0x22: {  	[simem:s7], [sflag:s8] =	dma.local @!p0 [hbm:s6], $0xF7A  }
0x23: {  	s9 =	sor.u32 $0xD0000000, s2;
	s6 =	simm.s32 $0x108;
	_ =	swait.ge @!p0 [sflag:s8], $0x0  }
0x24: {  	s3 =	sadd.s32 $0x88, s3;
	s6 =	simm.s32 @!p1 $0x1082;
	[sflag:s4] =	ssyncset.s32 $0xFFFFF086  }
0x25: {  	[simem:s6], [sflag:s4] =	dma.local [hbm:s3], $0xF7A  }
0x26: {  	[smem:$0x3F9C] =	sst s1;
	(tag) =	ssettag s2;
	_ =	strace s9  }
0x27: {  	s1 =	sld [smem:$0x3FAC]  }
0x28: {  	s2 =	sld [smem:$0x3FAD]  }
0x29: {  	s4 =	sld [smem:$0x3FAF]  }
0x2a: {  	p0 =	seq.s32 s5, $0x0;
	s5 =	sld [smem:$0x3FB0]  }
0x2b: {  	s6 =	sld [smem:$0x3FB1]  }
0x2c: {  	s7 =	sld [smem:$0x3FB2]  }
0x2d: {  	s3 =	simm.s32 $0x108;
	s8 =	sld [smem:$0x3FB3]  }
0x2e: {  	s3 =	simm.s32 @!p0 $0x1082;
	s9 =	sld [smem:$0x3FB4]  }
0x2f: {  	lr =	sadd.s32 s0, s3;
	s0 =	sld [smem:$0x3FAB]  }
0x30: {  	s3 =	sld [smem:$0x3FAE]  }
0x31: {  	[smem:$0x3FB7] =	sst s10  }
0x32: {  	s10 =	sld [smem:$0x3FB5];
	_ =	sdelay $0x3  }
0x33: {  	p0 =	seq.s32 s10, $0x1;
	s10 =	sld [smem:$0x3FB7];
	_ =	sdelay $0x3  }
0x34: {  	[smem:$0x3FB7] =	sst s10  }
0x35: {  	s10 =	sld [smem:$0x3FB6];
	_ =	sdelay $0x3  }
0x36: {  	p1 =	seq.s32 s10, $0x1;
	s10 =	sld [smem:$0x3FB7];
	_ =	sdelay $0x3  }
0x37: {  	[smem:$0x3FB7] =	sst s10  }
0x38: {  	s10 =	sld [smem:$0x3FB8]  }
0x39: {  	_ = 	snop;
	(pc) =	sbr.ind lr, $3  }
0x3a: {  	_ = 	snop  }
0x3b: {  	_ = 	snop  }
0x3c: {  	p2 =	seq.s32 s10, $0x1;
	s10 =	sld [smem:$0x3FB7]  }
0x3d: {  	_ =	shalt  }
0x3e: {  	_ =	shalt  }
0x3f: {  	_ =	shalt  }
0x40: {  	_ =	shalt  }
0x41: {  	_ =	shalt  }
0x42: {  	_ =	shalt  }
0x43: {  	_ =	shalt  }
0x44: {  	_ =	shalt  }
0x45: {  	_ =	shalt  }
0x46: {  	_ =	shalt  }
0x47: {  	_ =	shalt  }
0x48: {  	_ =	shalt  }
0x49: {  	_ =	shalt  }
0x4a: {  	_ =	shalt  }
0x4b: {  	_ =	shalt  }
0x4c: {  	_ =	shalt  }
0x4d: {  	_ =	shalt  }
0x4e: {  	_ =	shalt  }
0x4f: {  	_ =	shalt  }
0x50: {  	_ =	shalt  }
0x51: {  	_ =	shalt  }
0x52: {  	_ =	shalt  }
0x53: {  	_ =	shalt  }
0x54: {  	_ =	shalt  }
0x55: {  	_ =	shalt  }
0x56: {  	_ =	shalt  }
0x57: {  	_ =	shalt  }
0x58: {  	_ =	shalt  }
0x59: {  	_ =	shalt  }
0x5a: {  	_ =	shalt  }
0x5b: {  	_ =	shalt  }
0x5c: {  	_ =	shalt  }
0x5d: {  	_ =	shalt  }
0x5e: {  	_ =	shalt  }
0x5f: {  	_ =	shalt  }
0x60: {  	_ =	shalt  }
0x61: {  	_ =	shalt  }
0x62: {  	_ =	shalt  }
0x63: {  	_ =	shalt  }
0x64: {  	_ =	shalt  }
0x65: {  	_ =	shalt  }
0x66: {  	_ =	shalt  }
0x67: {  	_ =	shalt  }
0x68: {  	_ =	shalt  }
0x69: {  	_ =	shalt  }
0x6a: {  	_ =	shalt  }
0x6b: {  	_ =	shalt  }
0x6c: {  	_ =	shalt  }
0x6d: {  	_ =	shalt  }
0x6e: {  	_ =	shalt  }
0x6f: {  	_ =	shalt  }
0x70: {  	_ =	shalt  }
0x71: {  	_ =	shalt  }
0x72: {  	_ =	shalt  }
0x73: {  	_ =	shalt  }
0x74: {  	_ =	shalt  }
0x75: {  	_ =	shalt  }
0x76: {  	_ =	shalt  }
0x77: {  	_ =	shalt  }
0x78: {  	_ =	shalt  }
0x79: {  	_ =	shalt  }
0x7a: {  	_ =	shalt  }
0x7b: {  	_ =	shalt  }
0x7c: {  	_ =	shalt  }
0x7d: {  	_ =	shalt  }
0x7e: {  	_ =	shalt  }
0x7f: {  	_ =	shalt  }
0x80: {  	_ =	shalt  }
0x81: {  	_ =	shalt  }
0x82: {  	_ =	shalt  }
0x83: {  	_ =	shalt  }
0x84: {  	_ =	shalt  }
0x85: {  	_ =	shalt  }
0x86: {  	_ =	shalt  }
0x87: {  	_ =	shalt  }
.Lfunc_end0:
.L_simem_size_0:
called_computation.3_lowered:
.L_overlay_start_0:
0x88: {  	s2 =	sld [smem:$0x3FD9]  }
0x89: {  	s3 =	sld [smem:$0x3FFE];
	_ =	sdelay $0x1  }
0x8a: {  	s1 =	srdreg.scid  }
0x8b: {  	s0 =	sand.u32 $0x1, s1  }
0x8c: {  	s17 =	sshll.u32 s0, $0xA;
	s2 =	sadd.s32 s3, s2  }
0x8d: {  	s2 =	sadd.s32 s2, s17  }
0x8e: {  	[smem:$0x3FC3] =	sst s2  }
0x8f: {  	_ = 	snop  }
0x90: {  	(tm) =	ssettm $0x1  }
0x91: {  	s18 =	sld [smem:$0x3FFB];
	_ =	sdelay $0x3  }
0x92: {  	_ =	strace s18  }
0x93: {  	s2 =	sld [smem:$0x3FFC];
	_ =	sdelay $0x3  }
0x94: {  	_ =	strace s2  }
0x95: {  	s2 =	sld [smem:$0x3FFD];
	_ =	sdelay $0x3  }
0x96: {  	_ =	strace s2  }
0x97: {  	_ =	strace $0x8FFFFFFF  }
0x98: {  	s19 =	sld [smem:$0x3FDB];
	_ =	sdelay $0x1  }
0x99: {  	s20 =	simm.s32 $_scs_section_size  }
0x9a: {  	s4 =	simm.s32 $_size__tile_overlayer_lowered;
	s5 =	simm.s32 $_tile_overlayer_lowered  }
0x9b: {  	s6 =	simm.s32 $0x1BFF;
	s21 =	sshll.u32 s5, $0x1;
	s3 =	sadd.s32 s20, s19  }
0x9c: {  	s22 =	simm.s32 $0x0;
	s4 =	sshll.u32 s4, $0x1;
	s5 =	sadd.s32 s21, s3  }
0x9d: {  	[timem:s22], [sflag:s6] =	dma.local [hbm:s5], s4  }
0x9e: {  	_ =	swait.ge [sflag:s6], s4  }
0x9f: {  	s4 =	ssub.s32 $0x0, s4;
	[sflag:s6] =	ssyncset.done $0x0  }
0xa0: {  	[sflag:s6] =	ssyncadd.s32 s4;
	_ =	sdelay $0x1  }
0xa1: {  	s23 =	simm.s32 $0x1B8B  }
0xa2: {  	_ =	swait.ge [sflag:s23], $0x1  }
0xa3: {  	[sflag:s23] =	ssyncset.done $0x0  }
0xa4: {  	[sflag:s23] =	ssyncadd.s32 $0xFFFFFFFF  }
0xa5: {  	s4 =	sld [smem:$0x0]  }
0xa6: {  	s5 =	sand.u32 $0xFFFFFFFE, s1  }
0xa7: {  	p0 =	sne.s32 s1, s5  }
0xa8: {  	s5 =	sshll.u32 @p0 s5, $0xE  }
0xa9: {  	s5 =	sadd.s32 @p0 $0x11B8D, s5;
	s6 =	sshll.u32 @p0 s4, $0x11  }
0xaa: {  	s5 =	sor.u32 @p0 s6, s5  }
0xab: {  	[sflag:s5] =	ssyncadd.remote.s32 @p0 $0x1;
	_ =	sdelay $0x1  }
0xac: {  	s5 =	simm.s32 @p0 $0x1B8D  }
0xad: {  	_ =	swait.eq @p0 [sflag:s5], $0x1  }
0xae: {  	[sflag:s5] =	ssyncadd.s32 @p0 $0xFFFFFFFF  }
0xaf: {  	s6 =	sshll.u32 @!p0 s1, $0xE  }
0xb0: {  	s6 =	sor.u32 @!p0 $0x4000, s6;
	s5 =	simm.s32 @!p0 $0x1B8D  }
0xb1: {  	s4 =	sshll.u32 @!p0 s4, $0x11;
	s6 =	sadd.s32 @!p0 $0x11B8D, s6;
	_ =	swait.eq @!p0 [sflag:s5], $0x1  }
0xb2: {  	s4 =	sor.u32 @!p0 s4, s6;
	[sflag:s5] =	ssyncadd.s32 @!p0 $0xFFFFFFFF  }
0xb3: {  	s25 =	simm.s32 $0x1B8E;
	s24 =	sld [smem:$0x3FFE];
	[sflag:s4] =	ssyncadd.remote.s32 @!p0 $0x1  }
0xb4: {  	s26 =	simm.s32 $execute0_lowered;
	[smem:$0x3FD2] =	sst s25  }
0xb5: {  	s5 =	sshll.u32 s26, $0x1;
	_ =	strace $0x8000004F;
	[dreg:$0x1] =	wrdreg $0xFFFFFFFF  }
0xb6: {  	s28 =	simm.s32 $_size_execute0_lowered;
	s3 =	sadd.s32 s3, s5;
	[dreg:$0x0] =	wrdreg $0x0  }
0xb7: {  	s5 =	sshll.u32 s28, $0x1;
	[dreg:$0x2] =	wrdreg s3  }
0xb8: {  	[dreg:$0x3] =	wrdreg s5  }
0xb9: {  	[dreg:$0x4] =	wrdreg $0xC0  }
0xba: {  	_ =	task [dreg:s22], $0x5FFFF  }
0xbb: {  	[dreg:$0x1] =	wrdreg $0xFFFFFFFF  }
0xbc: {  	[dreg:$0x0] =	wrdreg $0x60  }
0xbd: {  	[dreg:$0x2] =	wrdreg s24  }
0xbe: {  	[dreg:$0x3] =	wrdreg $0x52080  }
0xbf: {  	[dreg:$0x4] =	wrdreg $0xA  }
0xc0: {  	_ =	task.clear_ibuf [dreg:s22], $0x5FFFF;
	_ =	strace $0x9000004F  }
0xc1: {  	s29 =	simm.s32 $0xA;
	_ =	strace $0x80000051  }
0xc2: {  	_ =	swait.ge [sflag:s29], $0x1  }
0xc3: {  	[sflag:s29] =	ssyncadd.s32 $0xFFFFFFFF  }
0xc4: {  	_ =	strace $0x90000051  }
0xc5: {  	_ =	sfence  }
0xc6: {  	s30 =	sld [smem:$0x0];
	_ =	sdelay $0x2  }
0xc7: {  	s31 =	sshll.u32 s1, $0xD;
	s1 =	sshrl.u32 s1, $0x2  }
0xc8: {  	s4 =	sand.u32 $0x4000, s31;
	s1 =	sadd.s32 s1, s30  }
0xc9: {  	s0 =	sor.u32 s4, s0;
	s1 =	sshll.u32 s1, $0x11  }
0xca: {  	s0 =	sor.u32 s1, s0  }
0xcb: {  	s0 =	sadd.s32 $0x8F2B, s0  }
0xcc: {  	[sflag:s0] =	ssyncadd.remote.s32 $0x1  }
0xcd: {  	_ =	sfence.sel $0xFFFF  }
0xce: {  	[dreg:$0x0] =	wrdreg $0xFFFFFFFF;
	(pc) =	sbr.abs _section_cstart, $3  }
0xcf: {  	[dreg:$0x1] =	wrdreg $0xFFFFFFFF  }
0xd0: {  	_ =	task.clear_ibuf [dreg:s22], $0x2FFFF;
	_ =	strace $0x9FFFFFFF  }
0xd1: {  	(tm) =	ssettm $0x7FFFFFFF  }
tec
execute0_lowered:
.L_overlay_start_1:
0x0: {  	(tag) =	ssettag $0x1  }
0x1: {  	s0 =	srdreg.scid;
	s4 =	rddreg [dreg:$0x0]  }
0x2: {  	s1 =	rddreg [dreg:$0x1];
	s10 =	stileid.u32  }
0x3: {  	s2 =	simm.s32 $0x0;
	s13 =	simm.s32 $0x1;
	s3 =	sand.u32 $0x1, s0  }
0x4: {  	s14 =	simm.s32 $0x28;
	s15 =	simm.s32 $0x0;
	s5 =	sshll.u32 s3, $0x4  }
0x5: {  	s0 =	rddreg [dreg:$0x2];
	s31 =	smul.u32 $0x4E20, s3;
	s5 =	sor.u32 s10, s5  }
0x6: {  	[smem:$0x7FF] =	sst s2;
	p0 =	sne.s32 s10, $0x0;
	s6 =	smul.u32 $0x2710, s5  }
0x7: {  	_ =	strace $0x80000050;
	s7 =	ssub.s32 $0x2, s3;
	s5 =	smul.u32 $0x271, s5  }
0x8: {  	s3 =	sadd.s32 $0x2200, s4;
	s12 =	sshrl.u32 @!p0 s1, $0x3;
	s8 =	sshrl.u32 s7, $0x1  }
0x9: {  	s11 =	sadd.s32 s6, s4;
	s5 =	sadd.s32 s5, s4;
	s6 =	sadd.s32 s31, s4  }
0xa: {  	s7 =	ssub.s32 s7, s8;
	s4 =	sadd.s32 $0x5A400, s5;
	s5 =	sadd.s32 $0xAD600, s6  }
0xb: {  	s6 =	smax.u32 s7, $0x1;
	s7 =	sadd.s32 $0x5F400, s11;
	s8 =	sadd.s32 $0x5FBD0, s11  }
0xc: {  	s9 =	sadd.s32 $0x603A0, s11;
	s10 =	sadd.s32 $0x60B70, s11;
	s11 =	sadd.s32 $0x61340, s11  }
.LBB2_1:
0xd: {  	s16 =	simm.s32 @!p0 $0x1C01  }
0xe: {  	[spmem:s12], [sflag:s16] =	dma.local @!p0 [hbm:s3], $0x4E20  }
0xf: {  	s16 =	simm.s32 @!p0 $0x1  }
0x10: {  	_ =	swait.ge @!p0 [sflag:s16], $0x4E20  }
0x11: {  	[sflag:s16] =	ssyncset.done @!p0 $0x0  }
0x12: {  	[sflag:s16] =	ssyncadd.s32 @!p0 $0xFFFFB1E0  }
0x13: {  	[tilespmem:s2], [sflag:$0x1] =	stream.linear.gather [hbm4b:s4+s2], $0x1388, $0x38;
	[tilespmem:$0x7918] =	vst v63  }
0x14: {  	_ =	swait.ge [sflag:s13], $0x1388  }
0x15: {  	[sflag:s13] =	ssyncset.done $0x0  }
0x16: {  	[sflag:s13] =	ssyncadd.s32 $0xFFFFEC78  }
0x17: {  	s16 =	simm.s32 $0x1388;
	[bflag:$0x0] =	sbarrier.arrive $0xFFFF  }
0x18: {  	[tilespmem:s16], [sflag:$0x1] =	stream.linear.gather [hbm4b:s7+s2], $0x3E80, $0x38;
	[tilespmem:$0x7918] =	vst v63  }
0x19: {  	_ =	swait.ge [sflag:s13], $0x3E80  }
0x1a: {  	[sflag:s13] =	ssyncset.done $0x0  }
0x1b: {  	s17 =	simm.s32 $0x0;
	[sflag:s13] =	ssyncadd.s32 $0xFFFFC180  }
0x1c: {  	[spmem:s1] =	stream.indirect.scatter.add.f32 [tilespmem:s16], [sflag:$0x1], $0x10, s17, s14, $0xb8;
	[tilespmem:$0x7918] =	vst v63  }
0x1d: {  	_ =	swait.ge [sflag:s13], $0x280  }
0x1e: {  	s17 =	simm.s32 $0xA0;
	[sflag:s13] =	ssyncset.done $0x0  }
.LBB2_2:
0x1f: {  	s18 =	sshra.s32 s17, $0x2  }
0x20: {  	[sflag:s13] =	ssyncadd.s32 $0xFFFFFD80;
	s16 =	sadd.s32 $0x280, s16;
	p1 =	sne.s32 s17, $0xF00  }
0x21: {  	[spmem:s1] =	stream.indirect.scatter.add.f32 [tilespmem:s16], [sflag:$0x1], $0x10, s18, s14, $0xb8;
	[tilespmem:$0x7918] =	vst v63  }
.Ltmp0:
0x22: {  	_ = 	snop;
	(pc) =	sbr.rel @p1 .LBB2_2-.Ltmp0, $4  }
0x23: {  	_ = 	snop  }
0x24: {  	s17 =	sadd.s32 $0xA0, s17  }
0x25: {  	_ =	swait.ge [sflag:s13], $0x280  }
0x26: {  	[sflag:s13] =	ssyncset.done $0x0  }
0x27: {  	[sflag:s13] =	ssyncadd.s32 $0xFFFFFD80;
	s17 =	simm.s32 $0x0;
	s16 =	simm.s32 $0x1388  }
0x28: {  	[tilespmem:s16], [sflag:$0x1] =	stream.linear.gather [hbm4b:s8+s17], $0x3E80, $0x38;
	[tilespmem:$0x7918] =	vst v63  }
0x29: {  	_ =	swait.ge [sflag:s13], $0x3E80  }
0x2a: {  	[sflag:s13] =	ssyncset.done $0x0  }
0x2b: {  	s31 =	simm.s32 $0x3E8;
	[sflag:s13] =	ssyncadd.s32 $0xFFFFC180  }
0x2c: {  	[spmem:s1] =	stream.indirect.scatter.add.f32 [tilespmem:s16], [sflag:$0x1], $0x10, s31, s14, $0xb8;
	[tilespmem:$0x7918] =	vst v63  }
0x2d: {  	s17 =	simm.s32 $0xA0;
	_ =	swait.ge [sflag:s13], $0x280  }
.LBB2_4:
0x2e: {  	s18 =	sshra.s32 s17, $0x2  }
0x2f: {  	[sflag:s13] =	ssyncset.done $0x0;
	s16 =	sadd.s32 $0x280, s16;
	p1 =	sne.s32 s17, $0xF00  }
.Ltmp1:
0x30: {  	s18 =	sadd.s32 $0x3E8, s18;
	[sflag:s13] =	ssyncadd.s32 $0xFFFFFD80;
	(pc) =	sbr.rel @p1 .LBB2_4-.Ltmp1, $3  }
0x31: {  	[spmem:s1] =	stream.indirect.scatter.add.f32 [tilespmem:s16], [sflag:$0x1], $0x10, s18, s14, $0xb8;
	[tilespmem:$0x7918] =	vst v63  }
0x32: {  	s17 =	sadd.s32 $0xA0, s17;
	_ =	sdelay $0x1  }
0x33: {  	_ =	swait.ge [sflag:s13], $0x280  }
0x34: {  	[sflag:s13] =	ssyncset.done $0x0  }
0x35: {  	s17 =	simm.s32 $0x0;
	s16 =	simm.s32 $0x1388;
	[sflag:s13] =	ssyncadd.s32 $0xFFFFFD80  }
0x36: {  	[tilespmem:s16], [sflag:$0x1] =	stream.linear.gather [hbm4b:s9+s17], $0x3E80, $0x38;
	[tilespmem:$0x7918] =	vst v63  }
0x37: {  	_ =	swait.ge [sflag:s13], $0x3E80  }
0x38: {  	[sflag:s13] =	ssyncset.done $0x0  }
0x39: {  	s31 =	simm.s32 $0x7D0;
	[sflag:s13] =	ssyncadd.s32 $0xFFFFC180  }
0x3a: {  	[spmem:s1] =	stream.indirect.scatter.add.f32 [tilespmem:s16], [sflag:$0x1], $0x10, s31, s14, $0xb8;
	[tilespmem:$0x7918] =	vst v63  }
0x3b: {  	s17 =	simm.s32 $0xA0;
	_ =	swait.ge [sflag:s13], $0x280  }
.LBB2_6:
0x3c: {  	s18 =	sshra.s32 s17, $0x2  }
0x3d: {  	[sflag:s13] =	ssyncset.done $0x0;
	s16 =	sadd.s32 $0x280, s16;
	p1 =	sne.s32 s17, $0xF00  }
.Ltmp2:
0x3e: {  	s18 =	sadd.s32 $0x7D0, s18;
	[sflag:s13] =	ssyncadd.s32 $0xFFFFFD80;
	(pc) =	sbr.rel @p1 .LBB2_6-.Ltmp2, $3  }
0x3f: {  	[spmem:s1] =	stream.indirect.scatter.add.f32 [tilespmem:s16], [sflag:$0x1], $0x10, s18, s14, $0xb8;
	[tilespmem:$0x7918] =	vst v63  }
0x40: {  	s17 =	sadd.s32 $0xA0, s17;
	_ =	sdelay $0x1  }
0x41: {  	_ =	swait.ge [sflag:s13], $0x280  }
0x42: {  	[sflag:s13] =	ssyncset.done $0x0  }
0x43: {  	s17 =	simm.s32 $0x0;
	s16 =	simm.s32 $0x1388;
	[sflag:s13] =	ssyncadd.s32 $0xFFFFFD80  }
0x44: {  	[tilespmem:s16], [sflag:$0x1] =	stream.linear.gather [hbm4b:s10+s17], $0x3E80, $0x38;
	[tilespmem:$0x7918] =	vst v63  }
0x45: {  	_ =	swait.ge [sflag:s13], $0x3E80  }
0x46: {  	[sflag:s13] =	ssyncset.done $0x0  }
0x47: {  	s31 =	simm.s32 $0xBB8;
	[sflag:s13] =	ssyncadd.s32 $0xFFFFC180  }
0x48: {  	[spmem:s1] =	stream.indirect.scatter.add.f32 [tilespmem:s16], [sflag:$0x1], $0x10, s31, s14, $0xb8;
	[tilespmem:$0x7918] =	vst v63  }
0x49: {  	s17 =	simm.s32 $0xA0;
	_ =	swait.ge [sflag:s13], $0x280  }
.LBB2_8:
0x4a: {  	s18 =	sshra.s32 s17, $0x2  }
0x4b: {  	[sflag:s13] =	ssyncset.done $0x0;
	s16 =	sadd.s32 $0x280, s16;
	p1 =	sne.s32 s17, $0xF00  }
.Ltmp3:
0x4c: {  	s18 =	sadd.s32 $0xBB8, s18;
	[sflag:s13] =	ssyncadd.s32 $0xFFFFFD80;
	(pc) =	sbr.rel @p1 .LBB2_8-.Ltmp3, $3  }
0x4d: {  	[spmem:s1] =	stream.indirect.scatter.add.f32 [tilespmem:s16], [sflag:$0x1], $0x10, s18, s14, $0xb8;
	[tilespmem:$0x7918] =	vst v63  }
0x4e: {  	s17 =	sadd.s32 $0xA0, s17;
	_ =	sdelay $0x1  }
0x4f: {  	_ =	swait.ge [sflag:s13], $0x280  }
0x50: {  	[sflag:s13] =	ssyncset.done $0x0  }
0x51: {  	s17 =	simm.s32 $0x0;
	s16 =	simm.s32 $0x1388;
	[sflag:s13] =	ssyncadd.s32 $0xFFFFFD80  }
0x52: {  	[tilespmem:s16], [sflag:$0x1] =	stream.linear.gather [hbm4b:s11+s17], $0x3E80, $0x38;
	[tilespmem:$0x7918] =	vst v63  }
0x53: {  	_ =	swait.ge [sflag:s13], $0x3E80  }
0x54: {  	[sflag:s13] =	ssyncset.done $0x0  }
0x55: {  	s31 =	simm.s32 $0xFA0;
	[sflag:s13] =	ssyncadd.s32 $0xFFFFC180  }
0x56: {  	[spmem:s1] =	stream.indirect.scatter.add.f32 [tilespmem:s16], [sflag:$0x1], $0x10, s31, s14, $0xb8;
	[tilespmem:$0x7918] =	vst v63  }
0x57: {  	s17 =	simm.s32 $0xA0;
	_ =	swait.ge [sflag:s13], $0x280  }
.LBB2_10:
0x58: {  	s18 =	sshra.s32 s17, $0x2  }
0x59: {  	[sflag:s13] =	ssyncset.done $0x0;
	s16 =	sadd.s32 $0x280, s16;
	p1 =	sne.s32 s17, $0xF00  }
.Ltmp4:
0x5a: {  	s18 =	sadd.s32 $0xFA0, s18;
	[sflag:s13] =	ssyncadd.s32 $0xFFFFFD80;
	(pc) =	sbr.rel @p1 .LBB2_10-.Ltmp4, $3  }
0x5b: {  	[spmem:s1] =	stream.indirect.scatter.add.f32 [tilespmem:s16], [sflag:$0x1], $0x10, s18, s14, $0xb8;
	[tilespmem:$0x7918] =	vst v63  }
0x5c: {  	s17 =	sadd.s32 $0xA0, s17;
	_ =	sdelay $0x1  }
0x5d: {  	_ =	swait.ge [sflag:s13], $0x280  }
0x5e: {  	[sflag:s13] =	ssyncset.done $0x0  }
0x5f: {  	s15 =	sadd.s32 $0x1, s15;
	[sflag:s13] =	ssyncadd.s32 $0xFFFFFD80  }
0x60: {  	s16 =	simm.s32 @!p0 $0x1C01;
	p1 =	sne.s32 s15, s6;
	[bflag:$0x0] =	sbarrier.arrive $0xFFFF  }
0x61: {  	[hbm:s5], [sflag:s16] =	dma.local @!p0 [spmem:s12], $0x4E20  }
.Ltmp5:
0x62: {  	_ = 	snop;
	(pc) =	sbr.rel @p1 .LBB2_1-.Ltmp5, $4  }
0x63: {  	s16 =	simm.s32 @!p0 $0x1  }
0x64: {  	_ =	swait.ge @!p0 [sflag:s16], $0x4E20  }
0x65: {  	[sflag:s16] =	ssyncset.done @!p0 $0x0  }
0x66: {  	[sflag:s16] =	ssyncadd.s32 @!p0 $0xFFFFB1E0  }
0x67: {  	_ =	sfence.sel $0x180000  }
0x68: {  	[bflag:$0x0] =	sbarrier.arrive $0xFFFF  }
0x69: {  	_ =	strace $0x90000050  }
0x6a: {  	s0 =	sadd.s32 @!p0 $0x100000, s0;
	[bflag:$0x2] =	sbarrier.arrive $0xFFFF  }
0x6b: {  	[sflag:s0] =	ssyncadd.tile.s32 @!p0 $0x1;
	_ =	shalt  }
.Lfunc_end2:
_tile_overlayer_lowered:
.L_overlay_start_2:
0x6c: {  	(tag) =	ssettag $0x2  }
0x6d: {  	s0 =	rddreg [dreg:$0x0];
	s2 =	stileid.u32  }
0x6e: {  	s1 =	rddreg [dreg:$0x1];
	p0 =	sne.s32 s2, $0x0  }
0x6f: {  	s3 =	rddreg [dreg:$0x2];
	[bflag:$0x3] =	sbarrier.arrive $0xFFFF;
	s2 =	simm.s32 @!p0 $0x1C01  }
0x70: {  	[timem:s3], [sflag:s2] =	dma.local @!p0 [hbm:s0], s1  }
0x71: {  	s0 =	simm.s32 @!p0 $0x1  }
0x72: {  	_ =	swait.ge @!p0 [sflag:s0], s1  }
0x73: {  	s1 =	ssub.s32 @!p0 $0x0, s1;
	[sflag:s0] =	ssyncset.done @!p0 $0x0  }
0x74: {  	[sflag:s0] =	ssyncadd.s32 @!p0 s1  }
0x75: {  	[bflag:$0x3] =	sbarrier.arrive $0xFFFF  }
0x76: {  	_ =	shalt  }

// kernel: kernel.9.cloned.1.call-start
scs
__scs_entry_jumppad:
0x0: {  	(pc) =	sbr.rel $0x88, $3  }
0x1: {  	(tag) =	ssettag $0x0;
	lr =	simm.s32 $0x1  }
0x2: {  	[smem:$0x3F9C] =	sst lr;
	_ =	strace $0xD0000000  }
0x3: {  	_ = 	snop  }
0x4: {  	_ = 	snop  }
0x5: {  	_ = 	snop  }
0x6: {  	_ = 	snop  }
0x7: {  	_ = 	snop  }
__scs_overlays_trampoline_lowered:
0x8: {  	[smem:$0x3FAB] =	sst s0  }
0x9: {  	[smem:$0x3FAC] =	sst s1  }
0xa: {  	[smem:$0x3FAD] =	sst s2  }
0xb: {  	[smem:$0x3FAE] =	sst s3  }
0xc: {  	[smem:$0x3FAF] =	sst s4  }
0xd: {  	[smem:$0x3FB0] =	sst s5  }
0xe: {  	[smem:$0x3FB1] =	sst s6  }
0xf: {  	[smem:$0x3FB2] =	sst s7  }
0x10: {  	[smem:$0x3FB3] =	sst s8  }
0x11: {  	[smem:$0x3FB4] =	sst s9;
	s0 =	simm.s32 @!p0 $0x0  }
0x12: {  	s1 =	sld [smem:$0x3F9A];
	s0 =	simm.s32 @p0 $0x1  }
0x13: {  	[smem:$0x3FB5] =	sst s0;
	s0 =	simm.s32 @!p1 $0x0  }
0x14: {  	s2 =	sld [smem:$0x3F99];
	s0 =	simm.s32 @p1 $0x1  }
0x15: {  	[smem:$0x3FB6] =	sst s0;
	s0 =	simm.s32 @!p2 $0x0  }
0x16: {  	s3 =	sld [smem:$0x3FDB];
	s0 =	simm.s32 @p2 $0x1  }
0x17: {  	s4 =	simm.s32 $0x1BF5;
	[smem:$0x3FB8] =	sst s0  }
0x18: {  	s0 =	sld [smem:$0x3F9B];
	_ =	swait.ge [sflag:s4], $0x0  }
0x19: {  	s7 =	sld [smem:$0x3F9C]  }
0x1a: {  	s8 =	sadd.s32 $0xFFFFE003, lr  }
0x1b: {  	s9 =	sadd.s32 $0xFFFFFEF7, lr;
	s5 =	simm.s32 $0xFFFFFFFF;
	p2 =	slt.u32 s8, $0xFFFFF086  }
0x1c: {  	p1 =	slt.u32 s9, $0xF7A;
	s5 =	simm.s32 @!p2 $0x0  }
0x1d: {  	s5 =	simm.s32 @p1 $0x1;
	p0 =	seq.s32 s7, s2  }
0x1e: {  	s7 =	smul.u32 @!p0 $0xF7A, s2;
	p2 =	seq.s32 @!p0 s5, $0x0  }
0x1f: {  	s9 =	smul.u32 $0xF7A, s1;
	s8 =	simm.s32 @!p0 $0x1BF5;
	p2 =	por !p2, p0  }
0x20: {  	[sflag:s8] =	ssyncset.s32 @!p0 $0xFFFFF086;
	s6 =	sadd.s32 @!p0 s3, s7;
	s7 =	simm.s32 @!p0 $0x108  }
0x21: {  	s3 =	sadd.s32 s3, s9;
	s6 =	sadd.s32 @!p0 $0x88, s6;
	s7 =	simm.s32 @p2 $0x1082  }
0x22: {  	[simem:s7], [sflag:s8] =	dma.local @!p0 [hbm:s6], $0xF7A  }
0x23: {  	s9 =	sor.u32 $0xD0000000, s2;
	s6 =	simm.s32 $0x108;
	_ =	swait.ge @!p0 [sflag:s8], $0x0  }
0x24: {  	s3 =	sadd.s32 $0x88, s3;
	s6 =	simm.s32 @!p1 $0x1082;
	[sflag:s4] =	ssyncset.s32 $0xFFFFF086  }
0x25: {  	[simem:s6], [sflag:s4] =	dma.local [hbm:s3], $0xF7A  }
0x26: {  	[smem:$0x3F9C] =	sst s1;
	(tag) =	ssettag s2;
	_ =	strace s9  }
0x27: {  	s1 =	sld [smem:$0x3FAC]  }
0x28: {  	s2 =	sld [smem:$0x3FAD]  }
0x29: {  	s4 =	sld [smem:$0x3FAF]  }
0x2a: {  	p0 =	seq.s32 s5, $0x0;
	s5 =	sld [smem:$0x3FB0]  }
0x2b: {  	s6 =	sld [smem:$0x3FB1]  }
0x2c: {  	s7 =	sld [smem:$0x3FB2]  }
0x2d: {  	s3 =	simm.s32 $0x108;
	s8 =	sld [smem:$0x3FB3]  }
0x2e: {  	s3 =	simm.s32 @!p0 $0x1082;
	s9 =	sld [smem:$0x3FB4]  }
0x2f: {  	lr =	sadd.s32 s0, s3;
	s0 =	sld [smem:$0x3FAB]  }
0x30: {  	s3 =	sld [smem:$0x3FAE]  }
0x31: {  	[smem:$0x3FB7] =	sst s10  }
0x32: {  	s10 =	sld [smem:$0x3FB5];
	_ =	sdelay $0x3  }
0x33: {  	p0 =	seq.s32 s10, $0x1;
	s10 =	sld [smem:$0x3FB7];
	_ =	sdelay $0x3  }
0x34: {  	[smem:$0x3FB7] =	sst s10  }
0x35: {  	s10 =	sld [smem:$0x3FB6];
	_ =	sdelay $0x3  }
0x36: {  	p1 =	seq.s32 s10, $0x1;
	s10 =	sld [smem:$0x3FB7];
	_ =	sdelay $0x3  }
0x37: {  	[smem:$0x3FB7] =	sst s10  }
0x38: {  	s10 =	sld [smem:$0x3FB8]  }
0x39: {  	_ = 	snop;
	(pc) =	sbr.ind lr, $3  }
0x3a: {  	_ = 	snop  }
0x3b: {  	_ = 	snop  }
0x3c: {  	p2 =	seq.s32 s10, $0x1;
	s10 =	sld [smem:$0x3FB7]  }
0x3d: {  	_ =	shalt  }
0x3e: {  	_ =	shalt  }
0x3f: {  	_ =	shalt  }
0x40: {  	_ =	shalt  }
0x41: {  	_ =	shalt  }
0x42: {  	_ =	shalt  }
0x43: {  	_ =	shalt  }
0x44: {  	_ =	shalt  }
0x45: {  	_ =	shalt  }
0x46: {  	_ =	shalt  }
0x47: {  	_ =	shalt  }
0x48: {  	_ =	shalt  }
0x49: {  	_ =	shalt  }
0x4a: {  	_ =	shalt  }
0x4b: {  	_ =	shalt  }
0x4c: {  	_ =	shalt  }
0x4d: {  	_ =	shalt  }
0x4e: {  	_ =	shalt  }
0x4f: {  	_ =	shalt  }
0x50: {  	_ =	shalt  }
0x51: {  	_ =	shalt  }
0x52: {  	_ =	shalt  }
0x53: {  	_ =	shalt  }
0x54: {  	_ =	shalt  }
0x55: {  	_ =	shalt  }
0x56: {  	_ =	shalt  }
0x57: {  	_ =	shalt  }
0x58: {  	_ =	shalt  }
0x59: {  	_ =	shalt  }
0x5a: {  	_ =	shalt  }
0x5b: {  	_ =	shalt  }
0x5c: {  	_ =	shalt  }
0x5d: {  	_ =	shalt  }
0x5e: {  	_ =	shalt  }
0x5f: {  	_ =	shalt  }
0x60: {  	_ =	shalt  }
0x61: {  	_ =	shalt  }
0x62: {  	_ =	shalt  }
0x63: {  	_ =	shalt  }
0x64: {  	_ =	shalt  }
0x65: {  	_ =	shalt  }
0x66: {  	_ =	shalt  }
0x67: {  	_ =	shalt  }
0x68: {  	_ =	shalt  }
0x69: {  	_ =	shalt  }
0x6a: {  	_ =	shalt  }
0x6b: {  	_ =	shalt  }
0x6c: {  	_ =	shalt  }
0x6d: {  	_ =	shalt  }
0x6e: {  	_ =	shalt  }
0x6f: {  	_ =	shalt  }
0x70: {  	_ =	shalt  }
0x71: {  	_ =	shalt  }
0x72: {  	_ =	shalt  }
0x73: {  	_ =	shalt  }
0x74: {  	_ =	shalt  }
0x75: {  	_ =	shalt  }
0x76: {  	_ =	shalt  }
0x77: {  	_ =	shalt  }
0x78: {  	_ =	shalt  }
0x79: {  	_ =	shalt  }
0x7a: {  	_ =	shalt  }
0x7b: {  	_ =	shalt  }
0x7c: {  	_ =	shalt  }
0x7d: {  	_ =	shalt  }
0x7e: {  	_ =	shalt  }
0x7f: {  	_ =	shalt  }
0x80: {  	_ =	shalt  }
0x81: {  	_ =	shalt  }
0x82: {  	_ =	shalt  }
0x83: {  	_ =	shalt  }
0x84: {  	_ =	shalt  }
0x85: {  	_ =	shalt  }
0x86: {  	_ =	shalt  }
0x87: {  	_ =	shalt  }
.Lfunc_end0:
.L_simem_size_0:
called_computation_lowered:
.L_overlay_start_0:
0x88: {  	s2 =	sld [smem:$0x3FD9]  }
0x89: {  	s3 =	sld [smem:$0x3FFE];
	_ =	sdelay $0x1  }
0x8a: {  	s1 =	srdreg.scid  }
0x8b: {  	s0 =	sand.u32 $0x1, s1  }
0x8c: {  	s17 =	sshll.u32 s0, $0xA;
	s2 =	sadd.s32 s3, s2  }
0x8d: {  	s2 =	sadd.s32 s2, s17  }
0x8e: {  	[smem:$0x3FC3] =	sst s2  }
0x8f: {  	_ = 	snop  }
0x90: {  	s2 =	sld [smem:$0x3FD0];
	(tm) =	ssettm $0x1  }
0x91: {  	s18 =	sld [smem:$0x3FFB];
	_ =	sdelay $0x3  }
0x92: {  	_ =	strace s18  }
0x93: {  	s3 =	sld [smem:$0x3FFC];
	_ =	sdelay $0x3  }
0x94: {  	_ =	strace s3  }
0x95: {  	s3 =	sld [smem:$0x3FFD];
	_ =	sdelay $0x3  }
0x96: {  	_ =	strace s3  }
0x97: {  	_ =	strace $0x8FFFFFFF  }
0x98: {  	s19 =	sld [smem:$0x3FDB];
	_ =	sdelay $0x1  }
0x99: {  	s4 =	simm.s32 $_scs_section_size  }
0x9a: {  	s5 =	simm.s32 $_size__tile_overlayer_lowered;
	s6 =	simm.s32 $_tile_overlayer_lowered  }
0x9b: {  	s22 =	simm.s32 $0x1BFF;
	s21 =	sshll.u32 s6, $0x1;
	s3 =	sadd.s32 s4, s19  }
0x9c: {  	s7 =	simm.s32 $0x0;
	s20 =	sshll.u32 s5, $0x1;
	s5 =	sadd.s32 s21, s3  }
0x9d: {  	[timem:s7], [sflag:s22] =	dma.local [hbm:s5], s20  }
0x9e: {  	_ =	swait.ge [sflag:s22], s20  }
0x9f: {  	s4 =	ssub.s32 $0x0, s20;
	[sflag:s22] =	ssyncset.done $0x0  }
0xa0: {  	[sflag:s22] =	ssyncadd.s32 s4;
	_ =	sdelay $0x1  }
0xa1: {  	s23 =	simm.s32 $0x1B8B  }
0xa2: {  	_ =	swait.ge [sflag:s23], $0x1  }
0xa3: {  	[sflag:s23] =	ssyncset.done $0x0  }
0xa4: {  	s25 =	simm.s32 $0x1B8E;
	s24 =	sld [smem:$0x3FFE];
	[sflag:s23] =	ssyncadd.s32 $0xFFFFFFFF  }
0xa5: {  	s26 =	simm.s32 $execute0_lowered;
	[smem:$0x3FD2] =	sst s25  }
0xa6: {  	s5 =	sshll.u32 s26, $0x1;
	_ =	strace $0x80000046;
	[dreg:$0x1] =	wrdreg $0xFFFFFFFF  }
0xa7: {  	s28 =	simm.s32 $_size_execute0_lowered;
	s3 =	sadd.s32 s3, s5;
	[dreg:$0x0] =	wrdreg $0x0  }
0xa8: {  	s5 =	sshll.u32 s28, $0x1;
	[dreg:$0x2] =	wrdreg s3  }
0xa9: {  	[dreg:$0x3] =	wrdreg s5  }
0xaa: {  	[dreg:$0x4] =	wrdreg $0xC0  }
0xab: {  	_ =	task [dreg:s7], $0x5FFFF  }
0xac: {  	[dreg:$0x1] =	wrdreg $0xFFFFFFFF  }
0xad: {  	[dreg:$0x0] =	wrdreg $0x60  }
0xae: {  	[dreg:$0x2] =	wrdreg s2  }
0xaf: {  	[dreg:$0x3] =	wrdreg s24  }
0xb0: {  	[dreg:$0x4] =	wrdreg $0x9  }
0xb1: {  	_ =	task.clear_ibuf [dreg:s7], $0x5FFFF;
	_ =	strace $0x90000046  }
0xb2: {  	s29 =	simm.s32 $0x9;
	_ =	strace $0x80000048  }
0xb3: {  	_ =	swait.ge [sflag:s29], $0x1  }
0xb4: {  	[sflag:s29] =	ssyncadd.s32 $0xFFFFFFFF  }
0xb5: {  	_ =	strace $0x90000048  }
0xb6: {  	_ =	sfence  }
0xb7: {  	s30 =	sld [smem:$0x0];
	_ =	sdelay $0x2  }
0xb8: {  	s31 =	sshll.u32 s1, $0xD;
	s1 =	sshrl.u32 s1, $0x2  }
0xb9: {  	s3 =	sand.u32 $0x4000, s31;
	s1 =	sadd.s32 s1, s30  }
0xba: {  	s0 =	sor.u32 s3, s0;
	s1 =	sshll.u32 s1, $0x11  }
0xbb: {  	s0 =	sor.u32 s1, s0  }
0xbc: {  	s0 =	sadd.s32 $0x8F2B, s0  }
0xbd: {  	[sflag:s0] =	ssyncadd.remote.s32 $0x1  }
0xbe: {  	_ =	sfence.sel $0xFFFF  }
0xbf: {  	[dreg:$0x0] =	wrdreg $0xFFFFFFFF;
	(pc) =	sbr.abs _section_cstart, $3  }
0xc0: {  	[dreg:$0x1] =	wrdreg $0xFFFFFFFF  }
0xc1: {  	_ =	task.clear_ibuf [dreg:s7], $0x2FFFF;
	_ =	strace $0x9FFFFFFF  }
0xc2: {  	(tm) =	ssettm $0x7FFFFFFF  }
0xc3: {  	_ =	shalt  }
tec
execute0_lowered:
.L_overlay_start_1:
0x0: {  	(tag) =	ssettag $0x1  }
0x1: {  	s0 =	srdreg.scid  }
0x2: {  	s0 =	sand.u32 $0x1, s0  }
0x3: {  	s3 =	stileid.u32;
	s2 =	rddreg [dreg:$0x0];
	s1 =	sshll.u32 s0, $0x4  }
0x4: {  	s4 =	rddreg [dreg:$0x1];
	s1 =	sor.u32 s3, s1;
	s3 =	simm.s32 $0x0  }
0x5: {  	s11 =	simm.s32 $0x50;
	[smem:$0x7FF] =	sst s3  }
0x6: {  	s12 =	simm.s32 $0x78;
	_ =	strace $0x80000047;
	[dreg:$0x9] =	wrdreg s11  }
0x7: {  	s13 =	simm.s32 $0xA0;
	[dreg:$0xa] =	wrdreg s12  }
0x8: {  	s14 =	simm.s32 $0xC8;
	[dreg:$0xb] =	wrdreg s13  }
0x9: {  	s15 =	simm.s32 $0xF0;
	[dreg:$0xc] =	wrdreg s14  }
0xa: {  	s16 =	simm.s32 $0x118;
	[dreg:$0xd] =	wrdreg s15  }
0xb: {  	s17 =	simm.s32 $0x140;
	[dreg:$0xe] =	wrdreg s16  }
0xc: {  	s18 =	simm.s32 $0x168;
	[dreg:$0xf] =	wrdreg s17  }
0xd: {  	s19 =	simm.s32 $0x190;
	[dreg:$0x10] =	wrdreg s18  }
0xe: {  	s20 =	simm.s32 $0x1B8;
	[dreg:$0x11] =	wrdreg s19  }
0xf: {  	s21 =	simm.s32 $0x1E0;
	[dreg:$0x12] =	wrdreg s20  }
0x10: {  	s22 =	simm.s32 $0x208;
	[dreg:$0x13] =	wrdreg s21  }
0x11: {  	s23 =	simm.s32 $0x230;
	[dreg:$0x14] =	wrdreg s22  }
0x12: {  	s24 =	simm.s32 $0x258;
	[dreg:$0x15] =	wrdreg s23  }
0x13: {  	s25 =	simm.s32 $0x280;
	[dreg:$0x16] =	wrdreg s24  }
0x14: {  	s26 =	simm.s32 $0x2A8;
	[dreg:$0x17] =	wrdreg s25  }
0x15: {  	s28 =	simm.s32 $0x2D0;
	[dreg:$0x18] =	wrdreg s26  }
0x16: {  	s29 =	simm.s32 $0x2F8;
	[dreg:$0x19] =	wrdreg s28  }
0x17: {  	s30 =	simm.s32 $0x320;
	[dreg:$0x1a] =	wrdreg s29  }
0x18: {  	[dreg:$0x1b] =	wrdreg s30;
	s11 =	simm.s32 $0x460  }
0x19: {  	s12 =	simm.s32 $0x488;
	[smem:$0x79D] =	sst s11  }
0x1a: {  	s13 =	simm.s32 $0x4B0;
	[smem:$0x79E] =	sst s12  }
0x1b: {  	s14 =	simm.s32 $0x4D8;
	[smem:$0x79F] =	sst s13  }
0x1c: {  	s15 =	simm.s32 $0x500;
	[smem:$0x7A0] =	sst s14  }
0x1d: {  	s16 =	simm.s32 $0x528;
	[smem:$0x7A1] =	sst s15  }
0x1e: {  	s17 =	simm.s32 $0x550;
	[smem:$0x7A2] =	sst s16  }
0x1f: {  	s18 =	simm.s32 $0x578;
	[smem:$0x7A3] =	sst s17  }
0x20: {  	s19 =	simm.s32 $0x5A0;
	[smem:$0x7A4] =	sst s18  }
0x21: {  	s20 =	simm.s32 $0x5C8;
	[smem:$0x7A5] =	sst s19  }
0x22: {  	s21 =	simm.s32 $0x5F0;
	[smem:$0x7A6] =	sst s20  }
0x23: {  	s22 =	simm.s32 $0x618;
	[smem:$0x7A7] =	sst s21  }
0x24: {  	s23 =	simm.s32 $0x640;
	[smem:$0x7A8] =	sst s22  }
0x25: {  	s24 =	simm.s32 $0x668;
	[smem:$0x7A9] =	sst s23  }
0x26: {  	s25 =	simm.s32 $0x690;
	[smem:$0x7AA] =	sst s24  }
0x27: {  	s26 =	simm.s32 $0x6B8;
	[smem:$0x7AB] =	sst s25  }
0x28: {  	s5 =	smul.u32 $0x271, s1;
	s28 =	simm.s32 $0x6E0;
	[smem:$0x7AC] =	sst s26  }
0x29: {  	s1 =	smul.u32 $0x2710, s1;
	s29 =	simm.s32 $0x708;
	[smem:$0x7AD] =	sst s28  }
0x2a: {  	s30 =	simm.s32 $0x730;
	s5 =	sadd.s32 s5, s4;
	[smem:$0x7AE] =	sst s29  }
0x2b: {  	s1 =	sadd.s32 s1, s4;
	s4 =	simm.s32 $0x348;
	[smem:$0x7AF] =	sst s30  }
0x2c: {  	s11 =	simm.s32 $0x870;
	[dreg:$0x1c] =	wrdreg s4  }
0x2d: {  	s12 =	simm.s32 $0x898;
	[smem:$0x7B7] =	sst s11  }
0x2e: {  	s13 =	simm.s32 $0x8C0;
	[smem:$0x7B8] =	sst s12  }
0x2f: {  	s14 =	simm.s32 $0x8E8;
	[smem:$0x7B9] =	sst s13  }
0x30: {  	s15 =	simm.s32 $0x910;
	[smem:$0x7BA] =	sst s14  }
0x31: {  	s16 =	simm.s32 $0x938;
	[smem:$0x7BB] =	sst s15  }
0x32: {  	s17 =	simm.s32 $0x960;
	[smem:$0x7BC] =	sst s16  }
0x33: {  	s18 =	simm.s32 $0x988;
	[smem:$0x7BD] =	sst s17  }
0x34: {  	s19 =	simm.s32 $0x9B0;
	[smem:$0x7BE] =	sst s18  }
0x35: {  	s20 =	simm.s32 $0x9D8;
	[smem:$0x7BF] =	sst s19  }
0x36: {  	s21 =	simm.s32 $0xA00;
	[smem:$0x7C0] =	sst s20  }
0x37: {  	s22 =	simm.s32 $0xA28;
	[smem:$0x7C1] =	sst s21  }
0x38: {  	s23 =	simm.s32 $0xA50;
	[smem:$0x7C2] =	sst s22  }
0x39: {  	s24 =	simm.s32 $0xA78;
	[smem:$0x7C3] =	sst s23  }
0x3a: {  	s25 =	simm.s32 $0xAA0;
	[smem:$0x7C4] =	sst s24  }
0x3b: {  	s26 =	simm.s32 $0xAC8;
	[smem:$0x7C5] =	sst s25  }
0x3c: {  	s28 =	simm.s32 $0xAF0;
	[smem:$0x7C6] =	sst s26  }
0x3d: {  	s29 =	simm.s32 $0xB18;
	[smem:$0x7C7] =	sst s28  }
0x3e: {  	s30 =	simm.s32 $0xB40;
	[smem:$0x7C8] =	sst s29  }
0x3f: {  	s6 =	sadd.s32 $0x2200, s5;
	[smem:$0x7C9] =	sst s30  }
0x40: {  	s7 =	sadd.s32 $0xC200, s1;
	[dreg:$0x3] =	wrdreg s6  }
0x41: {  	s8 =	sadd.s32 $0xC9D0, s1;
	[dreg:$0x4] =	wrdreg s7  }
0x42: {  	s9 =	sadd.s32 $0xD1A0, s1;
	[dreg:$0x5] =	wrdreg s8  }
0x43: {  	s10 =	sadd.s32 $0xD970, s1;
	[dreg:$0x6] =	wrdreg s9  }
0x44: {  	s1 =	sadd.s32 $0xE140, s1;
	[dreg:$0x7] =	wrdreg s10  }
0x45: {  	s5 =	simm.s32 $0x370;
	[dreg:$0x8] =	wrdreg s1  }
0x46: {  	s4 =	simm.s32 $0x758;
	[dreg:$0x1d] =	wrdreg s5  }
0x47: {  	s11 =	simm.s32 $0xC80;
	[smem:$0x7B0] =	sst s4  }
0x48: {  	s12 =	simm.s32 $0xCA8;
	[smem:$0x7D1] =	sst s11  }
0x49: {  	s13 =	simm.s32 $0xCD0;
	[smem:$0x7D2] =	sst s12  }
0x4a: {  	s14 =	simm.s32 $0xCF8;
	[smem:$0x7D3] =	sst s13  }
0x4b: {  	s15 =	simm.s32 $0xD20;
	[smem:$0x7D4] =	sst s14  }
0x4c: {  	s16 =	simm.s32 $0xD48;
	[smem:$0x7D5] =	sst s15  }
0x4d: {  	s17 =	simm.s32 $0xD70;
	[smem:$0x7D6] =	sst s16  }
0x4e: {  	s18 =	simm.s32 $0xD98;
	[smem:$0x7D7] =	sst s17  }
0x4f: {  	s19 =	simm.s32 $0xDC0;
	[smem:$0x7D8] =	sst s18  }
0x50: {  	s20 =	simm.s32 $0xDE8;
	[smem:$0x7D9] =	sst s19  }
0x51: {  	s21 =	simm.s32 $0xE10;
	[smem:$0x7DA] =	sst s20  }
0x52: {  	s22 =	simm.s32 $0xE38;
	[smem:$0x7DB] =	sst s21  }
0x53: {  	s23 =	simm.s32 $0xE60;
	[smem:$0x7DC] =	sst s22  }
0x54: {  	s24 =	simm.s32 $0xE88;
	[smem:$0x7DD] =	sst s23  }
0x55: {  	s25 =	simm.s32 $0xEB0;
	[smem:$0x7DE] =	sst s24  }
0x56: {  	s26 =	simm.s32 $0xED8;
	[smem:$0x7DF] =	sst s25  }
0x57: {  	s28 =	simm.s32 $0xF00;
	[smem:$0x7E0] =	sst s26  }
0x58: {  	s29 =	simm.s32 $0xF28;
	[smem:$0x7E1] =	sst s28  }
0x59: {  	s30 =	simm.s32 $0xF50;
	[smem:$0x7E2] =	sst s29  }
0x5a: {  	s6 =	simm.s32 $0x398;
	[smem:$0x7E3] =	sst s30  }
0x5b: {  	s7 =	simm.s32 $0x3C0;
	[dreg:$0x1e] =	wrdreg s6  }
0x5c: {  	s8 =	simm.s32 $0x3E8;
	[dreg:$0x1f] =	wrdreg s7  }
0x5d: {  	s9 =	simm.s32 $0x410;
	[smem:$0x79A] =	sst s8  }
0x5e: {  	s10 =	simm.s32 $0x438;
	[smem:$0x79B] =	sst s9  }
0x5f: {  	s5 =	simm.s32 $0x780;
	[smem:$0x79C] =	sst s10  }
0x60: {  	s4 =	simm.s32 $0xB68;
	[smem:$0x7B1] =	sst s5  }
0x61: {  	s11 =	simm.s32 $0x1068;
	[smem:$0x7CA] =	sst s4  }
0x62: {  	s12 =	simm.s32 $0x1090;
	[smem:$0x7EA] =	sst s11  }
0x63: {  	s13 =	simm.s32 $0x10B8;
	[smem:$0x7EB] =	sst s12  }
0x64: {  	s14 =	simm.s32 $0x10E0;
	[smem:$0x7EC] =	sst s13  }
0x65: {  	s15 =	simm.s32 $0x1108;
	[smem:$0x7ED] =	sst s14  }
0x66: {  	s16 =	simm.s32 $0x1130;
	[smem:$0x7EE] =	sst s15  }
0x67: {  	s17 =	simm.s32 $0x1158;
	[smem:$0x7EF] =	sst s16  }
0x68: {  	s18 =	simm.s32 $0x1180;
	[smem:$0x7F0] =	sst s17  }
0x69: {  	s19 =	simm.s32 $0x11A8;
	[smem:$0x7F1] =	sst s18  }
0x6a: {  	s20 =	simm.s32 $0x11D0;
	[smem:$0x7F2] =	sst s19  }
0x6b: {  	s21 =	simm.s32 $0x11F8;
	[smem:$0x7F3] =	sst s20  }
0x6c: {  	s22 =	simm.s32 $0x1220;
	[smem:$0x7F4] =	sst s21  }
0x6d: {  	s23 =	simm.s32 $0x1248;
	[smem:$0x7F5] =	sst s22  }
0x6e: {  	s24 =	simm.s32 $0x1270;
	[smem:$0x7F6] =	sst s23  }
0x6f: {  	s25 =	simm.s32 $0x1298;
	[smem:$0x7F7] =	sst s24  }
0x70: {  	s26 =	simm.s32 $0x12C0;
	[smem:$0x7F8] =	sst s25  }
0x71: {  	s28 =	simm.s32 $0x12E8;
	[smem:$0x7F9] =	sst s26  }
0x72: {  	s29 =	simm.s32 $0x1310;
	[smem:$0x7FA] =	sst s28  }
0x73: {  	s30 =	simm.s32 $0x1338;
	[smem:$0x7FB] =	sst s29  }
0x74: {  	s6 =	simm.s32 $0x7A8;
	[smem:$0x7FC] =	sst s30  }
0x75: {  	s7 =	simm.s32 $0x7D0;
	[smem:$0x7B2] =	sst s6  }
0x76: {  	s8 =	simm.s32 $0x7F8;
	[smem:$0x7B3] =	sst s7  }
0x77: {  	s9 =	simm.s32 $0x820;
	[smem:$0x7B4] =	sst s8  }
0x78: {  	s10 =	simm.s32 $0x848;
	[smem:$0x7B5] =	sst s9  }
0x79: {  	s5 =	simm.s32 $0xB90;
	[smem:$0x7B6] =	sst s10  }
0x7a: {  	s4 =	simm.s32 $0xF78;
	[smem:$0x7CB] =	sst s5  }
0x7b: {  	s6 =	simm.s32 $0xBB8;
	[smem:$0x7E4] =	sst s4  }
0x7c: {  	s7 =	simm.s32 $0xBE0;
	[smem:$0x7CC] =	sst s6  }
0x7d: {  	s31 =	simm.s32 $0x1388;
	s8 =	simm.s32 $0xC08;
	[smem:$0x7CD] =	sst s7  }
0x7e: {  	s0 =	ssub.s32 $0x2, s0;
	s9 =	simm.s32 $0xC30;
	[smem:$0x7CE] =	sst s8  }
0x7f: {  	s10 =	simm.s32 $0xC58;
	[smem:$0x7CF] =	sst s9;
	s9 =	sshrl.u32 s0, $0x1  }
0x80: {  	s5 =	simm.s32 $0xFA0;
	[smem:$0x7D0] =	sst s10;
	s0 =	ssub.s32 s0, s9  }
0x81: {  	[smem:$0x7E5] =	sst s5;
	s6 =	simm.s32 $0xFC8;
	s0 =	smax.u32 s0, $0x1  }
0x82: {  	s7 =	simm.s32 $0xFF0;
	[smem:$0x7E6] =	sst s6;
	p1 =	sne.s32 s0, $0x1  }
.Ltmp0:
0x83: {  	s8 =	simm.s32 $0x1018;
	[smem:$0x7E7] =	sst s7;
	(pc) =	sbr.rel @!p1 .LBB2_3-.Ltmp0, $4  }
0x84: {  	p0 =	por $0x0, $0x0;
	s10 =	simm.s32 $0x1040;
	[smem:$0x7E8] =	sst s8  }
0x85: {  	s11 =	simm.s32 $0x1;
	[smem:$0x7E9] =	sst s10;
	s7 =	simm.s32 $0x1360  }
0x86: {  	s4 =	simm.s32 $0x2;
	s6 =	simm.s32 $0x28;
	[smem:$0x7FD] =	sst s7  }
0x87: {  	s8 =	simm.s32 $0x4308;
	s7 =	rddreg [dreg:$0x3];
	s0 =	sadd.s32 $0xFFFFFFFF, s0  }
0x88: {  	[tilespmem:s3], [sflag:$0x2] =	stream.linear.gather [hbm4b:s7+s3], $0x1388, $0x38;
	[tilespmem:$0x5208] =	vst v63  }
0x89: {  	_ =	swait.ge [sflag:s4], $0x1388  }
0x8a: {  	[sflag:s4] =	ssyncset.done $0x0  }
0x8b: {  	[sflag:s4] =	ssyncadd.s32 $0xFFFFEC78  }
0x8c: {  	[tilespmem:s31], [sflag:$0x1] =	stream.indirect.gather [hbm4b:s2+s6], $0x10, s3, s6, $0xb8;
	[tilespmem:$0x5208] =	vst v63  }
0x8d: {  	s1 =	simm.s32 $0x1608;
	s18 =	rddreg [dreg:$0x9]  }
0x8e: {  	[tilespmem:s1], [sflag:$0x1] =	stream.indirect.gather [hbm4b:s2+s6], $0x10, s6, s6, $0xb8;
	[tilespmem:$0x5208] =	vst v63  }
0x8f: {  	s20 =	simm.s32 $0x1888;
	[smem:$0x799] =	sst s0  }
0x90: {  	[tilespmem:s20], [sflag:$0x1] =	stream.indirect.gather [hbm4b:s2+s6], $0x10, s18, s6, $0xb8;
	[tilespmem:$0x5208] =	vst v63  }
0x91: {  	s25 =	simm.s32 $0x1B08;
	s19 =	rddreg [dreg:$0xa]  }
0x92: {  	[tilespmem:s25], [sflag:$0x1] =	stream.indirect.gather [hbm4b:s2+s6], $0x10, s19, s6, $0xb8;
	[tilespmem:$0x5208] =	vst v63  }
0x93: {  	s28 =	simm.s32 $0x1D88;
	s21 =	rddreg [dreg:$0xb]  }
0x94: {  	[tilespmem:s28], [sflag:$0x1] =	stream.indirect.gather [hbm4b:s2+s6], $0x10, s21, s6, $0xb8;
	[tilespmem:$0x5208] =	vst v63  }
0x95: {  	s30 =	simm.s32 $0x2008;
	s26 =	rddreg [dreg:$0xc]  }
0x96: {  	[tilespmem:s30], [sflag:$0x1] =	stream.indirect.gather [hbm4b:s2+s6], $0x10, s26, s6, $0xb8;
	[tilespmem:$0x5208] =	vst v63  }
0x97: {  	s5 =	simm.s32 $0x2288;
	s29 =	rddreg [dreg:$0xd]  }
0x98: {  	[tilespmem:s5], [sflag:$0x1] =	stream.indirect.gather [hbm4b:s2+s6], $0x10, s29, s6, $0xb8;
	[tilespmem:$0x5208] =	vst v63  }
0x99: {  	s10 =	simm.s32 $0x2508;
	s3 =	rddreg [dreg:$0xe]  }
0x9a: {  	[tilespmem:s10], [sflag:$0x1] =	stream.indirect.gather [hbm4b:s2+s6], $0x10, s3, s6, $0xb8;
	[tilespmem:$0x5208] =	vst v63  }
0x9b: {  	s13 =	simm.s32 $0x2788;
	s9 =	rddreg [dreg:$0xf]  }
0x9c: {  	[tilespmem:s13], [sflag:$0x1] =	stream.indirect.gather [hbm4b:s2+s6], $0x10, s9, s6, $0xb8;
	[tilespmem:$0x5208] =	vst v63  }
0x9d: {  	s15 =	simm.s32 $0x2A08;
	s12 =	rddreg [dreg:$0x10]  }
0x9e: {  	[tilespmem:s15], [sflag:$0x1] =	stream.indirect.gather [hbm4b:s2+s6], $0x10, s12, s6, $0xb8;
	[tilespmem:$0x5208] =	vst v63  }
0x9f: {  	s14 =	rddreg [dreg:$0x11];
	s25 =	simm.s32 $0x2C88  }
0xa0: {  	[tilespmem:s25], [sflag:$0x1] =	stream.indirect.gather [hbm4b:s2+s6], $0x10, s14, s6, $0xb8;
	[tilespmem:$0x5208] =	vst v63  }
0xa1: {  	s16 =	rddreg [dreg:$0x12];
	s28 =	simm.s32 $0x2F08  }
0xa2: {  	[tilespmem:s28], [sflag:$0x1] =	stream.indirect.gather [hbm4b:s2+s6], $0x10, s16, s6, $0xb8;
	[tilespmem:$0x5208] =	vst v63  }
0xa3: {  	s26 =	rddreg [dreg:$0x13];
	s30 =	simm.s32 $0x3188  }
0xa4: {  	[tilespmem:s30], [sflag:$0x1] =	stream.indirect.gather [hbm4b:s2+s6], $0x10, s26, s6, $0xb8;
	[tilespmem:$0x5208] =	vst v63  }
0xa5: {  	s29 =	rddreg [dreg:$0x14];
	s12 =	simm.s32 $0x3408  }
0xa6: {  	[tilespmem:s12], [sflag:$0x1] =	stream.indirect.gather [hbm4b:s2+s6], $0x10, s29, s6, $0xb8;
	[tilespmem:$0x5208] =	vst v63  }
0xa7: {  	s3 =	rddreg [dreg:$0x15];
	s15 =	simm.s32 $0x3688  }
0xa8: {  	[tilespmem:s15], [sflag:$0x1] =	stream.indirect.gather [hbm4b:s2+s6], $0x10, s3, s6, $0xb8;
	[tilespmem:$0x5208] =	vst v63  }
0xa9: {  	s14 =	rddreg [dreg:$0x16];
	s25 =	simm.s32 $0x3908  }
0xaa: {  	[tilespmem:s25], [sflag:$0x1] =	stream.indirect.gather [hbm4b:s2+s6], $0x10, s14, s6, $0xb8;
	[tilespmem:$0x5208] =	vst v63  }
0xab: {  	s16 =	rddreg [dreg:$0x17];
	s28 =	simm.s32 $0x3B88  }
0xac: {  	[tilespmem:s28], [sflag:$0x1] =	stream.indirect.gather [hbm4b:s2+s6], $0x10, s16, s6, $0xb8;
	[tilespmem:$0x5208] =	vst v63  }
0xad: {  	s26 =	rddreg [dreg:$0x18];
	s30 =	simm.s32 $0x3E08  }
0xae: {  	[tilespmem:s30], [sflag:$0x1] =	stream.indirect.gather [hbm4b:s2+s6], $0x10, s26, s6, $0xb8;
	[tilespmem:$0x5208] =	vst v63  }
0xaf: {  	s29 =	rddreg [dreg:$0x19];
	s14 =	simm.s32 $0x4088  }
0xb0: {  	[tilespmem:s14], [sflag:$0x1] =	stream.indirect.gather [hbm4b:s2+s6], $0x10, s29, s6, $0xb8;
	[tilespmem:$0x5208] =	vst v63  }
0xb1: {  	s3 =	rddreg [dreg:$0x1a]  }
0xb2: {  	[tilespmem:s8], [sflag:$0x1] =	stream.indirect.gather [hbm4b:s2+s6], $0x10, s3, s6, $0xb8;
	[tilespmem:$0x5208] =	vst v63  }
0xb3: {  	s15 =	rddreg [dreg:$0x1b];
	s26 =	simm.s32 $0x4588  }
0xb4: {  	[tilespmem:s26], [sflag:$0x1] =	stream.indirect.gather [hbm4b:s2+s6], $0x10, s15, s6, $0xb8;
	[tilespmem:$0x5208] =	vst v63  }
0xb5: {  	s25 =	rddreg [dreg:$0x1c];
	s30 =	simm.s32 $0x4808  }
0xb6: {  	[tilespmem:s30], [sflag:$0x1] =	stream.indirect.gather [hbm4b:s2+s6], $0x10, s25, s6, $0xb8;
	[tilespmem:$0x5208] =	vst v63  }
0xb7: {  	s28 =	rddreg [dreg:$0x1d];
	s14 =	simm.s32 $0x4A88  }
0xb8: {  	[tilespmem:s14], [sflag:$0x1] =	stream.indirect.gather [hbm4b:s2+s6], $0x10, s28, s6, $0xb8;
	[tilespmem:$0x5208] =	vst v63  }
0xb9: {  	s8 =	rddreg [dreg:$0x1e];
	s25 =	simm.s32 $0x4D08  }
0xba: {  	[tilespmem:s25], [sflag:$0x1] =	stream.indirect.gather [hbm4b:s2+s6], $0x10, s8, s6, $0xb8;
	[tilespmem:$0x5208] =	vst v63  }
0xbb: {  	s15 =	rddreg [dreg:$0x1f];
	s26 =	simm.s32 $0x4F88  }
0xbc: {  	[tilespmem:s26], [sflag:$0x1] =	stream.indirect.gather [hbm4b:s2+s6], $0x10, s15, s6, $0xb8;
	[tilespmem:$0x5208] =	vst v63  }
0xbd: {  	_ =	swait.ge [sflag:s11], $0x3E80  }
0xbe: {  	[sflag:s11] =	ssyncset.done $0x0  }
0xbf: {  	s29 =	simm.s32 $0x0;
	s28 =	rddreg [dreg:$0x4];
	[sflag:s11] =	ssyncadd.s32 $0xFFFFC180  }
0xc0: {  	[hbm4b:s28+s29] =	stream.linear.scatter [tilespmem:s31], [sflag:$0x2], $0x3E80, $0x38;
	[tilespmem:$0x5208] =	vst v63  }
0xc1: {  	_ =	swait.ge [sflag:s4], $0x3E80  }
0xc2: {  	s29 =	sld [smem:$0x79A]  }
0xc3: {  	[sflag:s4] =	ssyncset.done $0x0  }
0xc4: {  	s30 =	sld [smem:$0x79B];
	[sflag:s4] =	ssyncadd.s32 $0xFFFFC180  }
0xc5: {  	[tilespmem:s31], [sflag:$0x1] =	stream.indirect.gather [hbm4b:s2+s6], $0x10, s29, s6, $0xb8;
	[tilespmem:$0x5208] =	vst v63  }
0xc6: {  	s24 =	simm.s32 $0x1608;
	s1 =	sld [smem:$0x79C]  }
0xc7: {  	[tilespmem:s24], [sflag:$0x1] =	stream.indirect.gather [hbm4b:s2+s6], $0x10, s30, s6, $0xb8;
	[tilespmem:$0x5208] =	vst v63  }
0xc8: {  	s23 =	simm.s32 $0x1888;
	s8 =	sld [smem:$0x79D]  }
0xc9: {  	[tilespmem:s23], [sflag:$0x1] =	stream.indirect.gather [hbm4b:s2+s6], $0x10, s1, s6, $0xb8;
	[tilespmem:$0x5208] =	vst v63  }
0xca: {  	s22 =	simm.s32 $0x1B08;
	s23 =	sld [smem:$0x79E]  }
0xcb: {  	[tilespmem:s22], [sflag:$0x1] =	stream.indirect.gather [hbm4b:s2+s6], $0x10, s8, s6, $0xb8;
	[tilespmem:$0x5208] =	vst v63  }
0xcc: {  	s21 =	simm.s32 $0x1D88;
	s24 =	sld [smem:$0x79F]  }
0xcd: {  	[tilespmem:s21], [sflag:$0x1] =	stream.indirect.gather [hbm4b:s2+s6], $0x10, s23, s6, $0xb8;
	[tilespmem:$0x5208] =	vst v63  }
0xce: {  	s20 =	simm.s32 $0x2008;
	s25 =	sld [smem:$0x7A0]  }
0xcf: {  	[tilespmem:s20], [sflag:$0x1] =	stream.indirect.gather [hbm4b:s2+s6], $0x10, s24, s6, $0xb8;
	[tilespmem:$0x5208] =	vst v63  }
0xd0: {  	s19 =	simm.s32 $0x2288;
	s1 =	sld [smem:$0x7A1]  }
0xd1: {  	[tilespmem:s19], [sflag:$0x1] =	stream.indirect.gather [hbm4b:s2+s6], $0x10, s25, s6, $0xb8;
	[tilespmem:$0x5208] =	vst v63  }
0xd2: {  	s18 =	simm.s32 $0x2508;
	s8 =	sld [smem:$0x7A2]  }
0xd3: {  	[tilespmem:s18], [sflag:$0x1] =	stream.indirect.gather [hbm4b:s2+s6], $0x10, s1, s6, $0xb8;
	[tilespmem:$0x5208] =	vst v63  }
0xd4: {  	s17 =	simm.s32 $0x2788;
	s18 =	sld [smem:$0x7A3]  }
0xd5: {  	[tilespmem:s17], [sflag:$0x1] =	stream.indirect.gather [hbm4b:s2+s6], $0x10, s8, s6, $0xb8;
	[tilespmem:$0x5208] =	vst v63  }
0xd6: {  	s5 =	simm.s32 $0x2A08;
	s19 =	sld [smem:$0x7A4]  }
0xd7: {  	[tilespmem:s5], [sflag:$0x1] =	stream.indirect.gather [hbm4b:s2+s6], $0x10, s18, s6, $0xb8;
	[tilespmem:$0x5208] =	vst v63  }
0xd8: {  	s10 =	simm.s32 $0x2C88;
	s20 =	sld [smem:$0x7A5]  }
0xd9: {  	[tilespmem:s10], [sflag:$0x1] =	stream.indirect.gather [hbm4b:s2+s6], $0x10, s19, s6, $0xb8;
	[tilespmem:$0x5208] =	vst v63  }
0xda: {  	s21 =	sld [smem:$0x7A6];
	s8 =	simm.s32 $0x2F08  }
0xdb: {  	[tilespmem:s8], [sflag:$0x1] =	stream.indirect.gather [hbm4b:s2+s6], $0x10, s20, s6, $0xb8;
	[tilespmem:$0x5208] =	vst v63  }
0xdc: {  	s13 =	simm.s32 $0x3188;
	s1 =	sld [smem:$0x7A7]  }
0xdd: {  	[tilespmem:s13], [sflag:$0x1] =	stream.indirect.gather [hbm4b:s2+s6], $0x10, s21, s6, $0xb8;
	[tilespmem:$0x5208] =	vst v63  }
0xde: {  	s9 =	simm.s32 $0x3408;
	s5 =	sld [smem:$0x7A8]  }
0xdf: {  	[tilespmem:s9], [sflag:$0x1] =	stream.indirect.gather [hbm4b:s2+s6], $0x10, s1, s6, $0xb8;
	[tilespmem:$0x5208] =	vst v63  }
0xe0: {  	s12 =	simm.s32 $0x3688;
	s10 =	sld [smem:$0x7A9]  }
0xe1: {  	[tilespmem:s12], [sflag:$0x1] =	stream.indirect.gather [hbm4b:s2+s6], $0x10, s5, s6, $0xb8;
	[tilespmem:$0x5208] =	vst v63  }
0xe2: {  	s1 =	simm.s32 $0x3908;
	s12 =	sld [smem:$0x7AA]  }
0xe3: {  	[tilespmem:s1], [sflag:$0x1] =	stream.indirect.gather [hbm4b:s2+s6], $0x10, s10, s6, $0xb8;
	[tilespmem:$0x5208] =	vst v63  }
0xe4: {  	s16 =	simm.s32 $0x3B88;
	s13 =	sld [smem:$0x7AB]  }
0xe5: {  	[tilespmem:s16], [sflag:$0x1] =	stream.indirect.gather [hbm4b:s2+s6], $0x10, s12, s6, $0xb8;
	[tilespmem:$0x5208] =	vst v63  }
0xe6: {  	s21 =	sld [smem:$0x7AC];
	s9 =	simm.s32 $0x3E08  }
0xe7: {  	[tilespmem:s9], [sflag:$0x1] =	stream.indirect.gather [hbm4b:s2+s6], $0x10, s13, s6, $0xb8;
	[tilespmem:$0x5208] =	vst v63  }
0xe8: {  	s5 =	sld [smem:$0x7AD];
	s10 =	simm.s32 $0x4088  }
0xe9: {  	[tilespmem:s10], [sflag:$0x1] =	stream.indirect.gather [hbm4b:s2+s6], $0x10, s21, s6, $0xb8;
	[tilespmem:$0x5208] =	vst v63  }
0xea: {  	s3 =	simm.s32 $0x4308;
	s12 =	sld [smem:$0x7AE]  }
0xeb: {  	[tilespmem:s3], [sflag:$0x1] =	stream.indirect.gather [hbm4b:s2+s6], $0x10, s5, s6, $0xb8;
	[tilespmem:$0x5208] =	vst v63  }
0xec: {  	s13 =	sld [smem:$0x7AF];
	s5 =	simm.s32 $0x4588  }
0xed: {  	[tilespmem:s5], [sflag:$0x1] =	stream.indirect.gather [hbm4b:s2+s6], $0x10, s12, s6, $0xb8;
	[tilespmem:$0x5208] =	vst v63  }
0xee: {  	s3 =	simm.s32 $0x4808;
	s12 =	sld [smem:$0x7B0]  }
0xef: {  	[tilespmem:s3], [sflag:$0x1] =	stream.indirect.gather [hbm4b:s2+s6], $0x10, s13, s6, $0xb8;
	[tilespmem:$0x5208] =	vst v63  }
0xf0: {  	s5 =	sld [smem:$0x7B1];
	s13 =	simm.s32 $0x4A88  }
0xf1: {  	[tilespmem:s13], [sflag:$0x1] =	stream.indirect.gather [hbm4b:s2+s6], $0x10, s12, s6, $0xb8;
	[tilespmem:$0x5208] =	vst v63  }
0xf2: {  	s0 =	sld [smem:$0x7B2];
	s12 =	simm.s32 $0x4D08  }
0xf3: {  	[tilespmem:s12], [sflag:$0x1] =	stream.indirect.gather [hbm4b:s2+s6], $0x10, s5, s6, $0xb8;
	[tilespmem:$0x5208] =	vst v63  }
0xf4: {  	s5 =	simm.s32 $0x4F88  }
0xf5: {  	[tilespmem:s5], [sflag:$0x1] =	stream.indirect.gather [hbm4b:s2+s6], $0x10, s0, s6, $0xb8;
	[tilespmem:$0x5208] =	vst v63  }
0xf6: {  	_ =	swait.ge [sflag:s11], $0x3E80  }
0xf7: {  	[sflag:s11] =	ssyncset.done $0x0  }
0xf8: {  	s15 =	simm.s32 $0x0;
	s7 =	rddreg [dreg:$0x5];
	[sflag:s11] =	ssyncadd.s32 $0xFFFFC180  }
0xf9: {  	[hbm4b:s7+s15] =	stream.linear.scatter [tilespmem:s31], [sflag:$0x2], $0x3E80, $0x38;
	[tilespmem:$0x5208] =	vst v63  }
0xfa: {  	_ =	swait.ge [sflag:s4], $0x3E80  }
0xfb: {  	s0 =	sld [smem:$0x7B3]  }
0xfc: {  	[sflag:s4] =	ssyncset.done $0x0  }
0xfd: {  	s7 =	sld [smem:$0x7B4];
	[sflag:s4] =	ssyncadd.s32 $0xFFFFC180  }
0xfe: {  	[tilespmem:s31], [sflag:$0x1] =	stream.indirect.gather [hbm4b:s2+s6], $0x10, s0, s6, $0xb8;
	[tilespmem:$0x5208] =	vst v63  }
0xff: {  	s14 =	simm.s32 $0x1608;
	s0 =	sld [smem:$0x7B5]  }
0x100: {  	[tilespmem:s14], [sflag:$0x1] =	stream.indirect.gather [hbm4b:s2+s6], $0x10, s7, s6, $0xb8;
	[tilespmem:$0x5208] =	vst v63  }
0x101: {  	s30 =	simm.s32 $0x1888;
	s14 =	sld [smem:$0x7B6]  }
0x102: {  	[tilespmem:s30], [sflag:$0x1] =	stream.indirect.gather [hbm4b:s2+s6], $0x10, s0, s6, $0xb8;
	[tilespmem:$0x5208] =	vst v63  }
0x103: {  	s29 =	simm.s32 $0x1B08;
	s30 =	sld [smem:$0x7B7]  }
0x104: {  	[tilespmem:s29], [sflag:$0x1] =	stream.indirect.gather [hbm4b:s2+s6], $0x10, s14, s6, $0xb8;
	[tilespmem:$0x5208] =	vst v63  }
0x105: {  	s28 =	simm.s32 $0x1D88;
	s14 =	sld [smem:$0x7B8]  }
0x106: {  	[tilespmem:s28], [sflag:$0x1] =	stream.indirect.gather [hbm4b:s2+s6], $0x10, s30, s6, $0xb8;
	[tilespmem:$0x5208] =	vst v63  }
0x107: {  	s26 =	simm.s32 $0x2008;
	s0 =	sld [smem:$0x7B9]  }
0x108: {  	[tilespmem:s26], [sflag:$0x1] =	stream.indirect.gather [hbm4b:s2+s6], $0x10, s14, s6, $0xb8;
	[tilespmem:$0x5208] =	vst v63  }
0x109: {  	s25 =	simm.s32 $0x2288;
	s30 =	sld [smem:$0x7BA]  }
0x10a: {  	[tilespmem:s25], [sflag:$0x1] =	stream.indirect.gather [hbm4b:s2+s6], $0x10, s0, s6, $0xb8;
	[tilespmem:$0x5208] =	vst v63  }
0x10b: {  	s24 =	simm.s32 $0x2508;
	s26 =	sld [smem:$0x7BB]  }
0x10c: {  	[tilespmem:s24], [sflag:$0x1] =	stream.indirect.gather [hbm4b:s2+s6], $0x10, s30, s6, $0xb8;
	[tilespmem:$0x5208] =	vst v63  }
0x10d: {  	s23 =	simm.s32 $0x2788;
	s30 =	sld [smem:$0x7BC]  }
0x10e: {  	[tilespmem:s23], [sflag:$0x1] =	stream.indirect.gather [hbm4b:s2+s6], $0x10, s26, s6, $0xb8;
	[tilespmem:$0x5208] =	vst v63  }
0x10f: {  	s22 =	simm.s32 $0x2A08;
	s25 =	sld [smem:$0x7BD]  }
0x110: {  	[tilespmem:s22], [sflag:$0x1] =	stream.indirect.gather [hbm4b:s2+s6], $0x10, s30, s6, $0xb8;
	[tilespmem:$0x5208] =	vst v63  }
0x111: {  	s18 =	simm.s32 $0x2C88;
	s26 =	sld [smem:$0x7BE]  }
0x112: {  	[tilespmem:s18], [sflag:$0x1] =	stream.indirect.gather [hbm4b:s2+s6], $0x10, s25, s6, $0xb8;
	[tilespmem:$0x5208] =	vst v63  }
0x113: {  	s18 =	sld [smem:$0x7BF]  }
0x114: {  	[tilespmem:s8], [sflag:$0x1] =	stream.indirect.gather [hbm4b:s2+s6], $0x10, s26, s6, $0xb8;
	[tilespmem:$0x5208] =	vst v63  }
0x115: {  	s22 =	sld [smem:$0x7C0];
	s26 =	simm.s32 $0x3188  }
0x116: {  	[tilespmem:s26], [sflag:$0x1] =	stream.indirect.gather [hbm4b:s2+s6], $0x10, s18, s6, $0xb8;
	[tilespmem:$0x5208] =	vst v63  }
0x117: {  	s17 =	simm.s32 $0x3408;
	s0 =	sld [smem:$0x7C1]  }
0x118: {  	[tilespmem:s17], [sflag:$0x1] =	stream.indirect.gather [hbm4b:s2+s6], $0x10, s22, s6, $0xb8;
	[tilespmem:$0x5208] =	vst v63  }
0x119: {  	s19 =	simm.s32 $0x3688;
	s22 =	sld [smem:$0x7C2]  }
0x11a: {  	[tilespmem:s19], [sflag:$0x1] =	stream.indirect.gather [hbm4b:s2+s6], $0x10, s0, s6, $0xb8;
	[tilespmem:$0x5208] =	vst v63  }
0x11b: {  	s0 =	sld [smem:$0x7C3]  }
0x11c: {  	[tilespmem:s1], [sflag:$0x1] =	stream.indirect.gather [hbm4b:s2+s6], $0x10, s22, s6, $0xb8;
	[tilespmem:$0x5208] =	vst v63  }
0x11d: {  	s20 =	simm.s32 $0x3B88;
	s17 =	sld [smem:$0x7C4]  }
0x11e: {  	[tilespmem:s20], [sflag:$0x1] =	stream.indirect.gather [hbm4b:s2+s6], $0x10, s0, s6, $0xb8;
	[tilespmem:$0x5208] =	vst v63  }
0x11f: {  	s20 =	sld [smem:$0x7C5]  }
0x120: {  	[tilespmem:s9], [sflag:$0x1] =	stream.indirect.gather [hbm4b:s2+s6], $0x10, s17, s6, $0xb8;
	[tilespmem:$0x5208] =	vst v63  }
0x121: {  	s9 =	sld [smem:$0x7C6]  }
0x122: {  	[tilespmem:s10], [sflag:$0x1] =	stream.indirect.gather [hbm4b:s2+s6], $0x10, s20, s6, $0xb8;
	[tilespmem:$0x5208] =	vst v63  }
0x123: {  	s21 =	simm.s32 $0x4308;
	s17 =	sld [smem:$0x7C7]  }
0x124: {  	[tilespmem:s21], [sflag:$0x1] =	stream.indirect.gather [hbm4b:s2+s6], $0x10, s9, s6, $0xb8;
	[tilespmem:$0x5208] =	vst v63  }
0x125: {  	s16 =	simm.s32 $0x4588;
	s20 =	sld [smem:$0x7C8]  }
0x126: {  	[tilespmem:s16], [sflag:$0x1] =	stream.indirect.gather [hbm4b:s2+s6], $0x10, s17, s6, $0xb8;
	[tilespmem:$0x5208] =	vst v63  }
0x127: {  	s21 =	sld [smem:$0x7C9]  }
0x128: {  	[tilespmem:s3], [sflag:$0x1] =	stream.indirect.gather [hbm4b:s2+s6], $0x10, s20, s6, $0xb8;
	[tilespmem:$0x5208] =	vst v63  }
0x129: {  	s20 =	sld [smem:$0x7CA]  }
0x12a: {  	[tilespmem:s13], [sflag:$0x1] =	stream.indirect.gather [hbm4b:s2+s6], $0x10, s21, s6, $0xb8;
	[tilespmem:$0x5208] =	vst v63  }
0x12b: {  	s21 =	sld [smem:$0x7CB]  }
0x12c: {  	[tilespmem:s12], [sflag:$0x1] =	stream.indirect.gather [hbm4b:s2+s6], $0x10, s20, s6, $0xb8;
	[tilespmem:$0x5208] =	vst v63  }
0x12d: {  	_ = 	snop  }
0x12e: {  	[tilespmem:s5], [sflag:$0x1] =	stream.indirect.gather [hbm4b:s2+s6], $0x10, s21, s6, $0xb8;
	[tilespmem:$0x5208] =	vst v63  }
0x12f: {  	_ =	swait.ge [sflag:s11], $0x3E80  }
0x130: {  	[sflag:s11] =	ssyncset.done $0x0  }
0x131: {  	s15 =	simm.s32 $0x0;
	s13 =	rddreg [dreg:$0x6];
	[sflag:s11] =	ssyncadd.s32 $0xFFFFC180  }
0x132: {  	[hbm4b:s13+s15] =	stream.linear.scatter [tilespmem:s31], [sflag:$0x2], $0x3E80, $0x38;
	[tilespmem:$0x5208] =	vst v63  }
0x133: {  	_ =	swait.ge [sflag:s4], $0x3E80  }
0x134: {  	s21 =	sld [smem:$0x7CC]  }
0x135: {  	[sflag:s4] =	ssyncset.done $0x0  }
0x136: {  	s5 =	sld [smem:$0x7CD];
	[sflag:s4] =	ssyncadd.s32 $0xFFFFC180  }
0x137: {  	[tilespmem:s31], [sflag:$0x1] =	stream.indirect.gather [hbm4b:s2+s6], $0x10, s21, s6, $0xb8;
	[tilespmem:$0x5208] =	vst v63  }
0x138: {  	s12 =	simm.s32 $0x1608;
	s0 =	sld [smem:$0x7CE]  }
0x139: {  	[tilespmem:s12], [sflag:$0x1] =	stream.indirect.gather [hbm4b:s2+s6], $0x10, s5, s6, $0xb8;
	[tilespmem:$0x5208] =	vst v63  }
0x13a: {  	s15 =	sld [smem:$0x7CF];
	s21 =	simm.s32 $0x1888  }
0x13b: {  	[tilespmem:s21], [sflag:$0x1] =	stream.indirect.gather [hbm4b:s2+s6], $0x10, s0, s6, $0xb8;
	[tilespmem:$0x5208] =	vst v63  }
0x13c: {  	s29 =	simm.s32 $0x1B08;
	s5 =	sld [smem:$0x7D0]  }
0x13d: {  	[tilespmem:s29], [sflag:$0x1] =	stream.indirect.gather [hbm4b:s2+s6], $0x10, s15, s6, $0xb8;
	[tilespmem:$0x5208] =	vst v63  }
0x13e: {  	s28 =	simm.s32 $0x1D88;
	s12 =	sld [smem:$0x7D1]  }
0x13f: {  	[tilespmem:s28], [sflag:$0x1] =	stream.indirect.gather [hbm4b:s2+s6], $0x10, s5, s6, $0xb8;
	[tilespmem:$0x5208] =	vst v63  }
0x140: {  	s14 =	simm.s32 $0x2008;
	s0 =	sld [smem:$0x7D2]  }
0x141: {  	[tilespmem:s14], [sflag:$0x1] =	stream.indirect.gather [hbm4b:s2+s6], $0x10, s12, s6, $0xb8;
	[tilespmem:$0x5208] =	vst v63  }
0x142: {  	s28 =	sld [smem:$0x7D3];
	s5 =	simm.s32 $0x2288  }
0x143: {  	[tilespmem:s5], [sflag:$0x1] =	stream.indirect.gather [hbm4b:s2+s6], $0x10, s0, s6, $0xb8;
	[tilespmem:$0x5208] =	vst v63  }
0x144: {  	s24 =	simm.s32 $0x2508;
	s14 =	sld [smem:$0x7D4]  }
0x145: {  	[tilespmem:s24], [sflag:$0x1] =	stream.indirect.gather [hbm4b:s2+s6], $0x10, s28, s6, $0xb8;
	[tilespmem:$0x5208] =	vst v63  }
0x146: {  	s23 =	simm.s32 $0x2788;
	s28 =	sld [smem:$0x7D5]  }
0x147: {  	[tilespmem:s23], [sflag:$0x1] =	stream.indirect.gather [hbm4b:s2+s6], $0x10, s14, s6, $0xb8;
	[tilespmem:$0x5208] =	vst v63  }
0x148: {  	s30 =	simm.s32 $0x2A08;
	s23 =	sld [smem:$0x7D6]  }
0x149: {  	[tilespmem:s30], [sflag:$0x1] =	stream.indirect.gather [hbm4b:s2+s6], $0x10, s28, s6, $0xb8;
	[tilespmem:$0x5208] =	vst v63  }
0x14a: {  	s25 =	simm.s32 $0x2C88;
	s7 =	sld [smem:$0x7D7]  }
0x14b: {  	[tilespmem:s25], [sflag:$0x1] =	stream.indirect.gather [hbm4b:s2+s6], $0x10, s23, s6, $0xb8;
	[tilespmem:$0x5208] =	vst v63  }
0x14c: {  	s8 =	simm.s32 $0x2F08;
	s30 =	sld [smem:$0x7D8]  }
0x14d: {  	[tilespmem:s8], [sflag:$0x1] =	stream.indirect.gather [hbm4b:s2+s6], $0x10, s7, s6, $0xb8;
	[tilespmem:$0x5208] =	vst v63  }
0x14e: {  	s18 =	simm.s32 $0x3188;
	s25 =	sld [smem:$0x7D9]  }
0x14f: {  	[tilespmem:s18], [sflag:$0x1] =	stream.indirect.gather [hbm4b:s2+s6], $0x10, s30, s6, $0xb8;
	[tilespmem:$0x5208] =	vst v63  }
0x150: {  	s26 =	simm.s32 $0x3408;
	s30 =	sld [smem:$0x7DA]  }
0x151: {  	[tilespmem:s26], [sflag:$0x1] =	stream.indirect.gather [hbm4b:s2+s6], $0x10, s25, s6, $0xb8;
	[tilespmem:$0x5208] =	vst v63  }
0x152: {  	s19 =	simm.s32 $0x3688;
	s26 =	sld [smem:$0x7DB]  }
0x153: {  	[tilespmem:s19], [sflag:$0x1] =	stream.indirect.gather [hbm4b:s2+s6], $0x10, s30, s6, $0xb8;
	[tilespmem:$0x5208] =	vst v63  }
0x154: {  	s22 =	simm.s32 $0x3908;
	s30 =	sld [smem:$0x7DC]  }
0x155: {  	[tilespmem:s22], [sflag:$0x1] =	stream.indirect.gather [hbm4b:s2+s6], $0x10, s26, s6, $0xb8;
	[tilespmem:$0x5208] =	vst v63  }
0x156: {  	s1 =	simm.s32 $0x3B88;
	s26 =	sld [smem:$0x7DD]  }
0x157: {  	[tilespmem:s1], [sflag:$0x1] =	stream.indirect.gather [hbm4b:s2+s6], $0x10, s30, s6, $0xb8;
	[tilespmem:$0x5208] =	vst v63  }
0x158: {  	s0 =	sld [smem:$0x7DE];
	s30 =	simm.s32 $0x3E08  }
0x159: {  	[tilespmem:s30], [sflag:$0x1] =	stream.indirect.gather [hbm4b:s2+s6], $0x10, s26, s6, $0xb8;
	[tilespmem:$0x5208] =	vst v63  }
0x15a: {  	s10 =	simm.s32 $0x4088;
	s1 =	sld [smem:$0x7DF]  }
0x15b: {  	[tilespmem:s10], [sflag:$0x1] =	stream.indirect.gather [hbm4b:s2+s6], $0x10, s0, s6, $0xb8;
	[tilespmem:$0x5208] =	vst v63  }
0x15c: {  	s9 =	simm.s32 $0x4308;
	s30 =	sld [smem:$0x7E0]  }
0x15d: {  	[tilespmem:s9], [sflag:$0x1] =	stream.indirect.gather [hbm4b:s2+s6], $0x10, s1, s6, $0xb8;
	[tilespmem:$0x5208] =	vst v63  }
0x15e: {  	s16 =	simm.s32 $0x4588;
	s1 =	sld [smem:$0x7E1]  }
0x15f: {  	[tilespmem:s16], [sflag:$0x1] =	stream.indirect.gather [hbm4b:s2+s6], $0x10, s30, s6, $0xb8;
	[tilespmem:$0x5208] =	vst v63  }
0x160: {  	s17 =	simm.s32 $0x4808;
	s30 =	sld [smem:$0x7E2]  }
0x161: {  	[tilespmem:s17], [sflag:$0x1] =	stream.indirect.gather [hbm4b:s2+s6], $0x10, s1, s6, $0xb8;
	[tilespmem:$0x5208] =	vst v63  }
0x162: {  	s3 =	simm.s32 $0x4A88;
	s1 =	sld [smem:$0x7E3]  }
0x163: {  	[tilespmem:s3], [sflag:$0x1] =	stream.indirect.gather [hbm4b:s2+s6], $0x10, s30, s6, $0xb8;
	[tilespmem:$0x5208] =	vst v63  }
0x164: {  	s20 =	simm.s32 $0x4D08;
	s30 =	sld [smem:$0x7E4]  }
0x165: {  	[tilespmem:s20], [sflag:$0x1] =	stream.indirect.gather [hbm4b:s2+s6], $0x10, s1, s6, $0xb8;
	[tilespmem:$0x5208] =	vst v63  }
0x166: {  	s1 =	simm.s32 $0x4F88  }
0x167: {  	[tilespmem:s1], [sflag:$0x1] =	stream.indirect.gather [hbm4b:s2+s6], $0x10, s30, s6, $0xb8;
	[tilespmem:$0x5208] =	vst v63  }
0x168: {  	_ =	swait.ge [sflag:s11], $0x3E80  }
0x169: {  	[sflag:s11] =	ssyncset.done $0x0  }
0x16a: {  	s13 =	simm.s32 $0x0;
	s7 =	rddreg [dreg:$0x7];
	[sflag:s11] =	ssyncadd.s32 $0xFFFFC180  }
0x16b: {  	[hbm4b:s7+s13] =	stream.linear.scatter [tilespmem:s31], [sflag:$0x2], $0x3E80, $0x38;
	[tilespmem:$0x5208] =	vst v63  }
0x16c: {  	_ =	swait.ge [sflag:s4], $0x3E80  }
0x16d: {  	s1 =	sld [smem:$0x7E5]  }
0x16e: {  	[sflag:s4] =	ssyncset.done $0x0  }
0x16f: {  	s7 =	sld [smem:$0x7E6];
	[sflag:s4] =	ssyncadd.s32 $0xFFFFC180  }
0x170: {  	[tilespmem:s31], [sflag:$0x1] =	stream.indirect.gather [hbm4b:s2+s6], $0x10, s1, s6, $0xb8;
	[tilespmem:$0x5208] =	vst v63  }
0x171: {  	s0 =	sld [smem:$0x7E7];
	s1 =	simm.s32 $0x1608  }
0x172: {  	[tilespmem:s1], [sflag:$0x1] =	stream.indirect.gather [hbm4b:s2+s6], $0x10, s7, s6, $0xb8;
	[tilespmem:$0x5208] =	vst v63  }
0x173: {  	s21 =	simm.s32 $0x1888;
	s1 =	sld [smem:$0x7E8]  }
0x174: {  	[tilespmem:s21], [sflag:$0x1] =	stream.indirect.gather [hbm4b:s2+s6], $0x10, s0, s6, $0xb8;
	[tilespmem:$0x5208] =	vst v63  }
0x175: {  	s29 =	simm.s32 $0x1B08;
	s21 =	sld [smem:$0x7E9]  }
0x176: {  	[tilespmem:s29], [sflag:$0x1] =	stream.indirect.gather [hbm4b:s2+s6], $0x10, s1, s6, $0xb8;
	[tilespmem:$0x5208] =	vst v63  }
0x177: {  	s15 =	simm.s32 $0x1D88;
	s29 =	sld [smem:$0x7EA]  }
0x178: {  	[tilespmem:s15], [sflag:$0x1] =	stream.indirect.gather [hbm4b:s2+s6], $0x10, s21, s6, $0xb8;
	[tilespmem:$0x5208] =	vst v63  }
0x179: {  	s12 =	simm.s32 $0x2008;
	s1 =	sld [smem:$0x7EB]  }
0x17a: {  	[tilespmem:s12], [sflag:$0x1] =	stream.indirect.gather [hbm4b:s2+s6], $0x10, s29, s6, $0xb8;
	[tilespmem:$0x5208] =	vst v63  }
0x17b: {  	s5 =	simm.s32 $0x2288;
	s15 =	sld [smem:$0x7EC]  }
0x17c: {  	[tilespmem:s5], [sflag:$0x1] =	stream.indirect.gather [hbm4b:s2+s6], $0x10, s1, s6, $0xb8;
	[tilespmem:$0x5208] =	vst v63  }
0x17d: {  	s24 =	simm.s32 $0x2508;
	s21 =	sld [smem:$0x7ED]  }
0x17e: {  	[tilespmem:s24], [sflag:$0x1] =	stream.indirect.gather [hbm4b:s2+s6], $0x10, s15, s6, $0xb8;
	[tilespmem:$0x5208] =	vst v63  }
0x17f: {  	s14 =	simm.s32 $0x2788;
	s24 =	sld [smem:$0x7EE]  }
0x180: {  	[tilespmem:s14], [sflag:$0x1] =	stream.indirect.gather [hbm4b:s2+s6], $0x10, s21, s6, $0xb8;
	[tilespmem:$0x5208] =	vst v63  }
0x181: {  	s28 =	simm.s32 $0x2A08;
	s29 =	sld [smem:$0x7EF]  }
0x182: {  	[tilespmem:s28], [sflag:$0x1] =	stream.indirect.gather [hbm4b:s2+s6], $0x10, s24, s6, $0xb8;
	[tilespmem:$0x5208] =	vst v63  }
0x183: {  	s23 =	simm.s32 $0x2C88;
	s1 =	sld [smem:$0x7F0]  }
0x184: {  	[tilespmem:s23], [sflag:$0x1] =	stream.indirect.gather [hbm4b:s2+s6], $0x10, s29, s6, $0xb8;
	[tilespmem:$0x5208] =	vst v63  }
0x185: {  	s8 =	simm.s32 $0x2F08;
	s5 =	sld [smem:$0x7F1]  }
0x186: {  	[tilespmem:s8], [sflag:$0x1] =	stream.indirect.gather [hbm4b:s2+s6], $0x10, s1, s6, $0xb8;
	[tilespmem:$0x5208] =	vst v63  }
0x187: {  	s18 =	simm.s32 $0x3188;
	s8 =	sld [smem:$0x7F2]  }
0x188: {  	[tilespmem:s18], [sflag:$0x1] =	stream.indirect.gather [hbm4b:s2+s6], $0x10, s5, s6, $0xb8;
	[tilespmem:$0x5208] =	vst v63  }
0x189: {  	s25 =	simm.s32 $0x3408;
	s12 =	sld [smem:$0x7F3]  }
0x18a: {  	[tilespmem:s25], [sflag:$0x1] =	stream.indirect.gather [hbm4b:s2+s6], $0x10, s8, s6, $0xb8;
	[tilespmem:$0x5208] =	vst v63  }
0x18b: {  	s19 =	simm.s32 $0x3688;
	s14 =	sld [smem:$0x7F4]  }
0x18c: {  	[tilespmem:s19], [sflag:$0x1] =	stream.indirect.gather [hbm4b:s2+s6], $0x10, s12, s6, $0xb8;
	[tilespmem:$0x5208] =	vst v63  }
0x18d: {  	s22 =	simm.s32 $0x3908;
	s15 =	sld [smem:$0x7F5]  }
0x18e: {  	[tilespmem:s22], [sflag:$0x1] =	stream.indirect.gather [hbm4b:s2+s6], $0x10, s14, s6, $0xb8;
	[tilespmem:$0x5208] =	vst v63  }
0x18f: {  	s18 =	sld [smem:$0x7F6];
	s19 =	simm.s32 $0x3B88  }
0x190: {  	[tilespmem:s19], [sflag:$0x1] =	stream.indirect.gather [hbm4b:s2+s6], $0x10, s15, s6, $0xb8;
	[tilespmem:$0x5208] =	vst v63  }
0x191: {  	s26 =	simm.s32 $0x3E08;
	s21 =	sld [smem:$0x7F7]  }
0x192: {  	[tilespmem:s26], [sflag:$0x1] =	stream.indirect.gather [hbm4b:s2+s6], $0x10, s18, s6, $0xb8;
	[tilespmem:$0x5208] =	vst v63  }
0x193: {  	s10 =	simm.s32 $0x4088;
	s22 =	sld [smem:$0x7F8]  }
0x194: {  	[tilespmem:s10], [sflag:$0x1] =	stream.indirect.gather [hbm4b:s2+s6], $0x10, s21, s6, $0xb8;
	[tilespmem:$0x5208] =	vst v63  }
0x195: {  	s9 =	simm.s32 $0x4308;
	s23 =	sld [smem:$0x7F9]  }
0x196: {  	[tilespmem:s9], [sflag:$0x1] =	stream.indirect.gather [hbm4b:s2+s6], $0x10, s22, s6, $0xb8;
	[tilespmem:$0x5208] =	vst v63  }
0x197: {  	s16 =	simm.s32 $0x4588;
	s24 =	sld [smem:$0x7FA]  }
0x198: {  	[tilespmem:s16], [sflag:$0x1] =	stream.indirect.gather [hbm4b:s2+s6], $0x10, s23, s6, $0xb8;
	[tilespmem:$0x5208] =	vst v63  }
0x199: {  	s17 =	simm.s32 $0x4808;
	s25 =	sld [smem:$0x7FB]  }
0x19a: {  	[tilespmem:s17], [sflag:$0x1] =	stream.indirect.gather [hbm4b:s2+s6], $0x10, s24, s6, $0xb8;
	[tilespmem:$0x5208] =	vst v63  }
0x19b: {  	s3 =	simm.s32 $0x4A88;
	s26 =	sld [smem:$0x7FC]  }
0x19c: {  	[tilespmem:s3], [sflag:$0x1] =	stream.indirect.gather [hbm4b:s2+s6], $0x10, s25, s6, $0xb8;
	[tilespmem:$0x5208] =	vst v63  }
0x19d: {  	s20 =	simm.s32 $0x4D08;
	s28 =	sld [smem:$0x7FD]  }
0x19e: {  	[tilespmem:s20], [sflag:$0x1] =	stream.indirect.gather [hbm4b:s2+s6], $0x10, s26, s6, $0xb8;
	[tilespmem:$0x5208] =	vst v63  }
0x19f: {  	s30 =	simm.s32 $0x4F88  }
0x1a0: {  	[tilespmem:s30], [sflag:$0x1] =	stream.indirect.gather [hbm4b:s2+s6], $0x10, s28, s6, $0xb8;
	[tilespmem:$0x5208] =	vst v63  }
0x1a1: {  	_ =	swait.ge [sflag:s11], $0x3E80  }
0x1a2: {  	s30 =	sld [smem:$0x799];
	_ =	sdelay $0x2  }
0x1a3: {  	p1 =	sne.s32 s30, $0x1  }
.Ltmp1:
0x1a4: {  	[sflag:s11] =	ssyncset.done $0x0;
	(pc) =	sbr.rel @!p1 .LBB2_3-.Ltmp1, $4  }
0x1a5: {  	s13 =	simm.s32 $0x0;
	s29 =	rddreg [dreg:$0x8];
	[sflag:s11] =	ssyncadd.s32 $0xFFFFC180  }
0x1a6: {  	[hbm4b:s29+s13] =	stream.linear.scatter [tilespmem:s31], [sflag:$0x2], $0x3E80, $0x38;
	[tilespmem:$0x5208] =	vst v63  }
0x1a7: {  	p0 =	por $0x1, $0x1;
	s8 =	simm.s32 $0x0;
	_ =	swait.ge [sflag:s4], $0x3E80  }
0x1a8: {  	s0 =	sadd.s32 $0xFFFFFFFF, s30;
	s7 =	rddreg [dreg:$0x3];
	[sflag:s4] =	ssyncset.done $0x0  }
.LBB2_2:
0x1a9: {  	[sflag:s4] =	ssyncadd.s32 $0xFFFFC180  }
0x1aa: {  	[tilespmem:s8], [sflag:$0x2] =	stream.linear.gather [hbm4b:s7+s8], $0x1388, $0x38;
	[tilespmem:$0x5208] =	vst v63  }
0x1ab: {  	_ =	swait.ge [sflag:s4], $0x1388  }
0x1ac: {  	[sflag:s4] =	ssyncset.done $0x0  }
0x1ad: {  	[sflag:s4] =	ssyncadd.s32 $0xFFFFEC78  }
0x1ae: {  	[tilespmem:s31], [sflag:$0x1] =	stream.indirect.gather [hbm4b:s2+s6], $0x10, s8, s6, $0xb8;
	[tilespmem:$0x5208] =	vst v63  }
0x1af: {  	s1 =	simm.s32 $0x1608  }
0x1b0: {  	[tilespmem:s1], [sflag:$0x1] =	stream.indirect.gather [hbm4b:s2+s6], $0x10, s6, s6, $0xb8;
	[tilespmem:$0x5208] =	vst v63  }
0x1b1: {  	s19 =	simm.s32 $0x1888;
	s17 =	rddreg [dreg:$0x9]  }
0x1b2: {  	[tilespmem:s19], [sflag:$0x1] =	stream.indirect.gather [hbm4b:s2+s6], $0x10, s17, s6, $0xb8;
	[tilespmem:$0x5208] =	vst v63  }
0x1b3: {  	s21 =	simm.s32 $0x1B08;
	s18 =	rddreg [dreg:$0xa]  }
0x1b4: {  	[tilespmem:s21], [sflag:$0x1] =	stream.indirect.gather [hbm4b:s2+s6], $0x10, s18, s6, $0xb8;
	[tilespmem:$0x5208] =	vst v63  }
0x1b5: {  	s23 =	simm.s32 $0x1D88;
	s20 =	rddreg [dreg:$0xb]  }
0x1b6: {  	[tilespmem:s23], [sflag:$0x1] =	stream.indirect.gather [hbm4b:s2+s6], $0x10, s20, s6, $0xb8;
	[tilespmem:$0x5208] =	vst v63  }
0x1b7: {  	s25 =	simm.s32 $0x2008;
	s22 =	rddreg [dreg:$0xc]  }
0x1b8: {  	[tilespmem:s25], [sflag:$0x1] =	stream.indirect.gather [hbm4b:s2+s6], $0x10, s22, s6, $0xb8;
	[tilespmem:$0x5208] =	vst v63  }
0x1b9: {  	s28 =	simm.s32 $0x2288;
	s24 =	rddreg [dreg:$0xd]  }
0x1ba: {  	[tilespmem:s28], [sflag:$0x1] =	stream.indirect.gather [hbm4b:s2+s6], $0x10, s24, s6, $0xb8;
	[tilespmem:$0x5208] =	vst v63  }
0x1bb: {  	s30 =	simm.s32 $0x2508;
	s26 =	rddreg [dreg:$0xe]  }
0x1bc: {  	[tilespmem:s30], [sflag:$0x1] =	stream.indirect.gather [hbm4b:s2+s6], $0x10, s26, s6, $0xb8;
	[tilespmem:$0x5208] =	vst v63  }
0x1bd: {  	s5 =	simm.s32 $0x2788;
	s29 =	rddreg [dreg:$0xf]  }
0x1be: {  	[tilespmem:s5], [sflag:$0x1] =	stream.indirect.gather [hbm4b:s2+s6], $0x10, s29, s6, $0xb8;
	[tilespmem:$0x5208] =	vst v63  }
0x1bf: {  	s15 =	simm.s32 $0x2A08;
	s3 =	rddreg [dreg:$0x10]  }
0x1c0: {  	[tilespmem:s15], [sflag:$0x1] =	stream.indirect.gather [hbm4b:s2+s6], $0x10, s3, s6, $0xb8;
	[tilespmem:$0x5208] =	vst v63  }
0x1c1: {  	s14 =	rddreg [dreg:$0x11];
	s17 =	simm.s32 $0x2C88  }
0x1c2: {  	[tilespmem:s17], [sflag:$0x1] =	stream.indirect.gather [hbm4b:s2+s6], $0x10, s14, s6, $0xb8;
	[tilespmem:$0x5208] =	vst v63  }
0x1c3: {  	s16 =	rddreg [dreg:$0x12];
	s19 =	simm.s32 $0x2F08  }
0x1c4: {  	[tilespmem:s19], [sflag:$0x1] =	stream.indirect.gather [hbm4b:s2+s6], $0x10, s16, s6, $0xb8;
	[tilespmem:$0x5208] =	vst v63  }
0x1c5: {  	s18 =	rddreg [dreg:$0x13];
	s21 =	simm.s32 $0x3188  }
0x1c6: {  	[tilespmem:s21], [sflag:$0x1] =	stream.indirect.gather [hbm4b:s2+s6], $0x10, s18, s6, $0xb8;
	[tilespmem:$0x5208] =	vst v63  }
0x1c7: {  	s20 =	rddreg [dreg:$0x14];
	s25 =	simm.s32 $0x3408  }
0x1c8: {  	[tilespmem:s25], [sflag:$0x1] =	stream.indirect.gather [hbm4b:s2+s6], $0x10, s20, s6, $0xb8;
	[tilespmem:$0x5208] =	vst v63  }
0x1c9: {  	s22 =	rddreg [dreg:$0x15];
	s28 =	simm.s32 $0x3688  }
0x1ca: {  	[tilespmem:s28], [sflag:$0x1] =	stream.indirect.gather [hbm4b:s2+s6], $0x10, s22, s6, $0xb8;
	[tilespmem:$0x5208] =	vst v63  }
0x1cb: {  	s26 =	rddreg [dreg:$0x16];
	s30 =	simm.s32 $0x3908  }
0x1cc: {  	[tilespmem:s30], [sflag:$0x1] =	stream.indirect.gather [hbm4b:s2+s6], $0x10, s26, s6, $0xb8;
	[tilespmem:$0x5208] =	vst v63  }
0x1cd: {  	s29 =	rddreg [dreg:$0x17];
	s14 =	simm.s32 $0x3B88  }
0x1ce: {  	[tilespmem:s14], [sflag:$0x1] =	stream.indirect.gather [hbm4b:s2+s6], $0x10, s29, s6, $0xb8;
	[tilespmem:$0x5208] =	vst v63  }
0x1cf: {  	s3 =	rddreg [dreg:$0x18];
	s16 =	simm.s32 $0x3E08  }
0x1d0: {  	[tilespmem:s16], [sflag:$0x1] =	stream.indirect.gather [hbm4b:s2+s6], $0x10, s3, s6, $0xb8;
	[tilespmem:$0x5208] =	vst v63  }
0x1d1: {  	s15 =	rddreg [dreg:$0x19];
	s18 =	simm.s32 $0x4088  }
0x1d2: {  	[tilespmem:s18], [sflag:$0x1] =	stream.indirect.gather [hbm4b:s2+s6], $0x10, s15, s6, $0xb8;
	[tilespmem:$0x5208] =	vst v63  }
0x1d3: {  	s17 =	rddreg [dreg:$0x1a];
	s20 =	simm.s32 $0x4308  }
0x1d4: {  	[tilespmem:s20], [sflag:$0x1] =	stream.indirect.gather [hbm4b:s2+s6], $0x10, s17, s6, $0xb8;
	[tilespmem:$0x5208] =	vst v63  }
0x1d5: {  	s19 =	rddreg [dreg:$0x1b];
	s22 =	simm.s32 $0x4588  }
0x1d6: {  	[tilespmem:s22], [sflag:$0x1] =	stream.indirect.gather [hbm4b:s2+s6], $0x10, s19, s6, $0xb8;
	[tilespmem:$0x5208] =	vst v63  }
0x1d7: {  	s21 =	rddreg [dreg:$0x1c];
	s26 =	simm.s32 $0x4808  }
0x1d8: {  	[tilespmem:s26], [sflag:$0x1] =	stream.indirect.gather [hbm4b:s2+s6], $0x10, s21, s6, $0xb8;
	[tilespmem:$0x5208] =	vst v63  }
0x1d9: {  	s25 =	rddreg [dreg:$0x1d];
	s3 =	simm.s32 $0x4A88  }
0x1da: {  	[tilespmem:s3], [sflag:$0x1] =	stream.indirect.gather [hbm4b:s2+s6], $0x10, s25, s6, $0xb8;
	[tilespmem:$0x5208] =	vst v63  }
0x1db: {  	s28 =	rddreg [dreg:$0x1e];
	s30 =	simm.s32 $0x4D08  }
0x1dc: {  	[tilespmem:s30], [sflag:$0x1] =	stream.indirect.gather [hbm4b:s2+s6], $0x10, s28, s6, $0xb8;
	[tilespmem:$0x5208] =	vst v63  }
0x1dd: {  	s29 =	rddreg [dreg:$0x1f];
	s3 =	simm.s32 $0x4F88  }
0x1de: {  	[tilespmem:s3], [sflag:$0x1] =	stream.indirect.gather [hbm4b:s2+s6], $0x10, s29, s6, $0xb8;
	[tilespmem:$0x5208] =	vst v63  }
0x1df: {  	_ =	swait.ge [sflag:s11], $0x3E80  }
0x1e0: {  	s1 =	simm.s32 $0x1388;
	[sflag:s11] =	ssyncset.done $0x0  }
0x1e1: {  	s8 =	rddreg [dreg:$0x4];
	[sflag:s11] =	ssyncadd.s32 $0xFFFFC180;
	s11 =	simm.s32 $0x0  }
0x1e2: {  	[hbm4b:s8+s11] =	stream.linear.scatter [tilespmem:s1], [sflag:$0x2], $0x3E80, $0x38;
	[tilespmem:$0x5208] =	vst v63  }
0x1e3: {  	_ =	swait.ge [sflag:s4], $0x3E80  }
0x1e4: {  	s14 =	sld [smem:$0x79A]  }
0x1e5: {  	[sflag:s4] =	ssyncset.done $0x0  }
0x1e6: {  	s15 =	sld [smem:$0x79B];
	[sflag:s4] =	ssyncadd.s32 $0xFFFFC180  }
0x1e7: {  	[tilespmem:s1], [sflag:$0x1] =	stream.indirect.gather [hbm4b:s2+s6], $0x10, s14, s6, $0xb8;
	[tilespmem:$0x5208] =	vst v63  }
0x1e8: {  	s9 =	simm.s32 $0x1608;
	s16 =	sld [smem:$0x79C]  }
0x1e9: {  	[tilespmem:s9], [sflag:$0x1] =	stream.indirect.gather [hbm4b:s2+s6], $0x10, s15, s6, $0xb8;
	[tilespmem:$0x5208] =	vst v63  }
0x1ea: {  	s12 =	simm.s32 $0x1888;
	s18 =	sld [smem:$0x79D]  }
0x1eb: {  	[tilespmem:s12], [sflag:$0x1] =	stream.indirect.gather [hbm4b:s2+s6], $0x10, s16, s6, $0xb8;
	[tilespmem:$0x5208] =	vst v63  }
0x1ec: {  	s10 =	simm.s32 $0x1B08;
	s19 =	sld [smem:$0x79E]  }
0x1ed: {  	[tilespmem:s10], [sflag:$0x1] =	stream.indirect.gather [hbm4b:s2+s6], $0x10, s18, s6, $0xb8;
	[tilespmem:$0x5208] =	vst v63  }
0x1ee: {  	s13 =	simm.s32 $0x1D88;
	s20 =	sld [smem:$0x79F]  }
0x1ef: {  	[tilespmem:s13], [sflag:$0x1] =	stream.indirect.gather [hbm4b:s2+s6], $0x10, s19, s6, $0xb8;
	[tilespmem:$0x5208] =	vst v63  }
0x1f0: {  	s21 =	sld [smem:$0x7A0];
	s15 =	simm.s32 $0x2008  }
0x1f1: {  	[tilespmem:s15], [sflag:$0x1] =	stream.indirect.gather [hbm4b:s2+s6], $0x10, s20, s6, $0xb8;
	[tilespmem:$0x5208] =	vst v63  }
0x1f2: {  	s22 =	sld [smem:$0x7A1];
	s16 =	simm.s32 $0x2288  }
0x1f3: {  	[tilespmem:s16], [sflag:$0x1] =	stream.indirect.gather [hbm4b:s2+s6], $0x10, s21, s6, $0xb8;
	[tilespmem:$0x5208] =	vst v63  }
0x1f4: {  	s28 =	sld [smem:$0x7A2];
	s18 =	simm.s32 $0x2508  }
0x1f5: {  	[tilespmem:s18], [sflag:$0x1] =	stream.indirect.gather [hbm4b:s2+s6], $0x10, s22, s6, $0xb8;
	[tilespmem:$0x5208] =	vst v63  }
0x1f6: {  	s29 =	sld [smem:$0x7A3];
	s19 =	simm.s32 $0x2788  }
0x1f7: {  	[tilespmem:s19], [sflag:$0x1] =	stream.indirect.gather [hbm4b:s2+s6], $0x10, s28, s6, $0xb8;
	[tilespmem:$0x5208] =	vst v63  }
0x1f8: {  	s30 =	sld [smem:$0x7A4];
	s20 =	simm.s32 $0x2A08  }
0x1f9: {  	[tilespmem:s20], [sflag:$0x1] =	stream.indirect.gather [hbm4b:s2+s6], $0x10, s29, s6, $0xb8;
	[tilespmem:$0x5208] =	vst v63  }
0x1fa: {  	s4 =	sld [smem:$0x7A5];
	s21 =	simm.s32 $0x2C88  }
0x1fb: {  	[tilespmem:s21], [sflag:$0x1] =	stream.indirect.gather [hbm4b:s2+s6], $0x10, s30, s6, $0xb8;
	[tilespmem:$0x5208] =	vst v63  }
0x1fc: {  	s10 =	sld [smem:$0x7A6];
	s22 =	simm.s32 $0x2F08  }
0x1fd: {  	[tilespmem:s22], [sflag:$0x1] =	stream.indirect.gather [hbm4b:s2+s6], $0x10, s4, s6, $0xb8;
	[tilespmem:$0x5208] =	vst v63  }
0x1fe: {  	s23 =	simm.s32 $0x3188;
	s11 =	sld [smem:$0x7A7]  }
0x1ff: {  	[tilespmem:s23], [sflag:$0x1] =	stream.indirect.gather [hbm4b:s2+s6], $0x10, s10, s6, $0xb8;
	[tilespmem:$0x5208] =	vst v63  }
0x200: {  	s24 =	simm.s32 $0x3408;
	s12 =	sld [smem:$0x7A8]  }
0x201: {  	[tilespmem:s24], [sflag:$0x1] =	stream.indirect.gather [hbm4b:s2+s6], $0x10, s11, s6, $0xb8;
	[tilespmem:$0x5208] =	vst v63  }
0x202: {  	s13 =	sld [smem:$0x7A9];
	s29 =	simm.s32 $0x3688  }
0x203: {  	[tilespmem:s29], [sflag:$0x1] =	stream.indirect.gather [hbm4b:s2+s6], $0x10, s12, s6, $0xb8;
	[tilespmem:$0x5208] =	vst v63  }
0x204: {  	s5 =	simm.s32 $0x3908;
	s23 =	sld [smem:$0x7AA]  }
0x205: {  	[tilespmem:s5], [sflag:$0x1] =	stream.indirect.gather [hbm4b:s2+s6], $0x10, s13, s6, $0xb8;
	[tilespmem:$0x5208] =	vst v63  }
0x206: {  	s30 =	simm.s32 $0x3B88;
	s24 =	sld [smem:$0x7AB]  }
0x207: {  	[tilespmem:s30], [sflag:$0x1] =	stream.indirect.gather [hbm4b:s2+s6], $0x10, s23, s6, $0xb8;
	[tilespmem:$0x5208] =	vst v63  }
0x208: {  	s5 =	sld [smem:$0x7AC];
	s23 =	simm.s32 $0x3E08  }
0x209: {  	[tilespmem:s23], [sflag:$0x1] =	stream.indirect.gather [hbm4b:s2+s6], $0x10, s24, s6, $0xb8;
	[tilespmem:$0x5208] =	vst v63  }
0x20a: {  	s10 =	sld [smem:$0x7AD];
	s24 =	simm.s32 $0x4088  }
0x20b: {  	[tilespmem:s24], [sflag:$0x1] =	stream.indirect.gather [hbm4b:s2+s6], $0x10, s5, s6, $0xb8;
	[tilespmem:$0x5208] =	vst v63  }
0x20c: {  	s7 =	sld [smem:$0x7AE];
	s12 =	simm.s32 $0x4308  }
0x20d: {  	[tilespmem:s12], [sflag:$0x1] =	stream.indirect.gather [hbm4b:s2+s6], $0x10, s10, s6, $0xb8;
	[tilespmem:$0x5208] =	vst v63  }
0x20e: {  	s5 =	simm.s32 $0x4588;
	s10 =	sld [smem:$0x7AF]  }
0x20f: {  	[tilespmem:s5], [sflag:$0x1] =	stream.indirect.gather [hbm4b:s2+s6], $0x10, s7, s6, $0xb8;
	[tilespmem:$0x5208] =	vst v63  }
0x210: {  	s17 =	simm.s32 $0x4808;
	s7 =	sld [smem:$0x7B0]  }
0x211: {  	[tilespmem:s17], [sflag:$0x1] =	stream.indirect.gather [hbm4b:s2+s6], $0x10, s10, s6, $0xb8;
	[tilespmem:$0x5208] =	vst v63  }
0x212: {  	s12 =	sld [smem:$0x7B1];
	s17 =	simm.s32 $0x4A88  }
0x213: {  	[tilespmem:s17], [sflag:$0x1] =	stream.indirect.gather [hbm4b:s2+s6], $0x10, s7, s6, $0xb8;
	[tilespmem:$0x5208] =	vst v63  }
0x214: {  	s26 =	simm.s32 $0x4D08;
	s7 =	sld [smem:$0x7B2]  }
0x215: {  	[tilespmem:s26], [sflag:$0x1] =	stream.indirect.gather [hbm4b:s2+s6], $0x10, s12, s6, $0xb8;
	[tilespmem:$0x5208] =	vst v63  }
0x216: {  	s3 =	simm.s32 $0x4F88;
	s4 =	simm.s32 $0x1  }
0x217: {  	[tilespmem:s3], [sflag:$0x1] =	stream.indirect.gather [hbm4b:s2+s6], $0x10, s7, s6, $0xb8;
	[tilespmem:$0x5208] =	vst v63  }
0x218: {  	_ =	swait.ge [sflag:s4], $0x3E80  }
0x219: {  	s26 =	simm.s32 $0x0;
	[sflag:s4] =	ssyncset.done $0x0  }
0x21a: {  	s8 =	rddreg [dreg:$0x5];
	[sflag:s4] =	ssyncadd.s32 $0xFFFFC180;
	s4 =	simm.s32 $0x2  }
0x21b: {  	[hbm4b:s8+s26] =	stream.linear.scatter [tilespmem:s1], [sflag:$0x2], $0x3E80, $0x38;
	[tilespmem:$0x5208] =	vst v63  }
0x21c: {  	_ =	swait.ge [sflag:s4], $0x3E80  }
0x21d: {  	s26 =	sld [smem:$0x7B3]  }
0x21e: {  	[sflag:s4] =	ssyncset.done $0x0  }
0x21f: {  	s8 =	sld [smem:$0x7B4];
	[sflag:s4] =	ssyncadd.s32 $0xFFFFC180  }
0x220: {  	[tilespmem:s1], [sflag:$0x1] =	stream.indirect.gather [hbm4b:s2+s6], $0x10, s26, s6, $0xb8;
	[tilespmem:$0x5208] =	vst v63  }
0x221: {  	s31 =	simm.s32 $0x1608;
	s26 =	sld [smem:$0x7B5]  }
0x222: {  	[tilespmem:s31], [sflag:$0x1] =	stream.indirect.gather [hbm4b:s2+s6], $0x10, s8, s6, $0xb8;
	[tilespmem:$0x5208] =	vst v63  }
0x223: {  	s9 =	simm.s32 $0x1888;
	s8 =	sld [smem:$0x7B6]  }
0x224: {  	[tilespmem:s9], [sflag:$0x1] =	stream.indirect.gather [hbm4b:s2+s6], $0x10, s26, s6, $0xb8;
	[tilespmem:$0x5208] =	vst v63  }
0x225: {  	s14 =	simm.s32 $0x1B08;
	s26 =	sld [smem:$0x7B7]  }
0x226: {  	[tilespmem:s14], [sflag:$0x1] =	stream.indirect.gather [hbm4b:s2+s6], $0x10, s8, s6, $0xb8;
	[tilespmem:$0x5208] =	vst v63  }
0x227: {  	s25 =	simm.s32 $0x1D88;
	s9 =	sld [smem:$0x7B8]  }
0x228: {  	[tilespmem:s25], [sflag:$0x1] =	stream.indirect.gather [hbm4b:s2+s6], $0x10, s26, s6, $0xb8;
	[tilespmem:$0x5208] =	vst v63  }
0x229: {  	s26 =	sld [smem:$0x7B9]  }
0x22a: {  	[tilespmem:s15], [sflag:$0x1] =	stream.indirect.gather [hbm4b:s2+s6], $0x10, s9, s6, $0xb8;
	[tilespmem:$0x5208] =	vst v63  }
0x22b: {  	s9 =	sld [smem:$0x7BA]  }
0x22c: {  	[tilespmem:s16], [sflag:$0x1] =	stream.indirect.gather [hbm4b:s2+s6], $0x10, s26, s6, $0xb8;
	[tilespmem:$0x5208] =	vst v63  }
0x22d: {  	s26 =	sld [smem:$0x7BB]  }
0x22e: {  	[tilespmem:s18], [sflag:$0x1] =	stream.indirect.gather [hbm4b:s2+s6], $0x10, s9, s6, $0xb8;
	[tilespmem:$0x5208] =	vst v63  }
0x22f: {  	s9 =	sld [smem:$0x7BC]  }
0x230: {  	[tilespmem:s19], [sflag:$0x1] =	stream.indirect.gather [hbm4b:s2+s6], $0x10, s26, s6, $0xb8;
	[tilespmem:$0x5208] =	vst v63  }
0x231: {  	s26 =	sld [smem:$0x7BD]  }
0x232: {  	[tilespmem:s20], [sflag:$0x1] =	stream.indirect.gather [hbm4b:s2+s6], $0x10, s9, s6, $0xb8;
	[tilespmem:$0x5208] =	vst v63  }
0x233: {  	s9 =	sld [smem:$0x7BE]  }
0x234: {  	[tilespmem:s21], [sflag:$0x1] =	stream.indirect.gather [hbm4b:s2+s6], $0x10, s26, s6, $0xb8;
	[tilespmem:$0x5208] =	vst v63  }
0x235: {  	s26 =	sld [smem:$0x7BF]  }
0x236: {  	[tilespmem:s22], [sflag:$0x1] =	stream.indirect.gather [hbm4b:s2+s6], $0x10, s9, s6, $0xb8;
	[tilespmem:$0x5208] =	vst v63  }
0x237: {  	s28 =	simm.s32 $0x3188;
	s9 =	sld [smem:$0x7C0]  }
0x238: {  	[tilespmem:s28], [sflag:$0x1] =	stream.indirect.gather [hbm4b:s2+s6], $0x10, s26, s6, $0xb8;
	[tilespmem:$0x5208] =	vst v63  }
0x239: {  	s11 =	simm.s32 $0x3408;
	s28 =	sld [smem:$0x7C1]  }
0x23a: {  	[tilespmem:s11], [sflag:$0x1] =	stream.indirect.gather [hbm4b:s2+s6], $0x10, s9, s6, $0xb8;
	[tilespmem:$0x5208] =	vst v63  }
0x23b: {  	s8 =	sld [smem:$0x7C2]  }
0x23c: {  	[tilespmem:s29], [sflag:$0x1] =	stream.indirect.gather [hbm4b:s2+s6], $0x10, s28, s6, $0xb8;
	[tilespmem:$0x5208] =	vst v63  }
0x23d: {  	s13 =	simm.s32 $0x3908;
	s9 =	sld [smem:$0x7C3]  }
0x23e: {  	[tilespmem:s13], [sflag:$0x1] =	stream.indirect.gather [hbm4b:s2+s6], $0x10, s8, s6, $0xb8;
	[tilespmem:$0x5208] =	vst v63  }
0x23f: {  	s29 =	sld [smem:$0x7C4]  }
0x240: {  	[tilespmem:s30], [sflag:$0x1] =	stream.indirect.gather [hbm4b:s2+s6], $0x10, s9, s6, $0xb8;
	[tilespmem:$0x5208] =	vst v63  }
0x241: {  	s9 =	sld [smem:$0x7C5]  }
0x242: {  	[tilespmem:s23], [sflag:$0x1] =	stream.indirect.gather [hbm4b:s2+s6], $0x10, s29, s6, $0xb8;
	[tilespmem:$0x5208] =	vst v63  }
0x243: {  	s23 =	sld [smem:$0x7C6]  }
0x244: {  	[tilespmem:s24], [sflag:$0x1] =	stream.indirect.gather [hbm4b:s2+s6], $0x10, s9, s6, $0xb8;
	[tilespmem:$0x5208] =	vst v63  }
0x245: {  	s30 =	simm.s32 $0x4308;
	s29 =	sld [smem:$0x7C7]  }
0x246: {  	[tilespmem:s30], [sflag:$0x1] =	stream.indirect.gather [hbm4b:s2+s6], $0x10, s23, s6, $0xb8;
	[tilespmem:$0x5208] =	vst v63  }
0x247: {  	s9 =	sld [smem:$0x7C8]  }
0x248: {  	[tilespmem:s5], [sflag:$0x1] =	stream.indirect.gather [hbm4b:s2+s6], $0x10, s29, s6, $0xb8;
	[tilespmem:$0x5208] =	vst v63  }
0x249: {  	s10 =	simm.s32 $0x4808;
	s29 =	sld [smem:$0x7C9]  }
0x24a: {  	[tilespmem:s10], [sflag:$0x1] =	stream.indirect.gather [hbm4b:s2+s6], $0x10, s9, s6, $0xb8;
	[tilespmem:$0x5208] =	vst v63  }
0x24b: {  	s30 =	sld [smem:$0x7CA]  }
0x24c: {  	[tilespmem:s17], [sflag:$0x1] =	stream.indirect.gather [hbm4b:s2+s6], $0x10, s29, s6, $0xb8;
	[tilespmem:$0x5208] =	vst v63  }
0x24d: {  	s12 =	simm.s32 $0x4D08;
	s5 =	sld [smem:$0x7CB]  }
0x24e: {  	[tilespmem:s12], [sflag:$0x1] =	stream.indirect.gather [hbm4b:s2+s6], $0x10, s30, s6, $0xb8;
	[tilespmem:$0x5208] =	vst v63  }
0x24f: {  	s3 =	simm.s32 $0x4F88;
	s11 =	simm.s32 $0x1  }
0x250: {  	[tilespmem:s3], [sflag:$0x1] =	stream.indirect.gather [hbm4b:s2+s6], $0x10, s5, s6, $0xb8;
	[tilespmem:$0x5208] =	vst v63  }
0x251: {  	_ =	swait.ge [sflag:s11], $0x3E80  }
0x252: {  	[sflag:s11] =	ssyncset.done $0x0  }
0x253: {  	s12 =	simm.s32 $0x0;
	s8 =	rddreg [dreg:$0x6];
	[sflag:s11] =	ssyncadd.s32 $0xFFFFC180  }
0x254: {  	[hbm4b:s8+s12] =	stream.linear.scatter [tilespmem:s1], [sflag:$0x2], $0x3E80, $0x38;
	[tilespmem:$0x5208] =	vst v63  }
0x255: {  	_ =	swait.ge [sflag:s4], $0x3E80  }
0x256: {  	s30 =	sld [smem:$0x7CC]  }
0x257: {  	[sflag:s4] =	ssyncset.done $0x0  }
0x258: {  	s3 =	sld [smem:$0x7CD];
	[sflag:s4] =	ssyncadd.s32 $0xFFFFC180  }
0x259: {  	[tilespmem:s1], [sflag:$0x1] =	stream.indirect.gather [hbm4b:s2+s6], $0x10, s30, s6, $0xb8;
	[tilespmem:$0x5208] =	vst v63  }
0x25a: {  	s5 =	simm.s32 $0x1608;
	s7 =	sld [smem:$0x7CE]  }
0x25b: {  	[tilespmem:s5], [sflag:$0x1] =	stream.indirect.gather [hbm4b:s2+s6], $0x10, s3, s6, $0xb8;
	[tilespmem:$0x5208] =	vst v63  }
0x25c: {  	s12 =	sld [smem:$0x7CF];
	s30 =	simm.s32 $0x1888  }
0x25d: {  	[tilespmem:s30], [sflag:$0x1] =	stream.indirect.gather [hbm4b:s2+s6], $0x10, s7, s6, $0xb8;
	[tilespmem:$0x5208] =	vst v63  }
0x25e: {  	s14 =	simm.s32 $0x1B08;
	s5 =	sld [smem:$0x7D0]  }
0x25f: {  	[tilespmem:s14], [sflag:$0x1] =	stream.indirect.gather [hbm4b:s2+s6], $0x10, s12, s6, $0xb8;
	[tilespmem:$0x5208] =	vst v63  }
0x260: {  	s25 =	simm.s32 $0x1D88;
	s14 =	sld [smem:$0x7D1]  }
0x261: {  	[tilespmem:s25], [sflag:$0x1] =	stream.indirect.gather [hbm4b:s2+s6], $0x10, s5, s6, $0xb8;
	[tilespmem:$0x5208] =	vst v63  }
0x262: {  	s15 =	simm.s32 $0x2008;
	s30 =	sld [smem:$0x7D2]  }
0x263: {  	[tilespmem:s15], [sflag:$0x1] =	stream.indirect.gather [hbm4b:s2+s6], $0x10, s14, s6, $0xb8;
	[tilespmem:$0x5208] =	vst v63  }
0x264: {  	s16 =	simm.s32 $0x2288;
	s3 =	sld [smem:$0x7D3]  }
0x265: {  	[tilespmem:s16], [sflag:$0x1] =	stream.indirect.gather [hbm4b:s2+s6], $0x10, s30, s6, $0xb8;
	[tilespmem:$0x5208] =	vst v63  }
0x266: {  	s18 =	simm.s32 $0x2508;
	s25 =	sld [smem:$0x7D4]  }
0x267: {  	[tilespmem:s18], [sflag:$0x1] =	stream.indirect.gather [hbm4b:s2+s6], $0x10, s3, s6, $0xb8;
	[tilespmem:$0x5208] =	vst v63  }
0x268: {  	s19 =	simm.s32 $0x2788;
	s30 =	sld [smem:$0x7D5]  }
0x269: {  	[tilespmem:s19], [sflag:$0x1] =	stream.indirect.gather [hbm4b:s2+s6], $0x10, s25, s6, $0xb8;
	[tilespmem:$0x5208] =	vst v63  }
0x26a: {  	s20 =	simm.s32 $0x2A08;
	s3 =	sld [smem:$0x7D6]  }
0x26b: {  	[tilespmem:s20], [sflag:$0x1] =	stream.indirect.gather [hbm4b:s2+s6], $0x10, s30, s6, $0xb8;
	[tilespmem:$0x5208] =	vst v63  }
0x26c: {  	s21 =	simm.s32 $0x2C88;
	s25 =	sld [smem:$0x7D7]  }
0x26d: {  	[tilespmem:s21], [sflag:$0x1] =	stream.indirect.gather [hbm4b:s2+s6], $0x10, s3, s6, $0xb8;
	[tilespmem:$0x5208] =	vst v63  }
0x26e: {  	s22 =	simm.s32 $0x2F08;
	s30 =	sld [smem:$0x7D8]  }
0x26f: {  	[tilespmem:s22], [sflag:$0x1] =	stream.indirect.gather [hbm4b:s2+s6], $0x10, s25, s6, $0xb8;
	[tilespmem:$0x5208] =	vst v63  }
0x270: {  	s26 =	simm.s32 $0x3188;
	s3 =	sld [smem:$0x7D9]  }
0x271: {  	[tilespmem:s26], [sflag:$0x1] =	stream.indirect.gather [hbm4b:s2+s6], $0x10, s30, s6, $0xb8;
	[tilespmem:$0x5208] =	vst v63  }
0x272: {  	s25 =	simm.s32 $0x3408;
	s30 =	sld [smem:$0x7DA]  }
0x273: {  	[tilespmem:s25], [sflag:$0x1] =	stream.indirect.gather [hbm4b:s2+s6], $0x10, s3, s6, $0xb8;
	[tilespmem:$0x5208] =	vst v63  }
0x274: {  	s28 =	simm.s32 $0x3688;
	s26 =	sld [smem:$0x7DB]  }
0x275: {  	[tilespmem:s28], [sflag:$0x1] =	stream.indirect.gather [hbm4b:s2+s6], $0x10, s30, s6, $0xb8;
	[tilespmem:$0x5208] =	vst v63  }
0x276: {  	s31 =	simm.s32 $0x3908;
	s28 =	sld [smem:$0x7DC]  }
0x277: {  	[tilespmem:s31], [sflag:$0x1] =	stream.indirect.gather [hbm4b:s2+s6], $0x10, s26, s6, $0xb8;
	[tilespmem:$0x5208] =	vst v63  }
0x278: {  	s13 =	simm.s32 $0x3B88;
	s3 =	sld [smem:$0x7DD]  }
0x279: {  	[tilespmem:s13], [sflag:$0x1] =	stream.indirect.gather [hbm4b:s2+s6], $0x10, s28, s6, $0xb8;
	[tilespmem:$0x5208] =	vst v63  }
0x27a: {  	s13 =	sld [smem:$0x7DE];
	s28 =	simm.s32 $0x3E08  }
0x27b: {  	[tilespmem:s28], [sflag:$0x1] =	stream.indirect.gather [hbm4b:s2+s6], $0x10, s3, s6, $0xb8;
	[tilespmem:$0x5208] =	vst v63  }
0x27c: {  	s24 =	simm.s32 $0x4088;
	s3 =	sld [smem:$0x7DF]  }
0x27d: {  	[tilespmem:s24], [sflag:$0x1] =	stream.indirect.gather [hbm4b:s2+s6], $0x10, s13, s6, $0xb8;
	[tilespmem:$0x5208] =	vst v63  }
0x27e: {  	s13 =	sld [smem:$0x7E0];
	s24 =	simm.s32 $0x4308  }
0x27f: {  	[tilespmem:s24], [sflag:$0x1] =	stream.indirect.gather [hbm4b:s2+s6], $0x10, s3, s6, $0xb8;
	[tilespmem:$0x5208] =	vst v63  }
0x280: {  	s23 =	simm.s32 $0x4588;
	s3 =	sld [smem:$0x7E1]  }
0x281: {  	[tilespmem:s23], [sflag:$0x1] =	stream.indirect.gather [hbm4b:s2+s6], $0x10, s13, s6, $0xb8;
	[tilespmem:$0x5208] =	vst v63  }
0x282: {  	s9 =	simm.s32 $0x4808;
	s24 =	sld [smem:$0x7E2]  }
0x283: {  	[tilespmem:s9], [sflag:$0x1] =	stream.indirect.gather [hbm4b:s2+s6], $0x10, s3, s6, $0xb8;
	[tilespmem:$0x5208] =	vst v63  }
0x284: {  	s10 =	simm.s32 $0x4A88;
	s9 =	sld [smem:$0x7E3]  }
0x285: {  	[tilespmem:s10], [sflag:$0x1] =	stream.indirect.gather [hbm4b:s2+s6], $0x10, s24, s6, $0xb8;
	[tilespmem:$0x5208] =	vst v63  }
0x286: {  	s29 =	simm.s32 $0x4D08;
	s10 =	sld [smem:$0x7E4]  }
0x287: {  	[tilespmem:s29], [sflag:$0x1] =	stream.indirect.gather [hbm4b:s2+s6], $0x10, s9, s6, $0xb8;
	[tilespmem:$0x5208] =	vst v63  }
0x288: {  	s17 =	simm.s32 $0x4F88  }
0x289: {  	[tilespmem:s17], [sflag:$0x1] =	stream.indirect.gather [hbm4b:s2+s6], $0x10, s10, s6, $0xb8;
	[tilespmem:$0x5208] =	vst v63  }
0x28a: {  	_ =	swait.ge [sflag:s11], $0x3E80  }
0x28b: {  	[sflag:s11] =	ssyncset.done $0x0  }
0x28c: {  	s29 =	simm.s32 $0x0;
	s17 =	rddreg [dreg:$0x7];
	[sflag:s11] =	ssyncadd.s32 $0xFFFFC180  }
0x28d: {  	[hbm4b:s17+s29] =	stream.linear.scatter [tilespmem:s1], [sflag:$0x2], $0x3E80, $0x38;
	[tilespmem:$0x5208] =	vst v63  }
0x28e: {  	_ =	swait.ge [sflag:s4], $0x3E80  }
0x28f: {  	s8 =	sld [smem:$0x7E5]  }
0x290: {  	[sflag:s4] =	ssyncset.done $0x0  }
0x291: {  	s17 =	sld [smem:$0x7E6];
	[sflag:s4] =	ssyncadd.s32 $0xFFFFC180  }
0x292: {  	[tilespmem:s1], [sflag:$0x1] =	stream.indirect.gather [hbm4b:s2+s6], $0x10, s8, s6, $0xb8;
	[tilespmem:$0x5208] =	vst v63  }
0x293: {  	s29 =	simm.s32 $0x1608;
	s7 =	sld [smem:$0x7E7]  }
0x294: {  	[tilespmem:s29], [sflag:$0x1] =	stream.indirect.gather [hbm4b:s2+s6], $0x10, s17, s6, $0xb8;
	[tilespmem:$0x5208] =	vst v63  }
0x295: {  	s8 =	sld [smem:$0x7E8];
	s17 =	simm.s32 $0x1888  }
0x296: {  	[tilespmem:s17], [sflag:$0x1] =	stream.indirect.gather [hbm4b:s2+s6], $0x10, s7, s6, $0xb8;
	[tilespmem:$0x5208] =	vst v63  }
0x297: {  	s12 =	simm.s32 $0x1B08;
	s29 =	sld [smem:$0x7E9]  }
0x298: {  	[tilespmem:s12], [sflag:$0x1] =	stream.indirect.gather [hbm4b:s2+s6], $0x10, s8, s6, $0xb8;
	[tilespmem:$0x5208] =	vst v63  }
0x299: {  	s5 =	simm.s32 $0x1D88;
	s1 =	sld [smem:$0x7EA]  }
0x29a: {  	[tilespmem:s5], [sflag:$0x1] =	stream.indirect.gather [hbm4b:s2+s6], $0x10, s29, s6, $0xb8;
	[tilespmem:$0x5208] =	vst v63  }
0x29b: {  	s14 =	simm.s32 $0x2008;
	s12 =	sld [smem:$0x7EB]  }
0x29c: {  	[tilespmem:s14], [sflag:$0x1] =	stream.indirect.gather [hbm4b:s2+s6], $0x10, s1, s6, $0xb8;
	[tilespmem:$0x5208] =	vst v63  }
0x29d: {  	s15 =	simm.s32 $0x2288;
	s14 =	sld [smem:$0x7EC]  }
0x29e: {  	[tilespmem:s15], [sflag:$0x1] =	stream.indirect.gather [hbm4b:s2+s6], $0x10, s12, s6, $0xb8;
	[tilespmem:$0x5208] =	vst v63  }
0x29f: {  	s16 =	simm.s32 $0x2508;
	s17 =	sld [smem:$0x7ED]  }
0x2a0: {  	[tilespmem:s16], [sflag:$0x1] =	stream.indirect.gather [hbm4b:s2+s6], $0x10, s14, s6, $0xb8;
	[tilespmem:$0x5208] =	vst v63  }
0x2a1: {  	s18 =	simm.s32 $0x2788;
	s29 =	sld [smem:$0x7EE]  }
0x2a2: {  	[tilespmem:s18], [sflag:$0x1] =	stream.indirect.gather [hbm4b:s2+s6], $0x10, s17, s6, $0xb8;
	[tilespmem:$0x5208] =	vst v63  }
0x2a3: {  	s19 =	simm.s32 $0x2A08;
	s1 =	sld [smem:$0x7EF]  }
0x2a4: {  	[tilespmem:s19], [sflag:$0x1] =	stream.indirect.gather [hbm4b:s2+s6], $0x10, s29, s6, $0xb8;
	[tilespmem:$0x5208] =	vst v63  }
0x2a5: {  	s20 =	simm.s32 $0x2C88;
	s5 =	sld [smem:$0x7F0]  }
0x2a6: {  	[tilespmem:s20], [sflag:$0x1] =	stream.indirect.gather [hbm4b:s2+s6], $0x10, s1, s6, $0xb8;
	[tilespmem:$0x5208] =	vst v63  }
0x2a7: {  	s21 =	simm.s32 $0x2F08;
	s12 =	sld [smem:$0x7F1]  }
0x2a8: {  	[tilespmem:s21], [sflag:$0x1] =	stream.indirect.gather [hbm4b:s2+s6], $0x10, s5, s6, $0xb8;
	[tilespmem:$0x5208] =	vst v63  }
0x2a9: {  	s22 =	simm.s32 $0x3188;
	s14 =	sld [smem:$0x7F2]  }
0x2aa: {  	[tilespmem:s22], [sflag:$0x1] =	stream.indirect.gather [hbm4b:s2+s6], $0x10, s12, s6, $0xb8;
	[tilespmem:$0x5208] =	vst v63  }
0x2ab: {  	s15 =	sld [smem:$0x7F3];
	s16 =	simm.s32 $0x3408  }
0x2ac: {  	[tilespmem:s16], [sflag:$0x1] =	stream.indirect.gather [hbm4b:s2+s6], $0x10, s14, s6, $0xb8;
	[tilespmem:$0x5208] =	vst v63  }
0x2ad: {  	s25 =	simm.s32 $0x3688;
	s17 =	sld [smem:$0x7F4]  }
0x2ae: {  	[tilespmem:s25], [sflag:$0x1] =	stream.indirect.gather [hbm4b:s2+s6], $0x10, s15, s6, $0xb8;
	[tilespmem:$0x5208] =	vst v63  }
0x2af: {  	s30 =	simm.s32 $0x3908;
	s18 =	sld [smem:$0x7F5]  }
0x2b0: {  	[tilespmem:s30], [sflag:$0x1] =	stream.indirect.gather [hbm4b:s2+s6], $0x10, s17, s6, $0xb8;
	[tilespmem:$0x5208] =	vst v63  }
0x2b1: {  	s26 =	simm.s32 $0x3B88;
	s19 =	sld [smem:$0x7F6]  }
0x2b2: {  	[tilespmem:s26], [sflag:$0x1] =	stream.indirect.gather [hbm4b:s2+s6], $0x10, s18, s6, $0xb8;
	[tilespmem:$0x5208] =	vst v63  }
0x2b3: {  	s31 =	simm.s32 $0x3E08;
	s20 =	sld [smem:$0x7F7]  }
0x2b4: {  	[tilespmem:s31], [sflag:$0x1] =	stream.indirect.gather [hbm4b:s2+s6], $0x10, s19, s6, $0xb8;
	[tilespmem:$0x5208] =	vst v63  }
0x2b5: {  	s28 =	simm.s32 $0x4088;
	s21 =	sld [smem:$0x7F8]  }
0x2b6: {  	[tilespmem:s28], [sflag:$0x1] =	stream.indirect.gather [hbm4b:s2+s6], $0x10, s20, s6, $0xb8;
	[tilespmem:$0x5208] =	vst v63  }
0x2b7: {  	s9 =	simm.s32 $0x4308;
	s22 =	sld [smem:$0x7F9]  }
0x2b8: {  	[tilespmem:s9], [sflag:$0x1] =	stream.indirect.gather [hbm4b:s2+s6], $0x10, s21, s6, $0xb8;
	[tilespmem:$0x5208] =	vst v63  }
0x2b9: {  	s13 =	simm.s32 $0x4588;
	s25 =	sld [smem:$0x7FA]  }
0x2ba: {  	[tilespmem:s13], [sflag:$0x1] =	stream.indirect.gather [hbm4b:s2+s6], $0x10, s22, s6, $0xb8;
	[tilespmem:$0x5208] =	vst v63  }
0x2bb: {  	s3 =	simm.s32 $0x4808;
	s26 =	sld [smem:$0x7FB]  }
0x2bc: {  	[tilespmem:s3], [sflag:$0x1] =	stream.indirect.gather [hbm4b:s2+s6], $0x10, s25, s6, $0xb8;
	[tilespmem:$0x5208] =	vst v63  }
0x2bd: {  	s23 =	simm.s32 $0x4A88;
	s28 =	sld [smem:$0x7FC]  }
0x2be: {  	[tilespmem:s23], [sflag:$0x1] =	stream.indirect.gather [hbm4b:s2+s6], $0x10, s26, s6, $0xb8;
	[tilespmem:$0x5208] =	vst v63  }
0x2bf: {  	s24 =	simm.s32 $0x4D08;
	s29 =	sld [smem:$0x7FD]  }
0x2c0: {  	[tilespmem:s24], [sflag:$0x1] =	stream.indirect.gather [hbm4b:s2+s6], $0x10, s28, s6, $0xb8;
	[tilespmem:$0x5208] =	vst v63  }
0x2c1: {  	s10 =	simm.s32 $0x4F88  }
0x2c2: {  	[tilespmem:s10], [sflag:$0x1] =	stream.indirect.gather [hbm4b:s2+s6], $0x10, s29, s6, $0xb8;
	[tilespmem:$0x5208] =	vst v63  }
0x2c3: {  	p1 =	sne.s32 s0, $0x1;
	_ =	swait.ge [sflag:s11], $0x3E80  }
.Ltmp2:
0x2c4: {  	s8 =	simm.s32 $0x0;
	[sflag:s11] =	ssyncset.done $0x0;
	(pc) =	sbr.rel @p1 .LBB2_2-.Ltmp2, $4  }
0x2c5: {  	s31 =	simm.s32 $0x1388;
	s30 =	rddreg [dreg:$0x8];
	[sflag:s11] =	ssyncadd.s32 $0xFFFFC180  }
0x2c6: {  	[hbm4b:s30+s8] =	stream.linear.scatter [tilespmem:s31], [sflag:$0x2], $0x3E80, $0x38;
	[tilespmem:$0x5208] =	vst v63  }
0x2c7: {  	_ =	swait.ge [sflag:s4], $0x3E80  }
0x2c8: {  	s0 =	sadd.s32 $0xFFFFFFFF, s0;
	s7 =	rddreg [dreg:$0x3];
	[sflag:s4] =	ssyncset.done $0x0  }
.LBB2_3:
0x2c9: {  	[sflag:s4] =	ssyncadd.s32 @p0 $0xFFFFC180;
	s24 =	simm.s32 $0x0  }
0x2ca: {  	[tilespmem:s24], [sflag:$0x2] =	stream.linear.gather [hbm4b:s7+s24], $0x1388, $0x38;
	[tilespmem:$0x5208] =	vst v63  }
0x2cb: {  	_ =	swait.ge [sflag:s4], $0x1388  }
0x2cc: {  	[sflag:s4] =	ssyncset.done $0x0  }
0x2cd: {  	[sflag:s4] =	ssyncadd.s32 $0xFFFFEC78  }
0x2ce: {  	[tilespmem:s31], [sflag:$0x1] =	stream.indirect.gather [hbm4b:s2+s6], $0x10, s24, s6, $0xb8;
	[tilespmem:$0x5208] =	vst v63  }
0x2cf: {  	s1 =	simm.s32 $0x1608  }
0x2d0: {  	[tilespmem:s1], [sflag:$0x1] =	stream.indirect.gather [hbm4b:s2+s6], $0x10, s6, s6, $0xb8;
	[tilespmem:$0x5208] =	vst v63  }
0x2d1: {  	s21 =	simm.s32 $0x1888;
	s0 =	rddreg [dreg:$0x9]  }
0x2d2: {  	[tilespmem:s21], [sflag:$0x1] =	stream.indirect.gather [hbm4b:s2+s6], $0x10, s0, s6, $0xb8;
	[tilespmem:$0x5208] =	vst v63  }
0x2d3: {  	s23 =	simm.s32 $0x1B08;
	s20 =	rddreg [dreg:$0xa]  }
0x2d4: {  	[tilespmem:s23], [sflag:$0x1] =	stream.indirect.gather [hbm4b:s2+s6], $0x10, s20, s6, $0xb8;
	[tilespmem:$0x5208] =	vst v63  }
0x2d5: {  	s26 =	simm.s32 $0x1D88;
	s22 =	rddreg [dreg:$0xb]  }
0x2d6: {  	[tilespmem:s26], [sflag:$0x1] =	stream.indirect.gather [hbm4b:s2+s6], $0x10, s22, s6, $0xb8;
	[tilespmem:$0x5208] =	vst v63  }
0x2d7: {  	s29 =	simm.s32 $0x2008;
	s25 =	rddreg [dreg:$0xc]  }
0x2d8: {  	[tilespmem:s29], [sflag:$0x1] =	stream.indirect.gather [hbm4b:s2+s6], $0x10, s25, s6, $0xb8;
	[tilespmem:$0x5208] =	vst v63  }
0x2d9: {  	s28 =	rddreg [dreg:$0xd];
	s31 =	simm.s32 $0x2288  }
0x2da: {  	[tilespmem:s31], [sflag:$0x1] =	stream.indirect.gather [hbm4b:s2+s6], $0x10, s28, s6, $0xb8;
	[tilespmem:$0x5208] =	vst v63  }
0x2db: {  	s5 =	simm.s32 $0x2508;
	s30 =	rddreg [dreg:$0xe]  }
0x2dc: {  	[tilespmem:s5], [sflag:$0x1] =	stream.indirect.gather [hbm4b:s2+s6], $0x10, s30, s6, $0xb8;
	[tilespmem:$0x5208] =	vst v63  }
0x2dd: {  	s12 =	simm.s32 $0x2788;
	s3 =	rddreg [dreg:$0xf]  }
0x2de: {  	[tilespmem:s12], [sflag:$0x1] =	stream.indirect.gather [hbm4b:s2+s6], $0x10, s3, s6, $0xb8;
	[tilespmem:$0x5208] =	vst v63  }
0x2df: {  	s14 =	simm.s32 $0x2A08;
	s10 =	rddreg [dreg:$0x10]  }
0x2e0: {  	[tilespmem:s14], [sflag:$0x1] =	stream.indirect.gather [hbm4b:s2+s6], $0x10, s10, s6, $0xb8;
	[tilespmem:$0x5208] =	vst v63  }
0x2e1: {  	s16 =	simm.s32 $0x2C88;
	s13 =	rddreg [dreg:$0x11]  }
0x2e2: {  	[tilespmem:s16], [sflag:$0x1] =	stream.indirect.gather [hbm4b:s2+s6], $0x10, s13, s6, $0xb8;
	[tilespmem:$0x5208] =	vst v63  }
0x2e3: {  	s18 =	simm.s32 $0x2F08;
	s15 =	rddreg [dreg:$0x12]  }
0x2e4: {  	[tilespmem:s18], [sflag:$0x1] =	stream.indirect.gather [hbm4b:s2+s6], $0x10, s15, s6, $0xb8;
	[tilespmem:$0x5208] =	vst v63  }
0x2e5: {  	s17 =	rddreg [dreg:$0x13];
	s20 =	simm.s32 $0x3188  }
0x2e6: {  	[tilespmem:s20], [sflag:$0x1] =	stream.indirect.gather [hbm4b:s2+s6], $0x10, s17, s6, $0xb8;
	[tilespmem:$0x5208] =	vst v63  }
0x2e7: {  	s19 =	rddreg [dreg:$0x14];
	s22 =	simm.s32 $0x3408  }
0x2e8: {  	[tilespmem:s22], [sflag:$0x1] =	stream.indirect.gather [hbm4b:s2+s6], $0x10, s19, s6, $0xb8;
	[tilespmem:$0x5208] =	vst v63  }
0x2e9: {  	s21 =	rddreg [dreg:$0x15];
	s25 =	simm.s32 $0x3688  }
0x2ea: {  	[tilespmem:s25], [sflag:$0x1] =	stream.indirect.gather [hbm4b:s2+s6], $0x10, s21, s6, $0xb8;
	[tilespmem:$0x5208] =	vst v63  }
0x2eb: {  	s23 =	rddreg [dreg:$0x16];
	s28 =	simm.s32 $0x3908  }
0x2ec: {  	[tilespmem:s28], [sflag:$0x1] =	stream.indirect.gather [hbm4b:s2+s6], $0x10, s23, s6, $0xb8;
	[tilespmem:$0x5208] =	vst v63  }
0x2ed: {  	s26 =	rddreg [dreg:$0x17];
	s30 =	simm.s32 $0x3B88  }
0x2ee: {  	[tilespmem:s30], [sflag:$0x1] =	stream.indirect.gather [hbm4b:s2+s6], $0x10, s26, s6, $0xb8;
	[tilespmem:$0x5208] =	vst v63  }
0x2ef: {  	s29 =	rddreg [dreg:$0x18];
	s3 =	simm.s32 $0x3E08  }
0x2f0: {  	[tilespmem:s3], [sflag:$0x1] =	stream.indirect.gather [hbm4b:s2+s6], $0x10, s29, s6, $0xb8;
	[tilespmem:$0x5208] =	vst v63  }
0x2f1: {  	s31 =	rddreg [dreg:$0x19];
	s10 =	simm.s32 $0x4088  }
0x2f2: {  	[tilespmem:s10], [sflag:$0x1] =	stream.indirect.gather [hbm4b:s2+s6], $0x10, s31, s6, $0xb8;
	[tilespmem:$0x5208] =	vst v63  }
0x2f3: {  	s5 =	rddreg [dreg:$0x1a];
	s3 =	simm.s32 $0x4308  }
0x2f4: {  	[tilespmem:s3], [sflag:$0x1] =	stream.indirect.gather [hbm4b:s2+s6], $0x10, s5, s6, $0xb8;
	[tilespmem:$0x5208] =	vst v63  }
0x2f5: {  	s12 =	rddreg [dreg:$0x1b];
	s14 =	simm.s32 $0x4588  }
0x2f6: {  	[tilespmem:s14], [sflag:$0x1] =	stream.indirect.gather [hbm4b:s2+s6], $0x10, s12, s6, $0xb8;
	[tilespmem:$0x5208] =	vst v63  }
0x2f7: {  	s13 =	rddreg [dreg:$0x1c];
	s16 =	simm.s32 $0x4808  }
0x2f8: {  	[tilespmem:s16], [sflag:$0x1] =	stream.indirect.gather [hbm4b:s2+s6], $0x10, s13, s6, $0xb8;
	[tilespmem:$0x5208] =	vst v63  }
0x2f9: {  	s15 =	rddreg [dreg:$0x1d];
	s19 =	simm.s32 $0x4A88  }
0x2fa: {  	[tilespmem:s19], [sflag:$0x1] =	stream.indirect.gather [hbm4b:s2+s6], $0x10, s15, s6, $0xb8;
	[tilespmem:$0x5208] =	vst v63  }
0x2fb: {  	s18 =	rddreg [dreg:$0x1e];
	s22 =	simm.s32 $0x4D08  }
0x2fc: {  	[tilespmem:s22], [sflag:$0x1] =	stream.indirect.gather [hbm4b:s2+s6], $0x10, s18, s6, $0xb8;
	[tilespmem:$0x5208] =	vst v63  }
0x2fd: {  	s21 =	rddreg [dreg:$0x1f];
	s23 =	simm.s32 $0x4F88  }
0x2fe: {  	[tilespmem:s23], [sflag:$0x1] =	stream.indirect.gather [hbm4b:s2+s6], $0x10, s21, s6, $0xb8;
	[tilespmem:$0x5208] =	vst v63  }
0x2ff: {  	_ =	swait.ge [sflag:s11], $0x3E80  }
0x300: {  	[sflag:s11] =	ssyncset.done $0x0  }
0x301: {  	s17 =	simm.s32 $0x1388;
	s26 =	rddreg [dreg:$0x4];
	[sflag:s11] =	ssyncadd.s32 $0xFFFFC180  }
0x302: {  	[hbm4b:s26+s24] =	stream.linear.scatter [tilespmem:s17], [sflag:$0x2], $0x3E80, $0x38;
	[tilespmem:$0x5208] =	vst v63  }
0x303: {  	_ =	swait.ge [sflag:s4], $0x3E80  }
0x304: {  	s30 =	sld [smem:$0x79A]  }
0x305: {  	[sflag:s4] =	ssyncset.done $0x0  }
0x306: {  	s31 =	sld [smem:$0x79B];
	[sflag:s4] =	ssyncadd.s32 $0xFFFFC180  }
0x307: {  	[tilespmem:s17], [sflag:$0x1] =	stream.indirect.gather [hbm4b:s2+s6], $0x10, s30, s6, $0xb8;
	[tilespmem:$0x5208] =	vst v63  }
0x308: {  	s5 =	simm.s32 $0x1608;
	s1 =	sld [smem:$0x79C]  }
0x309: {  	[tilespmem:s5], [sflag:$0x1] =	stream.indirect.gather [hbm4b:s2+s6], $0x10, s31, s6, $0xb8;
	[tilespmem:$0x5208] =	vst v63  }
0x30a: {  	s3 =	simm.s32 $0x1888;
	s10 =	sld [smem:$0x79D]  }
0x30b: {  	[tilespmem:s3], [sflag:$0x1] =	stream.indirect.gather [hbm4b:s2+s6], $0x10, s1, s6, $0xb8;
	[tilespmem:$0x5208] =	vst v63  }
0x30c: {  	s8 =	simm.s32 $0x1B08;
	s12 =	sld [smem:$0x79E]  }
0x30d: {  	[tilespmem:s8], [sflag:$0x1] =	stream.indirect.gather [hbm4b:s2+s6], $0x10, s10, s6, $0xb8;
	[tilespmem:$0x5208] =	vst v63  }
0x30e: {  	s9 =	simm.s32 $0x1D88;
	s13 =	sld [smem:$0x79F]  }
0x30f: {  	[tilespmem:s9], [sflag:$0x1] =	stream.indirect.gather [hbm4b:s2+s6], $0x10, s12, s6, $0xb8;
	[tilespmem:$0x5208] =	vst v63  }
0x310: {  	s14 =	sld [smem:$0x7A0];
	s8 =	simm.s32 $0x2008  }
0x311: {  	[tilespmem:s8], [sflag:$0x1] =	stream.indirect.gather [hbm4b:s2+s6], $0x10, s13, s6, $0xb8;
	[tilespmem:$0x5208] =	vst v63  }
0x312: {  	s15 =	sld [smem:$0x7A1];
	s9 =	simm.s32 $0x2288  }
0x313: {  	[tilespmem:s9], [sflag:$0x1] =	stream.indirect.gather [hbm4b:s2+s6], $0x10, s14, s6, $0xb8;
	[tilespmem:$0x5208] =	vst v63  }
0x314: {  	s16 =	sld [smem:$0x7A2];
	s10 =	simm.s32 $0x2508  }
0x315: {  	[tilespmem:s10], [sflag:$0x1] =	stream.indirect.gather [hbm4b:s2+s6], $0x10, s15, s6, $0xb8;
	[tilespmem:$0x5208] =	vst v63  }
0x316: {  	s18 =	sld [smem:$0x7A3];
	s12 =	simm.s32 $0x2788  }
0x317: {  	[tilespmem:s12], [sflag:$0x1] =	stream.indirect.gather [hbm4b:s2+s6], $0x10, s16, s6, $0xb8;
	[tilespmem:$0x5208] =	vst v63  }
0x318: {  	s19 =	sld [smem:$0x7A4];
	s13 =	simm.s32 $0x2A08  }
0x319: {  	[tilespmem:s13], [sflag:$0x1] =	stream.indirect.gather [hbm4b:s2+s6], $0x10, s18, s6, $0xb8;
	[tilespmem:$0x5208] =	vst v63  }
0x31a: {  	s21 =	sld [smem:$0x7A5];
	s14 =	simm.s32 $0x2C88  }
0x31b: {  	[tilespmem:s14], [sflag:$0x1] =	stream.indirect.gather [hbm4b:s2+s6], $0x10, s19, s6, $0xb8;
	[tilespmem:$0x5208] =	vst v63  }
0x31c: {  	s22 =	sld [smem:$0x7A6];
	s15 =	simm.s32 $0x2F08  }
0x31d: {  	[tilespmem:s15], [sflag:$0x1] =	stream.indirect.gather [hbm4b:s2+s6], $0x10, s21, s6, $0xb8;
	[tilespmem:$0x5208] =	vst v63  }
0x31e: {  	s23 =	sld [smem:$0x7A7];
	s16 =	simm.s32 $0x3188  }
0x31f: {  	[tilespmem:s16], [sflag:$0x1] =	stream.indirect.gather [hbm4b:s2+s6], $0x10, s22, s6, $0xb8;
	[tilespmem:$0x5208] =	vst v63  }
0x320: {  	s26 =	sld [smem:$0x7A8];
	s18 =	simm.s32 $0x3408  }
0x321: {  	[tilespmem:s18], [sflag:$0x1] =	stream.indirect.gather [hbm4b:s2+s6], $0x10, s23, s6, $0xb8;
	[tilespmem:$0x5208] =	vst v63  }
0x322: {  	s1 =	sld [smem:$0x7A9];
	s19 =	simm.s32 $0x3688  }
0x323: {  	[tilespmem:s19], [sflag:$0x1] =	stream.indirect.gather [hbm4b:s2+s6], $0x10, s26, s6, $0xb8;
	[tilespmem:$0x5208] =	vst v63  }
0x324: {  	s25 =	simm.s32 $0x3908;
	s21 =	sld [smem:$0x7AA]  }
0x325: {  	[tilespmem:s25], [sflag:$0x1] =	stream.indirect.gather [hbm4b:s2+s6], $0x10, s1, s6, $0xb8;
	[tilespmem:$0x5208] =	vst v63  }
0x326: {  	s22 =	sld [smem:$0x7AB];
	s1 =	simm.s32 $0x3B88  }
0x327: {  	[tilespmem:s1], [sflag:$0x1] =	stream.indirect.gather [hbm4b:s2+s6], $0x10, s21, s6, $0xb8;
	[tilespmem:$0x5208] =	vst v63  }
0x328: {  	s23 =	sld [smem:$0x7AC];
	s21 =	simm.s32 $0x3E08  }
0x329: {  	[tilespmem:s21], [sflag:$0x1] =	stream.indirect.gather [hbm4b:s2+s6], $0x10, s22, s6, $0xb8;
	[tilespmem:$0x5208] =	vst v63  }
0x32a: {  	s25 =	sld [smem:$0x7AD];
	s22 =	simm.s32 $0x4088  }
0x32b: {  	[tilespmem:s22], [sflag:$0x1] =	stream.indirect.gather [hbm4b:s2+s6], $0x10, s23, s6, $0xb8;
	[tilespmem:$0x5208] =	vst v63  }
0x32c: {  	s28 =	simm.s32 $0x4308;
	s23 =	sld [smem:$0x7AE]  }
0x32d: {  	[tilespmem:s28], [sflag:$0x1] =	stream.indirect.gather [hbm4b:s2+s6], $0x10, s25, s6, $0xb8;
	[tilespmem:$0x5208] =	vst v63  }
0x32e: {  	s20 =	simm.s32 $0x4588;
	s7 =	sld [smem:$0x7AF]  }
0x32f: {  	[tilespmem:s20], [sflag:$0x1] =	stream.indirect.gather [hbm4b:s2+s6], $0x10, s23, s6, $0xb8;
	[tilespmem:$0x5208] =	vst v63  }
0x330: {  	s25 =	sld [smem:$0x7B0];
	s23 =	simm.s32 $0x4808  }
0x331: {  	[tilespmem:s23], [sflag:$0x1] =	stream.indirect.gather [hbm4b:s2+s6], $0x10, s7, s6, $0xb8;
	[tilespmem:$0x5208] =	vst v63  }
0x332: {  	s20 =	simm.s32 $0x4A88;
	s7 =	sld [smem:$0x7B1]  }
0x333: {  	[tilespmem:s20], [sflag:$0x1] =	stream.indirect.gather [hbm4b:s2+s6], $0x10, s25, s6, $0xb8;
	[tilespmem:$0x5208] =	vst v63  }
0x334: {  	s0 =	sld [smem:$0x7B2];
	s25 =	simm.s32 $0x4D08  }
0x335: {  	[tilespmem:s25], [sflag:$0x1] =	stream.indirect.gather [hbm4b:s2+s6], $0x10, s7, s6, $0xb8;
	[tilespmem:$0x5208] =	vst v63  }
0x336: {  	s29 =	simm.s32 $0x4F88  }
0x337: {  	[tilespmem:s29], [sflag:$0x1] =	stream.indirect.gather [hbm4b:s2+s6], $0x10, s0, s6, $0xb8;
	[tilespmem:$0x5208] =	vst v63  }
0x338: {  	_ =	swait.ge [sflag:s11], $0x3E80  }
0x339: {  	[sflag:s11] =	ssyncset.done $0x0  }
0x33a: {  	s7 =	rddreg [dreg:$0x5];
	[sflag:s11] =	ssyncadd.s32 $0xFFFFC180  }
0x33b: {  	[hbm4b:s7+s24] =	stream.linear.scatter [tilespmem:s17], [sflag:$0x2], $0x3E80, $0x38;
	[tilespmem:$0x5208] =	vst v63  }
0x33c: {  	_ =	swait.ge [sflag:s4], $0x3E80  }
0x33d: {  	s0 =	sld [smem:$0x7B3]  }
0x33e: {  	[sflag:s4] =	ssyncset.done $0x0  }
0x33f: {  	s7 =	sld [smem:$0x7B4];
	[sflag:s4] =	ssyncadd.s32 $0xFFFFC180  }
0x340: {  	[tilespmem:s17], [sflag:$0x1] =	stream.indirect.gather [hbm4b:s2+s6], $0x10, s0, s6, $0xb8;
	[tilespmem:$0x5208] =	vst v63  }
0x341: {  	s0 =	sld [smem:$0x7B5]  }
0x342: {  	[tilespmem:s5], [sflag:$0x1] =	stream.indirect.gather [hbm4b:s2+s6], $0x10, s7, s6, $0xb8;
	[tilespmem:$0x5208] =	vst v63  }
0x343: {  	s7 =	sld [smem:$0x7B6]  }
0x344: {  	[tilespmem:s3], [sflag:$0x1] =	stream.indirect.gather [hbm4b:s2+s6], $0x10, s0, s6, $0xb8;
	[tilespmem:$0x5208] =	vst v63  }
0x345: {  	s31 =	simm.s32 $0x1B08;
	s0 =	sld [smem:$0x7B7]  }
0x346: {  	[tilespmem:s31], [sflag:$0x1] =	stream.indirect.gather [hbm4b:s2+s6], $0x10, s7, s6, $0xb8;
	[tilespmem:$0x5208] =	vst v63  }
0x347: {  	s30 =	simm.s32 $0x1D88;
	s7 =	sld [smem:$0x7B8]  }
0x348: {  	[tilespmem:s30], [sflag:$0x1] =	stream.indirect.gather [hbm4b:s2+s6], $0x10, s0, s6, $0xb8;
	[tilespmem:$0x5208] =	vst v63  }
0x349: {  	s0 =	sld [smem:$0x7B9]  }
0x34a: {  	[tilespmem:s8], [sflag:$0x1] =	stream.indirect.gather [hbm4b:s2+s6], $0x10, s7, s6, $0xb8;
	[tilespmem:$0x5208] =	vst v63  }
0x34b: {  	s7 =	sld [smem:$0x7BA]  }
0x34c: {  	[tilespmem:s9], [sflag:$0x1] =	stream.indirect.gather [hbm4b:s2+s6], $0x10, s0, s6, $0xb8;
	[tilespmem:$0x5208] =	vst v63  }
0x34d: {  	s0 =	sld [smem:$0x7BB]  }
0x34e: {  	[tilespmem:s10], [sflag:$0x1] =	stream.indirect.gather [hbm4b:s2+s6], $0x10, s7, s6, $0xb8;
	[tilespmem:$0x5208] =	vst v63  }
0x34f: {  	s7 =	sld [smem:$0x7BC]  }
0x350: {  	[tilespmem:s12], [sflag:$0x1] =	stream.indirect.gather [hbm4b:s2+s6], $0x10, s0, s6, $0xb8;
	[tilespmem:$0x5208] =	vst v63  }
0x351: {  	s0 =	sld [smem:$0x7BD]  }
0x352: {  	[tilespmem:s13], [sflag:$0x1] =	stream.indirect.gather [hbm4b:s2+s6], $0x10, s7, s6, $0xb8;
	[tilespmem:$0x5208] =	vst v63  }
0x353: {  	s7 =	sld [smem:$0x7BE]  }
0x354: {  	[tilespmem:s14], [sflag:$0x1] =	stream.indirect.gather [hbm4b:s2+s6], $0x10, s0, s6, $0xb8;
	[tilespmem:$0x5208] =	vst v63  }
0x355: {  	s0 =	sld [smem:$0x7BF]  }
0x356: {  	[tilespmem:s15], [sflag:$0x1] =	stream.indirect.gather [hbm4b:s2+s6], $0x10, s7, s6, $0xb8;
	[tilespmem:$0x5208] =	vst v63  }
0x357: {  	s7 =	sld [smem:$0x7C0]  }
0x358: {  	[tilespmem:s16], [sflag:$0x1] =	stream.indirect.gather [hbm4b:s2+s6], $0x10, s0, s6, $0xb8;
	[tilespmem:$0x5208] =	vst v63  }
0x359: {  	s0 =	sld [smem:$0x7C1]  }
0x35a: {  	[tilespmem:s18], [sflag:$0x1] =	stream.indirect.gather [hbm4b:s2+s6], $0x10, s7, s6, $0xb8;
	[tilespmem:$0x5208] =	vst v63  }
0x35b: {  	s7 =	sld [smem:$0x7C2]  }
0x35c: {  	[tilespmem:s19], [sflag:$0x1] =	stream.indirect.gather [hbm4b:s2+s6], $0x10, s0, s6, $0xb8;
	[tilespmem:$0x5208] =	vst v63  }
0x35d: {  	s26 =	simm.s32 $0x3908;
	s0 =	sld [smem:$0x7C3]  }
0x35e: {  	[tilespmem:s26], [sflag:$0x1] =	stream.indirect.gather [hbm4b:s2+s6], $0x10, s7, s6, $0xb8;
	[tilespmem:$0x5208] =	vst v63  }
0x35f: {  	s7 =	sld [smem:$0x7C4]  }
0x360: {  	[tilespmem:s1], [sflag:$0x1] =	stream.indirect.gather [hbm4b:s2+s6], $0x10, s0, s6, $0xb8;
	[tilespmem:$0x5208] =	vst v63  }
0x361: {  	s1 =	sld [smem:$0x7C5]  }
0x362: {  	[tilespmem:s21], [sflag:$0x1] =	stream.indirect.gather [hbm4b:s2+s6], $0x10, s7, s6, $0xb8;
	[tilespmem:$0x5208] =	vst v63  }
0x363: {  	s7 =	sld [smem:$0x7C6]  }
0x364: {  	[tilespmem:s22], [sflag:$0x1] =	stream.indirect.gather [hbm4b:s2+s6], $0x10, s1, s6, $0xb8;
	[tilespmem:$0x5208] =	vst v63  }
0x365: {  	s28 =	simm.s32 $0x4308;
	s1 =	sld [smem:$0x7C7]  }
0x366: {  	[tilespmem:s28], [sflag:$0x1] =	stream.indirect.gather [hbm4b:s2+s6], $0x10, s7, s6, $0xb8;
	[tilespmem:$0x5208] =	vst v63  }
0x367: {  	s7 =	sld [smem:$0x7C8];
	s28 =	simm.s32 $0x4588  }
0x368: {  	[tilespmem:s28], [sflag:$0x1] =	stream.indirect.gather [hbm4b:s2+s6], $0x10, s1, s6, $0xb8;
	[tilespmem:$0x5208] =	vst v63  }
0x369: {  	s0 =	sld [smem:$0x7C9]  }
0x36a: {  	[tilespmem:s23], [sflag:$0x1] =	stream.indirect.gather [hbm4b:s2+s6], $0x10, s7, s6, $0xb8;
	[tilespmem:$0x5208] =	vst v63  }
0x36b: {  	s1 =	sld [smem:$0x7CA]  }
0x36c: {  	[tilespmem:s20], [sflag:$0x1] =	stream.indirect.gather [hbm4b:s2+s6], $0x10, s0, s6, $0xb8;
	[tilespmem:$0x5208] =	vst v63  }
0x36d: {  	s25 =	simm.s32 $0x4D08;
	s20 =	sld [smem:$0x7CB]  }
0x36e: {  	[tilespmem:s25], [sflag:$0x1] =	stream.indirect.gather [hbm4b:s2+s6], $0x10, s1, s6, $0xb8;
	[tilespmem:$0x5208] =	vst v63  }
0x36f: {  	s29 =	simm.s32 $0x4F88  }
0x370: {  	[tilespmem:s29], [sflag:$0x1] =	stream.indirect.gather [hbm4b:s2+s6], $0x10, s20, s6, $0xb8;
	[tilespmem:$0x5208] =	vst v63  }
0x371: {  	_ =	swait.ge [sflag:s11], $0x3E80  }
0x372: {  	[sflag:s11] =	ssyncset.done $0x0  }
0x373: {  	s1 =	rddreg [dreg:$0x6];
	[sflag:s11] =	ssyncadd.s32 $0xFFFFC180  }
0x374: {  	[hbm4b:s1+s24] =	stream.linear.scatter [tilespmem:s17], [sflag:$0x2], $0x3E80, $0x38;
	[tilespmem:$0x5208] =	vst v63  }
0x375: {  	_ =	swait.ge [sflag:s4], $0x3E80  }
0x376: {  	s7 =	sld [smem:$0x7CC]  }
0x377: {  	[sflag:s4] =	ssyncset.done $0x0  }
0x378: {  	s20 =	sld [smem:$0x7CD];
	[sflag:s4] =	ssyncadd.s32 $0xFFFFC180  }
0x379: {  	[tilespmem:s17], [sflag:$0x1] =	stream.indirect.gather [hbm4b:s2+s6], $0x10, s7, s6, $0xb8;
	[tilespmem:$0x5208] =	vst v63  }
0x37a: {  	s5 =	simm.s32 $0x1608;
	s29 =	sld [smem:$0x7CE]  }
0x37b: {  	[tilespmem:s5], [sflag:$0x1] =	stream.indirect.gather [hbm4b:s2+s6], $0x10, s20, s6, $0xb8;
	[tilespmem:$0x5208] =	vst v63  }
0x37c: {  	s3 =	simm.s32 $0x1888;
	s1 =	sld [smem:$0x7CF]  }
0x37d: {  	[tilespmem:s3], [sflag:$0x1] =	stream.indirect.gather [hbm4b:s2+s6], $0x10, s29, s6, $0xb8;
	[tilespmem:$0x5208] =	vst v63  }
0x37e: {  	s31 =	simm.s32 $0x1B08;
	s3 =	sld [smem:$0x7D0]  }
0x37f: {  	[tilespmem:s31], [sflag:$0x1] =	stream.indirect.gather [hbm4b:s2+s6], $0x10, s1, s6, $0xb8;
	[tilespmem:$0x5208] =	vst v63  }
0x380: {  	s30 =	simm.s32 $0x1D88;
	s20 =	sld [smem:$0x7D1]  }
0x381: {  	[tilespmem:s30], [sflag:$0x1] =	stream.indirect.gather [hbm4b:s2+s6], $0x10, s3, s6, $0xb8;
	[tilespmem:$0x5208] =	vst v63  }
0x382: {  	s8 =	simm.s32 $0x2008;
	s31 =	sld [smem:$0x7D2]  }
0x383: {  	[tilespmem:s8], [sflag:$0x1] =	stream.indirect.gather [hbm4b:s2+s6], $0x10, s20, s6, $0xb8;
	[tilespmem:$0x5208] =	vst v63  }
0x384: {  	s9 =	simm.s32 $0x2288;
	s1 =	sld [smem:$0x7D3]  }
0x385: {  	[tilespmem:s9], [sflag:$0x1] =	stream.indirect.gather [hbm4b:s2+s6], $0x10, s31, s6, $0xb8;
	[tilespmem:$0x5208] =	vst v63  }
0x386: {  	s10 =	simm.s32 $0x2508;
	s3 =	sld [smem:$0x7D4]  }
0x387: {  	[tilespmem:s10], [sflag:$0x1] =	stream.indirect.gather [hbm4b:s2+s6], $0x10, s1, s6, $0xb8;
	[tilespmem:$0x5208] =	vst v63  }
0x388: {  	s12 =	simm.s32 $0x2788;
	s20 =	sld [smem:$0x7D5]  }
0x389: {  	[tilespmem:s12], [sflag:$0x1] =	stream.indirect.gather [hbm4b:s2+s6], $0x10, s3, s6, $0xb8;
	[tilespmem:$0x5208] =	vst v63  }
0x38a: {  	s13 =	simm.s32 $0x2A08;
	s31 =	sld [smem:$0x7D6]  }
0x38b: {  	[tilespmem:s13], [sflag:$0x1] =	stream.indirect.gather [hbm4b:s2+s6], $0x10, s20, s6, $0xb8;
	[tilespmem:$0x5208] =	vst v63  }
0x38c: {  	s14 =	simm.s32 $0x2C88;
	s1 =	sld [smem:$0x7D7]  }
0x38d: {  	[tilespmem:s14], [sflag:$0x1] =	stream.indirect.gather [hbm4b:s2+s6], $0x10, s31, s6, $0xb8;
	[tilespmem:$0x5208] =	vst v63  }
0x38e: {  	s15 =	simm.s32 $0x2F08;
	s3 =	sld [smem:$0x7D8]  }
0x38f: {  	[tilespmem:s15], [sflag:$0x1] =	stream.indirect.gather [hbm4b:s2+s6], $0x10, s1, s6, $0xb8;
	[tilespmem:$0x5208] =	vst v63  }
0x390: {  	s16 =	simm.s32 $0x3188;
	s20 =	sld [smem:$0x7D9]  }
0x391: {  	[tilespmem:s16], [sflag:$0x1] =	stream.indirect.gather [hbm4b:s2+s6], $0x10, s3, s6, $0xb8;
	[tilespmem:$0x5208] =	vst v63  }
0x392: {  	s18 =	simm.s32 $0x3408;
	s31 =	sld [smem:$0x7DA]  }
0x393: {  	[tilespmem:s18], [sflag:$0x1] =	stream.indirect.gather [hbm4b:s2+s6], $0x10, s20, s6, $0xb8;
	[tilespmem:$0x5208] =	vst v63  }
0x394: {  	s19 =	simm.s32 $0x3688;
	s1 =	sld [smem:$0x7DB]  }
0x395: {  	[tilespmem:s19], [sflag:$0x1] =	stream.indirect.gather [hbm4b:s2+s6], $0x10, s31, s6, $0xb8;
	[tilespmem:$0x5208] =	vst v63  }
0x396: {  	s3 =	sld [smem:$0x7DC];
	s20 =	simm.s32 $0x3908  }
0x397: {  	[tilespmem:s20], [sflag:$0x1] =	stream.indirect.gather [hbm4b:s2+s6], $0x10, s1, s6, $0xb8;
	[tilespmem:$0x5208] =	vst v63  }
0x398: {  	s26 =	simm.s32 $0x3B88;
	s1 =	sld [smem:$0x7DD]  }
0x399: {  	[tilespmem:s26], [sflag:$0x1] =	stream.indirect.gather [hbm4b:s2+s6], $0x10, s3, s6, $0xb8;
	[tilespmem:$0x5208] =	vst v63  }
0x39a: {  	s21 =	simm.s32 $0x3E08;
	s3 =	sld [smem:$0x7DE]  }
0x39b: {  	[tilespmem:s21], [sflag:$0x1] =	stream.indirect.gather [hbm4b:s2+s6], $0x10, s1, s6, $0xb8;
	[tilespmem:$0x5208] =	vst v63  }
0x39c: {  	s22 =	simm.s32 $0x4088;
	s31 =	sld [smem:$0x7DF]  }
0x39d: {  	[tilespmem:s22], [sflag:$0x1] =	stream.indirect.gather [hbm4b:s2+s6], $0x10, s3, s6, $0xb8;
	[tilespmem:$0x5208] =	vst v63  }
0x39e: {  	s1 =	simm.s32 $0x4308;
	s3 =	sld [smem:$0x7E0]  }
0x39f: {  	[tilespmem:s1], [sflag:$0x1] =	stream.indirect.gather [hbm4b:s2+s6], $0x10, s31, s6, $0xb8;
	[tilespmem:$0x5208] =	vst v63  }
0x3a0: {  	s28 =	simm.s32 $0x4588;
	s31 =	sld [smem:$0x7E1]  }
0x3a1: {  	[tilespmem:s28], [sflag:$0x1] =	stream.indirect.gather [hbm4b:s2+s6], $0x10, s3, s6, $0xb8;
	[tilespmem:$0x5208] =	vst v63  }
0x3a2: {  	s23 =	simm.s32 $0x4808;
	s0 =	sld [smem:$0x7E2]  }
0x3a3: {  	[tilespmem:s23], [sflag:$0x1] =	stream.indirect.gather [hbm4b:s2+s6], $0x10, s31, s6, $0xb8;
	[tilespmem:$0x5208] =	vst v63  }
0x3a4: {  	s7 =	sld [smem:$0x7E3];
	s3 =	simm.s32 $0x4A88  }
0x3a5: {  	[tilespmem:s3], [sflag:$0x1] =	stream.indirect.gather [hbm4b:s2+s6], $0x10, s0, s6, $0xb8;
	[tilespmem:$0x5208] =	vst v63  }
0x3a6: {  	s25 =	simm.s32 $0x4D08;
	s0 =	sld [smem:$0x7E4]  }
0x3a7: {  	[tilespmem:s25], [sflag:$0x1] =	stream.indirect.gather [hbm4b:s2+s6], $0x10, s7, s6, $0xb8;
	[tilespmem:$0x5208] =	vst v63  }
0x3a8: {  	s3 =	simm.s32 $0x4F88  }
0x3a9: {  	[tilespmem:s3], [sflag:$0x1] =	stream.indirect.gather [hbm4b:s2+s6], $0x10, s0, s6, $0xb8;
	[tilespmem:$0x5208] =	vst v63  }
0x3aa: {  	_ =	swait.ge [sflag:s11], $0x3E80  }
0x3ab: {  	[sflag:s11] =	ssyncset.done $0x0  }
0x3ac: {  	s7 =	rddreg [dreg:$0x7];
	[sflag:s11] =	ssyncadd.s32 $0xFFFFC180  }
0x3ad: {  	[hbm4b:s7+s24] =	stream.linear.scatter [tilespmem:s17], [sflag:$0x2], $0x3E80, $0x38;
	[tilespmem:$0x5208] =	vst v63  }
0x3ae: {  	_ =	swait.ge [sflag:s4], $0x3E80  }
0x3af: {  	s0 =	sld [smem:$0x7E5]  }
0x3b0: {  	[sflag:s4] =	ssyncset.done $0x0  }
0x3b1: {  	s7 =	sld [smem:$0x7E6];
	[sflag:s4] =	ssyncadd.s32 $0xFFFFC180  }
0x3b2: {  	[tilespmem:s17], [sflag:$0x1] =	stream.indirect.gather [hbm4b:s2+s6], $0x10, s0, s6, $0xb8;
	[tilespmem:$0x5208] =	vst v63  }
0x3b3: {  	s5 =	simm.s32 $0x1608;
	s0 =	sld [smem:$0x7E7]  }
0x3b4: {  	[tilespmem:s5], [sflag:$0x1] =	stream.indirect.gather [hbm4b:s2+s6], $0x10, s7, s6, $0xb8;
	[tilespmem:$0x5208] =	vst v63  }
0x3b5: {  	s7 =	sld [smem:$0x7E8];
	s5 =	simm.s32 $0x1888  }
0x3b6: {  	[tilespmem:s5], [sflag:$0x1] =	stream.indirect.gather [hbm4b:s2+s6], $0x10, s0, s6, $0xb8;
	[tilespmem:$0x5208] =	vst v63  }
0x3b7: {  	s29 =	simm.s32 $0x1B08;
	s0 =	sld [smem:$0x7E9]  }
0x3b8: {  	[tilespmem:s29], [sflag:$0x1] =	stream.indirect.gather [hbm4b:s2+s6], $0x10, s7, s6, $0xb8;
	[tilespmem:$0x5208] =	vst v63  }
0x3b9: {  	s30 =	simm.s32 $0x1D88;
	s5 =	sld [smem:$0x7EA]  }
0x3ba: {  	[tilespmem:s30], [sflag:$0x1] =	stream.indirect.gather [hbm4b:s2+s6], $0x10, s0, s6, $0xb8;
	[tilespmem:$0x5208] =	vst v63  }
0x3bb: {  	s8 =	simm.s32 $0x2008;
	s29 =	sld [smem:$0x7EB]  }
0x3bc: {  	[tilespmem:s8], [sflag:$0x1] =	stream.indirect.gather [hbm4b:s2+s6], $0x10, s5, s6, $0xb8;
	[tilespmem:$0x5208] =	vst v63  }
0x3bd: {  	s9 =	simm.s32 $0x2288;
	s30 =	sld [smem:$0x7EC]  }
0x3be: {  	[tilespmem:s9], [sflag:$0x1] =	stream.indirect.gather [hbm4b:s2+s6], $0x10, s29, s6, $0xb8;
	[tilespmem:$0x5208] =	vst v63  }
0x3bf: {  	s10 =	simm.s32 $0x2508;
	s5 =	sld [smem:$0x7ED]  }
0x3c0: {  	[tilespmem:s10], [sflag:$0x1] =	stream.indirect.gather [hbm4b:s2+s6], $0x10, s30, s6, $0xb8;
	[tilespmem:$0x5208] =	vst v63  }
0x3c1: {  	s12 =	simm.s32 $0x2788;
	s8 =	sld [smem:$0x7EE]  }
0x3c2: {  	[tilespmem:s12], [sflag:$0x1] =	stream.indirect.gather [hbm4b:s2+s6], $0x10, s5, s6, $0xb8;
	[tilespmem:$0x5208] =	vst v63  }
0x3c3: {  	s13 =	simm.s32 $0x2A08;
	s9 =	sld [smem:$0x7EF]  }
0x3c4: {  	[tilespmem:s13], [sflag:$0x1] =	stream.indirect.gather [hbm4b:s2+s6], $0x10, s8, s6, $0xb8;
	[tilespmem:$0x5208] =	vst v63  }
0x3c5: {  	s14 =	simm.s32 $0x2C88;
	s10 =	sld [smem:$0x7F0]  }
0x3c6: {  	[tilespmem:s14], [sflag:$0x1] =	stream.indirect.gather [hbm4b:s2+s6], $0x10, s9, s6, $0xb8;
	[tilespmem:$0x5208] =	vst v63  }
0x3c7: {  	s15 =	simm.s32 $0x2F08;
	s12 =	sld [smem:$0x7F1]  }
0x3c8: {  	[tilespmem:s15], [sflag:$0x1] =	stream.indirect.gather [hbm4b:s2+s6], $0x10, s10, s6, $0xb8;
	[tilespmem:$0x5208] =	vst v63  }
0x3c9: {  	s16 =	simm.s32 $0x3188;
	s13 =	sld [smem:$0x7F2]  }
0x3ca: {  	[tilespmem:s16], [sflag:$0x1] =	stream.indirect.gather [hbm4b:s2+s6], $0x10, s12, s6, $0xb8;
	[tilespmem:$0x5208] =	vst v63  }
0x3cb: {  	s18 =	simm.s32 $0x3408;
	s14 =	sld [smem:$0x7F3]  }
0x3cc: {  	[tilespmem:s18], [sflag:$0x1] =	stream.indirect.gather [hbm4b:s2+s6], $0x10, s13, s6, $0xb8;
	[tilespmem:$0x5208] =	vst v63  }
0x3cd: {  	s19 =	simm.s32 $0x3688;
	s15 =	sld [smem:$0x7F4]  }
0x3ce: {  	[tilespmem:s19], [sflag:$0x1] =	stream.indirect.gather [hbm4b:s2+s6], $0x10, s14, s6, $0xb8;
	[tilespmem:$0x5208] =	vst v63  }
0x3cf: {  	s20 =	simm.s32 $0x3908;
	s16 =	sld [smem:$0x7F5]  }
0x3d0: {  	[tilespmem:s20], [sflag:$0x1] =	stream.indirect.gather [hbm4b:s2+s6], $0x10, s15, s6, $0xb8;
	[tilespmem:$0x5208] =	vst v63  }
0x3d1: {  	s26 =	simm.s32 $0x3B88;
	s18 =	sld [smem:$0x7F6]  }
0x3d2: {  	[tilespmem:s26], [sflag:$0x1] =	stream.indirect.gather [hbm4b:s2+s6], $0x10, s16, s6, $0xb8;
	[tilespmem:$0x5208] =	vst v63  }
0x3d3: {  	s21 =	simm.s32 $0x3E08;
	s19 =	sld [smem:$0x7F7]  }
0x3d4: {  	[tilespmem:s21], [sflag:$0x1] =	stream.indirect.gather [hbm4b:s2+s6], $0x10, s18, s6, $0xb8;
	[tilespmem:$0x5208] =	vst v63  }
0x3d5: {  	s22 =	simm.s32 $0x4088;
	s20 =	sld [smem:$0x7F8]  }
0x3d6: {  	[tilespmem:s22], [sflag:$0x1] =	stream.indirect.gather [hbm4b:s2+s6], $0x10, s19, s6, $0xb8;
	[tilespmem:$0x5208] =	vst v63  }
0x3d7: {  	s21 =	sld [smem:$0x7F9]  }
0x3d8: {  	[tilespmem:s1], [sflag:$0x1] =	stream.indirect.gather [hbm4b:s2+s6], $0x10, s20, s6, $0xb8;
	[tilespmem:$0x5208] =	vst v63  }
0x3d9: {  	s28 =	simm.s32 $0x4588;
	s22 =	sld [smem:$0x7FA]  }
0x3da: {  	[tilespmem:s28], [sflag:$0x1] =	stream.indirect.gather [hbm4b:s2+s6], $0x10, s21, s6, $0xb8;
	[tilespmem:$0x5208] =	vst v63  }
0x3db: {  	s23 =	simm.s32 $0x4808;
	s26 =	sld [smem:$0x7FB]  }
0x3dc: {  	[tilespmem:s23], [sflag:$0x1] =	stream.indirect.gather [hbm4b:s2+s6], $0x10, s22, s6, $0xb8;
	[tilespmem:$0x5208] =	vst v63  }
0x3dd: {  	s31 =	simm.s32 $0x4A88;
	s28 =	sld [smem:$0x7FC]  }
0x3de: {  	[tilespmem:s31], [sflag:$0x1] =	stream.indirect.gather [hbm4b:s2+s6], $0x10, s26, s6, $0xb8;
	[tilespmem:$0x5208] =	vst v63  }
0x3df: {  	s25 =	simm.s32 $0x4D08;
	s29 =	sld [smem:$0x7FD]  }
0x3e0: {  	[tilespmem:s25], [sflag:$0x1] =	stream.indirect.gather [hbm4b:s2+s6], $0x10, s28, s6, $0xb8;
	[tilespmem:$0x5208] =	vst v63  }
0x3e1: {  	_ = 	snop  }
0x3e2: {  	[tilespmem:s3], [sflag:$0x1] =	stream.indirect.gather [hbm4b:s2+s6], $0x10, s29, s6, $0xb8;
	[tilespmem:$0x5208] =	vst v63  }
0x3e3: {  	_ =	swait.ge [sflag:s11], $0x3E80  }
0x3e4: {  	[sflag:s11] =	ssyncset.done $0x0  }
0x3e5: {  	s30 =	rddreg [dreg:$0x8];
	[sflag:s11] =	ssyncadd.s32 $0xFFFFC180  }
0x3e6: {  	[hbm4b:s30+s24] =	stream.linear.scatter [tilespmem:s17], [sflag:$0x2], $0x3E80, $0x38;
	[tilespmem:$0x5208] =	vst v63  }
0x3e7: {  	_ =	swait.ge [sflag:s4], $0x3E80  }
0x3e8: {  	[sflag:s4] =	ssyncset.done $0x0  }
0x3e9: {  	[sflag:s4] =	ssyncadd.s32 $0xFFFFC180  }
0x3ea: {  	_ =	sfence.sel $0x180000  }
0x3eb: {  	[bflag:$0x0] =	sbarrier.arrive $0xFFFF  }
0x3ec: {  	_ =	strace $0x90000047  }
0x3ed: {  	s31 =	stileid.u32;
	[bflag:$0x2] =	sbarrier.arrive $0xFFFF  }
0x3ee: {  	p0 =	sne.s32 s31, $0x0;
	s0 =	rddreg [dreg:$0x2]  }
0x3ef: {  	s0 =	sadd.s32 @!p0 $0x100000, s0  }
0x3f0: {  	[sflag:s0] =	ssyncadd.tile.s32 @!p0 $0x1;
	_ =	shalt  }
.Lfunc_end2:
_tile_overlayer_lowered:
.L_overlay_start_2:
0x3f1: {  	(tag) =	ssettag $0x2  }
0x3f2: {  	s0 =	rddreg [dreg:$0x0];
	s2 =	stileid.u32  }
0x3f3: {  	s1 =	rddreg [dreg:$0x1];
	p0 =	sne.s32 s2, $0x0  }
0x3f4: {  	s3 =	rddreg [dreg:$0x2];
	[bflag:$0x3] =	sbarrier.arrive $0xFFFF;
	s2 =	simm.s32 @!p0 $0x1C02  }
0x3f5: {  	[timem:s3], [sflag:s2] =	dma.local @!p0 [hbm:s0], s1  }
0x3f6: {  	s0 =	simm.s32 @!p0 $0x2  }
0x3f7: {  	_ =	swait.ge @!p0 [sflag:s0], s1  }
0x3f8: {  	s1 =	ssub.s32 @!p0 $0x0, s1;
	[sflag:s0] =	ssyncset.done @!p0 $0x0  }
0x3f9: {  	[sflag:s0] =	ssyncadd.s32 @!p0 s1  }
0x3fa: {  	[bflag:$0x3] =	sbarrier.arrive $0xFFFF  }
0x3fb: {  	_ =	shalt  }

</sc_bundles>
